<compile_context>
chip_gen: v7x
topology: tpu7x:2x2x1
jax: 0.10.2.dev20260603
libtpu: 0.0.44.dev20260713+nightly
codegen_flags: <defaults>
</compile_context>

<pallas_src>
import functools

import jax
import jax.numpy as jnp
from jax import lax
from jax.experimental import pallas as pl
from jax.experimental.pallas import tpu as pltpu
from jax.experimental.pallas import tpu_sc as plsc

NC, NS = 2, 16
NW = NC * NS
CH = 80
NSUB = 1
SUB = CH // NSUB
CC = 80
CCV = 1000
CHF = 2000


def _cdiv(a, b):
    return (a + b - 1) // b


@functools.lru_cache(maxsize=None)
def _make_sc_kernel(V, D, E, F):
    n_mid = E // CH
    n_cp = V // CC
    n_vcp = (3 * V) // CCV
    n_fc = F // CHF
    D16 = D // 16
    NV = V + E
    mesh = plsc.VectorSubcoreMesh(core_axis_name="c", subcore_axis_name="s")

    segs = (
        (0, 0, 0, 0, False), (1, 2, 1, 0, True), (1, 1, 2, 0, True),
        (0, 1, 0, 1, False), (1, 0, 1, 1, True), (1, 2, 2, 1, True),
        (0, 2, 0, 2, False), (1, 1, 1, 2, True), (1, 0, 2, 2, True),
        (1, 0, 0, 3, True), (1, 1, 1, 3, True), (1, 2, 2, 3, True),
    )

    @functools.partial(
        pl.kernel,
        out_type=(
            jax.ShapeDtypeStruct((NV, D), jnp.float32),
            jax.ShapeDtypeStruct((3 * NV,), jnp.float32),
            jax.ShapeDtypeStruct((12 * F,), jnp.int32),
        ),
        mesh=mesh,
        scratch_types=[
            pltpu.VMEM((CH,), jnp.int32),
            pltpu.VMEM((CH,), jnp.int32),
            pltpu.VMEM((CH,), jnp.int32),
            pltpu.VMEM((CH,), jnp.int32),
            pltpu.VMEM((CH, D), jnp.float32),
            pltpu.VMEM((CH, D), jnp.float32),
            pltpu.VMEM((CH, D), jnp.float32),
            pltpu.VMEM((CH, D), jnp.float32),
            pltpu.VMEM((CH,), jnp.float32),
            pltpu.VMEM((CH,), jnp.float32),
            pltpu.VMEM((CH,), jnp.float32),
            pltpu.VMEM((CH,), jnp.float32),
            pltpu.VMEM((CH,), jnp.float32),
            pltpu.VMEM((CH,), jnp.float32),
            pltpu.VMEM((CH,), jnp.float32),
            pltpu.VMEM((CH,), jnp.float32),
            pltpu.VMEM((CH,), jnp.float32),
            pltpu.VMEM((CH,), jnp.float32),
            pltpu.VMEM((CH,), jnp.float32),
            pltpu.VMEM((CH,), jnp.float32),
            pltpu.VMEM((CCV,), jnp.float32),
            pltpu.VMEM((CHF,), jnp.int32),
            pltpu.VMEM_SHARED((V,), jnp.float32),
            pltpu.VMEM_SHARED((V,), jnp.float32),
            pltpu.VMEM_SHARED((V,), jnp.float32),
            pltpu.SemaphoreType.DMA,
            pltpu.SemaphoreType.DMA,
            pltpu.SemaphoreType.DMA,
            pltpu.SemaphoreType.DMA,
            pltpu.SemaphoreType.DMA,
        ],
    )
    def kern(feats_hbm, vx, vy, vz, verts_tf, edges_f, faces_tf, fte_tf,
             out_feats, out_verts_tf, out_faces_f,
             i0_0, i1_0, i0_1, i1_1,
             fb0_0, fb1_0, fb0_1, fb1_1,
             p0x, p0y, p0z, q0x, q0y, q0z,
             p1x, p1y, p1z, q1x, q1y, q1z,
             vcbuf, ibuf, vsx, vsy, vsz, semg0, semg1, semv0, semv1,
             semw):
        wid = lax.axis_index("s") * NC + lax.axis_index("c")
        idxs = ((i0_0, i1_0), (i0_1, i1_1))
        fbs = ((fb0_0, fb1_0), (fb0_1, fb1_1))
        pbufs = ((p0x, p0y, p0z), (p1x, p1y, p1z))
        qbufs = ((q0x, q0y, q0z), (q1x, q1y, q1z))
        semg = (semg0, semg1)
        semv = (semv0, semv1)
        varrs = (vx, vy, vz)
        vsps = (vsx, vsy, vsz)

        sid = lax.axis_index("s")
        n_stg = V // CCV

        def stg_body(i, carry):
            t = sid + i * NS

            @pl.when(t < 3 * n_stg)
            def _():
                coord = t // n_stg
                j = t - coord * n_stg
                sl = pl.ds(j * CCV, CCV)
                for cc in range(3):
                    @pl.when(coord == cc)
                    def _(cc=cc):
                        pltpu.sync_copy(varrs[cc].at[sl], vcbuf)
                        pltpu.sync_copy(vcbuf, vsps[cc].at[sl])

            return carry

        lax.fori_loop(0, _cdiv(3 * (V // CCV), NS), stg_body, 0)
        plsc.subcore_barrier()

        def mid_fire(t, S, drain):
            c = wid + t * NW

            @pl.when(c < n_mid)
            def _():
                base = c * CH
                i0, i1 = idxs[S]
                d0 = pltpu.async_copy(edges_f.at[pl.ds(base, CH)], i0,
                                      semg[S])
                d1 = pltpu.async_copy(edges_f.at[pl.ds(E + base, CH)], i1,
                                      semg[S])
                d0.wait()
                d1.wait()
                for j in range(NSUB):
                    sl = pl.ds(j * SUB, SUB)
                    pltpu.async_copy(feats_hbm.at[i1.at[sl]],
                                     fbs[S][1].at[sl], semg[S])
                    for coord in range(3):
                        pltpu.async_copy(vsps[coord].at[i0.at[sl]],
                                         pbufs[S][coord].at[sl], semv[S])
                        pltpu.async_copy(vsps[coord].at[i1.at[sl]],
                                         qbufs[S][coord].at[sl], semv[S])
                if drain:
                    pltpu.make_async_copy(
                        fbs[S][0].at[pl.ds(0, CH)],
                        out_feats.at[pl.ds(0, CH)], semw).wait()
                for j in range(NSUB):
                    sl = pl.ds(j * SUB, SUB)
                    pltpu.async_copy(feats_hbm.at[i0.at[sl]],
                                     fbs[S][0].at[sl], semg[S])

        def mid_finish(t, S):
            c = wid + t * NW

            @pl.when(c < n_mid)
            def _():
                base = c * CH
                i0, i1 = idxs[S]
                fb0, fb1 = fbs[S]
                for j in range(NSUB):
                    sl = pl.ds(j * SUB, SUB)
                    pltpu.make_async_copy(feats_hbm.at[i1.at[sl]],
                                          fb1.at[sl], semg[S]).wait()
                    pltpu.make_async_copy(feats_hbm.at[i0.at[sl]],
                                          fb0.at[sl], semg[S]).wait()

                def frow(r, carry2):
                    for g in range(D16):
                        sl2 = pl.ds(g * 16, 16)
                        a = fb0[r, sl2]
                        b = fb1[r, sl2]
                        fb0[r, sl2] = (a + b) * 0.5
                    return carry2

                lax.fori_loop(0, CH, frow, 0)
                pltpu.async_copy(fb0.at[pl.ds(0, CH)],
                                 out_feats.at[pl.ds(V + base, CH)], semw)

                for j in range(NSUB):
                    sl = pl.ds(j * SUB, SUB)
                    for coord in range(3):
                        pltpu.make_async_copy(
                            vsps[coord].at[i0.at[sl]],
                            pbufs[S][coord].at[sl], semv[S]).wait()
                        pltpu.make_async_copy(
                            vsps[coord].at[i1.at[sl]],
                            qbufs[S][coord].at[sl], semv[S]).wait()

                def vavg(k, carry2):
                    sl2 = pl.ds(k * 16, 16)
                    for coord in range(3):
                        pbufs[S][coord][sl2] = (pbufs[S][coord][sl2]
                                                + qbufs[S][coord][sl2]) * 0.5
                    return carry2

                lax.fori_loop(0, CH // 16, vavg, 0)
                for coord in range(3):
                    pltpu.sync_copy(
                        pbufs[S][coord],
                        out_verts_tf.at[pl.ds(coord * NV + V + base, CH)])

        T1 = _cdiv(n_mid, NW)
        mid_fire(0, 0, False)
        mid_fire(1, 1, False)

        def mid_pair(u, carry):
            t = 2 * u
            mid_finish(t, 0)
            mid_fire(t + 2, 0, True)
            mid_finish(t + 1, 1)
            mid_fire(t + 3, 1, True)
            return carry

        lax.fori_loop(0, _cdiv(T1, 2), mid_pair, 0)
        for _ in range(2):
            pltpu.make_async_copy(fb0_0.at[pl.ds(0, CH)],
                                  out_feats.at[pl.ds(0, CH)], semw).wait()

        def cp_fire(t, S, drain):
            c = wid + t * NW

            @pl.when(c < n_cp)
            def _():
                if drain:
                    pltpu.make_async_copy(
                        fbs[S][0].at[pl.ds(0, CC)],
                        out_feats.at[pl.ds(0, CC)], semw).wait()
                pltpu.async_copy(feats_hbm.at[pl.ds(c * CC, CC)],
                                 fbs[S][0].at[pl.ds(0, CC)], semg[S])

        def cp_finish(t, S):
            c = wid + t * NW

            @pl.when(c < n_cp)
            def _():
                pltpu.make_async_copy(feats_hbm.at[pl.ds(c * CC, CC)],
                                      fbs[S][0].at[pl.ds(0, CC)],
                                      semg[S]).wait()
                pltpu.async_copy(fbs[S][0].at[pl.ds(0, CC)],
                                 out_feats.at[pl.ds(c * CC, CC)], semw)

        T2 = _cdiv(n_cp, NW)
        cp_fire(0, 0, False)
        cp_fire(1, 1, False)

        def cp_pair(u, carry):
            t = 2 * u
            cp_finish(t, 0)
            cp_fire(t + 2, 0, True)
            cp_finish(t + 1, 1)
            cp_fire(t + 3, 1, True)
            return carry

        lax.fori_loop(0, _cdiv(T2, 2), cp_pair, 0)
        for _ in range(2):
            pltpu.make_async_copy(fb0_0.at[pl.ds(0, CC)],
                                  out_feats.at[pl.ds(0, CC)], semw).wait()

        def vcp_body(i, carry):
            c = wid + i * NW

            @pl.when(c < n_vcp)
            def _():
                @pl.when(i > 0)
                def _():
                    pltpu.make_async_copy(
                        vcbuf, out_verts_tf.at[pl.ds(0, CCV)], semw).wait()

                coord = c // (V // CCV)
                j = c - coord * (V // CCV)
                pltpu.sync_copy(verts_tf.at[pl.ds(coord * V + j * CCV, CCV)],
                                vcbuf)
                pltpu.async_copy(
                    vcbuf, out_verts_tf.at[pl.ds(coord * NV + j * CCV, CCV)],
                    semw)

            return carry

        lax.fori_loop(0, _cdiv(n_vcp, NW), vcp_body, 0)
        pltpu.make_async_copy(vcbuf, out_verts_tf.at[pl.ds(0, CCV)],
                              semw).wait()

        bodies = []
        for seg in segs:
            bodies.append((seg, 0))
            bodies.append((seg, 1))
        prev_fired = None
        for (is_fte, srow, drow, reg, addnv), ii in bodies:
            src = fte_tf if is_fte else faces_tf
            j = wid + ii * NW
            if prev_fired is not None:
                @pl.when(prev_fired < n_fc)
                def _():
                    pltpu.make_async_copy(
                        ibuf, out_faces_f.at[pl.ds(0, CHF)], semw).wait()

            @pl.when(j < n_fc)
            def _(src=src, srow=srow, drow=drow, reg=reg, addnv=addnv, j=j):
                off = j * CHF
                pltpu.sync_copy(src.at[pl.ds(srow * F + off, CHF)], ibuf)
                if addnv:
                    def addb(k, carry2):
                        sl = pl.ds(k * 16, 16)
                        ibuf[sl] = ibuf[sl] + V
                        return carry2

                    lax.fori_loop(0, CHF // 16, addb, 0)
                pltpu.async_copy(
                    ibuf,
                    out_faces_f.at[pl.ds(drow * 4 * F + reg * F + off, CHF)],
                    semw)

            prev_fired = j

        @pl.when(prev_fired < n_fc)
        def _():
            pltpu.make_async_copy(ibuf, out_faces_f.at[pl.ds(0, CHF)],
                                  semw).wait()

    return kern


def kernel(verts, feats, faces, edges, faces_to_edges):
    V, D = feats.shape
    E = edges.shape[0]
    F = faces.shape[0]
    verts_tf = verts.T.reshape(-1)
    edges_f = edges.T.reshape(-1)
    faces_tf = faces.T.reshape(-1)
    fte_tf = faces_to_edges.T.reshape(-1)
    kern = _make_sc_kernel(V, D, E, F)
    out_feats, out_verts_tf, out_faces_f = kern(
        feats, verts_tf[:V], verts_tf[V:2 * V], verts_tf[2 * V:], verts_tf,
        edges_f, faces_tf, fte_tf)
    new_verts = out_verts_tf.reshape(3, V + E).T
    new_faces = out_faces_f.reshape(3, 4 * F).T
    return new_verts, new_faces, out_feats

# --- scband reference (transcript-rebuilt; emitter-appended) ---
"""Pipeline reference for scband-subdivide-meshes-9818295239267 (READ-ONLY COPY).

The authoritative reference and input builder live on the scoring server;
editing this copy changes nothing except your own understanding.
"""

import jax, jax.numpy as jnp
import numpy as np

V, F, E, D = 50000, 100000, 150000, 128

def setup_inputs(seed: int = 0) -> dict:
    key = jax.random.key(seed)
    k1, k2, k3, k4, k5 = jax.random.split(key, 5)
    verts = jax.random.normal(k1, (V, 3), dtype=jnp.float32)
    feats = jax.random.normal(k2, (V, D), dtype=jnp.float32)
    faces = jax.random.randint(k3, (F, 3), 0, V, dtype=jnp.int32)
    edges = jax.random.randint(k4, (E, 2), 0, V, dtype=jnp.int32)
    faces_to_edges = jax.random.randint(k5, (F, 3), 0, E, dtype=jnp.int32)
    return {"verts": verts, "feats": feats, "faces": faces, "edges": edges, "faces_to_edges": faces_to_edges}

def reference(verts, feats, faces, edges, faces_to_edges):
    # SubdivideMeshes.forward (homogeneous single-mesh packed case):
    # 1) new vertices at edge midpoints (average of the two endpoint verts)
    nv = verts.shape[0]
    v0 = jnp.take(verts, edges[:, 0], axis=0)
    v1 = jnp.take(verts, edges[:, 1], axis=0)
    mid_verts = (v0 + v1) * 0.5
    new_verts = jnp.concatenate([verts, mid_verts], axis=0)
    # 2) per-vertex features subdivided the same way
    f0v = jnp.take(feats, edges[:, 0], axis=0)
    f1v = jnp.take(feats, edges[:, 1], axis=0)
    mid_feats = (f0v + f1v) * 0.5
    new_feats = jnp.concatenate([feats, mid_feats], axis=0)
    # 3) subdivide_faces: each face split into 4, new-vertex indices are
    #    faces_packed_to_edges_packed offset by the original vertex count.
    fte = faces_to_edges + nv
    f0 = jnp.stack([faces[:, 0], fte[:, 2], fte[:, 1]], axis=1)
    f1 = jnp.stack([faces[:, 1], fte[:, 0], fte[:, 2]], axis=1)
    f2 = jnp.stack([faces[:, 2], fte[:, 1], fte[:, 0]], axis=1)
    f3 = fte
    new_faces = jnp.concatenate([f0, f1, f2, f3], axis=0)
    return new_verts, new_faces, new_feats

if __name__ == "__main__":
    import jax
    _d = setup_inputs()
    print(jax.jit(kernel)(*tuple(_d.values())))

</pallas_src>

<mosaic_0001>
#map = affine_map<(d0, d1) -> (0, 0)>
#map1 = affine_map<(d0, d1) -> (0)>
module attributes {stable_mosaic.version = 14 : i64} {
  func.func @kern(%arg0: i32, %arg1: i32, %arg2: memref<50000x128xf32, #tpu.memory_space<hbm>>, %arg3: memref<50000xf32, #tpu.memory_space<hbm>>, %arg4: memref<50000xf32, #tpu.memory_space<hbm>>, %arg5: memref<50000xf32, #tpu.memory_space<hbm>>, %arg6: memref<150000xf32, #tpu.memory_space<hbm>>, %arg7: memref<300000xi32, #tpu.memory_space<hbm>>, %arg8: memref<300000xi32, #tpu.memory_space<hbm>>, %arg9: memref<300000xi32, #tpu.memory_space<hbm>>, %arg10: memref<200000x128xf32, #tpu.memory_space<hbm>>, %arg11: memref<600000xf32, #tpu.memory_space<hbm>>, %arg12: memref<1200000xi32, #tpu.memory_space<hbm>>, %arg13: memref<80xi32, #tpu.memory_space<vmem>>, %arg14: memref<80xi32, #tpu.memory_space<vmem>>, %arg15: memref<80xi32, #tpu.memory_space<vmem>>, %arg16: memref<80xi32, #tpu.memory_space<vmem>>, %arg17: memref<80x128xf32, #tpu.memory_space<vmem>>, %arg18: memref<80x128xf32, #tpu.memory_space<vmem>>, %arg19: memref<80x128xf32, #tpu.memory_space<vmem>>, %arg20: memref<80x128xf32, #tpu.memory_space<vmem>>, %arg21: memref<80xf32, #tpu.memory_space<vmem>>, %arg22: memref<80xf32, #tpu.memory_space<vmem>>, %arg23: memref<80xf32, #tpu.memory_space<vmem>>, %arg24: memref<80xf32, #tpu.memory_space<vmem>>, %arg25: memref<80xf32, #tpu.memory_space<vmem>>, %arg26: memref<80xf32, #tpu.memory_space<vmem>>, %arg27: memref<80xf32, #tpu.memory_space<vmem>>, %arg28: memref<80xf32, #tpu.memory_space<vmem>>, %arg29: memref<80xf32, #tpu.memory_space<vmem>>, %arg30: memref<80xf32, #tpu.memory_space<vmem>>, %arg31: memref<80xf32, #tpu.memory_space<vmem>>, %arg32: memref<80xf32, #tpu.memory_space<vmem>>, %arg33: memref<1000xf32, #tpu.memory_space<vmem>>, %arg34: memref<2000xi32, #tpu.memory_space<vmem>>, %arg35: memref<50000xf32, #tpu.memory_space<vmem_shared>>, %arg36: memref<50000xf32, #tpu.memory_space<vmem_shared>>, %arg37: memref<50000xf32, #tpu.memory_space<vmem_shared>>, %arg38: memref<!tpu.dma_semaphore, #tpu.memory_space<semaphore_mem>>, %arg39: memref<!tpu.dma_semaphore, #tpu.memory_space<semaphore_mem>>, %arg40: memref<!tpu.dma_semaphore, #tpu.memory_space<semaphore_mem>>, %arg41: memref<!tpu.dma_semaphore, #tpu.memory_space<semaphore_mem>>, %arg42: memref<!tpu.dma_semaphore, #tpu.memory_space<semaphore_mem>>) attributes {dimension_semantics = [#tpu.dimension_semantics<core_parallel>, #tpu.dimension_semantics<subcore_parallel>], iteration_bounds = array<i64: 2, 16>, scalar_prefetch = 0 : i64, scratch_operands = 30 : i64, tpu.core_type = #tpu.core_type<sc_vector_subcore>, window_params = [{transform_indices = #map}, {transform_indices = #map1}, {transform_indices = #map1}, {transform_indices = #map1}, {transform_indices = #map1}, {transform_indices = #map1}, {transform_indices = #map1}, {transform_indices = #map1}, {transform_indices = #map}, {transform_indices = #map1}, {transform_indices = #map1}]} {
    %mul3A = arith.constant 2 : i32
    %mul3A_0 = arith.muli %arg1, %mul3A : i32
    %add3A = arith.addi %mul3A_0, %arg0 : i32
    %scan3A = arith.constant 0 : i32
    %scan3A_1 = arith.constant 0 : i32
    %scan3A_2 = arith.constant 10 : i32
    %scan3A_3 = arith.addi %scan3A_1, %scan3A_2 : i32
    %scan3A_4 = arith.constant 1 : i32
    scf.for %scan3A_388 = %scan3A_1 to %scan3A_3 step %scan3A_4  : i32 {
      %mul3A_389 = arith.constant 16 : i32
      %mul3A_390 = arith.muli %scan3A_388, %mul3A_389 : i32
      %add3A_391 = arith.addi %arg1, %mul3A_390 : i32
      %lt3A_392 = arith.constant 150 : i32
      %lt3A_393 = arith.cmpi slt, %add3A_391, %lt3A_392 : i32
      %convert_element_type3A_394 = arith.extui %lt3A_393 : i1 to i32
      %cond3A_395 = arith.constant 0 : i32
      %cond3A_396 = arith.cmpi ne, %convert_element_type3A_394, %cond3A_395 : i32
      scf.if %cond3A_396 {
        %jit3A = arith.constant 50 : i32
        %div3A = arith.divsi %add3A_391, %jit3A : i32
        %sign3A = arith.constant 0 : i32
        %sign3A_397 = arith.cmpi sgt, %add3A_391, %sign3A : i32
        %sign3A_398 = arith.extui %sign3A_397 : i1 to i32
        %sign3A_399 = arith.constant 0 : i32
        %sign3A_400 = arith.cmpi slt, %add3A_391, %sign3A_399 : i32
        %sign3A_401 = arith.extui %sign3A_400 : i1 to i32
        %sign3A_402 = arith.subi %sign3A_398, %sign3A_401 : i32
        %sign3A_403 = arith.constant 0 : i32
        %sign3A_404 = arith.cmpi sgt, %jit3A, %sign3A_403 : i32
        %sign3A_405 = arith.extui %sign3A_404 : i1 to i32
        %sign3A_406 = arith.constant 0 : i32
        %sign3A_407 = arith.cmpi slt, %jit3A, %sign3A_406 : i32
        %sign3A_408 = arith.extui %sign3A_407 : i1 to i32
        %sign3A_409 = arith.subi %sign3A_405, %sign3A_408 : i32
        %ne3A = arith.cmpi ne, %sign3A_402, %sign3A_409 : i32
        %rem3A = arith.remsi %add3A_391, %jit3A : i32
        %ne3A_410 = arith.constant 0 : i32
        %ne3A_411 = arith.cmpi ne, %rem3A, %ne3A_410 : i32
        %and3A = arith.andi %ne3A, %ne3A_411 : i1
        %sub3A = arith.constant 1 : i32
        %sub3A_412 = arith.subi %div3A, %sub3A : i32
        %select_n3A = arith.select %and3A, %sub3A_412, %div3A : i32
        %mul3A_413 = arith.constant 50 : i32
        %mul3A_414 = arith.muli %select_n3A, %mul3A_413 : i32
        %sub3A_415 = arith.subi %add3A_391, %mul3A_414 : i32
        %mul3A_416 = arith.constant 1000 : i32
        %mul3A_417 = arith.muli %sub3A_415, %mul3A_416 : i32
        %eq3A = arith.constant 0 : i32
        %eq3A_418 = arith.cmpi eq, %select_n3A, %eq3A : i32
        %convert_element_type3A_419 = arith.extui %eq3A_418 : i1 to i32
        %cond3A_420 = arith.constant 0 : i32
        %cond3A_421 = arith.cmpi ne, %convert_element_type3A_419, %cond3A_420 : i32
        scf.if %cond3A_421 {
          "tpu.region"() ({
            %run_scoped3A = tpu.sem_alloc : memref<!tpu.dma_semaphore, #tpu.memory_space<semaphore_mem>>
            %dma_start3A = tpu.memref_slice %arg3[%mul3A_417] : memref<50000xf32, #tpu.memory_space<hbm>> -> memref<1000xf32, #tpu.memory_space<hbm>>
            %dma_start3A_432 = tpu.memref_slice %arg3[%mul3A_417] : memref<50000xf32, #tpu.memory_space<hbm>> -> memref<1000xf32, #tpu.memory_space<hbm>>
            tpu.enqueue_dma source(%dma_start3A_432 : memref<1000xf32, #tpu.memory_space<hbm>>) target(%arg33 : memref<1000xf32, #tpu.memory_space<vmem>>) target_semaphore(%run_scoped3A : memref<!tpu.dma_semaphore, #tpu.memory_space<semaphore_mem>>)
            %dma_wait3A_433 = tpu.memref_slice %arg3[%mul3A_417] : memref<50000xf32, #tpu.memory_space<hbm>> -> memref<1000xf32, #tpu.memory_space<hbm>>
            %dma_wait3A_434 = tpu.memref_slice %arg3[%mul3A_417] : memref<50000xf32, #tpu.memory_space<hbm>> -> memref<1000xf32, #tpu.memory_space<hbm>>
            tpu.wait_dma2 semaphore(%run_scoped3A : memref<!tpu.dma_semaphore, #tpu.memory_space<semaphore_mem>>) src(%dma_wait3A_434 : memref<1000xf32, #tpu.memory_space<hbm>>) dst(%arg33 : memref<1000xf32, #tpu.memory_space<vmem>>)
            tpu.yield
          }) : () -> ()
          "tpu.region"() ({
            %run_scoped3A = tpu.sem_alloc : memref<!tpu.dma_semaphore, #tpu.memory_space<semaphore_mem>>
            %dma_start3A = tpu.memref_slice %arg35[%mul3A_417] : memref<50000xf32, #tpu.memory_space<vmem_shared>> -> memref<1000xf32, #tpu.memory_space<vmem_shared>>
            %dma_start3A_432 = tpu.memref_slice %arg35[%mul3A_417] : memref<50000xf32, #tpu.memory_space<vmem_shared>> -> memref<1000xf32, #tpu.memory_space<vmem_shared>>
            tpu.enqueue_dma source(%arg33 : memref<1000xf32, #tpu.memory_space<vmem>>) target(%dma_start3A_432 : memref<1000xf32, #tpu.memory_space<vmem_shared>>) target_semaphore(%run_scoped3A : memref<!tpu.dma_semaphore, #tpu.memory_space<semaphore_mem>>)
            %dma_wait3A_433 = tpu.memref_slice %arg35[%mul3A_417] : memref<50000xf32, #tpu.memory_space<vmem_shared>> -> memref<1000xf32, #tpu.memory_space<vmem_shared>>
            %dma_wait3A_434 = tpu.memref_slice %arg35[%mul3A_417] : memref<50000xf32, #tpu.memory_space<vmem_shared>> -> memref<1000xf32, #tpu.memory_space<vmem_shared>>
            tpu.wait_dma2 semaphore(%run_scoped3A : memref<!tpu.dma_semaphore, #tpu.memory_space<semaphore_mem>>) src(%arg33 : memref<1000xf32, #tpu.memory_space<vmem>>) dst(%dma_wait3A_434 : memref<1000xf32, #tpu.memory_space<vmem_shared>>)
            tpu.yield
          }) : () -> ()
        } else {
        }
        %eq3A_422 = arith.constant 1 : i32
        %eq3A_423 = arith.cmpi eq, %select_n3A, %eq3A_422 : i32
        %convert_element_type3A_424 = arith.extui %eq3A_423 : i1 to i32
        %cond3A_425 = arith.constant 0 : i32
        %cond3A_426 = arith.cmpi ne, %convert_element_type3A_424, %cond3A_425 : i32
        scf.if %cond3A_426 {
          "tpu.region"() ({
            %run_scoped3A = tpu.sem_alloc : memref<!tpu.dma_semaphore, #tpu.memory_space<semaphore_mem>>
            %dma_start3A = tpu.memref_slice %arg4[%mul3A_417] : memref<50000xf32, #tpu.memory_space<hbm>> -> memref<1000xf32, #tpu.memory_space<hbm>>
            %dma_start3A_432 = tpu.memref_slice %arg4[%mul3A_417] : memref<50000xf32, #tpu.memory_space<hbm>> -> memref<1000xf32, #tpu.memory_space<hbm>>
            tpu.enqueue_dma source(%dma_start3A_432 : memref<1000xf32, #tpu.memory_space<hbm>>) target(%arg33 : memref<1000xf32, #tpu.memory_space<vmem>>) target_semaphore(%run_scoped3A : memref<!tpu.dma_semaphore, #tpu.memory_space<semaphore_mem>>)
            %dma_wait3A_433 = tpu.memref_slice %arg4[%mul3A_417] : memref<50000xf32, #tpu.memory_space<hbm>> -> memref<1000xf32, #tpu.memory_space<hbm>>
            %dma_wait3A_434 = tpu.memref_slice %arg4[%mul3A_417] : memref<50000xf32, #tpu.memory_space<hbm>> -> memref<1000xf32, #tpu.memory_space<hbm>>
            tpu.wait_dma2 semaphore(%run_scoped3A : memref<!tpu.dma_semaphore, #tpu.memory_space<semaphore_mem>>) src(%dma_wait3A_434 : memref<1000xf32, #tpu.memory_space<hbm>>) dst(%arg33 : memref<1000xf32, #tpu.memory_space<vmem>>)
            tpu.yield
          }) : () -> ()
          "tpu.region"() ({
            %run_scoped3A = tpu.sem_alloc : memref<!tpu.dma_semaphore, #tpu.memory_space<semaphore_mem>>
            %dma_start3A = tpu.memref_slice %arg36[%mul3A_417] : memref<50000xf32, #tpu.memory_space<vmem_shared>> -> memref<1000xf32, #tpu.memory_space<vmem_shared>>
            %dma_start3A_432 = tpu.memref_slice %arg36[%mul3A_417] : memref<50000xf32, #tpu.memory_space<vmem_shared>> -> memref<1000xf32, #tpu.memory_space<vmem_shared>>
            tpu.enqueue_dma source(%arg33 : memref<1000xf32, #tpu.memory_space<vmem>>) target(%dma_start3A_432 : memref<1000xf32, #tpu.memory_space<vmem_shared>>) target_semaphore(%run_scoped3A : memref<!tpu.dma_semaphore, #tpu.memory_space<semaphore_mem>>)
            %dma_wait3A_433 = tpu.memref_slice %arg36[%mul3A_417] : memref<50000xf32, #tpu.memory_space<vmem_shared>> -> memref<1000xf32, #tpu.memory_space<vmem_shared>>
            %dma_wait3A_434 = tpu.memref_slice %arg36[%mul3A_417] : memref<50000xf32, #tpu.memory_space<vmem_shared>> -> memref<1000xf32, #tpu.memory_space<vmem_shared>>
            tpu.wait_dma2 semaphore(%run_scoped3A : memref<!tpu.dma_semaphore, #tpu.memory_space<semaphore_mem>>) src(%arg33 : memref<1000xf32, #tpu.memory_space<vmem>>) dst(%dma_wait3A_434 : memref<1000xf32, #tpu.memory_space<vmem_shared>>)
            tpu.yield
          }) : () -> ()
        } else {
        }
        %eq3A_427 = arith.constant 2 : i32
        %eq3A_428 = arith.cmpi eq, %select_n3A, %eq3A_427 : i32
        %convert_element_type3A_429 = arith.extui %eq3A_428 : i1 to i32
        %cond3A_430 = arith.constant 0 : i32
        %cond3A_431 = arith.cmpi ne, %convert_element_type3A_429, %cond3A_430 : i32
        scf.if %cond3A_431 {
          "tpu.region"() ({
            %run_scoped3A = tpu.sem_alloc : memref<!tpu.dma_semaphore, #tpu.memory_space<semaphore_mem>>
            %dma_start3A = tpu.memref_slice %arg5[%mul3A_417] : memref<50000xf32, #tpu.memory_space<hbm>> -> memref<1000xf32, #tpu.memory_space<hbm>>
            %dma_start3A_432 = tpu.memref_slice %arg5[%mul3A_417] : memref<50000xf32, #tpu.memory_space<hbm>> -> memref<1000xf32, #tpu.memory_space<hbm>>
            tpu.enqueue_dma source(%dma_start3A_432 : memref<1000xf32, #tpu.memory_space<hbm>>) target(%arg33 : memref<1000xf32, #tpu.memory_space<vmem>>) target_semaphore(%run_scoped3A : memref<!tpu.dma_semaphore, #tpu.memory_space<semaphore_mem>>)
            %dma_wait3A_433 = tpu.memref_slice %arg5[%mul3A_417] : memref<50000xf32, #tpu.memory_space<hbm>> -> memref<1000xf32, #tpu.memory_space<hbm>>
            %dma_wait3A_434 = tpu.memref_slice %arg5[%mul3A_417] : memref<50000xf32, #tpu.memory_space<hbm>> -> memref<1000xf32, #tpu.memory_space<hbm>>
            tpu.wait_dma2 semaphore(%run_scoped3A : memref<!tpu.dma_semaphore, #tpu.memory_space<semaphore_mem>>) src(%dma_wait3A_434 : memref<1000xf32, #tpu.memory_space<hbm>>) dst(%arg33 : memref<1000xf32, #tpu.memory_space<vmem>>)
            tpu.yield
          }) : () -> ()
          "tpu.region"() ({
            %run_scoped3A = tpu.sem_alloc : memref<!tpu.dma_semaphore, #tpu.memory_space<semaphore_mem>>
            %dma_start3A = tpu.memref_slice %arg37[%mul3A_417] : memref<50000xf32, #tpu.memory_space<vmem_shared>> -> memref<1000xf32, #tpu.memory_space<vmem_shared>>
            %dma_start3A_432 = tpu.memref_slice %arg37[%mul3A_417] : memref<50000xf32, #tpu.memory_space<vmem_shared>> -> memref<1000xf32, #tpu.memory_space<vmem_shared>>
            tpu.enqueue_dma source(%arg33 : memref<1000xf32, #tpu.memory_space<vmem>>) target(%dma_start3A_432 : memref<1000xf32, #tpu.memory_space<vmem_shared>>) target_semaphore(%run_scoped3A : memref<!tpu.dma_semaphore, #tpu.memory_space<semaphore_mem>>)
            %dma_wait3A_433 = tpu.memref_slice %arg37[%mul3A_417] : memref<50000xf32, #tpu.memory_space<vmem_shared>> -> memref<1000xf32, #tpu.memory_space<vmem_shared>>
            %dma_wait3A_434 = tpu.memref_slice %arg37[%mul3A_417] : memref<50000xf32, #tpu.memory_space<vmem_shared>> -> memref<1000xf32, #tpu.memory_space<vmem_shared>>
            tpu.wait_dma2 semaphore(%run_scoped3A : memref<!tpu.dma_semaphore, #tpu.memory_space<semaphore_mem>>) src(%arg33 : memref<1000xf32, #tpu.memory_space<vmem>>) dst(%dma_wait3A_434 : memref<1000xf32, #tpu.memory_space<vmem_shared>>)
            tpu.yield
          }) : () -> ()
        } else {
        }
      } else {
      }
    }
    %scan3A_5 = arith.constant 10 : i32
    %barrier3A = arith.constant 0 : index
    tpu.barrier barrier_id(%barrier3A)
    %add3A_6 = arith.constant 0 : i32
    %add3A_7 = arith.addi %add3A, %add3A_6 : i32
    %lt3A = arith.constant 1875 : i32
    %lt3A_8 = arith.cmpi slt, %add3A_7, %lt3A : i32
    %convert_element_type3A = arith.extui %lt3A_8 : i1 to i32
    %cond3A = arith.constant 0 : i32
    %cond3A_9 = arith.cmpi ne, %convert_element_type3A, %cond3A : i32
    scf.if %cond3A_9 {
      %mul3A_388 = arith.constant 80 : i32
      %mul3A_389 = arith.muli %add3A_7, %mul3A_388 : i32
      %dma_start3A = tpu.memref_slice %arg7[%mul3A_389] : memref<300000xi32, #tpu.memory_space<hbm>> -> memref<80xi32, #tpu.memory_space<hbm>>
      %dma_start3A_390 = tpu.memref_slice %arg7[%mul3A_389] : memref<300000xi32, #tpu.memory_space<hbm>> -> memref<80xi32, #tpu.memory_space<hbm>>
      tpu.enqueue_dma source(%dma_start3A_390 : memref<80xi32, #tpu.memory_space<hbm>>) target(%arg13 : memref<80xi32, #tpu.memory_space<vmem>>) target_semaphore(%arg38 : memref<!tpu.dma_semaphore, #tpu.memory_space<semaphore_mem>>)
      %add3A_391 = arith.constant 150000 : i32
      %add3A_392 = arith.addi %add3A_391, %mul3A_389 : i32
      %dma_start3A_393 = tpu.memref_slice %arg7[%add3A_392] : memref<300000xi32, #tpu.memory_space<hbm>> -> memref<80xi32, #tpu.memory_space<hbm>>
      %dma_start3A_394 = tpu.memref_slice %arg7[%add3A_392] : memref<300000xi32, #tpu.memory_space<hbm>> -> memref<80xi32, #tpu.memory_space<hbm>>
      tpu.enqueue_dma source(%dma_start3A_394 : memref<80xi32, #tpu.memory_space<hbm>>) target(%arg14 : memref<80xi32, #tpu.memory_space<vmem>>) target_semaphore(%arg38 : memref<!tpu.dma_semaphore, #tpu.memory_space<semaphore_mem>>)
      %dma_wait3A_395 = tpu.memref_slice %arg7[%mul3A_389] : memref<300000xi32, #tpu.memory_space<hbm>> -> memref<80xi32, #tpu.memory_space<hbm>>
      %dma_wait3A_396 = tpu.memref_slice %arg7[%mul3A_389] : memref<300000xi32, #tpu.memory_space<hbm>> -> memref<80xi32, #tpu.memory_space<hbm>>
      tpu.wait_dma2 semaphore(%arg38 : memref<!tpu.dma_semaphore, #tpu.memory_space<semaphore_mem>>) src(%dma_wait3A_396 : memref<80xi32, #tpu.memory_space<hbm>>) dst(%arg13 : memref<80xi32, #tpu.memory_space<vmem>>)
      %dma_wait3A_397 = tpu.memref_slice %arg7[%add3A_392] : memref<300000xi32, #tpu.memory_space<hbm>> -> memref<80xi32, #tpu.memory_space<hbm>>
      %dma_wait3A_398 = tpu.memref_slice %arg7[%add3A_392] : memref<300000xi32, #tpu.memory_space<hbm>> -> memref<80xi32, #tpu.memory_space<hbm>>
      tpu.wait_dma2 semaphore(%arg38 : memref<!tpu.dma_semaphore, #tpu.memory_space<semaphore_mem>>) src(%dma_wait3A_398 : memref<80xi32, #tpu.memory_space<hbm>>) dst(%arg14 : memref<80xi32, #tpu.memory_space<vmem>>)
      %dma_start3A_399 = arith.constant 0 : i32
      %dma_start3A_400 = arith.constant 0 : i32
      %dma_start3A_401 = tpu.memref_slice %arg18[%dma_start3A_399, %dma_start3A_400] : memref<80x128xf32, #tpu.memory_space<vmem>> -> memref<80x128xf32, #tpu.memory_space<vmem>>
      %dma_start3A_402 = arith.constant 0 : i32
      %dma_start3A_403 = tpu.memref_slice %arg14[%dma_start3A_402] : memref<80xi32, #tpu.memory_space<vmem>> -> memref<80xi32, #tpu.memory_space<vmem>>
      %dma_start3A_404 = arith.constant 0 : i32
      %dma_start3A_405 = arith.constant 0 : i32
      %dma_start3A_406 = tpu.memref_slice %arg2[%dma_start3A_404, %dma_start3A_405] : memref<50000x128xf32, #tpu.memory_space<hbm>> -> memref<50000x128xf32, #tpu.memory_space<hbm>>
      tpu.enqueue_indirect_dma source(%dma_start3A_406 : memref<50000x128xf32, #tpu.memory_space<hbm>>) target(%dma_start3A_401 : memref<80x128xf32, #tpu.memory_space<vmem>>) offsets(%dma_start3A_403 : memref<80xi32, #tpu.memory_space<vmem>>) semaphore(%arg38 : memref<!tpu.dma_semaphore, #tpu.memory_space<semaphore_mem>>)
      %dma_start3A_407 = arith.constant 0 : i32
      %dma_start3A_408 = tpu.memref_slice %arg21[%dma_start3A_407] : memref<80xf32, #tpu.memory_space<vmem>> -> memref<80xf32, #tpu.memory_space<vmem>>
      %dma_start3A_409 = arith.constant 0 : i32
      %dma_start3A_410 = tpu.memref_slice %arg13[%dma_start3A_409] : memref<80xi32, #tpu.memory_space<vmem>> -> memref<80xi32, #tpu.memory_space<vmem>>
      %dma_start3A_411 = arith.constant 0 : i32
      %dma_start3A_412 = tpu.memref_slice %arg35[%dma_start3A_411] : memref<50000xf32, #tpu.memory_space<vmem_shared>> -> memref<50000xf32, #tpu.memory_space<vmem_shared>>
      tpu.enqueue_indirect_dma source(%dma_start3A_412 : memref<50000xf32, #tpu.memory_space<vmem_shared>>) target(%dma_start3A_408 : memref<80xf32, #tpu.memory_space<vmem>>) offsets(%dma_start3A_410 : memref<80xi32, #tpu.memory_space<vmem>>) semaphore(%arg40 : memref<!tpu.dma_semaphore, #tpu.memory_space<semaphore_mem>>)
      %dma_start3A_413 = arith.constant 0 : i32
      %dma_start3A_414 = tpu.memref_slice %arg24[%dma_start3A_413] : memref<80xf32, #tpu.memory_space<vmem>> -> memref<80xf32, #tpu.memory_space<vmem>>
      %dma_start3A_415 = arith.constant 0 : i32
      %dma_start3A_416 = tpu.memref_slice %arg14[%dma_start3A_415] : memref<80xi32, #tpu.memory_space<vmem>> -> memref<80xi32, #tpu.memory_space<vmem>>
      %dma_start3A_417 = arith.constant 0 : i32
      %dma_start3A_418 = tpu.memref_slice %arg35[%dma_start3A_417] : memref<50000xf32, #tpu.memory_space<vmem_shared>> -> memref<50000xf32, #tpu.memory_space<vmem_shared>>
      tpu.enqueue_indirect_dma source(%dma_start3A_418 : memref<50000xf32, #tpu.memory_space<vmem_shared>>) target(%dma_start3A_414 : memref<80xf32, #tpu.memory_space<vmem>>) offsets(%dma_start3A_416 : memref<80xi32, #tpu.memory_space<vmem>>) semaphore(%arg40 : memref<!tpu.dma_semaphore, #tpu.memory_space<semaphore_mem>>)
      %dma_start3A_419 = arith.constant 0 : i32
      %dma_start3A_420 = tpu.memref_slice %arg22[%dma_start3A_419] : memref<80xf32, #tpu.memory_space<vmem>> -> memref<80xf32, #tpu.memory_space<vmem>>
      %dma_start3A_421 = arith.constant 0 : i32
      %dma_start3A_422 = tpu.memref_slice %arg13[%dma_start3A_421] : memref<80xi32, #tpu.memory_space<vmem>> -> memref<80xi32, #tpu.memory_space<vmem>>
      %dma_start3A_423 = arith.constant 0 : i32
      %dma_start3A_424 = tpu.memref_slice %arg36[%dma_start3A_423] : memref<50000xf32, #tpu.memory_space<vmem_shared>> -> memref<50000xf32, #tpu.memory_space<vmem_shared>>
      tpu.enqueue_indirect_dma source(%dma_start3A_424 : memref<50000xf32, #tpu.memory_space<vmem_shared>>) target(%dma_start3A_420 : memref<80xf32, #tpu.memory_space<vmem>>) offsets(%dma_start3A_422 : memref<80xi32, #tpu.memory_space<vmem>>) semaphore(%arg40 : memref<!tpu.dma_semaphore, #tpu.memory_space<semaphore_mem>>)
      %dma_start3A_425 = arith.constant 0 : i32
      %dma_start3A_426 = tpu.memref_slice %arg25[%dma_start3A_425] : memref<80xf32, #tpu.memory_space<vmem>> -> memref<80xf32, #tpu.memory_space<vmem>>
      %dma_start3A_427 = arith.constant 0 : i32
      %dma_start3A_428 = tpu.memref_slice %arg14[%dma_start3A_427] : memref<80xi32, #tpu.memory_space<vmem>> -> memref<80xi32, #tpu.memory_space<vmem>>
      %dma_start3A_429 = arith.constant 0 : i32
      %dma_start3A_430 = tpu.memref_slice %arg36[%dma_start3A_429] : memref<50000xf32, #tpu.memory_space<vmem_shared>> -> memref<50000xf32, #tpu.memory_space<vmem_shared>>
      tpu.enqueue_indirect_dma source(%dma_start3A_430 : memref<50000xf32, #tpu.memory_space<vmem_shared>>) target(%dma_start3A_426 : memref<80xf32, #tpu.memory_space<vmem>>) offsets(%dma_start3A_428 : memref<80xi32, #tpu.memory_space<vmem>>) semaphore(%arg40 : memref<!tpu.dma_semaphore, #tpu.memory_space<semaphore_mem>>)
      %dma_start3A_431 = arith.constant 0 : i32
      %dma_start3A_432 = tpu.memref_slice %arg23[%dma_start3A_431] : memref<80xf32, #tpu.memory_space<vmem>> -> memref<80xf32, #tpu.memory_space<vmem>>
      %dma_start3A_433 = arith.constant 0 : i32
      %dma_start3A_434 = tpu.memref_slice %arg13[%dma_start3A_433] : memref<80xi32, #tpu.memory_space<vmem>> -> memref<80xi32, #tpu.memory_space<vmem>>
      %dma_start3A_435 = arith.constant 0 : i32
      %dma_start3A_436 = tpu.memref_slice %arg37[%dma_start3A_435] : memref<50000xf32, #tpu.memory_space<vmem_shared>> -> memref<50000xf32, #tpu.memory_space<vmem_shared>>
      tpu.enqueue_indirect_dma source(%dma_start3A_436 : memref<50000xf32, #tpu.memory_space<vmem_shared>>) target(%dma_start3A_432 : memref<80xf32, #tpu.memory_space<vmem>>) offsets(%dma_start3A_434 : memref<80xi32, #tpu.memory_space<vmem>>) semaphore(%arg40 : memref<!tpu.dma_semaphore, #tpu.memory_space<semaphore_mem>>)
      %dma_start3A_437 = arith.constant 0 : i32
      %dma_start3A_438 = tpu.memref_slice %arg26[%dma_start3A_437] : memref<80xf32, #tpu.memory_space<vmem>> -> memref<80xf32, #tpu.memory_space<vmem>>
      %dma_start3A_439 = arith.constant 0 : i32
      %dma_start3A_440 = tpu.memref_slice %arg14[%dma_start3A_439] : memref<80xi32, #tpu.memory_space<vmem>> -> memref<80xi32, #tpu.memory_space<vmem>>
      %dma_start3A_441 = arith.constant 0 : i32
      %dma_start3A_442 = tpu.memref_slice %arg37[%dma_start3A_441] : memref<50000xf32, #tpu.memory_space<vmem_shared>> -> memref<50000xf32, #tpu.memory_space<vmem_shared>>
      tpu.enqueue_indirect_dma source(%dma_start3A_442 : memref<50000xf32, #tpu.memory_space<vmem_shared>>) target(%dma_start3A_438 : memref<80xf32, #tpu.memory_space<vmem>>) offsets(%dma_start3A_440 : memref<80xi32, #tpu.memory_space<vmem>>) semaphore(%arg40 : memref<!tpu.dma_semaphore, #tpu.memory_space<semaphore_mem>>)
      %dma_start3A_443 = arith.constant 0 : i32
      %dma_start3A_444 = arith.constant 0 : i32
      %dma_start3A_445 = tpu.memref_slice %arg17[%dma_start3A_443, %dma_start3A_444] : memref<80x128xf32, #tpu.memory_space<vmem>> -> memref<80x128xf32, #tpu.memory_space<vmem>>
      %dma_start3A_446 = arith.constant 0 : i32
      %dma_start3A_447 = tpu.memref_slice %arg13[%dma_start3A_446] : memref<80xi32, #tpu.memory_space<vmem>> -> memref<80xi32, #tpu.memory_space<vmem>>
      %dma_start3A_448 = arith.constant 0 : i32
      %dma_start3A_449 = arith.constant 0 : i32
      %dma_start3A_450 = tpu.memref_slice %arg2[%dma_start3A_448, %dma_start3A_449] : memref<50000x128xf32, #tpu.memory_space<hbm>> -> memref<50000x128xf32, #tpu.memory_space<hbm>>
      tpu.enqueue_indirect_dma source(%dma_start3A_450 : memref<50000x128xf32, #tpu.memory_space<hbm>>) target(%dma_start3A_445 : memref<80x128xf32, #tpu.memory_space<vmem>>) offsets(%dma_start3A_447 : memref<80xi32, #tpu.memory_space<vmem>>) semaphore(%arg38 : memref<!tpu.dma_semaphore, #tpu.memory_space<semaphore_mem>>)
    } else {
    }
    %add3A_10 = arith.constant 32 : i32
    %add3A_11 = arith.addi %add3A, %add3A_10 : i32
    %lt3A_12 = arith.constant 1875 : i32
    %lt3A_13 = arith.cmpi slt, %add3A_11, %lt3A_12 : i32
    %convert_element_type3A_14 = arith.extui %lt3A_13 : i1 to i32
    %cond3A_15 = arith.constant 0 : i32
    %cond3A_16 = arith.cmpi ne, %convert_element_type3A_14, %cond3A_15 : i32
    scf.if %cond3A_16 {
      %mul3A_388 = arith.constant 80 : i32
      %mul3A_389 = arith.muli %add3A_11, %mul3A_388 : i32
      %dma_start3A = tpu.memref_slice %arg7[%mul3A_389] : memref<300000xi32, #tpu.memory_space<hbm>> -> memref<80xi32, #tpu.memory_space<hbm>>
      %dma_start3A_390 = tpu.memref_slice %arg7[%mul3A_389] : memref<300000xi32, #tpu.memory_space<hbm>> -> memref<80xi32, #tpu.memory_space<hbm>>
      tpu.enqueue_dma source(%dma_start3A_390 : memref<80xi32, #tpu.memory_space<hbm>>) target(%arg15 : memref<80xi32, #tpu.memory_space<vmem>>) target_semaphore(%arg39 : memref<!tpu.dma_semaphore, #tpu.memory_space<semaphore_mem>>)
      %add3A_391 = arith.constant 150000 : i32
      %add3A_392 = arith.addi %add3A_391, %mul3A_389 : i32
      %dma_start3A_393 = tpu.memref_slice %arg7[%add3A_392] : memref<300000xi32, #tpu.memory_space<hbm>> -> memref<80xi32, #tpu.memory_space<hbm>>
      %dma_start3A_394 = tpu.memref_slice %arg7[%add3A_392] : memref<300000xi32, #tpu.memory_space<hbm>> -> memref<80xi32, #tpu.memory_space<hbm>>
      tpu.enqueue_dma source(%dma_start3A_394 : memref<80xi32, #tpu.memory_space<hbm>>) target(%arg16 : memref<80xi32, #tpu.memory_space<vmem>>) target_semaphore(%arg39 : memref<!tpu.dma_semaphore, #tpu.memory_space<semaphore_mem>>)
      %dma_wait3A_395 = tpu.memref_slice %arg7[%mul3A_389] : memref<300000xi32, #tpu.memory_space<hbm>> -> memref<80xi32, #tpu.memory_space<hbm>>
      %dma_wait3A_396 = tpu.memref_slice %arg7[%mul3A_389] : memref<300000xi32, #tpu.memory_space<hbm>> -> memref<80xi32, #tpu.memory_space<hbm>>
      tpu.wait_dma2 semaphore(%arg39 : memref<!tpu.dma_semaphore, #tpu.memory_space<semaphore_mem>>) src(%dma_wait3A_396 : memref<80xi32, #tpu.memory_space<hbm>>) dst(%arg15 : memref<80xi32, #tpu.memory_space<vmem>>)
      %dma_wait3A_397 = tpu.memref_slice %arg7[%add3A_392] : memref<300000xi32, #tpu.memory_space<hbm>> -> memref<80xi32, #tpu.memory_space<hbm>>
      %dma_wait3A_398 = tpu.memref_slice %arg7[%add3A_392] : memref<300000xi32, #tpu.memory_space<hbm>> -> memref<80xi32, #tpu.memory_space<hbm>>
      tpu.wait_dma2 semaphore(%arg39 : memref<!tpu.dma_semaphore, #tpu.memory_space<semaphore_mem>>) src(%dma_wait3A_398 : memref<80xi32, #tpu.memory_space<hbm>>) dst(%arg16 : memref<80xi32, #tpu.memory_space<vmem>>)
      %dma_start3A_399 = arith.constant 0 : i32
      %dma_start3A_400 = arith.constant 0 : i32
      %dma_start3A_401 = tpu.memref_slice %arg20[%dma_start3A_399, %dma_start3A_400] : memref<80x128xf32, #tpu.memory_space<vmem>> -> memref<80x128xf32, #tpu.memory_space<vmem>>
      %dma_start3A_402 = arith.constant 0 : i32
      %dma_start3A_403 = tpu.memref_slice %arg16[%dma_start3A_402] : memref<80xi32, #tpu.memory_space<vmem>> -> memref<80xi32, #tpu.memory_space<vmem>>
      %dma_start3A_404 = arith.constant 0 : i32
      %dma_start3A_405 = arith.constant 0 : i32
      %dma_start3A_406 = tpu.memref_slice %arg2[%dma_start3A_404, %dma_start3A_405] : memref<50000x128xf32, #tpu.memory_space<hbm>> -> memref<50000x128xf32, #tpu.memory_space<hbm>>
      tpu.enqueue_indirect_dma source(%dma_start3A_406 : memref<50000x128xf32, #tpu.memory_space<hbm>>) target(%dma_start3A_401 : memref<80x128xf32, #tpu.memory_space<vmem>>) offsets(%dma_start3A_403 : memref<80xi32, #tpu.memory_space<vmem>>) semaphore(%arg39 : memref<!tpu.dma_semaphore, #tpu.memory_space<semaphore_mem>>)
      %dma_start3A_407 = arith.constant 0 : i32
      %dma_start3A_408 = tpu.memref_slice %arg27[%dma_start3A_407] : memref<80xf32, #tpu.memory_space<vmem>> -> memref<80xf32, #tpu.memory_space<vmem>>
      %dma_start3A_409 = arith.constant 0 : i32
      %dma_start3A_410 = tpu.memref_slice %arg15[%dma_start3A_409] : memref<80xi32, #tpu.memory_space<vmem>> -> memref<80xi32, #tpu.memory_space<vmem>>
      %dma_start3A_411 = arith.constant 0 : i32
      %dma_start3A_412 = tpu.memref_slice %arg35[%dma_start3A_411] : memref<50000xf32, #tpu.memory_space<vmem_shared>> -> memref<50000xf32, #tpu.memory_space<vmem_shared>>
      tpu.enqueue_indirect_dma source(%dma_start3A_412 : memref<50000xf32, #tpu.memory_space<vmem_shared>>) target(%dma_start3A_408 : memref<80xf32, #tpu.memory_space<vmem>>) offsets(%dma_start3A_410 : memref<80xi32, #tpu.memory_space<vmem>>) semaphore(%arg41 : memref<!tpu.dma_semaphore, #tpu.memory_space<semaphore_mem>>)
      %dma_start3A_413 = arith.constant 0 : i32
      %dma_start3A_414 = tpu.memref_slice %arg30[%dma_start3A_413] : memref<80xf32, #tpu.memory_space<vmem>> -> memref<80xf32, #tpu.memory_space<vmem>>
      %dma_start3A_415 = arith.constant 0 : i32
      %dma_start3A_416 = tpu.memref_slice %arg16[%dma_start3A_415] : memref<80xi32, #tpu.memory_space<vmem>> -> memref<80xi32, #tpu.memory_space<vmem>>
      %dma_start3A_417 = arith.constant 0 : i32
      %dma_start3A_418 = tpu.memref_slice %arg35[%dma_start3A_417] : memref<50000xf32, #tpu.memory_space<vmem_shared>> -> memref<50000xf32, #tpu.memory_space<vmem_shared>>
      tpu.enqueue_indirect_dma source(%dma_start3A_418 : memref<50000xf32, #tpu.memory_space<vmem_shared>>) target(%dma_start3A_414 : memref<80xf32, #tpu.memory_space<vmem>>) offsets(%dma_start3A_416 : memref<80xi32, #tpu.memory_space<vmem>>) semaphore(%arg41 : memref<!tpu.dma_semaphore, #tpu.memory_space<semaphore_mem>>)
      %dma_start3A_419 = arith.constant 0 : i32
      %dma_start3A_420 = tpu.memref_slice %arg28[%dma_start3A_419] : memref<80xf32, #tpu.memory_space<vmem>> -> memref<80xf32, #tpu.memory_space<vmem>>
      %dma_start3A_421 = arith.constant 0 : i32
      %dma_start3A_422 = tpu.memref_slice %arg15[%dma_start3A_421] : memref<80xi32, #tpu.memory_space<vmem>> -> memref<80xi32, #tpu.memory_space<vmem>>
      %dma_start3A_423 = arith.constant 0 : i32
      %dma_start3A_424 = tpu.memref_slice %arg36[%dma_start3A_423] : memref<50000xf32, #tpu.memory_space<vmem_shared>> -> memref<50000xf32, #tpu.memory_space<vmem_shared>>
      tpu.enqueue_indirect_dma source(%dma_start3A_424 : memref<50000xf32, #tpu.memory_space<vmem_shared>>) target(%dma_start3A_420 : memref<80xf32, #tpu.memory_space<vmem>>) offsets(%dma_start3A_422 : memref<80xi32, #tpu.memory_space<vmem>>) semaphore(%arg41 : memref<!tpu.dma_semaphore, #tpu.memory_space<semaphore_mem>>)
      %dma_start3A_425 = arith.constant 0 : i32
      %dma_start3A_426 = tpu.memref_slice %arg31[%dma_start3A_425] : memref<80xf32, #tpu.memory_space<vmem>> -> memref<80xf32, #tpu.memory_space<vmem>>
      %dma_start3A_427 = arith.constant 0 : i32
      %dma_start3A_428 = tpu.memref_slice %arg16[%dma_start3A_427] : memref<80xi32, #tpu.memory_space<vmem>> -> memref<80xi32, #tpu.memory_space<vmem>>
      %dma_start3A_429 = arith.constant 0 : i32
      %dma_start3A_430 = tpu.memref_slice %arg36[%dma_start3A_429] : memref<50000xf32, #tpu.memory_space<vmem_shared>> -> memref<50000xf32, #tpu.memory_space<vmem_shared>>
      tpu.enqueue_indirect_dma source(%dma_start3A_430 : memref<50000xf32, #tpu.memory_space<vmem_shared>>) target(%dma_start3A_426 : memref<80xf32, #tpu.memory_space<vmem>>) offsets(%dma_start3A_428 : memref<80xi32, #tpu.memory_space<vmem>>) semaphore(%arg41 : memref<!tpu.dma_semaphore, #tpu.memory_space<semaphore_mem>>)
      %dma_start3A_431 = arith.constant 0 : i32
      %dma_start3A_432 = tpu.memref_slice %arg29[%dma_start3A_431] : memref<80xf32, #tpu.memory_space<vmem>> -> memref<80xf32, #tpu.memory_space<vmem>>
      %dma_start3A_433 = arith.constant 0 : i32
      %dma_start3A_434 = tpu.memref_slice %arg15[%dma_start3A_433] : memref<80xi32, #tpu.memory_space<vmem>> -> memref<80xi32, #tpu.memory_space<vmem>>
      %dma_start3A_435 = arith.constant 0 : i32
      %dma_start3A_436 = tpu.memref_slice %arg37[%dma_start3A_435] : memref<50000xf32, #tpu.memory_space<vmem_shared>> -> memref<50000xf32, #tpu.memory_space<vmem_shared>>
      tpu.enqueue_indirect_dma source(%dma_start3A_436 : memref<50000xf32, #tpu.memory_space<vmem_shared>>) target(%dma_start3A_432 : memref<80xf32, #tpu.memory_space<vmem>>) offsets(%dma_start3A_434 : memref<80xi32, #tpu.memory_space<vmem>>) semaphore(%arg41 : memref<!tpu.dma_semaphore, #tpu.memory_space<semaphore_mem>>)
      %dma_start3A_437 = arith.constant 0 : i32
      %dma_start3A_438 = tpu.memref_slice %arg32[%dma_start3A_437] : memref<80xf32, #tpu.memory_space<vmem>> -> memref<80xf32, #tpu.memory_space<vmem>>
      %dma_start3A_439 = arith.constant 0 : i32
      %dma_start3A_440 = tpu.memref_slice %arg16[%dma_start3A_439] : memref<80xi32, #tpu.memory_space<vmem>> -> memref<80xi32, #tpu.memory_space<vmem>>
      %dma_start3A_441 = arith.constant 0 : i32
      %dma_start3A_442 = tpu.memref_slice %arg37[%dma_start3A_441] : memref<50000xf32, #tpu.memory_space<vmem_shared>> -> memref<50000xf32, #tpu.memory_space<vmem_shared>>
      tpu.enqueue_indirect_dma source(%dma_start3A_442 : memref<50000xf32, #tpu.memory_space<vmem_shared>>) target(%dma_start3A_438 : memref<80xf32, #tpu.memory_space<vmem>>) offsets(%dma_start3A_440 : memref<80xi32, #tpu.memory_space<vmem>>) semaphore(%arg41 : memref<!tpu.dma_semaphore, #tpu.memory_space<semaphore_mem>>)
      %dma_start3A_443 = arith.constant 0 : i32
      %dma_start3A_444 = arith.constant 0 : i32
      %dma_start3A_445 = tpu.memref_slice %arg19[%dma_start3A_443, %dma_start3A_444] : memref<80x128xf32, #tpu.memory_space<vmem>> -> memref<80x128xf32, #tpu.memory_space<vmem>>
      %dma_start3A_446 = arith.constant 0 : i32
      %dma_start3A_447 = tpu.memref_slice %arg15[%dma_start3A_446] : memref<80xi32, #tpu.memory_space<vmem>> -> memref<80xi32, #tpu.memory_space<vmem>>
      %dma_start3A_448 = arith.constant 0 : i32
      %dma_start3A_449 = arith.constant 0 : i32
      %dma_start3A_450 = tpu.memref_slice %arg2[%dma_start3A_448, %dma_start3A_449] : memref<50000x128xf32, #tpu.memory_space<hbm>> -> memref<50000x128xf32, #tpu.memory_space<hbm>>
      tpu.enqueue_indirect_dma source(%dma_start3A_450 : memref<50000x128xf32, #tpu.memory_space<hbm>>) target(%dma_start3A_445 : memref<80x128xf32, #tpu.memory_space<vmem>>) offsets(%dma_start3A_447 : memref<80xi32, #tpu.memory_space<vmem>>) semaphore(%arg39 : memref<!tpu.dma_semaphore, #tpu.memory_space<semaphore_mem>>)
    } else {
    }
    %scan3A_17 = arith.constant 0 : i32
    %scan3A_18 = arith.constant 0 : i32
    %scan3A_19 = arith.constant 30 : i32
    %scan3A_20 = arith.addi %scan3A_18, %scan3A_19 : i32
    %scan3A_21 = arith.constant 1 : i32
    scf.for %scan3A_388 = %scan3A_18 to %scan3A_20 step %scan3A_21  : i32 {
      %mul3A_389 = arith.constant 2 : i32
      %mul3A_390 = arith.muli %mul3A_389, %scan3A_388 : i32
      %mul3A_391 = arith.constant 32 : i32
      %mul3A_392 = arith.muli %mul3A_390, %mul3A_391 : i32
      %add3A_393 = arith.addi %add3A, %mul3A_392 : i32
      %lt3A_394 = arith.constant 1875 : i32
      %lt3A_395 = arith.cmpi slt, %add3A_393, %lt3A_394 : i32
      %convert_element_type3A_396 = arith.extui %lt3A_395 : i1 to i32
      %cond3A_397 = arith.constant 0 : i32
      %cond3A_398 = arith.cmpi ne, %convert_element_type3A_396, %cond3A_397 : i32
      scf.if %cond3A_398 {
        %mul3A_429 = arith.constant 80 : i32
        %mul3A_430 = arith.muli %add3A_393, %mul3A_429 : i32
        %dma_wait3A_431 = arith.constant 0 : i32
        %dma_wait3A_432 = arith.constant 0 : i32
        %dma_wait3A_433 = tpu.memref_slice %arg18[%dma_wait3A_431, %dma_wait3A_432] : memref<80x128xf32, #tpu.memory_space<vmem>> -> memref<80x128xf32, #tpu.memory_space<vmem>>
        %dma_wait3A_434 = arith.constant 0 : i32
        %dma_wait3A_435 = tpu.memref_slice %arg14[%dma_wait3A_434] : memref<80xi32, #tpu.memory_space<vmem>> -> memref<80xi32, #tpu.memory_space<vmem>>
        %dma_wait3A_436 = arith.constant 0 : i32
        %dma_wait3A_437 = arith.constant 0 : i32
        %dma_wait3A_438 = tpu.memref_slice %arg2[%dma_wait3A_436, %dma_wait3A_437] : memref<50000x128xf32, #tpu.memory_space<hbm>> -> memref<50000x128xf32, #tpu.memory_space<hbm>>
        tpu.wait_indirect_dma semaphore(%arg38 : memref<!tpu.dma_semaphore, #tpu.memory_space<semaphore_mem>>) src(%dma_wait3A_438 : memref<50000x128xf32, #tpu.memory_space<hbm>>) dst(%dma_wait3A_433 : memref<80x128xf32, #tpu.memory_space<vmem>>)
        %dma_wait3A_439 = arith.constant 0 : i32
        %dma_wait3A_440 = arith.constant 0 : i32
        %dma_wait3A_441 = tpu.memref_slice %arg17[%dma_wait3A_439, %dma_wait3A_440] : memref<80x128xf32, #tpu.memory_space<vmem>> -> memref<80x128xf32, #tpu.memory_space<vmem>>
        %dma_wait3A_442 = arith.constant 0 : i32
        %dma_wait3A_443 = tpu.memref_slice %arg13[%dma_wait3A_442] : memref<80xi32, #tpu.memory_space<vmem>> -> memref<80xi32, #tpu.memory_space<vmem>>
        %dma_wait3A_444 = arith.constant 0 : i32
        %dma_wait3A_445 = arith.constant 0 : i32
        %dma_wait3A_446 = tpu.memref_slice %arg2[%dma_wait3A_444, %dma_wait3A_445] : memref<50000x128xf32, #tpu.memory_space<hbm>> -> memref<50000x128xf32, #tpu.memory_space<hbm>>
        tpu.wait_indirect_dma semaphore(%arg38 : memref<!tpu.dma_semaphore, #tpu.memory_space<semaphore_mem>>) src(%dma_wait3A_446 : memref<50000x128xf32, #tpu.memory_space<hbm>>) dst(%dma_wait3A_441 : memref<80x128xf32, #tpu.memory_space<vmem>>)
        %scan3A_447 = arith.constant 0 : i32
        %scan3A_448 = arith.constant 0 : i32
        %scan3A_449 = arith.constant 80 : i32
        %scan3A_450 = arith.addi %scan3A_448, %scan3A_449 : i32
        %scan3A_451 = arith.constant 1 : i32
        scf.for %scan3A_512 = %scan3A_448 to %scan3A_450 step %scan3A_451  : i32 {
          %get3A = arith.index_cast %scan3A_512 : i32 to index
          %get3A_513 = arith.constant 0 : index
          %get3A_514 = tpu.vector_load %arg17[%get3A, %get3A_513] {strides = array<i32>} : memref<80x128xf32, #tpu.memory_space<vmem>>, vector<1x16xf32>,
          %get3A_515 = vector.shape_cast %get3A_514 : vector<1x16xf32> to vector<16xf32>
          %get3A_516 = arith.index_cast %scan3A_512 : i32 to index
          %get3A_517 = arith.constant 0 : index
          %get3A_518 = tpu.vector_load %arg18[%get3A_516, %get3A_517] {strides = array<i32>} : memref<80x128xf32, #tpu.memory_space<vmem>>, vector<1x16xf32>,
          %get3A_519 = vector.shape_cast %get3A_518 : vector<1x16xf32> to vector<16xf32>
          %add3A_520 = arith.addf %get3A_515, %get3A_519 : vector<16xf32>
          %mul3A_521 = arith.constant 5.000000e-01 : f32
          %mul3A_522 = vector.broadcast %mul3A_521 : f32 to vector<16xf32>
          %mul3A_523 = arith.mulf %add3A_520, %mul3A_522 : vector<16xf32>
          %swap3A = arith.index_cast %scan3A_512 : i32 to index
          %swap3A_524 = arith.constant 0 : index
          %swap3A_525 = tpu.vector_load %arg17[%swap3A, %swap3A_524] {strides = array<i32>} : memref<80x128xf32, #tpu.memory_space<vmem>>, vector<1x16xf32>,
          %swap3A_526 = vector.shape_cast %swap3A_525 : vector<1x16xf32> to vector<16xf32>
          %swap3A_527 = vector.shape_cast %mul3A_523 : vector<16xf32> to vector<1x16xf32>
          tpu.vector_store %arg17[%swap3A, %swap3A_524], %swap3A_527 {strides = array<i32>} : memref<80x128xf32, #tpu.memory_space<vmem>>, vector<1x16xf32>,
          %get3A_528 = arith.index_cast %scan3A_512 : i32 to index
          %get3A_529 = arith.constant 16 : index
          %get3A_530 = tpu.vector_load %arg17[%get3A_528, %get3A_529] {strides = array<i32>} : memref<80x128xf32, #tpu.memory_space<vmem>>, vector<1x16xf32>,
          %get3A_531 = vector.shape_cast %get3A_530 : vector<1x16xf32> to vector<16xf32>
          %get3A_532 = arith.index_cast %scan3A_512 : i32 to index
          %get3A_533 = arith.constant 16 : index
          %get3A_534 = tpu.vector_load %arg18[%get3A_532, %get3A_533] {strides = array<i32>} : memref<80x128xf32, #tpu.memory_space<vmem>>, vector<1x16xf32>,
          %get3A_535 = vector.shape_cast %get3A_534 : vector<1x16xf32> to vector<16xf32>
          %add3A_536 = arith.addf %get3A_531, %get3A_535 : vector<16xf32>
          %mul3A_537 = arith.constant 5.000000e-01 : f32
          %mul3A_538 = vector.broadcast %mul3A_537 : f32 to vector<16xf32>
          %mul3A_539 = arith.mulf %add3A_536, %mul3A_538 : vector<16xf32>
          %swap3A_540 = arith.index_cast %scan3A_512 : i32 to index
          %swap3A_541 = arith.constant 16 : index
          %swap3A_542 = tpu.vector_load %arg17[%swap3A_540, %swap3A_541] {strides = array<i32>} : memref<80x128xf32, #tpu.memory_space<vmem>>, vector<1x16xf32>,
          %swap3A_543 = vector.shape_cast %swap3A_542 : vector<1x16xf32> to vector<16xf32>
          %swap3A_544 = vector.shape_cast %mul3A_539 : vector<16xf32> to vector<1x16xf32>
          tpu.vector_store %arg17[%swap3A_540, %swap3A_541], %swap3A_544 {strides = array<i32>} : memref<80x128xf32, #tpu.memory_space<vmem>>, vector<1x16xf32>,
          %get3A_545 = arith.index_cast %scan3A_512 : i32 to index
          %get3A_546 = arith.constant 32 : index
          %get3A_547 = tpu.vector_load %arg17[%get3A_545, %get3A_546] {strides = array<i32>} : memref<80x128xf32, #tpu.memory_space<vmem>>, vector<1x16xf32>,
          %get3A_548 = vector.shape_cast %get3A_547 : vector<1x16xf32> to vector<16xf32>
          %get3A_549 = arith.index_cast %scan3A_512 : i32 to index
          %get3A_550 = arith.constant 32 : index
          %get3A_551 = tpu.vector_load %arg18[%get3A_549, %get3A_550] {strides = array<i32>} : memref<80x128xf32, #tpu.memory_space<vmem>>, vector<1x16xf32>,
          %get3A_552 = vector.shape_cast %get3A_551 : vector<1x16xf32> to vector<16xf32>
          %add3A_553 = arith.addf %get3A_548, %get3A_552 : vector<16xf32>
          %mul3A_554 = arith.constant 5.000000e-01 : f32
          %mul3A_555 = vector.broadcast %mul3A_554 : f32 to vector<16xf32>
          %mul3A_556 = arith.mulf %add3A_553, %mul3A_555 : vector<16xf32>
          %swap3A_557 = arith.index_cast %scan3A_512 : i32 to index
          %swap3A_558 = arith.constant 32 : index
          %swap3A_559 = tpu.vector_load %arg17[%swap3A_557, %swap3A_558] {strides = array<i32>} : memref<80x128xf32, #tpu.memory_space<vmem>>, vector<1x16xf32>,
          %swap3A_560 = vector.shape_cast %swap3A_559 : vector<1x16xf32> to vector<16xf32>
          %swap3A_561 = vector.shape_cast %mul3A_556 : vector<16xf32> to vector<1x16xf32>
          tpu.vector_store %arg17[%swap3A_557, %swap3A_558], %swap3A_561 {strides = array<i32>} : memref<80x128xf32, #tpu.memory_space<vmem>>, vector<1x16xf32>,
          %get3A_562 = arith.index_cast %scan3A_512 : i32 to index
          %get3A_563 = arith.constant 48 : index
          %get3A_564 = tpu.vector_load %arg17[%get3A_562, %get3A_563] {strides = array<i32>} : memref<80x128xf32, #tpu.memory_space<vmem>>, vector<1x16xf32>,
          %get3A_565 = vector.shape_cast %get3A_564 : vector<1x16xf32> to vector<16xf32>
          %get3A_566 = arith.index_cast %scan3A_512 : i32 to index
          %get3A_567 = arith.constant 48 : index
          %get3A_568 = tpu.vector_load %arg18[%get3A_566, %get3A_567] {strides = array<i32>} : memref<80x128xf32, #tpu.memory_space<vmem>>, vector<1x16xf32>,
          %get3A_569 = vector.shape_cast %get3A_568 : vector<1x16xf32> to vector<16xf32>
          %add3A_570 = arith.addf %get3A_565, %get3A_569 : vector<16xf32>
          %mul3A_571 = arith.constant 5.000000e-01 : f32
          %mul3A_572 = vector.broadcast %mul3A_571 : f32 to vector<16xf32>
          %mul3A_573 = arith.mulf %add3A_570, %mul3A_572 : vector<16xf32>
          %swap3A_574 = arith.index_cast %scan3A_512 : i32 to index
          %swap3A_575 = arith.constant 48 : index
          %swap3A_576 = tpu.vector_load %arg17[%swap3A_574, %swap3A_575] {strides = array<i32>} : memref<80x128xf32, #tpu.memory_space<vmem>>, vector<1x16xf32>,
          %swap3A_577 = vector.shape_cast %swap3A_576 : vector<1x16xf32> to vector<16xf32>
          %swap3A_578 = vector.shape_cast %mul3A_573 : vector<16xf32> to vector<1x16xf32>
          tpu.vector_store %arg17[%swap3A_574, %swap3A_575], %swap3A_578 {strides = array<i32>} : memref<80x128xf32, #tpu.memory_space<vmem>>, vector<1x16xf32>,
          %get3A_579 = arith.index_cast %scan3A_512 : i32 to index
          %get3A_580 = arith.constant 64 : index
          %get3A_581 = tpu.vector_load %arg17[%get3A_579, %get3A_580] {strides = array<i32>} : memref<80x128xf32, #tpu.memory_space<vmem>>, vector<1x16xf32>,
          %get3A_582 = vector.shape_cast %get3A_581 : vector<1x16xf32> to vector<16xf32>
          %get3A_583 = arith.index_cast %scan3A_512 : i32 to index
          %get3A_584 = arith.constant 64 : index
          %get3A_585 = tpu.vector_load %arg18[%get3A_583, %get3A_584] {strides = array<i32>} : memref<80x128xf32, #tpu.memory_space<vmem>>, vector<1x16xf32>,
          %get3A_586 = vector.shape_cast %get3A_585 : vector<1x16xf32> to vector<16xf32>
          %add3A_587 = arith.addf %get3A_582, %get3A_586 : vector<16xf32>
          %mul3A_588 = arith.constant 5.000000e-01 : f32
          %mul3A_589 = vector.broadcast %mul3A_588 : f32 to vector<16xf32>
          %mul3A_590 = arith.mulf %add3A_587, %mul3A_589 : vector<16xf32>
          %swap3A_591 = arith.index_cast %scan3A_512 : i32 to index
          %swap3A_592 = arith.constant 64 : index
          %swap3A_593 = tpu.vector_load %arg17[%swap3A_591, %swap3A_592] {strides = array<i32>} : memref<80x128xf32, #tpu.memory_space<vmem>>, vector<1x16xf32>,
          %swap3A_594 = vector.shape_cast %swap3A_593 : vector<1x16xf32> to vector<16xf32>
          %swap3A_595 = vector.shape_cast %mul3A_590 : vector<16xf32> to vector<1x16xf32>
          tpu.vector_store %arg17[%swap3A_591, %swap3A_592], %swap3A_595 {strides = array<i32>} : memref<80x128xf32, #tpu.memory_space<vmem>>, vector<1x16xf32>,
          %get3A_596 = arith.index_cast %scan3A_512 : i32 to index
          %get3A_597 = arith.constant 80 : index
          %get3A_598 = tpu.vector_load %arg17[%get3A_596, %get3A_597] {strides = array<i32>} : memref<80x128xf32, #tpu.memory_space<vmem>>, vector<1x16xf32>,
          %get3A_599 = vector.shape_cast %get3A_598 : vector<1x16xf32> to vector<16xf32>
          %get3A_600 = arith.index_cast %scan3A_512 : i32 to index
          %get3A_601 = arith.constant 80 : index
          %get3A_602 = tpu.vector_load %arg18[%get3A_600, %get3A_601] {strides = array<i32>} : memref<80x128xf32, #tpu.memory_space<vmem>>, vector<1x16xf32>,
          %get3A_603 = vector.shape_cast %get3A_602 : vector<1x16xf32> to vector<16xf32>
          %add3A_604 = arith.addf %get3A_599, %get3A_603 : vector<16xf32>
          %mul3A_605 = arith.constant 5.000000e-01 : f32
          %mul3A_606 = vector.broadcast %mul3A_605 : f32 to vector<16xf32>
          %mul3A_607 = arith.mulf %add3A_604, %mul3A_606 : vector<16xf32>
          %swap3A_608 = arith.index_cast %scan3A_512 : i32 to index
          %swap3A_609 = arith.constant 80 : index
          %swap3A_610 = tpu.vector_load %arg17[%swap3A_608, %swap3A_609] {strides = array<i32>} : memref<80x128xf32, #tpu.memory_space<vmem>>, vector<1x16xf32>,
          %swap3A_611 = vector.shape_cast %swap3A_610 : vector<1x16xf32> to vector<16xf32>
          %swap3A_612 = vector.shape_cast %mul3A_607 : vector<16xf32> to vector<1x16xf32>
          tpu.vector_store %arg17[%swap3A_608, %swap3A_609], %swap3A_612 {strides = array<i32>} : memref<80x128xf32, #tpu.memory_space<vmem>>, vector<1x16xf32>,
          %get3A_613 = arith.index_cast %scan3A_512 : i32 to index
          %get3A_614 = arith.constant 96 : index
          %get3A_615 = tpu.vector_load %arg17[%get3A_613, %get3A_614] {strides = array<i32>} : memref<80x128xf32, #tpu.memory_space<vmem>>, vector<1x16xf32>,
          %get3A_616 = vector.shape_cast %get3A_615 : vector<1x16xf32> to vector<16xf32>
          %get3A_617 = arith.index_cast %scan3A_512 : i32 to index
          %get3A_618 = arith.constant 96 : index
          %get3A_619 = tpu.vector_load %arg18[%get3A_617, %get3A_618] {strides = array<i32>} : memref<80x128xf32, #tpu.memory_space<vmem>>, vector<1x16xf32>,
          %get3A_620 = vector.shape_cast %get3A_619 : vector<1x16xf32> to vector<16xf32>
          %add3A_621 = arith.addf %get3A_616, %get3A_620 : vector<16xf32>
          %mul3A_622 = arith.constant 5.000000e-01 : f32
          %mul3A_623 = vector.broadcast %mul3A_622 : f32 to vector<16xf32>
          %mul3A_624 = arith.mulf %add3A_621, %mul3A_623 : vector<16xf32>
          %swap3A_625 = arith.index_cast %scan3A_512 : i32 to index
          %swap3A_626 = arith.constant 96 : index
          %swap3A_627 = tpu.vector_load %arg17[%swap3A_625, %swap3A_626] {strides = array<i32>} : memref<80x128xf32, #tpu.memory_space<vmem>>, vector<1x16xf32>,
          %swap3A_628 = vector.shape_cast %swap3A_627 : vector<1x16xf32> to vector<16xf32>
          %swap3A_629 = vector.shape_cast %mul3A_624 : vector<16xf32> to vector<1x16xf32>
          tpu.vector_store %arg17[%swap3A_625, %swap3A_626], %swap3A_629 {strides = array<i32>} : memref<80x128xf32, #tpu.memory_space<vmem>>, vector<1x16xf32>,
          %get3A_630 = arith.index_cast %scan3A_512 : i32 to index
          %get3A_631 = arith.constant 112 : index
          %get3A_632 = tpu.vector_load %arg17[%get3A_630, %get3A_631] {strides = array<i32>} : memref<80x128xf32, #tpu.memory_space<vmem>>, vector<1x16xf32>,
          %get3A_633 = vector.shape_cast %get3A_632 : vector<1x16xf32> to vector<16xf32>
          %get3A_634 = arith.index_cast %scan3A_512 : i32 to index
          %get3A_635 = arith.constant 112 : index
          %get3A_636 = tpu.vector_load %arg18[%get3A_634, %get3A_635] {strides = array<i32>} : memref<80x128xf32, #tpu.memory_space<vmem>>, vector<1x16xf32>,
          %get3A_637 = vector.shape_cast %get3A_636 : vector<1x16xf32> to vector<16xf32>
          %add3A_638 = arith.addf %get3A_633, %get3A_637 : vector<16xf32>
          %mul3A_639 = arith.constant 5.000000e-01 : f32
          %mul3A_640 = vector.broadcast %mul3A_639 : f32 to vector<16xf32>
          %mul3A_641 = arith.mulf %add3A_638, %mul3A_640 : vector<16xf32>
          %swap3A_642 = arith.index_cast %scan3A_512 : i32 to index
          %swap3A_643 = arith.constant 112 : index
          %swap3A_644 = tpu.vector_load %arg17[%swap3A_642, %swap3A_643] {strides = array<i32>} : memref<80x128xf32, #tpu.memory_space<vmem>>, vector<1x16xf32>,
          %swap3A_645 = vector.shape_cast %swap3A_644 : vector<1x16xf32> to vector<16xf32>
          %swap3A_646 = vector.shape_cast %mul3A_641 : vector<16xf32> to vector<1x16xf32>
          tpu.vector_store %arg17[%swap3A_642, %swap3A_643], %swap3A_646 {strides = array<i32>} : memref<80x128xf32, #tpu.memory_space<vmem>>, vector<1x16xf32>,
        }
        %scan3A_452 = arith.constant 80 : i32
        %add3A_453 = arith.constant 50000 : i32
        %add3A_454 = arith.addi %add3A_453, %mul3A_430 : i32
        %dma_start3A = arith.constant 0 : i32
        %dma_start3A_455 = arith.constant 0 : i32
        %dma_start3A_456 = tpu.memref_slice %arg17[%dma_start3A, %dma_start3A_455] : memref<80x128xf32, #tpu.memory_space<vmem>> -> memref<80x128xf32, #tpu.memory_space<vmem>>
        %dma_start3A_457 = arith.constant 0 : i32
        %dma_start3A_458 = tpu.memref_slice %arg10[%add3A_454, %dma_start3A_457] : memref<200000x128xf32, #tpu.memory_space<hbm>> -> memref<80x128xf32, #tpu.memory_space<hbm>>
        %dma_start3A_459 = arith.constant 0 : i32
        %dma_start3A_460 = tpu.memref_slice %arg10[%add3A_454, %dma_start3A_459] : memref<200000x128xf32, #tpu.memory_space<hbm>> -> memref<80x128xf32, #tpu.memory_space<hbm>>
        %dma_start3A_461 = arith.constant 0 : i32
        %dma_start3A_462 = arith.constant 0 : i32
        %dma_start3A_463 = tpu.memref_slice %arg17[%dma_start3A_461, %dma_start3A_462] : memref<80x128xf32, #tpu.memory_space<vmem>> -> memref<80x128xf32, #tpu.memory_space<vmem>>
        tpu.enqueue_dma source(%dma_start3A_463 : memref<80x128xf32, #tpu.memory_space<vmem>>) target(%dma_start3A_460 : memref<80x128xf32, #tpu.memory_space<hbm>>) target_semaphore(%arg42 : memref<!tpu.dma_semaphore, #tpu.memory_space<semaphore_mem>>)
        %dma_wait3A_464 = arith.constant 0 : i32
        %dma_wait3A_465 = tpu.memref_slice %arg21[%dma_wait3A_464] : memref<80xf32, #tpu.memory_space<vmem>> -> memref<80xf32, #tpu.memory_space<vmem>>
        %dma_wait3A_466 = arith.constant 0 : i32
        %dma_wait3A_467 = tpu.memref_slice %arg13[%dma_wait3A_466] : memref<80xi32, #tpu.memory_space<vmem>> -> memref<80xi32, #tpu.memory_space<vmem>>
        %dma_wait3A_468 = arith.constant 0 : i32
        %dma_wait3A_469 = tpu.memref_slice %arg35[%dma_wait3A_468] : memref<50000xf32, #tpu.memory_space<vmem_shared>> -> memref<50000xf32, #tpu.memory_space<vmem_shared>>
        tpu.wait_indirect_dma semaphore(%arg40 : memref<!tpu.dma_semaphore, #tpu.memory_space<semaphore_mem>>) src(%dma_wait3A_469 : memref<50000xf32, #tpu.memory_space<vmem_shared>>) dst(%dma_wait3A_465 : memref<80xf32, #tpu.memory_space<vmem>>)
        %dma_wait3A_470 = arith.constant 0 : i32
        %dma_wait3A_471 = tpu.memref_slice %arg24[%dma_wait3A_470] : memref<80xf32, #tpu.memory_space<vmem>> -> memref<80xf32, #tpu.memory_space<vmem>>
        %dma_wait3A_472 = arith.constant 0 : i32
        %dma_wait3A_473 = tpu.memref_slice %arg14[%dma_wait3A_472] : memref<80xi32, #tpu.memory_space<vmem>> -> memref<80xi32, #tpu.memory_space<vmem>>
        %dma_wait3A_474 = arith.constant 0 : i32
        %dma_wait3A_475 = tpu.memref_slice %arg35[%dma_wait3A_474] : memref<50000xf32, #tpu.memory_space<vmem_shared>> -> memref<50000xf32, #tpu.memory_space<vmem_shared>>
        tpu.wait_indirect_dma semaphore(%arg40 : memref<!tpu.dma_semaphore, #tpu.memory_space<semaphore_mem>>) src(%dma_wait3A_475 : memref<50000xf32, #tpu.memory_space<vmem_shared>>) dst(%dma_wait3A_471 : memref<80xf32, #tpu.memory_space<vmem>>)
        %dma_wait3A_476 = arith.constant 0 : i32
        %dma_wait3A_477 = tpu.memref_slice %arg22[%dma_wait3A_476] : memref<80xf32, #tpu.memory_space<vmem>> -> memref<80xf32, #tpu.memory_space<vmem>>
        %dma_wait3A_478 = arith.constant 0 : i32
        %dma_wait3A_479 = tpu.memref_slice %arg13[%dma_wait3A_478] : memref<80xi32, #tpu.memory_space<vmem>> -> memref<80xi32, #tpu.memory_space<vmem>>
        %dma_wait3A_480 = arith.constant 0 : i32
        %dma_wait3A_481 = tpu.memref_slice %arg36[%dma_wait3A_480] : memref<50000xf32, #tpu.memory_space<vmem_shared>> -> memref<50000xf32, #tpu.memory_space<vmem_shared>>
        tpu.wait_indirect_dma semaphore(%arg40 : memref<!tpu.dma_semaphore, #tpu.memory_space<semaphore_mem>>) src(%dma_wait3A_481 : memref<50000xf32, #tpu.memory_space<vmem_shared>>) dst(%dma_wait3A_477 : memref<80xf32, #tpu.memory_space<vmem>>)
        %dma_wait3A_482 = arith.constant 0 : i32
        %dma_wait3A_483 = tpu.memref_slice %arg25[%dma_wait3A_482] : memref<80xf32, #tpu.memory_space<vmem>> -> memref<80xf32, #tpu.memory_space<vmem>>
        %dma_wait3A_484 = arith.constant 0 : i32
        %dma_wait3A_485 = tpu.memref_slice %arg14[%dma_wait3A_484] : memref<80xi32, #tpu.memory_space<vmem>> -> memref<80xi32, #tpu.memory_space<vmem>>
        %dma_wait3A_486 = arith.constant 0 : i32
        %dma_wait3A_487 = tpu.memref_slice %arg36[%dma_wait3A_486] : memref<50000xf32, #tpu.memory_space<vmem_shared>> -> memref<50000xf32, #tpu.memory_space<vmem_shared>>
        tpu.wait_indirect_dma semaphore(%arg40 : memref<!tpu.dma_semaphore, #tpu.memory_space<semaphore_mem>>) src(%dma_wait3A_487 : memref<50000xf32, #tpu.memory_space<vmem_shared>>) dst(%dma_wait3A_483 : memref<80xf32, #tpu.memory_space<vmem>>)
        %dma_wait3A_488 = arith.constant 0 : i32
        %dma_wait3A_489 = tpu.memref_slice %arg23[%dma_wait3A_488] : memref<80xf32, #tpu.memory_space<vmem>> -> memref<80xf32, #tpu.memory_space<vmem>>
        %dma_wait3A_490 = arith.constant 0 : i32
        %dma_wait3A_491 = tpu.memref_slice %arg13[%dma_wait3A_490] : memref<80xi32, #tpu.memory_space<vmem>> -> memref<80xi32, #tpu.memory_space<vmem>>
        %dma_wait3A_492 = arith.constant 0 : i32
        %dma_wait3A_493 = tpu.memref_slice %arg37[%dma_wait3A_492] : memref<50000xf32, #tpu.memory_space<vmem_shared>> -> memref<50000xf32, #tpu.memory_space<vmem_shared>>
        tpu.wait_indirect_dma semaphore(%arg40 : memref<!tpu.dma_semaphore, #tpu.memory_space<semaphore_mem>>) src(%dma_wait3A_493 : memref<50000xf32, #tpu.memory_space<vmem_shared>>) dst(%dma_wait3A_489 : memref<80xf32, #tpu.memory_space<vmem>>)
        %dma_wait3A_494 = arith.constant 0 : i32
        %dma_wait3A_495 = tpu.memref_slice %arg26[%dma_wait3A_494] : memref<80xf32, #tpu.memory_space<vmem>> -> memref<80xf32, #tpu.memory_space<vmem>>
        %dma_wait3A_496 = arith.constant 0 : i32
        %dma_wait3A_497 = tpu.memref_slice %arg14[%dma_wait3A_496] : memref<80xi32, #tpu.memory_space<vmem>> -> memref<80xi32, #tpu.memory_space<vmem>>
        %dma_wait3A_498 = arith.constant 0 : i32
        %dma_wait3A_499 = tpu.memref_slice %arg37[%dma_wait3A_498] : memref<50000xf32, #tpu.memory_space<vmem_shared>> -> memref<50000xf32, #tpu.memory_space<vmem_shared>>
        tpu.wait_indirect_dma semaphore(%arg40 : memref<!tpu.dma_semaphore, #tpu.memory_space<semaphore_mem>>) src(%dma_wait3A_499 : memref<50000xf32, #tpu.memory_space<vmem_shared>>) dst(%dma_wait3A_495 : memref<80xf32, #tpu.memory_space<vmem>>)
        %scan3A_500 = arith.constant 0 : i32
        %scan3A_501 = arith.constant 0 : i32
        %scan3A_502 = arith.constant 5 : i32
        %scan3A_503 = arith.addi %scan3A_501, %scan3A_502 : i32
        %scan3A_504 = arith.constant 1 : i32
        scf.for %scan3A_512 = %scan3A_501 to %scan3A_503 step %scan3A_504  : i32 {
          %mul3A_513 = arith.constant 16 : i32
          %mul3A_514 = arith.muli %scan3A_512, %mul3A_513 : i32
          %get3A = arith.index_cast %mul3A_514 : i32 to index
          %get3A_515 = tpu.vector_load %arg21[%get3A] {strides = array<i32>} : memref<80xf32, #tpu.memory_space<vmem>>, vector<16xf32>,
          %get3A_516 = vector.shape_cast %get3A_515 : vector<16xf32> to vector<16xf32>
          %get3A_517 = arith.index_cast %mul3A_514 : i32 to index
          %get3A_518 = tpu.vector_load %arg24[%get3A_517] {strides = array<i32>} : memref<80xf32, #tpu.memory_space<vmem>>, vector<16xf32>,
          %get3A_519 = vector.shape_cast %get3A_518 : vector<16xf32> to vector<16xf32>
          %add3A_520 = arith.addf %get3A_516, %get3A_519 : vector<16xf32>
          %mul3A_521 = arith.constant 5.000000e-01 : f32
          %mul3A_522 = vector.broadcast %mul3A_521 : f32 to vector<16xf32>
          %mul3A_523 = arith.mulf %add3A_520, %mul3A_522 : vector<16xf32>
          %swap3A = arith.index_cast %mul3A_514 : i32 to index
          %swap3A_524 = tpu.vector_load %arg21[%swap3A] {strides = array<i32>} : memref<80xf32, #tpu.memory_space<vmem>>, vector<16xf32>,
          %swap3A_525 = vector.shape_cast %swap3A_524 : vector<16xf32> to vector<16xf32>
          %swap3A_526 = vector.shape_cast %mul3A_523 : vector<16xf32> to vector<16xf32>
          tpu.vector_store %arg21[%swap3A], %swap3A_526 {strides = array<i32>} : memref<80xf32, #tpu.memory_space<vmem>>, vector<16xf32>,
          %get3A_527 = arith.index_cast %mul3A_514 : i32 to index
          %get3A_528 = tpu.vector_load %arg22[%get3A_527] {strides = array<i32>} : memref<80xf32, #tpu.memory_space<vmem>>, vector<16xf32>,
          %get3A_529 = vector.shape_cast %get3A_528 : vector<16xf32> to vector<16xf32>
          %get3A_530 = arith.index_cast %mul3A_514 : i32 to index
          %get3A_531 = tpu.vector_load %arg25[%get3A_530] {strides = array<i32>} : memref<80xf32, #tpu.memory_space<vmem>>, vector<16xf32>,
          %get3A_532 = vector.shape_cast %get3A_531 : vector<16xf32> to vector<16xf32>
          %add3A_533 = arith.addf %get3A_529, %get3A_532 : vector<16xf32>
          %mul3A_534 = arith.constant 5.000000e-01 : f32
          %mul3A_535 = vector.broadcast %mul3A_534 : f32 to vector<16xf32>
          %mul3A_536 = arith.mulf %add3A_533, %mul3A_535 : vector<16xf32>
          %swap3A_537 = arith.index_cast %mul3A_514 : i32 to index
          %swap3A_538 = tpu.vector_load %arg22[%swap3A_537] {strides = array<i32>} : memref<80xf32, #tpu.memory_space<vmem>>, vector<16xf32>,
          %swap3A_539 = vector.shape_cast %swap3A_538 : vector<16xf32> to vector<16xf32>
          %swap3A_540 = vector.shape_cast %mul3A_536 : vector<16xf32> to vector<16xf32>
          tpu.vector_store %arg22[%swap3A_537], %swap3A_540 {strides = array<i32>} : memref<80xf32, #tpu.memory_space<vmem>>, vector<16xf32>,
          %get3A_541 = arith.index_cast %mul3A_514 : i32 to index
          %get3A_542 = tpu.vector_load %arg23[%get3A_541] {strides = array<i32>} : memref<80xf32, #tpu.memory_space<vmem>>, vector<16xf32>,
          %get3A_543 = vector.shape_cast %get3A_542 : vector<16xf32> to vector<16xf32>
          %get3A_544 = arith.index_cast %mul3A_514 : i32 to index
          %get3A_545 = tpu.vector_load %arg26[%get3A_544] {strides = array<i32>} : memref<80xf32, #tpu.memory_space<vmem>>, vector<16xf32>,
          %get3A_546 = vector.shape_cast %get3A_545 : vector<16xf32> to vector<16xf32>
          %add3A_547 = arith.addf %get3A_543, %get3A_546 : vector<16xf32>
          %mul3A_548 = arith.constant 5.000000e-01 : f32
          %mul3A_549 = vector.broadcast %mul3A_548 : f32 to vector<16xf32>
          %mul3A_550 = arith.mulf %add3A_547, %mul3A_549 : vector<16xf32>
          %swap3A_551 = arith.index_cast %mul3A_514 : i32 to index
          %swap3A_552 = tpu.vector_load %arg23[%swap3A_551] {strides = array<i32>} : memref<80xf32, #tpu.memory_space<vmem>>, vector<16xf32>,
          %swap3A_553 = vector.shape_cast %swap3A_552 : vector<16xf32> to vector<16xf32>
          %swap3A_554 = vector.shape_cast %mul3A_550 : vector<16xf32> to vector<16xf32>
          tpu.vector_store %arg23[%swap3A_551], %swap3A_554 {strides = array<i32>} : memref<80xf32, #tpu.memory_space<vmem>>, vector<16xf32>,
        }
        %scan3A_505 = arith.constant 5 : i32
        %add3A_506 = arith.constant 50000 : i32
        %add3A_507 = arith.addi %add3A_506, %mul3A_430 : i32
        "tpu.region"() ({
          %run_scoped3A = tpu.sem_alloc : memref<!tpu.dma_semaphore, #tpu.memory_space<semaphore_mem>>
          %dma_start3A_512 = tpu.memref_slice %arg11[%add3A_507] : memref<600000xf32, #tpu.memory_space<hbm>> -> memref<80xf32, #tpu.memory_space<hbm>>
          %dma_start3A_513 = tpu.memref_slice %arg11[%add3A_507] : memref<600000xf32, #tpu.memory_space<hbm>> -> memref<80xf32, #tpu.memory_space<hbm>>
          tpu.enqueue_dma source(%arg21 : memref<80xf32, #tpu.memory_space<vmem>>) target(%dma_start3A_513 : memref<80xf32, #tpu.memory_space<hbm>>) target_semaphore(%run_scoped3A : memref<!tpu.dma_semaphore, #tpu.memory_space<semaphore_mem>>)
          %dma_wait3A_514 = tpu.memref_slice %arg11[%add3A_507] : memref<600000xf32, #tpu.memory_space<hbm>> -> memref<80xf32, #tpu.memory_space<hbm>>
          %dma_wait3A_515 = tpu.memref_slice %arg11[%add3A_507] : memref<600000xf32, #tpu.memory_space<hbm>> -> memref<80xf32, #tpu.memory_space<hbm>>
          tpu.wait_dma2 semaphore(%run_scoped3A : memref<!tpu.dma_semaphore, #tpu.memory_space<semaphore_mem>>) src(%arg21 : memref<80xf32, #tpu.memory_space<vmem>>) dst(%dma_wait3A_515 : memref<80xf32, #tpu.memory_space<hbm>>)
          tpu.yield
        }) : () -> ()
        %add3A_508 = arith.constant 250000 : i32
        %add3A_509 = arith.addi %add3A_508, %mul3A_430 : i32
        "tpu.region"() ({
          %run_scoped3A = tpu.sem_alloc : memref<!tpu.dma_semaphore, #tpu.memory_space<semaphore_mem>>
          %dma_start3A_512 = tpu.memref_slice %arg11[%add3A_509] : memref<600000xf32, #tpu.memory_space<hbm>> -> memref<80xf32, #tpu.memory_space<hbm>>
          %dma_start3A_513 = tpu.memref_slice %arg11[%add3A_509] : memref<600000xf32, #tpu.memory_space<hbm>> -> memref<80xf32, #tpu.memory_space<hbm>>
          tpu.enqueue_dma source(%arg22 : memref<80xf32, #tpu.memory_space<vmem>>) target(%dma_start3A_513 : memref<80xf32, #tpu.memory_space<hbm>>) target_semaphore(%run_scoped3A : memref<!tpu.dma_semaphore, #tpu.memory_space<semaphore_mem>>)
          %dma_wait3A_514 = tpu.memref_slice %arg11[%add3A_509] : memref<600000xf32, #tpu.memory_space<hbm>> -> memref<80xf32, #tpu.memory_space<hbm>>
          %dma_wait3A_515 = tpu.memref_slice %arg11[%add3A_509] : memref<600000xf32, #tpu.memory_space<hbm>> -> memref<80xf32, #tpu.memory_space<hbm>>
          tpu.wait_dma2 semaphore(%run_scoped3A : memref<!tpu.dma_semaphore, #tpu.memory_space<semaphore_mem>>) src(%arg22 : memref<80xf32, #tpu.memory_space<vmem>>) dst(%dma_wait3A_515 : memref<80xf32, #tpu.memory_space<hbm>>)
          tpu.yield
        }) : () -> ()
        %add3A_510 = arith.constant 450000 : i32
        %add3A_511 = arith.addi %add3A_510, %mul3A_430 : i32
        "tpu.region"() ({
          %run_scoped3A = tpu.sem_alloc : memref<!tpu.dma_semaphore, #tpu.memory_space<semaphore_mem>>
          %dma_start3A_512 = tpu.memref_slice %arg11[%add3A_511] : memref<600000xf32, #tpu.memory_space<hbm>> -> memref<80xf32, #tpu.memory_space<hbm>>
          %dma_start3A_513 = tpu.memref_slice %arg11[%add3A_511] : memref<600000xf32, #tpu.memory_space<hbm>> -> memref<80xf32, #tpu.memory_space<hbm>>
          tpu.enqueue_dma source(%arg23 : memref<80xf32, #tpu.memory_space<vmem>>) target(%dma_start3A_513 : memref<80xf32, #tpu.memory_space<hbm>>) target_semaphore(%run_scoped3A : memref<!tpu.dma_semaphore, #tpu.memory_space<semaphore_mem>>)
          %dma_wait3A_514 = tpu.memref_slice %arg11[%add3A_511] : memref<600000xf32, #tpu.memory_space<hbm>> -> memref<80xf32, #tpu.memory_space<hbm>>
          %dma_wait3A_515 = tpu.memref_slice %arg11[%add3A_511] : memref<600000xf32, #tpu.memory_space<hbm>> -> memref<80xf32, #tpu.memory_space<hbm>>
          tpu.wait_dma2 semaphore(%run_scoped3A : memref<!tpu.dma_semaphore, #tpu.memory_space<semaphore_mem>>) src(%arg23 : memref<80xf32, #tpu.memory_space<vmem>>) dst(%dma_wait3A_515 : memref<80xf32, #tpu.memory_space<hbm>>)
          tpu.yield
        }) : () -> ()
      } else {
      }
      %add3A_399 = arith.constant 2 : i32
      %add3A_400 = arith.addi %mul3A_390, %add3A_399 : i32
      %mul3A_401 = arith.constant 32 : i32
      %mul3A_402 = arith.muli %add3A_400, %mul3A_401 : i32
      %add3A_403 = arith.addi %add3A, %mul3A_402 : i32
      %lt3A_404 = arith.constant 1875 : i32
      %lt3A_405 = arith.cmpi slt, %add3A_403, %lt3A_404 : i32
      %convert_element_type3A_406 = arith.extui %lt3A_405 : i1 to i32
      %cond3A_407 = arith.constant 0 : i32
      %cond3A_408 = arith.cmpi ne, %convert_element_type3A_406, %cond3A_407 : i32
      scf.if %cond3A_408 {
        %mul3A_429 = arith.constant 80 : i32
        %mul3A_430 = arith.muli %add3A_403, %mul3A_429 : i32
        %dma_start3A = tpu.memref_slice %arg7[%mul3A_430] : memref<300000xi32, #tpu.memory_space<hbm>> -> memref<80xi32, #tpu.memory_space<hbm>>
        %dma_start3A_431 = tpu.memref_slice %arg7[%mul3A_430] : memref<300000xi32, #tpu.memory_space<hbm>> -> memref<80xi32, #tpu.memory_space<hbm>>
        tpu.enqueue_dma source(%dma_start3A_431 : memref<80xi32, #tpu.memory_space<hbm>>) target(%arg13 : memref<80xi32, #tpu.memory_space<vmem>>) target_semaphore(%arg38 : memref<!tpu.dma_semaphore, #tpu.memory_space<semaphore_mem>>)
        %add3A_432 = arith.constant 150000 : i32
        %add3A_433 = arith.addi %add3A_432, %mul3A_430 : i32
        %dma_start3A_434 = tpu.memref_slice %arg7[%add3A_433] : memref<300000xi32, #tpu.memory_space<hbm>> -> memref<80xi32, #tpu.memory_space<hbm>>
        %dma_start3A_435 = tpu.memref_slice %arg7[%add3A_433] : memref<300000xi32, #tpu.memory_space<hbm>> -> memref<80xi32, #tpu.memory_space<hbm>>
        tpu.enqueue_dma source(%dma_start3A_435 : memref<80xi32, #tpu.memory_space<hbm>>) target(%arg14 : memref<80xi32, #tpu.memory_space<vmem>>) target_semaphore(%arg38 : memref<!tpu.dma_semaphore, #tpu.memory_space<semaphore_mem>>)
        %dma_wait3A_436 = tpu.memref_slice %arg7[%mul3A_430] : memref<300000xi32, #tpu.memory_space<hbm>> -> memref<80xi32, #tpu.memory_space<hbm>>
        %dma_wait3A_437 = tpu.memref_slice %arg7[%mul3A_430] : memref<300000xi32, #tpu.memory_space<hbm>> -> memref<80xi32, #tpu.memory_space<hbm>>
        tpu.wait_dma2 semaphore(%arg38 : memref<!tpu.dma_semaphore, #tpu.memory_space<semaphore_mem>>) src(%dma_wait3A_437 : memref<80xi32, #tpu.memory_space<hbm>>) dst(%arg13 : memref<80xi32, #tpu.memory_space<vmem>>)
        %dma_wait3A_438 = tpu.memref_slice %arg7[%add3A_433] : memref<300000xi32, #tpu.memory_space<hbm>> -> memref<80xi32, #tpu.memory_space<hbm>>
        %dma_wait3A_439 = tpu.memref_slice %arg7[%add3A_433] : memref<300000xi32, #tpu.memory_space<hbm>> -> memref<80xi32, #tpu.memory_space<hbm>>
        tpu.wait_dma2 semaphore(%arg38 : memref<!tpu.dma_semaphore, #tpu.memory_space<semaphore_mem>>) src(%dma_wait3A_439 : memref<80xi32, #tpu.memory_space<hbm>>) dst(%arg14 : memref<80xi32, #tpu.memory_space<vmem>>)
        %dma_start3A_440 = arith.constant 0 : i32
        %dma_start3A_441 = arith.constant 0 : i32
        %dma_start3A_442 = tpu.memref_slice %arg18[%dma_start3A_440, %dma_start3A_441] : memref<80x128xf32, #tpu.memory_space<vmem>> -> memref<80x128xf32, #tpu.memory_space<vmem>>
        %dma_start3A_443 = arith.constant 0 : i32
        %dma_start3A_444 = tpu.memref_slice %arg14[%dma_start3A_443] : memref<80xi32, #tpu.memory_space<vmem>> -> memref<80xi32, #tpu.memory_space<vmem>>
        %dma_start3A_445 = arith.constant 0 : i32
        %dma_start3A_446 = arith.constant 0 : i32
        %dma_start3A_447 = tpu.memref_slice %arg2[%dma_start3A_445, %dma_start3A_446] : memref<50000x128xf32, #tpu.memory_space<hbm>> -> memref<50000x128xf32, #tpu.memory_space<hbm>>
        tpu.enqueue_indirect_dma source(%dma_start3A_447 : memref<50000x128xf32, #tpu.memory_space<hbm>>) target(%dma_start3A_442 : memref<80x128xf32, #tpu.memory_space<vmem>>) offsets(%dma_start3A_444 : memref<80xi32, #tpu.memory_space<vmem>>) semaphore(%arg38 : memref<!tpu.dma_semaphore, #tpu.memory_space<semaphore_mem>>)
        %dma_start3A_448 = arith.constant 0 : i32
        %dma_start3A_449 = tpu.memref_slice %arg21[%dma_start3A_448] : memref<80xf32, #tpu.memory_space<vmem>> -> memref<80xf32, #tpu.memory_space<vmem>>
        %dma_start3A_450 = arith.constant 0 : i32
        %dma_start3A_451 = tpu.memref_slice %arg13[%dma_start3A_450] : memref<80xi32, #tpu.memory_space<vmem>> -> memref<80xi32, #tpu.memory_space<vmem>>
        %dma_start3A_452 = arith.constant 0 : i32
        %dma_start3A_453 = tpu.memref_slice %arg35[%dma_start3A_452] : memref<50000xf32, #tpu.memory_space<vmem_shared>> -> memref<50000xf32, #tpu.memory_space<vmem_shared>>
        tpu.enqueue_indirect_dma source(%dma_start3A_453 : memref<50000xf32, #tpu.memory_space<vmem_shared>>) target(%dma_start3A_449 : memref<80xf32, #tpu.memory_space<vmem>>) offsets(%dma_start3A_451 : memref<80xi32, #tpu.memory_space<vmem>>) semaphore(%arg40 : memref<!tpu.dma_semaphore, #tpu.memory_space<semaphore_mem>>)
        %dma_start3A_454 = arith.constant 0 : i32
        %dma_start3A_455 = tpu.memref_slice %arg24[%dma_start3A_454] : memref<80xf32, #tpu.memory_space<vmem>> -> memref<80xf32, #tpu.memory_space<vmem>>
        %dma_start3A_456 = arith.constant 0 : i32
        %dma_start3A_457 = tpu.memref_slice %arg14[%dma_start3A_456] : memref<80xi32, #tpu.memory_space<vmem>> -> memref<80xi32, #tpu.memory_space<vmem>>
        %dma_start3A_458 = arith.constant 0 : i32
        %dma_start3A_459 = tpu.memref_slice %arg35[%dma_start3A_458] : memref<50000xf32, #tpu.memory_space<vmem_shared>> -> memref<50000xf32, #tpu.memory_space<vmem_shared>>
        tpu.enqueue_indirect_dma source(%dma_start3A_459 : memref<50000xf32, #tpu.memory_space<vmem_shared>>) target(%dma_start3A_455 : memref<80xf32, #tpu.memory_space<vmem>>) offsets(%dma_start3A_457 : memref<80xi32, #tpu.memory_space<vmem>>) semaphore(%arg40 : memref<!tpu.dma_semaphore, #tpu.memory_space<semaphore_mem>>)
        %dma_start3A_460 = arith.constant 0 : i32
        %dma_start3A_461 = tpu.memref_slice %arg22[%dma_start3A_460] : memref<80xf32, #tpu.memory_space<vmem>> -> memref<80xf32, #tpu.memory_space<vmem>>
        %dma_start3A_462 = arith.constant 0 : i32
        %dma_start3A_463 = tpu.memref_slice %arg13[%dma_start3A_462] : memref<80xi32, #tpu.memory_space<vmem>> -> memref<80xi32, #tpu.memory_space<vmem>>
        %dma_start3A_464 = arith.constant 0 : i32
        %dma_start3A_465 = tpu.memref_slice %arg36[%dma_start3A_464] : memref<50000xf32, #tpu.memory_space<vmem_shared>> -> memref<50000xf32, #tpu.memory_space<vmem_shared>>
        tpu.enqueue_indirect_dma source(%dma_start3A_465 : memref<50000xf32, #tpu.memory_space<vmem_shared>>) target(%dma_start3A_461 : memref<80xf32, #tpu.memory_space<vmem>>) offsets(%dma_start3A_463 : memref<80xi32, #tpu.memory_space<vmem>>) semaphore(%arg40 : memref<!tpu.dma_semaphore, #tpu.memory_space<semaphore_mem>>)
        %dma_start3A_466 = arith.constant 0 : i32
        %dma_start3A_467 = tpu.memref_slice %arg25[%dma_start3A_466] : memref<80xf32, #tpu.memory_space<vmem>> -> memref<80xf32, #tpu.memory_space<vmem>>
        %dma_start3A_468 = arith.constant 0 : i32
        %dma_start3A_469 = tpu.memref_slice %arg14[%dma_start3A_468] : memref<80xi32, #tpu.memory_space<vmem>> -> memref<80xi32, #tpu.memory_space<vmem>>
        %dma_start3A_470 = arith.constant 0 : i32
        %dma_start3A_471 = tpu.memref_slice %arg36[%dma_start3A_470] : memref<50000xf32, #tpu.memory_space<vmem_shared>> -> memref<50000xf32, #tpu.memory_space<vmem_shared>>
        tpu.enqueue_indirect_dma source(%dma_start3A_471 : memref<50000xf32, #tpu.memory_space<vmem_shared>>) target(%dma_start3A_467 : memref<80xf32, #tpu.memory_space<vmem>>) offsets(%dma_start3A_469 : memref<80xi32, #tpu.memory_space<vmem>>) semaphore(%arg40 : memref<!tpu.dma_semaphore, #tpu.memory_space<semaphore_mem>>)
        %dma_start3A_472 = arith.constant 0 : i32
        %dma_start3A_473 = tpu.memref_slice %arg23[%dma_start3A_472] : memref<80xf32, #tpu.memory_space<vmem>> -> memref<80xf32, #tpu.memory_space<vmem>>
        %dma_start3A_474 = arith.constant 0 : i32
        %dma_start3A_475 = tpu.memref_slice %arg13[%dma_start3A_474] : memref<80xi32, #tpu.memory_space<vmem>> -> memref<80xi32, #tpu.memory_space<vmem>>
        %dma_start3A_476 = arith.constant 0 : i32
        %dma_start3A_477 = tpu.memref_slice %arg37[%dma_start3A_476] : memref<50000xf32, #tpu.memory_space<vmem_shared>> -> memref<50000xf32, #tpu.memory_space<vmem_shared>>
        tpu.enqueue_indirect_dma source(%dma_start3A_477 : memref<50000xf32, #tpu.memory_space<vmem_shared>>) target(%dma_start3A_473 : memref<80xf32, #tpu.memory_space<vmem>>) offsets(%dma_start3A_475 : memref<80xi32, #tpu.memory_space<vmem>>) semaphore(%arg40 : memref<!tpu.dma_semaphore, #tpu.memory_space<semaphore_mem>>)
        %dma_start3A_478 = arith.constant 0 : i32
        %dma_start3A_479 = tpu.memref_slice %arg26[%dma_start3A_478] : memref<80xf32, #tpu.memory_space<vmem>> -> memref<80xf32, #tpu.memory_space<vmem>>
        %dma_start3A_480 = arith.constant 0 : i32
        %dma_start3A_481 = tpu.memref_slice %arg14[%dma_start3A_480] : memref<80xi32, #tpu.memory_space<vmem>> -> memref<80xi32, #tpu.memory_space<vmem>>
        %dma_start3A_482 = arith.constant 0 : i32
        %dma_start3A_483 = tpu.memref_slice %arg37[%dma_start3A_482] : memref<50000xf32, #tpu.memory_space<vmem_shared>> -> memref<50000xf32, #tpu.memory_space<vmem_shared>>
        tpu.enqueue_indirect_dma source(%dma_start3A_483 : memref<50000xf32, #tpu.memory_space<vmem_shared>>) target(%dma_start3A_479 : memref<80xf32, #tpu.memory_space<vmem>>) offsets(%dma_start3A_481 : memref<80xi32, #tpu.memory_space<vmem>>) semaphore(%arg40 : memref<!tpu.dma_semaphore, #tpu.memory_space<semaphore_mem>>)
        %dma_wait3A_484 = arith.constant 0 : i32
        %dma_wait3A_485 = arith.constant 0 : i32
        %dma_wait3A_486 = tpu.memref_slice %arg17[%dma_wait3A_484, %dma_wait3A_485] : memref<80x128xf32, #tpu.memory_space<vmem>> -> memref<80x128xf32, #tpu.memory_space<vmem>>
        %dma_wait3A_487 = arith.constant 0 : i32
        %dma_wait3A_488 = arith.constant 0 : i32
        %dma_wait3A_489 = tpu.memref_slice %arg10[%dma_wait3A_487, %dma_wait3A_488] : memref<200000x128xf32, #tpu.memory_space<hbm>> -> memref<80x128xf32, #tpu.memory_space<hbm>>
        %dma_wait3A_490 = arith.constant 0 : i32
        %dma_wait3A_491 = arith.constant 0 : i32
        %dma_wait3A_492 = tpu.memref_slice %arg10[%dma_wait3A_490, %dma_wait3A_491] : memref<200000x128xf32, #tpu.memory_space<hbm>> -> memref<80x128xf32, #tpu.memory_space<hbm>>
        %dma_wait3A_493 = arith.constant 0 : i32
        %dma_wait3A_494 = arith.constant 0 : i32
        %dma_wait3A_495 = tpu.memref_slice %arg17[%dma_wait3A_493, %dma_wait3A_494] : memref<80x128xf32, #tpu.memory_space<vmem>> -> memref<80x128xf32, #tpu.memory_space<vmem>>
        tpu.wait_dma2 semaphore(%arg42 : memref<!tpu.dma_semaphore, #tpu.memory_space<semaphore_mem>>) src(%dma_wait3A_495 : memref<80x128xf32, #tpu.memory_space<vmem>>) dst(%dma_wait3A_492 : memref<80x128xf32, #tpu.memory_space<hbm>>)
        %dma_start3A_496 = arith.constant 0 : i32
        %dma_start3A_497 = arith.constant 0 : i32
        %dma_start3A_498 = tpu.memref_slice %arg17[%dma_start3A_496, %dma_start3A_497] : memref<80x128xf32, #tpu.memory_space<vmem>> -> memref<80x128xf32, #tpu.memory_space<vmem>>
        %dma_start3A_499 = arith.constant 0 : i32
        %dma_start3A_500 = tpu.memref_slice %arg13[%dma_start3A_499] : memref<80xi32, #tpu.memory_space<vmem>> -> memref<80xi32, #tpu.memory_space<vmem>>
        %dma_start3A_501 = arith.constant 0 : i32
        %dma_start3A_502 = arith.constant 0 : i32
        %dma_start3A_503 = tpu.memref_slice %arg2[%dma_start3A_501, %dma_start3A_502] : memref<50000x128xf32, #tpu.memory_space<hbm>> -> memref<50000x128xf32, #tpu.memory_space<hbm>>
        tpu.enqueue_indirect_dma source(%dma_start3A_503 : memref<50000x128xf32, #tpu.memory_space<hbm>>) target(%dma_start3A_498 : memref<80x128xf32, #tpu.memory_space<vmem>>) offsets(%dma_start3A_500 : memref<80xi32, #tpu.memory_space<vmem>>) semaphore(%arg38 : memref<!tpu.dma_semaphore, #tpu.memory_space<semaphore_mem>>)
      } else {
      }
      %add3A_409 = arith.constant 1 : i32
      %add3A_410 = arith.addi %mul3A_390, %add3A_409 : i32
      %mul3A_411 = arith.constant 32 : i32
      %mul3A_412 = arith.muli %add3A_410, %mul3A_411 : i32
      %add3A_413 = arith.addi %add3A, %mul3A_412 : i32
      %lt3A_414 = arith.constant 1875 : i32
      %lt3A_415 = arith.cmpi slt, %add3A_413, %lt3A_414 : i32
      %convert_element_type3A_416 = arith.extui %lt3A_415 : i1 to i32
      %cond3A_417 = arith.constant 0 : i32
      %cond3A_418 = arith.cmpi ne, %convert_element_type3A_416, %cond3A_417 : i32
      scf.if %cond3A_418 {
        %mul3A_429 = arith.constant 80 : i32
        %mul3A_430 = arith.muli %add3A_413, %mul3A_429 : i32
        %dma_wait3A_431 = arith.constant 0 : i32
        %dma_wait3A_432 = arith.constant 0 : i32
        %dma_wait3A_433 = tpu.memref_slice %arg20[%dma_wait3A_431, %dma_wait3A_432] : memref<80x128xf32, #tpu.memory_space<vmem>> -> memref<80x128xf32, #tpu.memory_space<vmem>>
        %dma_wait3A_434 = arith.constant 0 : i32
        %dma_wait3A_435 = tpu.memref_slice %arg16[%dma_wait3A_434] : memref<80xi32, #tpu.memory_space<vmem>> -> memref<80xi32, #tpu.memory_space<vmem>>
        %dma_wait3A_436 = arith.constant 0 : i32
        %dma_wait3A_437 = arith.constant 0 : i32
        %dma_wait3A_438 = tpu.memref_slice %arg2[%dma_wait3A_436, %dma_wait3A_437] : memref<50000x128xf32, #tpu.memory_space<hbm>> -> memref<50000x128xf32, #tpu.memory_space<hbm>>
        tpu.wait_indirect_dma semaphore(%arg39 : memref<!tpu.dma_semaphore, #tpu.memory_space<semaphore_mem>>) src(%dma_wait3A_438 : memref<50000x128xf32, #tpu.memory_space<hbm>>) dst(%dma_wait3A_433 : memref<80x128xf32, #tpu.memory_space<vmem>>)
        %dma_wait3A_439 = arith.constant 0 : i32
        %dma_wait3A_440 = arith.constant 0 : i32
        %dma_wait3A_441 = tpu.memref_slice %arg19[%dma_wait3A_439, %dma_wait3A_440] : memref<80x128xf32, #tpu.memory_space<vmem>> -> memref<80x128xf32, #tpu.memory_space<vmem>>
        %dma_wait3A_442 = arith.constant 0 : i32
        %dma_wait3A_443 = tpu.memref_slice %arg15[%dma_wait3A_442] : memref<80xi32, #tpu.memory_space<vmem>> -> memref<80xi32, #tpu.memory_space<vmem>>
        %dma_wait3A_444 = arith.constant 0 : i32
        %dma_wait3A_445 = arith.constant 0 : i32
        %dma_wait3A_446 = tpu.memref_slice %arg2[%dma_wait3A_444, %dma_wait3A_445] : memref<50000x128xf32, #tpu.memory_space<hbm>> -> memref<50000x128xf32, #tpu.memory_space<hbm>>
        tpu.wait_indirect_dma semaphore(%arg39 : memref<!tpu.dma_semaphore, #tpu.memory_space<semaphore_mem>>) src(%dma_wait3A_446 : memref<50000x128xf32, #tpu.memory_space<hbm>>) dst(%dma_wait3A_441 : memref<80x128xf32, #tpu.memory_space<vmem>>)
        %scan3A_447 = arith.constant 0 : i32
        %scan3A_448 = arith.constant 0 : i32
        %scan3A_449 = arith.constant 80 : i32
        %scan3A_450 = arith.addi %scan3A_448, %scan3A_449 : i32
        %scan3A_451 = arith.constant 1 : i32
        scf.for %scan3A_512 = %scan3A_448 to %scan3A_450 step %scan3A_451  : i32 {
          %get3A = arith.index_cast %scan3A_512 : i32 to index
          %get3A_513 = arith.constant 0 : index
          %get3A_514 = tpu.vector_load %arg19[%get3A, %get3A_513] {strides = array<i32>} : memref<80x128xf32, #tpu.memory_space<vmem>>, vector<1x16xf32>,
          %get3A_515 = vector.shape_cast %get3A_514 : vector<1x16xf32> to vector<16xf32>
          %get3A_516 = arith.index_cast %scan3A_512 : i32 to index
          %get3A_517 = arith.constant 0 : index
          %get3A_518 = tpu.vector_load %arg20[%get3A_516, %get3A_517] {strides = array<i32>} : memref<80x128xf32, #tpu.memory_space<vmem>>, vector<1x16xf32>,
          %get3A_519 = vector.shape_cast %get3A_518 : vector<1x16xf32> to vector<16xf32>
          %add3A_520 = arith.addf %get3A_515, %get3A_519 : vector<16xf32>
          %mul3A_521 = arith.constant 5.000000e-01 : f32
          %mul3A_522 = vector.broadcast %mul3A_521 : f32 to vector<16xf32>
          %mul3A_523 = arith.mulf %add3A_520, %mul3A_522 : vector<16xf32>
          %swap3A = arith.index_cast %scan3A_512 : i32 to index
          %swap3A_524 = arith.constant 0 : index
          %swap3A_525 = tpu.vector_load %arg19[%swap3A, %swap3A_524] {strides = array<i32>} : memref<80x128xf32, #tpu.memory_space<vmem>>, vector<1x16xf32>,
          %swap3A_526 = vector.shape_cast %swap3A_525 : vector<1x16xf32> to vector<16xf32>
          %swap3A_527 = vector.shape_cast %mul3A_523 : vector<16xf32> to vector<1x16xf32>
          tpu.vector_store %arg19[%swap3A, %swap3A_524], %swap3A_527 {strides = array<i32>} : memref<80x128xf32, #tpu.memory_space<vmem>>, vector<1x16xf32>,
          %get3A_528 = arith.index_cast %scan3A_512 : i32 to index
          %get3A_529 = arith.constant 16 : index
          %get3A_530 = tpu.vector_load %arg19[%get3A_528, %get3A_529] {strides = array<i32>} : memref<80x128xf32, #tpu.memory_space<vmem>>, vector<1x16xf32>,
          %get3A_531 = vector.shape_cast %get3A_530 : vector<1x16xf32> to vector<16xf32>
          %get3A_532 = arith.index_cast %scan3A_512 : i32 to index
          %get3A_533 = arith.constant 16 : index
          %get3A_534 = tpu.vector_load %arg20[%get3A_532, %get3A_533] {strides = array<i32>} : memref<80x128xf32, #tpu.memory_space<vmem>>, vector<1x16xf32>,
          %get3A_535 = vector.shape_cast %get3A_534 : vector<1x16xf32> to vector<16xf32>
          %add3A_536 = arith.addf %get3A_531, %get3A_535 : vector<16xf32>
          %mul3A_537 = arith.constant 5.000000e-01 : f32
          %mul3A_538 = vector.broadcast %mul3A_537 : f32 to vector<16xf32>
          %mul3A_539 = arith.mulf %add3A_536, %mul3A_538 : vector<16xf32>
          %swap3A_540 = arith.index_cast %scan3A_512 : i32 to index
          %swap3A_541 = arith.constant 16 : index
          %swap3A_542 = tpu.vector_load %arg19[%swap3A_540, %swap3A_541] {strides = array<i32>} : memref<80x128xf32, #tpu.memory_space<vmem>>, vector<1x16xf32>,
          %swap3A_543 = vector.shape_cast %swap3A_542 : vector<1x16xf32> to vector<16xf32>
          %swap3A_544 = vector.shape_cast %mul3A_539 : vector<16xf32> to vector<1x16xf32>
          tpu.vector_store %arg19[%swap3A_540, %swap3A_541], %swap3A_544 {strides = array<i32>} : memref<80x128xf32, #tpu.memory_space<vmem>>, vector<1x16xf32>,
          %get3A_545 = arith.index_cast %scan3A_512 : i32 to index
          %get3A_546 = arith.constant 32 : index
          %get3A_547 = tpu.vector_load %arg19[%get3A_545, %get3A_546] {strides = array<i32>} : memref<80x128xf32, #tpu.memory_space<vmem>>, vector<1x16xf32>,
          %get3A_548 = vector.shape_cast %get3A_547 : vector<1x16xf32> to vector<16xf32>
          %get3A_549 = arith.index_cast %scan3A_512 : i32 to index
          %get3A_550 = arith.constant 32 : index
          %get3A_551 = tpu.vector_load %arg20[%get3A_549, %get3A_550] {strides = array<i32>} : memref<80x128xf32, #tpu.memory_space<vmem>>, vector<1x16xf32>,
          %get3A_552 = vector.shape_cast %get3A_551 : vector<1x16xf32> to vector<16xf32>
          %add3A_553 = arith.addf %get3A_548, %get3A_552 : vector<16xf32>
          %mul3A_554 = arith.constant 5.000000e-01 : f32
          %mul3A_555 = vector.broadcast %mul3A_554 : f32 to vector<16xf32>
          %mul3A_556 = arith.mulf %add3A_553, %mul3A_555 : vector<16xf32>
          %swap3A_557 = arith.index_cast %scan3A_512 : i32 to index
          %swap3A_558 = arith.constant 32 : index
          %swap3A_559 = tpu.vector_load %arg19[%swap3A_557, %swap3A_558] {strides = array<i32>} : memref<80x128xf32, #tpu.memory_space<vmem>>, vector<1x16xf32>,
          %swap3A_560 = vector.shape_cast %swap3A_559 : vector<1x16xf32> to vector<16xf32>
          %swap3A_561 = vector.shape_cast %mul3A_556 : vector<16xf32> to vector<1x16xf32>
          tpu.vector_store %arg19[%swap3A_557, %swap3A_558], %swap3A_561 {strides = array<i32>} : memref<80x128xf32, #tpu.memory_space<vmem>>, vector<1x16xf32>,
          %get3A_562 = arith.index_cast %scan3A_512 : i32 to index
          %get3A_563 = arith.constant 48 : index
          %get3A_564 = tpu.vector_load %arg19[%get3A_562, %get3A_563] {strides = array<i32>} : memref<80x128xf32, #tpu.memory_space<vmem>>, vector<1x16xf32>,
          %get3A_565 = vector.shape_cast %get3A_564 : vector<1x16xf32> to vector<16xf32>
          %get3A_566 = arith.index_cast %scan3A_512 : i32 to index
          %get3A_567 = arith.constant 48 : index
          %get3A_568 = tpu.vector_load %arg20[%get3A_566, %get3A_567] {strides = array<i32>} : memref<80x128xf32, #tpu.memory_space<vmem>>, vector<1x16xf32>,
          %get3A_569 = vector.shape_cast %get3A_568 : vector<1x16xf32> to vector<16xf32>
          %add3A_570 = arith.addf %get3A_565, %get3A_569 : vector<16xf32>
          %mul3A_571 = arith.constant 5.000000e-01 : f32
          %mul3A_572 = vector.broadcast %mul3A_571 : f32 to vector<16xf32>
          %mul3A_573 = arith.mulf %add3A_570, %mul3A_572 : vector<16xf32>
          %swap3A_574 = arith.index_cast %scan3A_512 : i32 to index
          %swap3A_575 = arith.constant 48 : index
          %swap3A_576 = tpu.vector_load %arg19[%swap3A_574, %swap3A_575] {strides = array<i32>} : memref<80x128xf32, #tpu.memory_space<vmem>>, vector<1x16xf32>,
          %swap3A_577 = vector.shape_cast %swap3A_576 : vector<1x16xf32> to vector<16xf32>
          %swap3A_578 = vector.shape_cast %mul3A_573 : vector<16xf32> to vector<1x16xf32>
          tpu.vector_store %arg19[%swap3A_574, %swap3A_575], %swap3A_578 {strides = array<i32>} : memref<80x128xf32, #tpu.memory_space<vmem>>, vector<1x16xf32>,
          %get3A_579 = arith.index_cast %scan3A_512 : i32 to index
          %get3A_580 = arith.constant 64 : index
          %get3A_581 = tpu.vector_load %arg19[%get3A_579, %get3A_580] {strides = array<i32>} : memref<80x128xf32, #tpu.memory_space<vmem>>, vector<1x16xf32>,
          %get3A_582 = vector.shape_cast %get3A_581 : vector<1x16xf32> to vector<16xf32>
          %get3A_583 = arith.index_cast %scan3A_512 : i32 to index
          %get3A_584 = arith.constant 64 : index
          %get3A_585 = tpu.vector_load %arg20[%get3A_583, %get3A_584] {strides = array<i32>} : memref<80x128xf32, #tpu.memory_space<vmem>>, vector<1x16xf32>,
          %get3A_586 = vector.shape_cast %get3A_585 : vector<1x16xf32> to vector<16xf32>
          %add3A_587 = arith.addf %get3A_582, %get3A_586 : vector<16xf32>
          %mul3A_588 = arith.constant 5.000000e-01 : f32
          %mul3A_589 = vector.broadcast %mul3A_588 : f32 to vector<16xf32>
          %mul3A_590 = arith.mulf %add3A_587, %mul3A_589 : vector<16xf32>
          %swap3A_591 = arith.index_cast %scan3A_512 : i32 to index
          %swap3A_592 = arith.constant 64 : index
          %swap3A_593 = tpu.vector_load %arg19[%swap3A_591, %swap3A_592] {strides = array<i32>} : memref<80x128xf32, #tpu.memory_space<vmem>>, vector<1x16xf32>,
          %swap3A_594 = vector.shape_cast %swap3A_593 : vector<1x16xf32> to vector<16xf32>
          %swap3A_595 = vector.shape_cast %mul3A_590 : vector<16xf32> to vector<1x16xf32>
          tpu.vector_store %arg19[%swap3A_591, %swap3A_592], %swap3A_595 {strides = array<i32>} : memref<80x128xf32, #tpu.memory_space<vmem>>, vector<1x16xf32>,
          %get3A_596 = arith.index_cast %scan3A_512 : i32 to index
          %get3A_597 = arith.constant 80 : index
          %get3A_598 = tpu.vector_load %arg19[%get3A_596, %get3A_597] {strides = array<i32>} : memref<80x128xf32, #tpu.memory_space<vmem>>, vector<1x16xf32>,
          %get3A_599 = vector.shape_cast %get3A_598 : vector<1x16xf32> to vector<16xf32>
          %get3A_600 = arith.index_cast %scan3A_512 : i32 to index
          %get3A_601 = arith.constant 80 : index
          %get3A_602 = tpu.vector_load %arg20[%get3A_600, %get3A_601] {strides = array<i32>} : memref<80x128xf32, #tpu.memory_space<vmem>>, vector<1x16xf32>,
          %get3A_603 = vector.shape_cast %get3A_602 : vector<1x16xf32> to vector<16xf32>
          %add3A_604 = arith.addf %get3A_599, %get3A_603 : vector<16xf32>
          %mul3A_605 = arith.constant 5.000000e-01 : f32
          %mul3A_606 = vector.broadcast %mul3A_605 : f32 to vector<16xf32>
          %mul3A_607 = arith.mulf %add3A_604, %mul3A_606 : vector<16xf32>
          %swap3A_608 = arith.index_cast %scan3A_512 : i32 to index
          %swap3A_609 = arith.constant 80 : index
          %swap3A_610 = tpu.vector_load %arg19[%swap3A_608, %swap3A_609] {strides = array<i32>} : memref<80x128xf32, #tpu.memory_space<vmem>>, vector<1x16xf32>,
          %swap3A_611 = vector.shape_cast %swap3A_610 : vector<1x16xf32> to vector<16xf32>
          %swap3A_612 = vector.shape_cast %mul3A_607 : vector<16xf32> to vector<1x16xf32>
          tpu.vector_store %arg19[%swap3A_608, %swap3A_609], %swap3A_612 {strides = array<i32>} : memref<80x128xf32, #tpu.memory_space<vmem>>, vector<1x16xf32>,
          %get3A_613 = arith.index_cast %scan3A_512 : i32 to index
          %get3A_614 = arith.constant 96 : index
          %get3A_615 = tpu.vector_load %arg19[%get3A_613, %get3A_614] {strides = array<i32>} : memref<80x128xf32, #tpu.memory_space<vmem>>, vector<1x16xf32>,
          %get3A_616 = vector.shape_cast %get3A_615 : vector<1x16xf32> to vector<16xf32>
          %get3A_617 = arith.index_cast %scan3A_512 : i32 to index
          %get3A_618 = arith.constant 96 : index
          %get3A_619 = tpu.vector_load %arg20[%get3A_617, %get3A_618] {strides = array<i32>} : memref<80x128xf32, #tpu.memory_space<vmem>>, vector<1x16xf32>,
          %get3A_620 = vector.shape_cast %get3A_619 : vector<1x16xf32> to vector<16xf32>
          %add3A_621 = arith.addf %get3A_616, %get3A_620 : vector<16xf32>
          %mul3A_622 = arith.constant 5.000000e-01 : f32
          %mul3A_623 = vector.broadcast %mul3A_622 : f32 to vector<16xf32>
          %mul3A_624 = arith.mulf %add3A_621, %mul3A_623 : vector<16xf32>
          %swap3A_625 = arith.index_cast %scan3A_512 : i32 to index
          %swap3A_626 = arith.constant 96 : index
          %swap3A_627 = tpu.vector_load %arg19[%swap3A_625, %swap3A_626] {strides = array<i32>} : memref<80x128xf32, #tpu.memory_space<vmem>>, vector<1x16xf32>,
          %swap3A_628 = vector.shape_cast %swap3A_627 : vector<1x16xf32> to vector<16xf32>
          %swap3A_629 = vector.shape_cast %mul3A_624 : vector<16xf32> to vector<1x16xf32>
          tpu.vector_store %arg19[%swap3A_625, %swap3A_626], %swap3A_629 {strides = array<i32>} : memref<80x128xf32, #tpu.memory_space<vmem>>, vector<1x16xf32>,
          %get3A_630 = arith.index_cast %scan3A_512 : i32 to index
          %get3A_631 = arith.constant 112 : index
          %get3A_632 = tpu.vector_load %arg19[%get3A_630, %get3A_631] {strides = array<i32>} : memref<80x128xf32, #tpu.memory_space<vmem>>, vector<1x16xf32>,
          %get3A_633 = vector.shape_cast %get3A_632 : vector<1x16xf32> to vector<16xf32>
          %get3A_634 = arith.index_cast %scan3A_512 : i32 to index
          %get3A_635 = arith.constant 112 : index
          %get3A_636 = tpu.vector_load %arg20[%get3A_634, %get3A_635] {strides = array<i32>} : memref<80x128xf32, #tpu.memory_space<vmem>>, vector<1x16xf32>,
          %get3A_637 = vector.shape_cast %get3A_636 : vector<1x16xf32> to vector<16xf32>
          %add3A_638 = arith.addf %get3A_633, %get3A_637 : vector<16xf32>
          %mul3A_639 = arith.constant 5.000000e-01 : f32
          %mul3A_640 = vector.broadcast %mul3A_639 : f32 to vector<16xf32>
          %mul3A_641 = arith.mulf %add3A_638, %mul3A_640 : vector<16xf32>
          %swap3A_642 = arith.index_cast %scan3A_512 : i32 to index
          %swap3A_643 = arith.constant 112 : index
          %swap3A_644 = tpu.vector_load %arg19[%swap3A_642, %swap3A_643] {strides = array<i32>} : memref<80x128xf32, #tpu.memory_space<vmem>>, vector<1x16xf32>,
          %swap3A_645 = vector.shape_cast %swap3A_644 : vector<1x16xf32> to vector<16xf32>
          %swap3A_646 = vector.shape_cast %mul3A_641 : vector<16xf32> to vector<1x16xf32>
          tpu.vector_store %arg19[%swap3A_642, %swap3A_643], %swap3A_646 {strides = array<i32>} : memref<80x128xf32, #tpu.memory_space<vmem>>, vector<1x16xf32>,
        }
        %scan3A_452 = arith.constant 80 : i32
        %add3A_453 = arith.constant 50000 : i32
        %add3A_454 = arith.addi %add3A_453, %mul3A_430 : i32
        %dma_start3A = arith.constant 0 : i32
        %dma_start3A_455 = arith.constant 0 : i32
        %dma_start3A_456 = tpu.memref_slice %arg19[%dma_start3A, %dma_start3A_455] : memref<80x128xf32, #tpu.memory_space<vmem>> -> memref<80x128xf32, #tpu.memory_space<vmem>>
        %dma_start3A_457 = arith.constant 0 : i32
        %dma_start3A_458 = tpu.memref_slice %arg10[%add3A_454, %dma_start3A_457] : memref<200000x128xf32, #tpu.memory_space<hbm>> -> memref<80x128xf32, #tpu.memory_space<hbm>>
        %dma_start3A_459 = arith.constant 0 : i32
        %dma_start3A_460 = tpu.memref_slice %arg10[%add3A_454, %dma_start3A_459] : memref<200000x128xf32, #tpu.memory_space<hbm>> -> memref<80x128xf32, #tpu.memory_space<hbm>>
        %dma_start3A_461 = arith.constant 0 : i32
        %dma_start3A_462 = arith.constant 0 : i32
        %dma_start3A_463 = tpu.memref_slice %arg19[%dma_start3A_461, %dma_start3A_462] : memref<80x128xf32, #tpu.memory_space<vmem>> -> memref<80x128xf32, #tpu.memory_space<vmem>>
        tpu.enqueue_dma source(%dma_start3A_463 : memref<80x128xf32, #tpu.memory_space<vmem>>) target(%dma_start3A_460 : memref<80x128xf32, #tpu.memory_space<hbm>>) target_semaphore(%arg42 : memref<!tpu.dma_semaphore, #tpu.memory_space<semaphore_mem>>)
        %dma_wait3A_464 = arith.constant 0 : i32
        %dma_wait3A_465 = tpu.memref_slice %arg27[%dma_wait3A_464] : memref<80xf32, #tpu.memory_space<vmem>> -> memref<80xf32, #tpu.memory_space<vmem>>
        %dma_wait3A_466 = arith.constant 0 : i32
        %dma_wait3A_467 = tpu.memref_slice %arg15[%dma_wait3A_466] : memref<80xi32, #tpu.memory_space<vmem>> -> memref<80xi32, #tpu.memory_space<vmem>>
        %dma_wait3A_468 = arith.constant 0 : i32
        %dma_wait3A_469 = tpu.memref_slice %arg35[%dma_wait3A_468] : memref<50000xf32, #tpu.memory_space<vmem_shared>> -> memref<50000xf32, #tpu.memory_space<vmem_shared>>
        tpu.wait_indirect_dma semaphore(%arg41 : memref<!tpu.dma_semaphore, #tpu.memory_space<semaphore_mem>>) src(%dma_wait3A_469 : memref<50000xf32, #tpu.memory_space<vmem_shared>>) dst(%dma_wait3A_465 : memref<80xf32, #tpu.memory_space<vmem>>)
        %dma_wait3A_470 = arith.constant 0 : i32
        %dma_wait3A_471 = tpu.memref_slice %arg30[%dma_wait3A_470] : memref<80xf32, #tpu.memory_space<vmem>> -> memref<80xf32, #tpu.memory_space<vmem>>
        %dma_wait3A_472 = arith.constant 0 : i32
        %dma_wait3A_473 = tpu.memref_slice %arg16[%dma_wait3A_472] : memref<80xi32, #tpu.memory_space<vmem>> -> memref<80xi32, #tpu.memory_space<vmem>>
        %dma_wait3A_474 = arith.constant 0 : i32
        %dma_wait3A_475 = tpu.memref_slice %arg35[%dma_wait3A_474] : memref<50000xf32, #tpu.memory_space<vmem_shared>> -> memref<50000xf32, #tpu.memory_space<vmem_shared>>
        tpu.wait_indirect_dma semaphore(%arg41 : memref<!tpu.dma_semaphore, #tpu.memory_space<semaphore_mem>>) src(%dma_wait3A_475 : memref<50000xf32, #tpu.memory_space<vmem_shared>>) dst(%dma_wait3A_471 : memref<80xf32, #tpu.memory_space<vmem>>)
        %dma_wait3A_476 = arith.constant 0 : i32
        %dma_wait3A_477 = tpu.memref_slice %arg28[%dma_wait3A_476] : memref<80xf32, #tpu.memory_space<vmem>> -> memref<80xf32, #tpu.memory_space<vmem>>
        %dma_wait3A_478 = arith.constant 0 : i32
        %dma_wait3A_479 = tpu.memref_slice %arg15[%dma_wait3A_478] : memref<80xi32, #tpu.memory_space<vmem>> -> memref<80xi32, #tpu.memory_space<vmem>>
        %dma_wait3A_480 = arith.constant 0 : i32
        %dma_wait3A_481 = tpu.memref_slice %arg36[%dma_wait3A_480] : memref<50000xf32, #tpu.memory_space<vmem_shared>> -> memref<50000xf32, #tpu.memory_space<vmem_shared>>
        tpu.wait_indirect_dma semaphore(%arg41 : memref<!tpu.dma_semaphore, #tpu.memory_space<semaphore_mem>>) src(%dma_wait3A_481 : memref<50000xf32, #tpu.memory_space<vmem_shared>>) dst(%dma_wait3A_477 : memref<80xf32, #tpu.memory_space<vmem>>)
        %dma_wait3A_482 = arith.constant 0 : i32
        %dma_wait3A_483 = tpu.memref_slice %arg31[%dma_wait3A_482] : memref<80xf32, #tpu.memory_space<vmem>> -> memref<80xf32, #tpu.memory_space<vmem>>
        %dma_wait3A_484 = arith.constant 0 : i32
        %dma_wait3A_485 = tpu.memref_slice %arg16[%dma_wait3A_484] : memref<80xi32, #tpu.memory_space<vmem>> -> memref<80xi32, #tpu.memory_space<vmem>>
        %dma_wait3A_486 = arith.constant 0 : i32
        %dma_wait3A_487 = tpu.memref_slice %arg36[%dma_wait3A_486] : memref<50000xf32, #tpu.memory_space<vmem_shared>> -> memref<50000xf32, #tpu.memory_space<vmem_shared>>
        tpu.wait_indirect_dma semaphore(%arg41 : memref<!tpu.dma_semaphore, #tpu.memory_space<semaphore_mem>>) src(%dma_wait3A_487 : memref<50000xf32, #tpu.memory_space<vmem_shared>>) dst(%dma_wait3A_483 : memref<80xf32, #tpu.memory_space<vmem>>)
        %dma_wait3A_488 = arith.constant 0 : i32
        %dma_wait3A_489 = tpu.memref_slice %arg29[%dma_wait3A_488] : memref<80xf32, #tpu.memory_space<vmem>> -> memref<80xf32, #tpu.memory_space<vmem>>
        %dma_wait3A_490 = arith.constant 0 : i32
        %dma_wait3A_491 = tpu.memref_slice %arg15[%dma_wait3A_490] : memref<80xi32, #tpu.memory_space<vmem>> -> memref<80xi32, #tpu.memory_space<vmem>>
        %dma_wait3A_492 = arith.constant 0 : i32
        %dma_wait3A_493 = tpu.memref_slice %arg37[%dma_wait3A_492] : memref<50000xf32, #tpu.memory_space<vmem_shared>> -> memref<50000xf32, #tpu.memory_space<vmem_shared>>
        tpu.wait_indirect_dma semaphore(%arg41 : memref<!tpu.dma_semaphore, #tpu.memory_space<semaphore_mem>>) src(%dma_wait3A_493 : memref<50000xf32, #tpu.memory_space<vmem_shared>>) dst(%dma_wait3A_489 : memref<80xf32, #tpu.memory_space<vmem>>)
        %dma_wait3A_494 = arith.constant 0 : i32
        %dma_wait3A_495 = tpu.memref_slice %arg32[%dma_wait3A_494] : memref<80xf32, #tpu.memory_space<vmem>> -> memref<80xf32, #tpu.memory_space<vmem>>
        %dma_wait3A_496 = arith.constant 0 : i32
        %dma_wait3A_497 = tpu.memref_slice %arg16[%dma_wait3A_496] : memref<80xi32, #tpu.memory_space<vmem>> -> memref<80xi32, #tpu.memory_space<vmem>>
        %dma_wait3A_498 = arith.constant 0 : i32
        %dma_wait3A_499 = tpu.memref_slice %arg37[%dma_wait3A_498] : memref<50000xf32, #tpu.memory_space<vmem_shared>> -> memref<50000xf32, #tpu.memory_space<vmem_shared>>
        tpu.wait_indirect_dma semaphore(%arg41 : memref<!tpu.dma_semaphore, #tpu.memory_space<semaphore_mem>>) src(%dma_wait3A_499 : memref<50000xf32, #tpu.memory_space<vmem_shared>>) dst(%dma_wait3A_495 : memref<80xf32, #tpu.memory_space<vmem>>)
        %scan3A_500 = arith.constant 0 : i32
        %scan3A_501 = arith.constant 0 : i32
        %scan3A_502 = arith.constant 5 : i32
        %scan3A_503 = arith.addi %scan3A_501, %scan3A_502 : i32
        %scan3A_504 = arith.constant 1 : i32
        scf.for %scan3A_512 = %scan3A_501 to %scan3A_503 step %scan3A_504  : i32 {
          %mul3A_513 = arith.constant 16 : i32
          %mul3A_514 = arith.muli %scan3A_512, %mul3A_513 : i32
          %get3A = arith.index_cast %mul3A_514 : i32 to index
          %get3A_515 = tpu.vector_load %arg27[%get3A] {strides = array<i32>} : memref<80xf32, #tpu.memory_space<vmem>>, vector<16xf32>,
          %get3A_516 = vector.shape_cast %get3A_515 : vector<16xf32> to vector<16xf32>
          %get3A_517 = arith.index_cast %mul3A_514 : i32 to index
          %get3A_518 = tpu.vector_load %arg30[%get3A_517] {strides = array<i32>} : memref<80xf32, #tpu.memory_space<vmem>>, vector<16xf32>,
          %get3A_519 = vector.shape_cast %get3A_518 : vector<16xf32> to vector<16xf32>
          %add3A_520 = arith.addf %get3A_516, %get3A_519 : vector<16xf32>
          %mul3A_521 = arith.constant 5.000000e-01 : f32
          %mul3A_522 = vector.broadcast %mul3A_521 : f32 to vector<16xf32>
          %mul3A_523 = arith.mulf %add3A_520, %mul3A_522 : vector<16xf32>
          %swap3A = arith.index_cast %mul3A_514 : i32 to index
          %swap3A_524 = tpu.vector_load %arg27[%swap3A] {strides = array<i32>} : memref<80xf32, #tpu.memory_space<vmem>>, vector<16xf32>,
          %swap3A_525 = vector.shape_cast %swap3A_524 : vector<16xf32> to vector<16xf32>
          %swap3A_526 = vector.shape_cast %mul3A_523 : vector<16xf32> to vector<16xf32>
          tpu.vector_store %arg27[%swap3A], %swap3A_526 {strides = array<i32>} : memref<80xf32, #tpu.memory_space<vmem>>, vector<16xf32>,
          %get3A_527 = arith.index_cast %mul3A_514 : i32 to index
          %get3A_528 = tpu.vector_load %arg28[%get3A_527] {strides = array<i32>} : memref<80xf32, #tpu.memory_space<vmem>>, vector<16xf32>,
          %get3A_529 = vector.shape_cast %get3A_528 : vector<16xf32> to vector<16xf32>
          %get3A_530 = arith.index_cast %mul3A_514 : i32 to index
          %get3A_531 = tpu.vector_load %arg31[%get3A_530] {strides = array<i32>} : memref<80xf32, #tpu.memory_space<vmem>>, vector<16xf32>,
          %get3A_532 = vector.shape_cast %get3A_531 : vector<16xf32> to vector<16xf32>
          %add3A_533 = arith.addf %get3A_529, %get3A_532 : vector<16xf32>
          %mul3A_534 = arith.constant 5.000000e-01 : f32
          %mul3A_535 = vector.broadcast %mul3A_534 : f32 to vector<16xf32>
          %mul3A_536 = arith.mulf %add3A_533, %mul3A_535 : vector<16xf32>
          %swap3A_537 = arith.index_cast %mul3A_514 : i32 to index
          %swap3A_538 = tpu.vector_load %arg28[%swap3A_537] {strides = array<i32>} : memref<80xf32, #tpu.memory_space<vmem>>, vector<16xf32>,
          %swap3A_539 = vector.shape_cast %swap3A_538 : vector<16xf32> to vector<16xf32>
          %swap3A_540 = vector.shape_cast %mul3A_536 : vector<16xf32> to vector<16xf32>
          tpu.vector_store %arg28[%swap3A_537], %swap3A_540 {strides = array<i32>} : memref<80xf32, #tpu.memory_space<vmem>>, vector<16xf32>,
          %get3A_541 = arith.index_cast %mul3A_514 : i32 to index
          %get3A_542 = tpu.vector_load %arg29[%get3A_541] {strides = array<i32>} : memref<80xf32, #tpu.memory_space<vmem>>, vector<16xf32>,
          %get3A_543 = vector.shape_cast %get3A_542 : vector<16xf32> to vector<16xf32>
          %get3A_544 = arith.index_cast %mul3A_514 : i32 to index
          %get3A_545 = tpu.vector_load %arg32[%get3A_544] {strides = array<i32>} : memref<80xf32, #tpu.memory_space<vmem>>, vector<16xf32>,
          %get3A_546 = vector.shape_cast %get3A_545 : vector<16xf32> to vector<16xf32>
          %add3A_547 = arith.addf %get3A_543, %get3A_546 : vector<16xf32>
          %mul3A_548 = arith.constant 5.000000e-01 : f32
          %mul3A_549 = vector.broadcast %mul3A_548 : f32 to vector<16xf32>
          %mul3A_550 = arith.mulf %add3A_547, %mul3A_549 : vector<16xf32>
          %swap3A_551 = arith.index_cast %mul3A_514 : i32 to index
          %swap3A_552 = tpu.vector_load %arg29[%swap3A_551] {strides = array<i32>} : memref<80xf32, #tpu.memory_space<vmem>>, vector<16xf32>,
          %swap3A_553 = vector.shape_cast %swap3A_552 : vector<16xf32> to vector<16xf32>
          %swap3A_554 = vector.shape_cast %mul3A_550 : vector<16xf32> to vector<16xf32>
          tpu.vector_store %arg29[%swap3A_551], %swap3A_554 {strides = array<i32>} : memref<80xf32, #tpu.memory_space<vmem>>, vector<16xf32>,
        }
        %scan3A_505 = arith.constant 5 : i32
        %add3A_506 = arith.constant 50000 : i32
        %add3A_507 = arith.addi %add3A_506, %mul3A_430 : i32
        "tpu.region"() ({
          %run_scoped3A = tpu.sem_alloc : memref<!tpu.dma_semaphore, #tpu.memory_space<semaphore_mem>>
          %dma_start3A_512 = tpu.memref_slice %arg11[%add3A_507] : memref<600000xf32, #tpu.memory_space<hbm>> -> memref<80xf32, #tpu.memory_space<hbm>>
          %dma_start3A_513 = tpu.memref_slice %arg11[%add3A_507] : memref<600000xf32, #tpu.memory_space<hbm>> -> memref<80xf32, #tpu.memory_space<hbm>>
          tpu.enqueue_dma source(%arg27 : memref<80xf32, #tpu.memory_space<vmem>>) target(%dma_start3A_513 : memref<80xf32, #tpu.memory_space<hbm>>) target_semaphore(%run_scoped3A : memref<!tpu.dma_semaphore, #tpu.memory_space<semaphore_mem>>)
          %dma_wait3A_514 = tpu.memref_slice %arg11[%add3A_507] : memref<600000xf32, #tpu.memory_space<hbm>> -> memref<80xf32, #tpu.memory_space<hbm>>
          %dma_wait3A_515 = tpu.memref_slice %arg11[%add3A_507] : memref<600000xf32, #tpu.memory_space<hbm>> -> memref<80xf32, #tpu.memory_space<hbm>>
          tpu.wait_dma2 semaphore(%run_scoped3A : memref<!tpu.dma_semaphore, #tpu.memory_space<semaphore_mem>>) src(%arg27 : memref<80xf32, #tpu.memory_space<vmem>>) dst(%dma_wait3A_515 : memref<80xf32, #tpu.memory_space<hbm>>)
          tpu.yield
        }) : () -> ()
        %add3A_508 = arith.constant 250000 : i32
        %add3A_509 = arith.addi %add3A_508, %mul3A_430 : i32
        "tpu.region"() ({
          %run_scoped3A = tpu.sem_alloc : memref<!tpu.dma_semaphore, #tpu.memory_space<semaphore_mem>>
          %dma_start3A_512 = tpu.memref_slice %arg11[%add3A_509] : memref<600000xf32, #tpu.memory_space<hbm>> -> memref<80xf32, #tpu.memory_space<hbm>>
          %dma_start3A_513 = tpu.memref_slice %arg11[%add3A_509] : memref<600000xf32, #tpu.memory_space<hbm>> -> memref<80xf32, #tpu.memory_space<hbm>>
          tpu.enqueue_dma source(%arg28 : memref<80xf32, #tpu.memory_space<vmem>>) target(%dma_start3A_513 : memref<80xf32, #tpu.memory_space<hbm>>) target_semaphore(%run_scoped3A : memref<!tpu.dma_semaphore, #tpu.memory_space<semaphore_mem>>)
          %dma_wait3A_514 = tpu.memref_slice %arg11[%add3A_509] : memref<600000xf32, #tpu.memory_space<hbm>> -> memref<80xf32, #tpu.memory_space<hbm>>
          %dma_wait3A_515 = tpu.memref_slice %arg11[%add3A_509] : memref<600000xf32, #tpu.memory_space<hbm>> -> memref<80xf32, #tpu.memory_space<hbm>>
          tpu.wait_dma2 semaphore(%run_scoped3A : memref<!tpu.dma_semaphore, #tpu.memory_space<semaphore_mem>>) src(%arg28 : memref<80xf32, #tpu.memory_space<vmem>>) dst(%dma_wait3A_515 : memref<80xf32, #tpu.memory_space<hbm>>)
          tpu.yield
        }) : () -> ()
        %add3A_510 = arith.constant 450000 : i32
        %add3A_511 = arith.addi %add3A_510, %mul3A_430 : i32
        "tpu.region"() ({
          %run_scoped3A = tpu.sem_alloc : memref<!tpu.dma_semaphore, #tpu.memory_space<semaphore_mem>>
          %dma_start3A_512 = tpu.memref_slice %arg11[%add3A_511] : memref<600000xf32, #tpu.memory_space<hbm>> -> memref<80xf32, #tpu.memory_space<hbm>>
          %dma_start3A_513 = tpu.memref_slice %arg11[%add3A_511] : memref<600000xf32, #tpu.memory_space<hbm>> -> memref<80xf32, #tpu.memory_space<hbm>>
          tpu.enqueue_dma source(%arg29 : memref<80xf32, #tpu.memory_space<vmem>>) target(%dma_start3A_513 : memref<80xf32, #tpu.memory_space<hbm>>) target_semaphore(%run_scoped3A : memref<!tpu.dma_semaphore, #tpu.memory_space<semaphore_mem>>)
          %dma_wait3A_514 = tpu.memref_slice %arg11[%add3A_511] : memref<600000xf32, #tpu.memory_space<hbm>> -> memref<80xf32, #tpu.memory_space<hbm>>
          %dma_wait3A_515 = tpu.memref_slice %arg11[%add3A_511] : memref<600000xf32, #tpu.memory_space<hbm>> -> memref<80xf32, #tpu.memory_space<hbm>>
          tpu.wait_dma2 semaphore(%run_scoped3A : memref<!tpu.dma_semaphore, #tpu.memory_space<semaphore_mem>>) src(%arg29 : memref<80xf32, #tpu.memory_space<vmem>>) dst(%dma_wait3A_515 : memref<80xf32, #tpu.memory_space<hbm>>)
          tpu.yield
        }) : () -> ()
      } else {
      }
      %add3A_419 = arith.constant 3 : i32
      %add3A_420 = arith.addi %mul3A_390, %add3A_419 : i32
      %mul3A_421 = arith.constant 32 : i32
      %mul3A_422 = arith.muli %add3A_420, %mul3A_421 : i32
      %add3A_423 = arith.addi %add3A, %mul3A_422 : i32
      %lt3A_424 = arith.constant 1875 : i32
      %lt3A_425 = arith.cmpi slt, %add3A_423, %lt3A_424 : i32
      %convert_element_type3A_426 = arith.extui %lt3A_425 : i1 to i32
      %cond3A_427 = arith.constant 0 : i32
      %cond3A_428 = arith.cmpi ne, %convert_element_type3A_426, %cond3A_427 : i32
      scf.if %cond3A_428 {
        %mul3A_429 = arith.constant 80 : i32
        %mul3A_430 = arith.muli %add3A_423, %mul3A_429 : i32
        %dma_start3A = tpu.memref_slice %arg7[%mul3A_430] : memref<300000xi32, #tpu.memory_space<hbm>> -> memref<80xi32, #tpu.memory_space<hbm>>
        %dma_start3A_431 = tpu.memref_slice %arg7[%mul3A_430] : memref<300000xi32, #tpu.memory_space<hbm>> -> memref<80xi32, #tpu.memory_space<hbm>>
        tpu.enqueue_dma source(%dma_start3A_431 : memref<80xi32, #tpu.memory_space<hbm>>) target(%arg15 : memref<80xi32, #tpu.memory_space<vmem>>) target_semaphore(%arg39 : memref<!tpu.dma_semaphore, #tpu.memory_space<semaphore_mem>>)
        %add3A_432 = arith.constant 150000 : i32
        %add3A_433 = arith.addi %add3A_432, %mul3A_430 : i32
        %dma_start3A_434 = tpu.memref_slice %arg7[%add3A_433] : memref<300000xi32, #tpu.memory_space<hbm>> -> memref<80xi32, #tpu.memory_space<hbm>>
        %dma_start3A_435 = tpu.memref_slice %arg7[%add3A_433] : memref<300000xi32, #tpu.memory_space<hbm>> -> memref<80xi32, #tpu.memory_space<hbm>>
        tpu.enqueue_dma source(%dma_start3A_435 : memref<80xi32, #tpu.memory_space<hbm>>) target(%arg16 : memref<80xi32, #tpu.memory_space<vmem>>) target_semaphore(%arg39 : memref<!tpu.dma_semaphore, #tpu.memory_space<semaphore_mem>>)
        %dma_wait3A_436 = tpu.memref_slice %arg7[%mul3A_430] : memref<300000xi32, #tpu.memory_space<hbm>> -> memref<80xi32, #tpu.memory_space<hbm>>
        %dma_wait3A_437 = tpu.memref_slice %arg7[%mul3A_430] : memref<300000xi32, #tpu.memory_space<hbm>> -> memref<80xi32, #tpu.memory_space<hbm>>
        tpu.wait_dma2 semaphore(%arg39 : memref<!tpu.dma_semaphore, #tpu.memory_space<semaphore_mem>>) src(%dma_wait3A_437 : memref<80xi32, #tpu.memory_space<hbm>>) dst(%arg15 : memref<80xi32, #tpu.memory_space<vmem>>)
        %dma_wait3A_438 = tpu.memref_slice %arg7[%add3A_433] : memref<300000xi32, #tpu.memory_space<hbm>> -> memref<80xi32, #tpu.memory_space<hbm>>
        %dma_wait3A_439 = tpu.memref_slice %arg7[%add3A_433] : memref<300000xi32, #tpu.memory_space<hbm>> -> memref<80xi32, #tpu.memory_space<hbm>>
        tpu.wait_dma2 semaphore(%arg39 : memref<!tpu.dma_semaphore, #tpu.memory_space<semaphore_mem>>) src(%dma_wait3A_439 : memref<80xi32, #tpu.memory_space<hbm>>) dst(%arg16 : memref<80xi32, #tpu.memory_space<vmem>>)
        %dma_start3A_440 = arith.constant 0 : i32
        %dma_start3A_441 = arith.constant 0 : i32
        %dma_start3A_442 = tpu.memref_slice %arg20[%dma_start3A_440, %dma_start3A_441] : memref<80x128xf32, #tpu.memory_space<vmem>> -> memref<80x128xf32, #tpu.memory_space<vmem>>
        %dma_start3A_443 = arith.constant 0 : i32
        %dma_start3A_444 = tpu.memref_slice %arg16[%dma_start3A_443] : memref<80xi32, #tpu.memory_space<vmem>> -> memref<80xi32, #tpu.memory_space<vmem>>
        %dma_start3A_445 = arith.constant 0 : i32
        %dma_start3A_446 = arith.constant 0 : i32
        %dma_start3A_447 = tpu.memref_slice %arg2[%dma_start3A_445, %dma_start3A_446] : memref<50000x128xf32, #tpu.memory_space<hbm>> -> memref<50000x128xf32, #tpu.memory_space<hbm>>
        tpu.enqueue_indirect_dma source(%dma_start3A_447 : memref<50000x128xf32, #tpu.memory_space<hbm>>) target(%dma_start3A_442 : memref<80x128xf32, #tpu.memory_space<vmem>>) offsets(%dma_start3A_444 : memref<80xi32, #tpu.memory_space<vmem>>) semaphore(%arg39 : memref<!tpu.dma_semaphore, #tpu.memory_space<semaphore_mem>>)
        %dma_start3A_448 = arith.constant 0 : i32
        %dma_start3A_449 = tpu.memref_slice %arg27[%dma_start3A_448] : memref<80xf32, #tpu.memory_space<vmem>> -> memref<80xf32, #tpu.memory_space<vmem>>
        %dma_start3A_450 = arith.constant 0 : i32
        %dma_start3A_451 = tpu.memref_slice %arg15[%dma_start3A_450] : memref<80xi32, #tpu.memory_space<vmem>> -> memref<80xi32, #tpu.memory_space<vmem>>
        %dma_start3A_452 = arith.constant 0 : i32
        %dma_start3A_453 = tpu.memref_slice %arg35[%dma_start3A_452] : memref<50000xf32, #tpu.memory_space<vmem_shared>> -> memref<50000xf32, #tpu.memory_space<vmem_shared>>
        tpu.enqueue_indirect_dma source(%dma_start3A_453 : memref<50000xf32, #tpu.memory_space<vmem_shared>>) target(%dma_start3A_449 : memref<80xf32, #tpu.memory_space<vmem>>) offsets(%dma_start3A_451 : memref<80xi32, #tpu.memory_space<vmem>>) semaphore(%arg41 : memref<!tpu.dma_semaphore, #tpu.memory_space<semaphore_mem>>)
        %dma_start3A_454 = arith.constant 0 : i32
        %dma_start3A_455 = tpu.memref_slice %arg30[%dma_start3A_454] : memref<80xf32, #tpu.memory_space<vmem>> -> memref<80xf32, #tpu.memory_space<vmem>>
        %dma_start3A_456 = arith.constant 0 : i32
        %dma_start3A_457 = tpu.memref_slice %arg16[%dma_start3A_456] : memref<80xi32, #tpu.memory_space<vmem>> -> memref<80xi32, #tpu.memory_space<vmem>>
        %dma_start3A_458 = arith.constant 0 : i32
        %dma_start3A_459 = tpu.memref_slice %arg35[%dma_start3A_458] : memref<50000xf32, #tpu.memory_space<vmem_shared>> -> memref<50000xf32, #tpu.memory_space<vmem_shared>>
        tpu.enqueue_indirect_dma source(%dma_start3A_459 : memref<50000xf32, #tpu.memory_space<vmem_shared>>) target(%dma_start3A_455 : memref<80xf32, #tpu.memory_space<vmem>>) offsets(%dma_start3A_457 : memref<80xi32, #tpu.memory_space<vmem>>) semaphore(%arg41 : memref<!tpu.dma_semaphore, #tpu.memory_space<semaphore_mem>>)
        %dma_start3A_460 = arith.constant 0 : i32
        %dma_start3A_461 = tpu.memref_slice %arg28[%dma_start3A_460] : memref<80xf32, #tpu.memory_space<vmem>> -> memref<80xf32, #tpu.memory_space<vmem>>
        %dma_start3A_462 = arith.constant 0 : i32
        %dma_start3A_463 = tpu.memref_slice %arg15[%dma_start3A_462] : memref<80xi32, #tpu.memory_space<vmem>> -> memref<80xi32, #tpu.memory_space<vmem>>
        %dma_start3A_464 = arith.constant 0 : i32
        %dma_start3A_465 = tpu.memref_slice %arg36[%dma_start3A_464] : memref<50000xf32, #tpu.memory_space<vmem_shared>> -> memref<50000xf32, #tpu.memory_space<vmem_shared>>
        tpu.enqueue_indirect_dma source(%dma_start3A_465 : memref<50000xf32, #tpu.memory_space<vmem_shared>>) target(%dma_start3A_461 : memref<80xf32, #tpu.memory_space<vmem>>) offsets(%dma_start3A_463 : memref<80xi32, #tpu.memory_space<vmem>>) semaphore(%arg41 : memref<!tpu.dma_semaphore, #tpu.memory_space<semaphore_mem>>)
        %dma_start3A_466 = arith.constant 0 : i32
        %dma_start3A_467 = tpu.memref_slice %arg31[%dma_start3A_466] : memref<80xf32, #tpu.memory_space<vmem>> -> memref<80xf32, #tpu.memory_space<vmem>>
        %dma_start3A_468 = arith.constant 0 : i32
        %dma_start3A_469 = tpu.memref_slice %arg16[%dma_start3A_468] : memref<80xi32, #tpu.memory_space<vmem>> -> memref<80xi32, #tpu.memory_space<vmem>>
        %dma_start3A_470 = arith.constant 0 : i32
        %dma_start3A_471 = tpu.memref_slice %arg36[%dma_start3A_470] : memref<50000xf32, #tpu.memory_space<vmem_shared>> -> memref<50000xf32, #tpu.memory_space<vmem_shared>>
        tpu.enqueue_indirect_dma source(%dma_start3A_471 : memref<50000xf32, #tpu.memory_space<vmem_shared>>) target(%dma_start3A_467 : memref<80xf32, #tpu.memory_space<vmem>>) offsets(%dma_start3A_469 : memref<80xi32, #tpu.memory_space<vmem>>) semaphore(%arg41 : memref<!tpu.dma_semaphore, #tpu.memory_space<semaphore_mem>>)
        %dma_start3A_472 = arith.constant 0 : i32
        %dma_start3A_473 = tpu.memref_slice %arg29[%dma_start3A_472] : memref<80xf32, #tpu.memory_space<vmem>> -> memref<80xf32, #tpu.memory_space<vmem>>
        %dma_start3A_474 = arith.constant 0 : i32
        %dma_start3A_475 = tpu.memref_slice %arg15[%dma_start3A_474] : memref<80xi32, #tpu.memory_space<vmem>> -> memref<80xi32, #tpu.memory_space<vmem>>
        %dma_start3A_476 = arith.constant 0 : i32
        %dma_start3A_477 = tpu.memref_slice %arg37[%dma_start3A_476] : memref<50000xf32, #tpu.memory_space<vmem_shared>> -> memref<50000xf32, #tpu.memory_space<vmem_shared>>
        tpu.enqueue_indirect_dma source(%dma_start3A_477 : memref<50000xf32, #tpu.memory_space<vmem_shared>>) target(%dma_start3A_473 : memref<80xf32, #tpu.memory_space<vmem>>) offsets(%dma_start3A_475 : memref<80xi32, #tpu.memory_space<vmem>>) semaphore(%arg41 : memref<!tpu.dma_semaphore, #tpu.memory_space<semaphore_mem>>)
        %dma_start3A_478 = arith.constant 0 : i32
        %dma_start3A_479 = tpu.memref_slice %arg32[%dma_start3A_478] : memref<80xf32, #tpu.memory_space<vmem>> -> memref<80xf32, #tpu.memory_space<vmem>>
        %dma_start3A_480 = arith.constant 0 : i32
        %dma_start3A_481 = tpu.memref_slice %arg16[%dma_start3A_480] : memref<80xi32, #tpu.memory_space<vmem>> -> memref<80xi32, #tpu.memory_space<vmem>>
        %dma_start3A_482 = arith.constant 0 : i32
        %dma_start3A_483 = tpu.memref_slice %arg37[%dma_start3A_482] : memref<50000xf32, #tpu.memory_space<vmem_shared>> -> memref<50000xf32, #tpu.memory_space<vmem_shared>>
        tpu.enqueue_indirect_dma source(%dma_start3A_483 : memref<50000xf32, #tpu.memory_space<vmem_shared>>) target(%dma_start3A_479 : memref<80xf32, #tpu.memory_space<vmem>>) offsets(%dma_start3A_481 : memref<80xi32, #tpu.memory_space<vmem>>) semaphore(%arg41 : memref<!tpu.dma_semaphore, #tpu.memory_space<semaphore_mem>>)
        %dma_wait3A_484 = arith.constant 0 : i32
        %dma_wait3A_485 = arith.constant 0 : i32
        %dma_wait3A_486 = tpu.memref_slice %arg19[%dma_wait3A_484, %dma_wait3A_485] : memref<80x128xf32, #tpu.memory_space<vmem>> -> memref<80x128xf32, #tpu.memory_space<vmem>>
        %dma_wait3A_487 = arith.constant 0 : i32
        %dma_wait3A_488 = arith.constant 0 : i32
        %dma_wait3A_489 = tpu.memref_slice %arg10[%dma_wait3A_487, %dma_wait3A_488] : memref<200000x128xf32, #tpu.memory_space<hbm>> -> memref<80x128xf32, #tpu.memory_space<hbm>>
        %dma_wait3A_490 = arith.constant 0 : i32
        %dma_wait3A_491 = arith.constant 0 : i32
        %dma_wait3A_492 = tpu.memref_slice %arg10[%dma_wait3A_490, %dma_wait3A_491] : memref<200000x128xf32, #tpu.memory_space<hbm>> -> memref<80x128xf32, #tpu.memory_space<hbm>>
        %dma_wait3A_493 = arith.constant 0 : i32
        %dma_wait3A_494 = arith.constant 0 : i32
        %dma_wait3A_495 = tpu.memref_slice %arg19[%dma_wait3A_493, %dma_wait3A_494] : memref<80x128xf32, #tpu.memory_space<vmem>> -> memref<80x128xf32, #tpu.memory_space<vmem>>
        tpu.wait_dma2 semaphore(%arg42 : memref<!tpu.dma_semaphore, #tpu.memory_space<semaphore_mem>>) src(%dma_wait3A_495 : memref<80x128xf32, #tpu.memory_space<vmem>>) dst(%dma_wait3A_492 : memref<80x128xf32, #tpu.memory_space<hbm>>)
        %dma_start3A_496 = arith.constant 0 : i32
        %dma_start3A_497 = arith.constant 0 : i32
        %dma_start3A_498 = tpu.memref_slice %arg19[%dma_start3A_496, %dma_start3A_497] : memref<80x128xf32, #tpu.memory_space<vmem>> -> memref<80x128xf32, #tpu.memory_space<vmem>>
        %dma_start3A_499 = arith.constant 0 : i32
        %dma_start3A_500 = tpu.memref_slice %arg15[%dma_start3A_499] : memref<80xi32, #tpu.memory_space<vmem>> -> memref<80xi32, #tpu.memory_space<vmem>>
        %dma_start3A_501 = arith.constant 0 : i32
        %dma_start3A_502 = arith.constant 0 : i32
        %dma_start3A_503 = tpu.memref_slice %arg2[%dma_start3A_501, %dma_start3A_502] : memref<50000x128xf32, #tpu.memory_space<hbm>> -> memref<50000x128xf32, #tpu.memory_space<hbm>>
        tpu.enqueue_indirect_dma source(%dma_start3A_503 : memref<50000x128xf32, #tpu.memory_space<hbm>>) target(%dma_start3A_498 : memref<80x128xf32, #tpu.memory_space<vmem>>) offsets(%dma_start3A_500 : memref<80xi32, #tpu.memory_space<vmem>>) semaphore(%arg39 : memref<!tpu.dma_semaphore, #tpu.memory_space<semaphore_mem>>)
      } else {
      }
    }
    %scan3A_22 = arith.constant 30 : i32
    %dma_wait3A = arith.constant 0 : i32
    %dma_wait3A_23 = arith.constant 0 : i32
    %dma_wait3A_24 = tpu.memref_slice %arg17[%dma_wait3A, %dma_wait3A_23] : memref<80x128xf32, #tpu.memory_space<vmem>> -> memref<80x128xf32, #tpu.memory_space<vmem>>
    %dma_wait3A_25 = arith.constant 0 : i32
    %dma_wait3A_26 = arith.constant 0 : i32
    %dma_wait3A_27 = tpu.memref_slice %arg10[%dma_wait3A_25, %dma_wait3A_26] : memref<200000x128xf32, #tpu.memory_space<hbm>> -> memref<80x128xf32, #tpu.memory_space<hbm>>
    %dma_wait3A_28 = arith.constant 0 : i32
    %dma_wait3A_29 = arith.constant 0 : i32
    %dma_wait3A_30 = tpu.memref_slice %arg10[%dma_wait3A_28, %dma_wait3A_29] : memref<200000x128xf32, #tpu.memory_space<hbm>> -> memref<80x128xf32, #tpu.memory_space<hbm>>
    %dma_wait3A_31 = arith.constant 0 : i32
    %dma_wait3A_32 = arith.constant 0 : i32
    %dma_wait3A_33 = tpu.memref_slice %arg17[%dma_wait3A_31, %dma_wait3A_32] : memref<80x128xf32, #tpu.memory_space<vmem>> -> memref<80x128xf32, #tpu.memory_space<vmem>>
    tpu.wait_dma2 semaphore(%arg42 : memref<!tpu.dma_semaphore, #tpu.memory_space<semaphore_mem>>) src(%dma_wait3A_33 : memref<80x128xf32, #tpu.memory_space<vmem>>) dst(%dma_wait3A_30 : memref<80x128xf32, #tpu.memory_space<hbm>>)
    %dma_wait3A_34 = arith.constant 0 : i32
    %dma_wait3A_35 = arith.constant 0 : i32
    %dma_wait3A_36 = tpu.memref_slice %arg17[%dma_wait3A_34, %dma_wait3A_35] : memref<80x128xf32, #tpu.memory_space<vmem>> -> memref<80x128xf32, #tpu.memory_space<vmem>>
    %dma_wait3A_37 = arith.constant 0 : i32
    %dma_wait3A_38 = arith.constant 0 : i32
    %dma_wait3A_39 = tpu.memref_slice %arg10[%dma_wait3A_37, %dma_wait3A_38] : memref<200000x128xf32, #tpu.memory_space<hbm>> -> memref<80x128xf32, #tpu.memory_space<hbm>>
    %dma_wait3A_40 = arith.constant 0 : i32
    %dma_wait3A_41 = arith.constant 0 : i32
    %dma_wait3A_42 = tpu.memref_slice %arg10[%dma_wait3A_40, %dma_wait3A_41] : memref<200000x128xf32, #tpu.memory_space<hbm>> -> memref<80x128xf32, #tpu.memory_space<hbm>>
    %dma_wait3A_43 = arith.constant 0 : i32
    %dma_wait3A_44 = arith.constant 0 : i32
    %dma_wait3A_45 = tpu.memref_slice %arg17[%dma_wait3A_43, %dma_wait3A_44] : memref<80x128xf32, #tpu.memory_space<vmem>> -> memref<80x128xf32, #tpu.memory_space<vmem>>
    tpu.wait_dma2 semaphore(%arg42 : memref<!tpu.dma_semaphore, #tpu.memory_space<semaphore_mem>>) src(%dma_wait3A_45 : memref<80x128xf32, #tpu.memory_space<vmem>>) dst(%dma_wait3A_42 : memref<80x128xf32, #tpu.memory_space<hbm>>)
    %add3A_46 = arith.constant 0 : i32
    %add3A_47 = arith.addi %add3A, %add3A_46 : i32
    %lt3A_48 = arith.constant 625 : i32
    %lt3A_49 = arith.cmpi slt, %add3A_47, %lt3A_48 : i32
    %convert_element_type3A_50 = arith.extui %lt3A_49 : i1 to i32
    %cond3A_51 = arith.constant 0 : i32
    %cond3A_52 = arith.cmpi ne, %convert_element_type3A_50, %cond3A_51 : i32
    scf.if %cond3A_52 {
      %mul3A_388 = arith.constant 80 : i32
      %mul3A_389 = arith.muli %add3A_47, %mul3A_388 : i32
      %dma_start3A = arith.constant 0 : i32
      %dma_start3A_390 = arith.constant 0 : i32
      %dma_start3A_391 = tpu.memref_slice %arg17[%dma_start3A, %dma_start3A_390] : memref<80x128xf32, #tpu.memory_space<vmem>> -> memref<80x128xf32, #tpu.memory_space<vmem>>
      %dma_start3A_392 = arith.constant 0 : i32
      %dma_start3A_393 = tpu.memref_slice %arg2[%mul3A_389, %dma_start3A_392] : memref<50000x128xf32, #tpu.memory_space<hbm>> -> memref<80x128xf32, #tpu.memory_space<hbm>>
      %dma_start3A_394 = arith.constant 0 : i32
      %dma_start3A_395 = arith.constant 0 : i32
      %dma_start3A_396 = tpu.memref_slice %arg17[%dma_start3A_394, %dma_start3A_395] : memref<80x128xf32, #tpu.memory_space<vmem>> -> memref<80x128xf32, #tpu.memory_space<vmem>>
      %dma_start3A_397 = arith.constant 0 : i32
      %dma_start3A_398 = tpu.memref_slice %arg2[%mul3A_389, %dma_start3A_397] : memref<50000x128xf32, #tpu.memory_space<hbm>> -> memref<80x128xf32, #tpu.memory_space<hbm>>
      tpu.enqueue_dma source(%dma_start3A_398 : memref<80x128xf32, #tpu.memory_space<hbm>>) target(%dma_start3A_396 : memref<80x128xf32, #tpu.memory_space<vmem>>) target_semaphore(%arg38 : memref<!tpu.dma_semaphore, #tpu.memory_space<semaphore_mem>>)
    } else {
    }
    %add3A_53 = arith.constant 32 : i32
    %add3A_54 = arith.addi %add3A, %add3A_53 : i32
    %lt3A_55 = arith.constant 625 : i32
    %lt3A_56 = arith.cmpi slt, %add3A_54, %lt3A_55 : i32
    %convert_element_type3A_57 = arith.extui %lt3A_56 : i1 to i32
    %cond3A_58 = arith.constant 0 : i32
    %cond3A_59 = arith.cmpi ne, %convert_element_type3A_57, %cond3A_58 : i32
    scf.if %cond3A_59 {
      %mul3A_388 = arith.constant 80 : i32
      %mul3A_389 = arith.muli %add3A_54, %mul3A_388 : i32
      %dma_start3A = arith.constant 0 : i32
      %dma_start3A_390 = arith.constant 0 : i32
      %dma_start3A_391 = tpu.memref_slice %arg19[%dma_start3A, %dma_start3A_390] : memref<80x128xf32, #tpu.memory_space<vmem>> -> memref<80x128xf32, #tpu.memory_space<vmem>>
      %dma_start3A_392 = arith.constant 0 : i32
      %dma_start3A_393 = tpu.memref_slice %arg2[%mul3A_389, %dma_start3A_392] : memref<50000x128xf32, #tpu.memory_space<hbm>> -> memref<80x128xf32, #tpu.memory_space<hbm>>
      %dma_start3A_394 = arith.constant 0 : i32
      %dma_start3A_395 = arith.constant 0 : i32
      %dma_start3A_396 = tpu.memref_slice %arg19[%dma_start3A_394, %dma_start3A_395] : memref<80x128xf32, #tpu.memory_space<vmem>> -> memref<80x128xf32, #tpu.memory_space<vmem>>
      %dma_start3A_397 = arith.constant 0 : i32
      %dma_start3A_398 = tpu.memref_slice %arg2[%mul3A_389, %dma_start3A_397] : memref<50000x128xf32, #tpu.memory_space<hbm>> -> memref<80x128xf32, #tpu.memory_space<hbm>>
      tpu.enqueue_dma source(%dma_start3A_398 : memref<80x128xf32, #tpu.memory_space<hbm>>) target(%dma_start3A_396 : memref<80x128xf32, #tpu.memory_space<vmem>>) target_semaphore(%arg39 : memref<!tpu.dma_semaphore, #tpu.memory_space<semaphore_mem>>)
    } else {
    }
    %scan3A_60 = arith.constant 0 : i32
    %scan3A_61 = arith.constant 0 : i32
    %scan3A_62 = arith.constant 10 : i32
    %scan3A_63 = arith.addi %scan3A_61, %scan3A_62 : i32
    %scan3A_64 = arith.constant 1 : i32
    scf.for %scan3A_388 = %scan3A_61 to %scan3A_63 step %scan3A_64  : i32 {
      %mul3A_389 = arith.constant 2 : i32
      %mul3A_390 = arith.muli %mul3A_389, %scan3A_388 : i32
      %mul3A_391 = arith.constant 32 : i32
      %mul3A_392 = arith.muli %mul3A_390, %mul3A_391 : i32
      %add3A_393 = arith.addi %add3A, %mul3A_392 : i32
      %lt3A_394 = arith.constant 625 : i32
      %lt3A_395 = arith.cmpi slt, %add3A_393, %lt3A_394 : i32
      %convert_element_type3A_396 = arith.extui %lt3A_395 : i1 to i32
      %cond3A_397 = arith.constant 0 : i32
      %cond3A_398 = arith.cmpi ne, %convert_element_type3A_396, %cond3A_397 : i32
      scf.if %cond3A_398 {
        %mul3A_429 = arith.constant 80 : i32
        %mul3A_430 = arith.muli %add3A_393, %mul3A_429 : i32
        %dma_wait3A_431 = arith.constant 0 : i32
        %dma_wait3A_432 = arith.constant 0 : i32
        %dma_wait3A_433 = tpu.memref_slice %arg17[%dma_wait3A_431, %dma_wait3A_432] : memref<80x128xf32, #tpu.memory_space<vmem>> -> memref<80x128xf32, #tpu.memory_space<vmem>>
        %dma_wait3A_434 = arith.constant 0 : i32
        %dma_wait3A_435 = tpu.memref_slice %arg2[%mul3A_430, %dma_wait3A_434] : memref<50000x128xf32, #tpu.memory_space<hbm>> -> memref<80x128xf32, #tpu.memory_space<hbm>>
        %dma_wait3A_436 = arith.constant 0 : i32
        %dma_wait3A_437 = arith.constant 0 : i32
        %dma_wait3A_438 = tpu.memref_slice %arg17[%dma_wait3A_436, %dma_wait3A_437] : memref<80x128xf32, #tpu.memory_space<vmem>> -> memref<80x128xf32, #tpu.memory_space<vmem>>
        %dma_wait3A_439 = arith.constant 0 : i32
        %dma_wait3A_440 = tpu.memref_slice %arg2[%mul3A_430, %dma_wait3A_439] : memref<50000x128xf32, #tpu.memory_space<hbm>> -> memref<80x128xf32, #tpu.memory_space<hbm>>
        tpu.wait_dma2 semaphore(%arg38 : memref<!tpu.dma_semaphore, #tpu.memory_space<semaphore_mem>>) src(%dma_wait3A_440 : memref<80x128xf32, #tpu.memory_space<hbm>>) dst(%dma_wait3A_438 : memref<80x128xf32, #tpu.memory_space<vmem>>)
        %mul3A_441 = arith.constant 80 : i32
        %mul3A_442 = arith.muli %add3A_393, %mul3A_441 : i32
        %dma_start3A = arith.constant 0 : i32
        %dma_start3A_443 = arith.constant 0 : i32
        %dma_start3A_444 = tpu.memref_slice %arg17[%dma_start3A, %dma_start3A_443] : memref<80x128xf32, #tpu.memory_space<vmem>> -> memref<80x128xf32, #tpu.memory_space<vmem>>
        %dma_start3A_445 = arith.constant 0 : i32
        %dma_start3A_446 = tpu.memref_slice %arg10[%mul3A_442, %dma_start3A_445] : memref<200000x128xf32, #tpu.memory_space<hbm>> -> memref<80x128xf32, #tpu.memory_space<hbm>>
        %dma_start3A_447 = arith.constant 0 : i32
        %dma_start3A_448 = tpu.memref_slice %arg10[%mul3A_442, %dma_start3A_447] : memref<200000x128xf32, #tpu.memory_space<hbm>> -> memref<80x128xf32, #tpu.memory_space<hbm>>
        %dma_start3A_449 = arith.constant 0 : i32
        %dma_start3A_450 = arith.constant 0 : i32
        %dma_start3A_451 = tpu.memref_slice %arg17[%dma_start3A_449, %dma_start3A_450] : memref<80x128xf32, #tpu.memory_space<vmem>> -> memref<80x128xf32, #tpu.memory_space<vmem>>
        tpu.enqueue_dma source(%dma_start3A_451 : memref<80x128xf32, #tpu.memory_space<vmem>>) target(%dma_start3A_448 : memref<80x128xf32, #tpu.memory_space<hbm>>) target_semaphore(%arg42 : memref<!tpu.dma_semaphore, #tpu.memory_space<semaphore_mem>>)
      } else {
      }
      %add3A_399 = arith.constant 2 : i32
      %add3A_400 = arith.addi %mul3A_390, %add3A_399 : i32
      %mul3A_401 = arith.constant 32 : i32
      %mul3A_402 = arith.muli %add3A_400, %mul3A_401 : i32
      %add3A_403 = arith.addi %add3A, %mul3A_402 : i32
      %lt3A_404 = arith.constant 625 : i32
      %lt3A_405 = arith.cmpi slt, %add3A_403, %lt3A_404 : i32
      %convert_element_type3A_406 = arith.extui %lt3A_405 : i1 to i32
      %cond3A_407 = arith.constant 0 : i32
      %cond3A_408 = arith.cmpi ne, %convert_element_type3A_406, %cond3A_407 : i32
      scf.if %cond3A_408 {
        %dma_wait3A_429 = arith.constant 0 : i32
        %dma_wait3A_430 = arith.constant 0 : i32
        %dma_wait3A_431 = tpu.memref_slice %arg17[%dma_wait3A_429, %dma_wait3A_430] : memref<80x128xf32, #tpu.memory_space<vmem>> -> memref<80x128xf32, #tpu.memory_space<vmem>>
        %dma_wait3A_432 = arith.constant 0 : i32
        %dma_wait3A_433 = arith.constant 0 : i32
        %dma_wait3A_434 = tpu.memref_slice %arg10[%dma_wait3A_432, %dma_wait3A_433] : memref<200000x128xf32, #tpu.memory_space<hbm>> -> memref<80x128xf32, #tpu.memory_space<hbm>>
        %dma_wait3A_435 = arith.constant 0 : i32
        %dma_wait3A_436 = arith.constant 0 : i32
        %dma_wait3A_437 = tpu.memref_slice %arg10[%dma_wait3A_435, %dma_wait3A_436] : memref<200000x128xf32, #tpu.memory_space<hbm>> -> memref<80x128xf32, #tpu.memory_space<hbm>>
        %dma_wait3A_438 = arith.constant 0 : i32
        %dma_wait3A_439 = arith.constant 0 : i32
        %dma_wait3A_440 = tpu.memref_slice %arg17[%dma_wait3A_438, %dma_wait3A_439] : memref<80x128xf32, #tpu.memory_space<vmem>> -> memref<80x128xf32, #tpu.memory_space<vmem>>
        tpu.wait_dma2 semaphore(%arg42 : memref<!tpu.dma_semaphore, #tpu.memory_space<semaphore_mem>>) src(%dma_wait3A_440 : memref<80x128xf32, #tpu.memory_space<vmem>>) dst(%dma_wait3A_437 : memref<80x128xf32, #tpu.memory_space<hbm>>)
        %mul3A_441 = arith.constant 80 : i32
        %mul3A_442 = arith.muli %add3A_403, %mul3A_441 : i32
        %dma_start3A = arith.constant 0 : i32
        %dma_start3A_443 = arith.constant 0 : i32
        %dma_start3A_444 = tpu.memref_slice %arg17[%dma_start3A, %dma_start3A_443] : memref<80x128xf32, #tpu.memory_space<vmem>> -> memref<80x128xf32, #tpu.memory_space<vmem>>
        %dma_start3A_445 = arith.constant 0 : i32
        %dma_start3A_446 = tpu.memref_slice %arg2[%mul3A_442, %dma_start3A_445] : memref<50000x128xf32, #tpu.memory_space<hbm>> -> memref<80x128xf32, #tpu.memory_space<hbm>>
        %dma_start3A_447 = arith.constant 0 : i32
        %dma_start3A_448 = arith.constant 0 : i32
        %dma_start3A_449 = tpu.memref_slice %arg17[%dma_start3A_447, %dma_start3A_448] : memref<80x128xf32, #tpu.memory_space<vmem>> -> memref<80x128xf32, #tpu.memory_space<vmem>>
        %dma_start3A_450 = arith.constant 0 : i32
        %dma_start3A_451 = tpu.memref_slice %arg2[%mul3A_442, %dma_start3A_450] : memref<50000x128xf32, #tpu.memory_space<hbm>> -> memref<80x128xf32, #tpu.memory_space<hbm>>
        tpu.enqueue_dma source(%dma_start3A_451 : memref<80x128xf32, #tpu.memory_space<hbm>>) target(%dma_start3A_449 : memref<80x128xf32, #tpu.memory_space<vmem>>) target_semaphore(%arg38 : memref<!tpu.dma_semaphore, #tpu.memory_space<semaphore_mem>>)
      } else {
      }
      %add3A_409 = arith.constant 1 : i32
      %add3A_410 = arith.addi %mul3A_390, %add3A_409 : i32
      %mul3A_411 = arith.constant 32 : i32
      %mul3A_412 = arith.muli %add3A_410, %mul3A_411 : i32
      %add3A_413 = arith.addi %add3A, %mul3A_412 : i32
      %lt3A_414 = arith.constant 625 : i32
      %lt3A_415 = arith.cmpi slt, %add3A_413, %lt3A_414 : i32
      %convert_element_type3A_416 = arith.extui %lt3A_415 : i1 to i32
      %cond3A_417 = arith.constant 0 : i32
      %cond3A_418 = arith.cmpi ne, %convert_element_type3A_416, %cond3A_417 : i32
      scf.if %cond3A_418 {
        %mul3A_429 = arith.constant 80 : i32
        %mul3A_430 = arith.muli %add3A_413, %mul3A_429 : i32
        %dma_wait3A_431 = arith.constant 0 : i32
        %dma_wait3A_432 = arith.constant 0 : i32
        %dma_wait3A_433 = tpu.memref_slice %arg19[%dma_wait3A_431, %dma_wait3A_432] : memref<80x128xf32, #tpu.memory_space<vmem>> -> memref<80x128xf32, #tpu.memory_space<vmem>>
        %dma_wait3A_434 = arith.constant 0 : i32
        %dma_wait3A_435 = tpu.memref_slice %arg2[%mul3A_430, %dma_wait3A_434] : memref<50000x128xf32, #tpu.memory_space<hbm>> -> memref<80x128xf32, #tpu.memory_space<hbm>>
        %dma_wait3A_436 = arith.constant 0 : i32
        %dma_wait3A_437 = arith.constant 0 : i32
        %dma_wait3A_438 = tpu.memref_slice %arg19[%dma_wait3A_436, %dma_wait3A_437] : memref<80x128xf32, #tpu.memory_space<vmem>> -> memref<80x128xf32, #tpu.memory_space<vmem>>
        %dma_wait3A_439 = arith.constant 0 : i32
        %dma_wait3A_440 = tpu.memref_slice %arg2[%mul3A_430, %dma_wait3A_439] : memref<50000x128xf32, #tpu.memory_space<hbm>> -> memref<80x128xf32, #tpu.memory_space<hbm>>
        tpu.wait_dma2 semaphore(%arg39 : memref<!tpu.dma_semaphore, #tpu.memory_space<semaphore_mem>>) src(%dma_wait3A_440 : memref<80x128xf32, #tpu.memory_space<hbm>>) dst(%dma_wait3A_438 : memref<80x128xf32, #tpu.memory_space<vmem>>)
        %mul3A_441 = arith.constant 80 : i32
        %mul3A_442 = arith.muli %add3A_413, %mul3A_441 : i32
        %dma_start3A = arith.constant 0 : i32
        %dma_start3A_443 = arith.constant 0 : i32
        %dma_start3A_444 = tpu.memref_slice %arg19[%dma_start3A, %dma_start3A_443] : memref<80x128xf32, #tpu.memory_space<vmem>> -> memref<80x128xf32, #tpu.memory_space<vmem>>
        %dma_start3A_445 = arith.constant 0 : i32
        %dma_start3A_446 = tpu.memref_slice %arg10[%mul3A_442, %dma_start3A_445] : memref<200000x128xf32, #tpu.memory_space<hbm>> -> memref<80x128xf32, #tpu.memory_space<hbm>>
        %dma_start3A_447 = arith.constant 0 : i32
        %dma_start3A_448 = tpu.memref_slice %arg10[%mul3A_442, %dma_start3A_447] : memref<200000x128xf32, #tpu.memory_space<hbm>> -> memref<80x128xf32, #tpu.memory_space<hbm>>
        %dma_start3A_449 = arith.constant 0 : i32
        %dma_start3A_450 = arith.constant 0 : i32
        %dma_start3A_451 = tpu.memref_slice %arg19[%dma_start3A_449, %dma_start3A_450] : memref<80x128xf32, #tpu.memory_space<vmem>> -> memref<80x128xf32, #tpu.memory_space<vmem>>
        tpu.enqueue_dma source(%dma_start3A_451 : memref<80x128xf32, #tpu.memory_space<vmem>>) target(%dma_start3A_448 : memref<80x128xf32, #tpu.memory_space<hbm>>) target_semaphore(%arg42 : memref<!tpu.dma_semaphore, #tpu.memory_space<semaphore_mem>>)
      } else {
      }
      %add3A_419 = arith.constant 3 : i32
      %add3A_420 = arith.addi %mul3A_390, %add3A_419 : i32
      %mul3A_421 = arith.constant 32 : i32
      %mul3A_422 = arith.muli %add3A_420, %mul3A_421 : i32
      %add3A_423 = arith.addi %add3A, %mul3A_422 : i32
      %lt3A_424 = arith.constant 625 : i32
      %lt3A_425 = arith.cmpi slt, %add3A_423, %lt3A_424 : i32
      %convert_element_type3A_426 = arith.extui %lt3A_425 : i1 to i32
      %cond3A_427 = arith.constant 0 : i32
      %cond3A_428 = arith.cmpi ne, %convert_element_type3A_426, %cond3A_427 : i32
      scf.if %cond3A_428 {
        %dma_wait3A_429 = arith.constant 0 : i32
        %dma_wait3A_430 = arith.constant 0 : i32
        %dma_wait3A_431 = tpu.memref_slice %arg19[%dma_wait3A_429, %dma_wait3A_430] : memref<80x128xf32, #tpu.memory_space<vmem>> -> memref<80x128xf32, #tpu.memory_space<vmem>>
        %dma_wait3A_432 = arith.constant 0 : i32
        %dma_wait3A_433 = arith.constant 0 : i32
        %dma_wait3A_434 = tpu.memref_slice %arg10[%dma_wait3A_432, %dma_wait3A_433] : memref<200000x128xf32, #tpu.memory_space<hbm>> -> memref<80x128xf32, #tpu.memory_space<hbm>>
        %dma_wait3A_435 = arith.constant 0 : i32
        %dma_wait3A_436 = arith.constant 0 : i32
        %dma_wait3A_437 = tpu.memref_slice %arg10[%dma_wait3A_435, %dma_wait3A_436] : memref<200000x128xf32, #tpu.memory_space<hbm>> -> memref<80x128xf32, #tpu.memory_space<hbm>>
        %dma_wait3A_438 = arith.constant 0 : i32
        %dma_wait3A_439 = arith.constant 0 : i32
        %dma_wait3A_440 = tpu.memref_slice %arg19[%dma_wait3A_438, %dma_wait3A_439] : memref<80x128xf32, #tpu.memory_space<vmem>> -> memref<80x128xf32, #tpu.memory_space<vmem>>
        tpu.wait_dma2 semaphore(%arg42 : memref<!tpu.dma_semaphore, #tpu.memory_space<semaphore_mem>>) src(%dma_wait3A_440 : memref<80x128xf32, #tpu.memory_space<vmem>>) dst(%dma_wait3A_437 : memref<80x128xf32, #tpu.memory_space<hbm>>)
        %mul3A_441 = arith.constant 80 : i32
        %mul3A_442 = arith.muli %add3A_423, %mul3A_441 : i32
        %dma_start3A = arith.constant 0 : i32
        %dma_start3A_443 = arith.constant 0 : i32
        %dma_start3A_444 = tpu.memref_slice %arg19[%dma_start3A, %dma_start3A_443] : memref<80x128xf32, #tpu.memory_space<vmem>> -> memref<80x128xf32, #tpu.memory_space<vmem>>
        %dma_start3A_445 = arith.constant 0 : i32
        %dma_start3A_446 = tpu.memref_slice %arg2[%mul3A_442, %dma_start3A_445] : memref<50000x128xf32, #tpu.memory_space<hbm>> -> memref<80x128xf32, #tpu.memory_space<hbm>>
        %dma_start3A_447 = arith.constant 0 : i32
        %dma_start3A_448 = arith.constant 0 : i32
        %dma_start3A_449 = tpu.memref_slice %arg19[%dma_start3A_447, %dma_start3A_448] : memref<80x128xf32, #tpu.memory_space<vmem>> -> memref<80x128xf32, #tpu.memory_space<vmem>>
        %dma_start3A_450 = arith.constant 0 : i32
        %dma_start3A_451 = tpu.memref_slice %arg2[%mul3A_442, %dma_start3A_450] : memref<50000x128xf32, #tpu.memory_space<hbm>> -> memref<80x128xf32, #tpu.memory_space<hbm>>
        tpu.enqueue_dma source(%dma_start3A_451 : memref<80x128xf32, #tpu.memory_space<hbm>>) target(%dma_start3A_449 : memref<80x128xf32, #tpu.memory_space<vmem>>) target_semaphore(%arg39 : memref<!tpu.dma_semaphore, #tpu.memory_space<semaphore_mem>>)
      } else {
      }
    }
    %scan3A_65 = arith.constant 10 : i32
    %dma_wait3A_66 = arith.constant 0 : i32
    %dma_wait3A_67 = arith.constant 0 : i32
    %dma_wait3A_68 = tpu.memref_slice %arg17[%dma_wait3A_66, %dma_wait3A_67] : memref<80x128xf32, #tpu.memory_space<vmem>> -> memref<80x128xf32, #tpu.memory_space<vmem>>
    %dma_wait3A_69 = arith.constant 0 : i32
    %dma_wait3A_70 = arith.constant 0 : i32
    %dma_wait3A_71 = tpu.memref_slice %arg10[%dma_wait3A_69, %dma_wait3A_70] : memref<200000x128xf32, #tpu.memory_space<hbm>> -> memref<80x128xf32, #tpu.memory_space<hbm>>
    %dma_wait3A_72 = arith.constant 0 : i32
    %dma_wait3A_73 = arith.constant 0 : i32
    %dma_wait3A_74 = tpu.memref_slice %arg10[%dma_wait3A_72, %dma_wait3A_73] : memref<200000x128xf32, #tpu.memory_space<hbm>> -> memref<80x128xf32, #tpu.memory_space<hbm>>
    %dma_wait3A_75 = arith.constant 0 : i32
    %dma_wait3A_76 = arith.constant 0 : i32
    %dma_wait3A_77 = tpu.memref_slice %arg17[%dma_wait3A_75, %dma_wait3A_76] : memref<80x128xf32, #tpu.memory_space<vmem>> -> memref<80x128xf32, #tpu.memory_space<vmem>>
    tpu.wait_dma2 semaphore(%arg42 : memref<!tpu.dma_semaphore, #tpu.memory_space<semaphore_mem>>) src(%dma_wait3A_77 : memref<80x128xf32, #tpu.memory_space<vmem>>) dst(%dma_wait3A_74 : memref<80x128xf32, #tpu.memory_space<hbm>>)
    %dma_wait3A_78 = arith.constant 0 : i32
    %dma_wait3A_79 = arith.constant 0 : i32
    %dma_wait3A_80 = tpu.memref_slice %arg17[%dma_wait3A_78, %dma_wait3A_79] : memref<80x128xf32, #tpu.memory_space<vmem>> -> memref<80x128xf32, #tpu.memory_space<vmem>>
    %dma_wait3A_81 = arith.constant 0 : i32
    %dma_wait3A_82 = arith.constant 0 : i32
    %dma_wait3A_83 = tpu.memref_slice %arg10[%dma_wait3A_81, %dma_wait3A_82] : memref<200000x128xf32, #tpu.memory_space<hbm>> -> memref<80x128xf32, #tpu.memory_space<hbm>>
    %dma_wait3A_84 = arith.constant 0 : i32
    %dma_wait3A_85 = arith.constant 0 : i32
    %dma_wait3A_86 = tpu.memref_slice %arg10[%dma_wait3A_84, %dma_wait3A_85] : memref<200000x128xf32, #tpu.memory_space<hbm>> -> memref<80x128xf32, #tpu.memory_space<hbm>>
    %dma_wait3A_87 = arith.constant 0 : i32
    %dma_wait3A_88 = arith.constant 0 : i32
    %dma_wait3A_89 = tpu.memref_slice %arg17[%dma_wait3A_87, %dma_wait3A_88] : memref<80x128xf32, #tpu.memory_space<vmem>> -> memref<80x128xf32, #tpu.memory_space<vmem>>
    tpu.wait_dma2 semaphore(%arg42 : memref<!tpu.dma_semaphore, #tpu.memory_space<semaphore_mem>>) src(%dma_wait3A_89 : memref<80x128xf32, #tpu.memory_space<vmem>>) dst(%dma_wait3A_86 : memref<80x128xf32, #tpu.memory_space<hbm>>)
    %scan3A_90 = arith.constant 0 : i32
    %scan3A_91 = arith.constant 0 : i32
    %scan3A_92 = arith.constant 5 : i32
    %scan3A_93 = arith.addi %scan3A_91, %scan3A_92 : i32
    %scan3A_94 = arith.constant 1 : i32
    scf.for %scan3A_388 = %scan3A_91 to %scan3A_93 step %scan3A_94  : i32 {
      %mul3A_389 = arith.constant 32 : i32
      %mul3A_390 = arith.muli %scan3A_388, %mul3A_389 : i32
      %add3A_391 = arith.addi %add3A, %mul3A_390 : i32
      %lt3A_392 = arith.constant 150 : i32
      %lt3A_393 = arith.cmpi slt, %add3A_391, %lt3A_392 : i32
      %convert_element_type3A_394 = arith.extui %lt3A_393 : i1 to i32
      %cond3A_395 = arith.constant 0 : i32
      %cond3A_396 = arith.cmpi ne, %convert_element_type3A_394, %cond3A_395 : i32
      scf.if %cond3A_396 {
        %gt3A = arith.constant 0 : i32
        %gt3A_397 = arith.cmpi sgt, %scan3A_388, %gt3A : i32
        %convert_element_type3A_398 = arith.extui %gt3A_397 : i1 to i32
        %cond3A_399 = arith.constant 0 : i32
        %cond3A_400 = arith.cmpi ne, %convert_element_type3A_398, %cond3A_399 : i32
        scf.if %cond3A_400 {
          %dma_wait3A_431 = arith.constant 0 : i32
          %dma_wait3A_432 = tpu.memref_slice %arg11[%dma_wait3A_431] : memref<600000xf32, #tpu.memory_space<hbm>> -> memref<1000xf32, #tpu.memory_space<hbm>>
          %dma_wait3A_433 = arith.constant 0 : i32
          %dma_wait3A_434 = tpu.memref_slice %arg11[%dma_wait3A_433] : memref<600000xf32, #tpu.memory_space<hbm>> -> memref<1000xf32, #tpu.memory_space<hbm>>
          tpu.wait_dma2 semaphore(%arg42 : memref<!tpu.dma_semaphore, #tpu.memory_space<semaphore_mem>>) src(%arg33 : memref<1000xf32, #tpu.memory_space<vmem>>) dst(%dma_wait3A_434 : memref<1000xf32, #tpu.memory_space<hbm>>)
        } else {
        }
        %jit3A = arith.constant 50 : i32
        %div3A = arith.divsi %add3A_391, %jit3A : i32
        %sign3A = arith.constant 0 : i32
        %sign3A_401 = arith.cmpi sgt, %add3A_391, %sign3A : i32
        %sign3A_402 = arith.extui %sign3A_401 : i1 to i32
        %sign3A_403 = arith.constant 0 : i32
        %sign3A_404 = arith.cmpi slt, %add3A_391, %sign3A_403 : i32
        %sign3A_405 = arith.extui %sign3A_404 : i1 to i32
        %sign3A_406 = arith.subi %sign3A_402, %sign3A_405 : i32
        %sign3A_407 = arith.constant 0 : i32
        %sign3A_408 = arith.cmpi sgt, %jit3A, %sign3A_407 : i32
        %sign3A_409 = arith.extui %sign3A_408 : i1 to i32
        %sign3A_410 = arith.constant 0 : i32
        %sign3A_411 = arith.cmpi slt, %jit3A, %sign3A_410 : i32
        %sign3A_412 = arith.extui %sign3A_411 : i1 to i32
        %sign3A_413 = arith.subi %sign3A_409, %sign3A_412 : i32
        %ne3A = arith.cmpi ne, %sign3A_406, %sign3A_413 : i32
        %rem3A = arith.remsi %add3A_391, %jit3A : i32
        %ne3A_414 = arith.constant 0 : i32
        %ne3A_415 = arith.cmpi ne, %rem3A, %ne3A_414 : i32
        %and3A = arith.andi %ne3A, %ne3A_415 : i1
        %sub3A = arith.constant 1 : i32
        %sub3A_416 = arith.subi %div3A, %sub3A : i32
        %select_n3A = arith.select %and3A, %sub3A_416, %div3A : i32
        %mul3A_417 = arith.constant 50 : i32
        %mul3A_418 = arith.muli %select_n3A, %mul3A_417 : i32
        %sub3A_419 = arith.subi %add3A_391, %mul3A_418 : i32
        %mul3A_420 = arith.constant 50000 : i32
        %mul3A_421 = arith.muli %select_n3A, %mul3A_420 : i32
        %mul3A_422 = arith.constant 1000 : i32
        %mul3A_423 = arith.muli %sub3A_419, %mul3A_422 : i32
        %add3A_424 = arith.addi %mul3A_421, %mul3A_423 : i32
        "tpu.region"() ({
          %run_scoped3A = tpu.sem_alloc : memref<!tpu.dma_semaphore, #tpu.memory_space<semaphore_mem>>
          %dma_start3A_431 = tpu.memref_slice %arg6[%add3A_424] : memref<150000xf32, #tpu.memory_space<hbm>> -> memref<1000xf32, #tpu.memory_space<hbm>>
          %dma_start3A_432 = tpu.memref_slice %arg6[%add3A_424] : memref<150000xf32, #tpu.memory_space<hbm>> -> memref<1000xf32, #tpu.memory_space<hbm>>
          tpu.enqueue_dma source(%dma_start3A_432 : memref<1000xf32, #tpu.memory_space<hbm>>) target(%arg33 : memref<1000xf32, #tpu.memory_space<vmem>>) target_semaphore(%run_scoped3A : memref<!tpu.dma_semaphore, #tpu.memory_space<semaphore_mem>>)
          %dma_wait3A_433 = tpu.memref_slice %arg6[%add3A_424] : memref<150000xf32, #tpu.memory_space<hbm>> -> memref<1000xf32, #tpu.memory_space<hbm>>
          %dma_wait3A_434 = tpu.memref_slice %arg6[%add3A_424] : memref<150000xf32, #tpu.memory_space<hbm>> -> memref<1000xf32, #tpu.memory_space<hbm>>
          tpu.wait_dma2 semaphore(%run_scoped3A : memref<!tpu.dma_semaphore, #tpu.memory_space<semaphore_mem>>) src(%dma_wait3A_434 : memref<1000xf32, #tpu.memory_space<hbm>>) dst(%arg33 : memref<1000xf32, #tpu.memory_space<vmem>>)
          tpu.yield
        }) : () -> ()
        %mul3A_425 = arith.constant 200000 : i32
        %mul3A_426 = arith.muli %select_n3A, %mul3A_425 : i32
        %mul3A_427 = arith.constant 1000 : i32
        %mul3A_428 = arith.muli %sub3A_419, %mul3A_427 : i32
        %add3A_429 = arith.addi %mul3A_426, %mul3A_428 : i32
        %dma_start3A = tpu.memref_slice %arg11[%add3A_429] : memref<600000xf32, #tpu.memory_space<hbm>> -> memref<1000xf32, #tpu.memory_space<hbm>>
        %dma_start3A_430 = tpu.memref_slice %arg11[%add3A_429] : memref<600000xf32, #tpu.memory_space<hbm>> -> memref<1000xf32, #tpu.memory_space<hbm>>
        tpu.enqueue_dma source(%arg33 : memref<1000xf32, #tpu.memory_space<vmem>>) target(%dma_start3A_430 : memref<1000xf32, #tpu.memory_space<hbm>>) target_semaphore(%arg42 : memref<!tpu.dma_semaphore, #tpu.memory_space<semaphore_mem>>)
      } else {
      }
    }
    %scan3A_95 = arith.constant 5 : i32
    %dma_wait3A_96 = arith.constant 0 : i32
    %dma_wait3A_97 = tpu.memref_slice %arg11[%dma_wait3A_96] : memref<600000xf32, #tpu.memory_space<hbm>> -> memref<1000xf32, #tpu.memory_space<hbm>>
    %dma_wait3A_98 = arith.constant 0 : i32
    %dma_wait3A_99 = tpu.memref_slice %arg11[%dma_wait3A_98] : memref<600000xf32, #tpu.memory_space<hbm>> -> memref<1000xf32, #tpu.memory_space<hbm>>
    tpu.wait_dma2 semaphore(%arg42 : memref<!tpu.dma_semaphore, #tpu.memory_space<semaphore_mem>>) src(%arg33 : memref<1000xf32, #tpu.memory_space<vmem>>) dst(%dma_wait3A_99 : memref<1000xf32, #tpu.memory_space<hbm>>)
    %add3A_100 = arith.constant 0 : i32
    %add3A_101 = arith.addi %add3A, %add3A_100 : i32
    %lt3A_102 = arith.constant 50 : i32
    %lt3A_103 = arith.cmpi slt, %add3A_101, %lt3A_102 : i32
    %convert_element_type3A_104 = arith.extui %lt3A_103 : i1 to i32
    %cond3A_105 = arith.constant 0 : i32
    %cond3A_106 = arith.cmpi ne, %convert_element_type3A_104, %cond3A_105 : i32
    scf.if %cond3A_106 {
      %mul3A_388 = arith.constant 2000 : i32
      %mul3A_389 = arith.muli %add3A_101, %mul3A_388 : i32
      %add3A_390 = arith.constant 0 : i32
      %add3A_391 = arith.addi %add3A_390, %mul3A_389 : i32
      "tpu.region"() ({
        %run_scoped3A = tpu.sem_alloc : memref<!tpu.dma_semaphore, #tpu.memory_space<semaphore_mem>>
        %dma_start3A_395 = tpu.memref_slice %arg8[%add3A_391] : memref<300000xi32, #tpu.memory_space<hbm>> -> memref<2000xi32, #tpu.memory_space<hbm>>
        %dma_start3A_396 = tpu.memref_slice %arg8[%add3A_391] : memref<300000xi32, #tpu.memory_space<hbm>> -> memref<2000xi32, #tpu.memory_space<hbm>>
        tpu.enqueue_dma source(%dma_start3A_396 : memref<2000xi32, #tpu.memory_space<hbm>>) target(%arg34 : memref<2000xi32, #tpu.memory_space<vmem>>) target_semaphore(%run_scoped3A : memref<!tpu.dma_semaphore, #tpu.memory_space<semaphore_mem>>)
        %dma_wait3A_397 = tpu.memref_slice %arg8[%add3A_391] : memref<300000xi32, #tpu.memory_space<hbm>> -> memref<2000xi32, #tpu.memory_space<hbm>>
        %dma_wait3A_398 = tpu.memref_slice %arg8[%add3A_391] : memref<300000xi32, #tpu.memory_space<hbm>> -> memref<2000xi32, #tpu.memory_space<hbm>>
        tpu.wait_dma2 semaphore(%run_scoped3A : memref<!tpu.dma_semaphore, #tpu.memory_space<semaphore_mem>>) src(%dma_wait3A_398 : memref<2000xi32, #tpu.memory_space<hbm>>) dst(%arg34 : memref<2000xi32, #tpu.memory_space<vmem>>)
        tpu.yield
      }) : () -> ()
      %add3A_392 = arith.constant 0 : i32
      %add3A_393 = arith.addi %add3A_392, %mul3A_389 : i32
      %dma_start3A = tpu.memref_slice %arg12[%add3A_393] : memref<1200000xi32, #tpu.memory_space<hbm>> -> memref<2000xi32, #tpu.memory_space<hbm>>
      %dma_start3A_394 = tpu.memref_slice %arg12[%add3A_393] : memref<1200000xi32, #tpu.memory_space<hbm>> -> memref<2000xi32, #tpu.memory_space<hbm>>
      tpu.enqueue_dma source(%arg34 : memref<2000xi32, #tpu.memory_space<vmem>>) target(%dma_start3A_394 : memref<2000xi32, #tpu.memory_space<hbm>>) target_semaphore(%arg42 : memref<!tpu.dma_semaphore, #tpu.memory_space<semaphore_mem>>)
    } else {
    }
    %add3A_107 = arith.constant 32 : i32
    %add3A_108 = arith.addi %add3A, %add3A_107 : i32
    %lt3A_109 = arith.constant 50 : i32
    %lt3A_110 = arith.cmpi slt, %add3A_101, %lt3A_109 : i32
    %convert_element_type3A_111 = arith.extui %lt3A_110 : i1 to i32
    %cond3A_112 = arith.constant 0 : i32
    %cond3A_113 = arith.cmpi ne, %convert_element_type3A_111, %cond3A_112 : i32
    scf.if %cond3A_113 {
      %dma_wait3A_388 = arith.constant 0 : i32
      %dma_wait3A_389 = tpu.memref_slice %arg12[%dma_wait3A_388] : memref<1200000xi32, #tpu.memory_space<hbm>> -> memref<2000xi32, #tpu.memory_space<hbm>>
      %dma_wait3A_390 = arith.constant 0 : i32
      %dma_wait3A_391 = tpu.memref_slice %arg12[%dma_wait3A_390] : memref<1200000xi32, #tpu.memory_space<hbm>> -> memref<2000xi32, #tpu.memory_space<hbm>>
      tpu.wait_dma2 semaphore(%arg42 : memref<!tpu.dma_semaphore, #tpu.memory_space<semaphore_mem>>) src(%arg34 : memref<2000xi32, #tpu.memory_space<vmem>>) dst(%dma_wait3A_391 : memref<2000xi32, #tpu.memory_space<hbm>>)
    } else {
    }
    %lt3A_114 = arith.constant 50 : i32
    %lt3A_115 = arith.cmpi slt, %add3A_108, %lt3A_114 : i32
    %convert_element_type3A_116 = arith.extui %lt3A_115 : i1 to i32
    %cond3A_117 = arith.constant 0 : i32
    %cond3A_118 = arith.cmpi ne, %convert_element_type3A_116, %cond3A_117 : i32
    scf.if %cond3A_118 {
      %mul3A_388 = arith.constant 2000 : i32
      %mul3A_389 = arith.muli %add3A_108, %mul3A_388 : i32
      %add3A_390 = arith.constant 0 : i32
      %add3A_391 = arith.addi %add3A_390, %mul3A_389 : i32
      "tpu.region"() ({
        %run_scoped3A = tpu.sem_alloc : memref<!tpu.dma_semaphore, #tpu.memory_space<semaphore_mem>>
        %dma_start3A_395 = tpu.memref_slice %arg8[%add3A_391] : memref<300000xi32, #tpu.memory_space<hbm>> -> memref<2000xi32, #tpu.memory_space<hbm>>
        %dma_start3A_396 = tpu.memref_slice %arg8[%add3A_391] : memref<300000xi32, #tpu.memory_space<hbm>> -> memref<2000xi32, #tpu.memory_space<hbm>>
        tpu.enqueue_dma source(%dma_start3A_396 : memref<2000xi32, #tpu.memory_space<hbm>>) target(%arg34 : memref<2000xi32, #tpu.memory_space<vmem>>) target_semaphore(%run_scoped3A : memref<!tpu.dma_semaphore, #tpu.memory_space<semaphore_mem>>)
        %dma_wait3A_397 = tpu.memref_slice %arg8[%add3A_391] : memref<300000xi32, #tpu.memory_space<hbm>> -> memref<2000xi32, #tpu.memory_space<hbm>>
        %dma_wait3A_398 = tpu.memref_slice %arg8[%add3A_391] : memref<300000xi32, #tpu.memory_space<hbm>> -> memref<2000xi32, #tpu.memory_space<hbm>>
        tpu.wait_dma2 semaphore(%run_scoped3A : memref<!tpu.dma_semaphore, #tpu.memory_space<semaphore_mem>>) src(%dma_wait3A_398 : memref<2000xi32, #tpu.memory_space<hbm>>) dst(%arg34 : memref<2000xi32, #tpu.memory_space<vmem>>)
        tpu.yield
      }) : () -> ()
      %add3A_392 = arith.constant 0 : i32
      %add3A_393 = arith.addi %add3A_392, %mul3A_389 : i32
      %dma_start3A = tpu.memref_slice %arg12[%add3A_393] : memref<1200000xi32, #tpu.memory_space<hbm>> -> memref<2000xi32, #tpu.memory_space<hbm>>
      %dma_start3A_394 = tpu.memref_slice %arg12[%add3A_393] : memref<1200000xi32, #tpu.memory_space<hbm>> -> memref<2000xi32, #tpu.memory_space<hbm>>
      tpu.enqueue_dma source(%arg34 : memref<2000xi32, #tpu.memory_space<vmem>>) target(%dma_start3A_394 : memref<2000xi32, #tpu.memory_space<hbm>>) target_semaphore(%arg42 : memref<!tpu.dma_semaphore, #tpu.memory_space<semaphore_mem>>)
    } else {
    }
    %add3A_119 = arith.constant 0 : i32
    %add3A_120 = arith.addi %add3A, %add3A_119 : i32
    %lt3A_121 = arith.constant 50 : i32
    %lt3A_122 = arith.cmpi slt, %add3A_108, %lt3A_121 : i32
    %convert_element_type3A_123 = arith.extui %lt3A_122 : i1 to i32
    %cond3A_124 = arith.constant 0 : i32
    %cond3A_125 = arith.cmpi ne, %convert_element_type3A_123, %cond3A_124 : i32
    scf.if %cond3A_125 {
      %dma_wait3A_388 = arith.constant 0 : i32
      %dma_wait3A_389 = tpu.memref_slice %arg12[%dma_wait3A_388] : memref<1200000xi32, #tpu.memory_space<hbm>> -> memref<2000xi32, #tpu.memory_space<hbm>>
      %dma_wait3A_390 = arith.constant 0 : i32
      %dma_wait3A_391 = tpu.memref_slice %arg12[%dma_wait3A_390] : memref<1200000xi32, #tpu.memory_space<hbm>> -> memref<2000xi32, #tpu.memory_space<hbm>>
      tpu.wait_dma2 semaphore(%arg42 : memref<!tpu.dma_semaphore, #tpu.memory_space<semaphore_mem>>) src(%arg34 : memref<2000xi32, #tpu.memory_space<vmem>>) dst(%dma_wait3A_391 : memref<2000xi32, #tpu.memory_space<hbm>>)
    } else {
    }
    %lt3A_126 = arith.constant 50 : i32
    %lt3A_127 = arith.cmpi slt, %add3A_120, %lt3A_126 : i32
    %convert_element_type3A_128 = arith.extui %lt3A_127 : i1 to i32
    %cond3A_129 = arith.constant 0 : i32
    %cond3A_130 = arith.cmpi ne, %convert_element_type3A_128, %cond3A_129 : i32
    scf.if %cond3A_130 {
      %mul3A_388 = arith.constant 2000 : i32
      %mul3A_389 = arith.muli %add3A_120, %mul3A_388 : i32
      %add3A_390 = arith.constant 200000 : i32
      %add3A_391 = arith.addi %add3A_390, %mul3A_389 : i32
      "tpu.region"() ({
        %run_scoped3A = tpu.sem_alloc : memref<!tpu.dma_semaphore, #tpu.memory_space<semaphore_mem>>
        %dma_start3A_401 = tpu.memref_slice %arg9[%add3A_391] : memref<300000xi32, #tpu.memory_space<hbm>> -> memref<2000xi32, #tpu.memory_space<hbm>>
        %dma_start3A_402 = tpu.memref_slice %arg9[%add3A_391] : memref<300000xi32, #tpu.memory_space<hbm>> -> memref<2000xi32, #tpu.memory_space<hbm>>
        tpu.enqueue_dma source(%dma_start3A_402 : memref<2000xi32, #tpu.memory_space<hbm>>) target(%arg34 : memref<2000xi32, #tpu.memory_space<vmem>>) target_semaphore(%run_scoped3A : memref<!tpu.dma_semaphore, #tpu.memory_space<semaphore_mem>>)
        %dma_wait3A_403 = tpu.memref_slice %arg9[%add3A_391] : memref<300000xi32, #tpu.memory_space<hbm>> -> memref<2000xi32, #tpu.memory_space<hbm>>
        %dma_wait3A_404 = tpu.memref_slice %arg9[%add3A_391] : memref<300000xi32, #tpu.memory_space<hbm>> -> memref<2000xi32, #tpu.memory_space<hbm>>
        tpu.wait_dma2 semaphore(%run_scoped3A : memref<!tpu.dma_semaphore, #tpu.memory_space<semaphore_mem>>) src(%dma_wait3A_404 : memref<2000xi32, #tpu.memory_space<hbm>>) dst(%arg34 : memref<2000xi32, #tpu.memory_space<vmem>>)
        tpu.yield
      }) : () -> ()
      %scan3A_392 = arith.constant 0 : i32
      %scan3A_393 = arith.constant 0 : i32
      %scan3A_394 = arith.constant 125 : i32
      %scan3A_395 = arith.addi %scan3A_393, %scan3A_394 : i32
      %scan3A_396 = arith.constant 1 : i32
      scf.for %scan3A_401 = %scan3A_393 to %scan3A_395 step %scan3A_396  : i32 {
        %mul3A_402 = arith.constant 16 : i32
        %mul3A_403 = arith.muli %scan3A_401, %mul3A_402 : i32
        %get3A = arith.index_cast %mul3A_403 : i32 to index
        %get3A_404 = tpu.vector_load %arg34[%get3A] {strides = array<i32>} : memref<2000xi32, #tpu.memory_space<vmem>>, vector<16xi32>,
        %get3A_405 = vector.shape_cast %get3A_404 : vector<16xi32> to vector<16xi32>
        %add3A_406 = arith.constant 50000 : i32
        %add3A_407 = vector.broadcast %add3A_406 : i32 to vector<16xi32>
        %add3A_408 = arith.addi %get3A_405, %add3A_407 : vector<16xi32>
        %swap3A = arith.index_cast %mul3A_403 : i32 to index
        %swap3A_409 = tpu.vector_load %arg34[%swap3A] {strides = array<i32>} : memref<2000xi32, #tpu.memory_space<vmem>>, vector<16xi32>,
        %swap3A_410 = vector.shape_cast %swap3A_409 : vector<16xi32> to vector<16xi32>
        %swap3A_411 = vector.shape_cast %add3A_408 : vector<16xi32> to vector<16xi32>
        tpu.vector_store %arg34[%swap3A], %swap3A_411 {strides = array<i32>} : memref<2000xi32, #tpu.memory_space<vmem>>, vector<16xi32>,
      }
      %scan3A_397 = arith.constant 125 : i32
      %add3A_398 = arith.constant 400000 : i32
      %add3A_399 = arith.addi %add3A_398, %mul3A_389 : i32
      %dma_start3A = tpu.memref_slice %arg12[%add3A_399] : memref<1200000xi32, #tpu.memory_space<hbm>> -> memref<2000xi32, #tpu.memory_space<hbm>>
      %dma_start3A_400 = tpu.memref_slice %arg12[%add3A_399] : memref<1200000xi32, #tpu.memory_space<hbm>> -> memref<2000xi32, #tpu.memory_space<hbm>>
      tpu.enqueue_dma source(%arg34 : memref<2000xi32, #tpu.memory_space<vmem>>) target(%dma_start3A_400 : memref<2000xi32, #tpu.memory_space<hbm>>) target_semaphore(%arg42 : memref<!tpu.dma_semaphore, #tpu.memory_space<semaphore_mem>>)
    } else {
    }
    %add3A_131 = arith.constant 32 : i32
    %add3A_132 = arith.addi %add3A, %add3A_131 : i32
    %lt3A_133 = arith.constant 50 : i32
    %lt3A_134 = arith.cmpi slt, %add3A_120, %lt3A_133 : i32
    %convert_element_type3A_135 = arith.extui %lt3A_134 : i1 to i32
    %cond3A_136 = arith.constant 0 : i32
    %cond3A_137 = arith.cmpi ne, %convert_element_type3A_135, %cond3A_136 : i32
    scf.if %cond3A_137 {
      %dma_wait3A_388 = arith.constant 0 : i32
      %dma_wait3A_389 = tpu.memref_slice %arg12[%dma_wait3A_388] : memref<1200000xi32, #tpu.memory_space<hbm>> -> memref<2000xi32, #tpu.memory_space<hbm>>
      %dma_wait3A_390 = arith.constant 0 : i32
      %dma_wait3A_391 = tpu.memref_slice %arg12[%dma_wait3A_390] : memref<1200000xi32, #tpu.memory_space<hbm>> -> memref<2000xi32, #tpu.memory_space<hbm>>
      tpu.wait_dma2 semaphore(%arg42 : memref<!tpu.dma_semaphore, #tpu.memory_space<semaphore_mem>>) src(%arg34 : memref<2000xi32, #tpu.memory_space<vmem>>) dst(%dma_wait3A_391 : memref<2000xi32, #tpu.memory_space<hbm>>)
    } else {
    }
    %lt3A_138 = arith.constant 50 : i32
    %lt3A_139 = arith.cmpi slt, %add3A_132, %lt3A_138 : i32
    %convert_element_type3A_140 = arith.extui %lt3A_139 : i1 to i32
    %cond3A_141 = arith.constant 0 : i32
    %cond3A_142 = arith.cmpi ne, %convert_element_type3A_140, %cond3A_141 : i32
    scf.if %cond3A_142 {
      %mul3A_388 = arith.constant 2000 : i32
      %mul3A_389 = arith.muli %add3A_132, %mul3A_388 : i32
      %add3A_390 = arith.constant 200000 : i32
      %add3A_391 = arith.addi %add3A_390, %mul3A_389 : i32
      "tpu.region"() ({
        %run_scoped3A = tpu.sem_alloc : memref<!tpu.dma_semaphore, #tpu.memory_space<semaphore_mem>>
        %dma_start3A_401 = tpu.memref_slice %arg9[%add3A_391] : memref<300000xi32, #tpu.memory_space<hbm>> -> memref<2000xi32, #tpu.memory_space<hbm>>
        %dma_start3A_402 = tpu.memref_slice %arg9[%add3A_391] : memref<300000xi32, #tpu.memory_space<hbm>> -> memref<2000xi32, #tpu.memory_space<hbm>>
        tpu.enqueue_dma source(%dma_start3A_402 : memref<2000xi32, #tpu.memory_space<hbm>>) target(%arg34 : memref<2000xi32, #tpu.memory_space<vmem>>) target_semaphore(%run_scoped3A : memref<!tpu.dma_semaphore, #tpu.memory_space<semaphore_mem>>)
        %dma_wait3A_403 = tpu.memref_slice %arg9[%add3A_391] : memref<300000xi32, #tpu.memory_space<hbm>> -> memref<2000xi32, #tpu.memory_space<hbm>>
        %dma_wait3A_404 = tpu.memref_slice %arg9[%add3A_391] : memref<300000xi32, #tpu.memory_space<hbm>> -> memref<2000xi32, #tpu.memory_space<hbm>>
        tpu.wait_dma2 semaphore(%run_scoped3A : memref<!tpu.dma_semaphore, #tpu.memory_space<semaphore_mem>>) src(%dma_wait3A_404 : memref<2000xi32, #tpu.memory_space<hbm>>) dst(%arg34 : memref<2000xi32, #tpu.memory_space<vmem>>)
        tpu.yield
      }) : () -> ()
      %scan3A_392 = arith.constant 0 : i32
      %scan3A_393 = arith.constant 0 : i32
      %scan3A_394 = arith.constant 125 : i32
      %scan3A_395 = arith.addi %scan3A_393, %scan3A_394 : i32
      %scan3A_396 = arith.constant 1 : i32
      scf.for %scan3A_401 = %scan3A_393 to %scan3A_395 step %scan3A_396  : i32 {
        %mul3A_402 = arith.constant 16 : i32
        %mul3A_403 = arith.muli %scan3A_401, %mul3A_402 : i32
        %get3A = arith.index_cast %mul3A_403 : i32 to index
        %get3A_404 = tpu.vector_load %arg34[%get3A] {strides = array<i32>} : memref<2000xi32, #tpu.memory_space<vmem>>, vector<16xi32>,
        %get3A_405 = vector.shape_cast %get3A_404 : vector<16xi32> to vector<16xi32>
        %add3A_406 = arith.constant 50000 : i32
        %add3A_407 = vector.broadcast %add3A_406 : i32 to vector<16xi32>
        %add3A_408 = arith.addi %get3A_405, %add3A_407 : vector<16xi32>
        %swap3A = arith.index_cast %mul3A_403 : i32 to index
        %swap3A_409 = tpu.vector_load %arg34[%swap3A] {strides = array<i32>} : memref<2000xi32, #tpu.memory_space<vmem>>, vector<16xi32>,
        %swap3A_410 = vector.shape_cast %swap3A_409 : vector<16xi32> to vector<16xi32>
        %swap3A_411 = vector.shape_cast %add3A_408 : vector<16xi32> to vector<16xi32>
        tpu.vector_store %arg34[%swap3A], %swap3A_411 {strides = array<i32>} : memref<2000xi32, #tpu.memory_space<vmem>>, vector<16xi32>,
      }
      %scan3A_397 = arith.constant 125 : i32
      %add3A_398 = arith.constant 400000 : i32
      %add3A_399 = arith.addi %add3A_398, %mul3A_389 : i32
      %dma_start3A = tpu.memref_slice %arg12[%add3A_399] : memref<1200000xi32, #tpu.memory_space<hbm>> -> memref<2000xi32, #tpu.memory_space<hbm>>
      %dma_start3A_400 = tpu.memref_slice %arg12[%add3A_399] : memref<1200000xi32, #tpu.memory_space<hbm>> -> memref<2000xi32, #tpu.memory_space<hbm>>
      tpu.enqueue_dma source(%arg34 : memref<2000xi32, #tpu.memory_space<vmem>>) target(%dma_start3A_400 : memref<2000xi32, #tpu.memory_space<hbm>>) target_semaphore(%arg42 : memref<!tpu.dma_semaphore, #tpu.memory_space<semaphore_mem>>)
    } else {
    }
    %add3A_143 = arith.constant 0 : i32
    %add3A_144 = arith.addi %add3A, %add3A_143 : i32
    %lt3A_145 = arith.constant 50 : i32
    %lt3A_146 = arith.cmpi slt, %add3A_132, %lt3A_145 : i32
    %convert_element_type3A_147 = arith.extui %lt3A_146 : i1 to i32
    %cond3A_148 = arith.constant 0 : i32
    %cond3A_149 = arith.cmpi ne, %convert_element_type3A_147, %cond3A_148 : i32
    scf.if %cond3A_149 {
      %dma_wait3A_388 = arith.constant 0 : i32
      %dma_wait3A_389 = tpu.memref_slice %arg12[%dma_wait3A_388] : memref<1200000xi32, #tpu.memory_space<hbm>> -> memref<2000xi32, #tpu.memory_space<hbm>>
      %dma_wait3A_390 = arith.constant 0 : i32
      %dma_wait3A_391 = tpu.memref_slice %arg12[%dma_wait3A_390] : memref<1200000xi32, #tpu.memory_space<hbm>> -> memref<2000xi32, #tpu.memory_space<hbm>>
      tpu.wait_dma2 semaphore(%arg42 : memref<!tpu.dma_semaphore, #tpu.memory_space<semaphore_mem>>) src(%arg34 : memref<2000xi32, #tpu.memory_space<vmem>>) dst(%dma_wait3A_391 : memref<2000xi32, #tpu.memory_space<hbm>>)
    } else {
    }
    %lt3A_150 = arith.constant 50 : i32
    %lt3A_151 = arith.cmpi slt, %add3A_144, %lt3A_150 : i32
    %convert_element_type3A_152 = arith.extui %lt3A_151 : i1 to i32
    %cond3A_153 = arith.constant 0 : i32
    %cond3A_154 = arith.cmpi ne, %convert_element_type3A_152, %cond3A_153 : i32
    scf.if %cond3A_154 {
      %mul3A_388 = arith.constant 2000 : i32
      %mul3A_389 = arith.muli %add3A_144, %mul3A_388 : i32
      %add3A_390 = arith.constant 100000 : i32
      %add3A_391 = arith.addi %add3A_390, %mul3A_389 : i32
      "tpu.region"() ({
        %run_scoped3A = tpu.sem_alloc : memref<!tpu.dma_semaphore, #tpu.memory_space<semaphore_mem>>
        %dma_start3A_401 = tpu.memref_slice %arg9[%add3A_391] : memref<300000xi32, #tpu.memory_space<hbm>> -> memref<2000xi32, #tpu.memory_space<hbm>>
        %dma_start3A_402 = tpu.memref_slice %arg9[%add3A_391] : memref<300000xi32, #tpu.memory_space<hbm>> -> memref<2000xi32, #tpu.memory_space<hbm>>
        tpu.enqueue_dma source(%dma_start3A_402 : memref<2000xi32, #tpu.memory_space<hbm>>) target(%arg34 : memref<2000xi32, #tpu.memory_space<vmem>>) target_semaphore(%run_scoped3A : memref<!tpu.dma_semaphore, #tpu.memory_space<semaphore_mem>>)
        %dma_wait3A_403 = tpu.memref_slice %arg9[%add3A_391] : memref<300000xi32, #tpu.memory_space<hbm>> -> memref<2000xi32, #tpu.memory_space<hbm>>
        %dma_wait3A_404 = tpu.memref_slice %arg9[%add3A_391] : memref<300000xi32, #tpu.memory_space<hbm>> -> memref<2000xi32, #tpu.memory_space<hbm>>
        tpu.wait_dma2 semaphore(%run_scoped3A : memref<!tpu.dma_semaphore, #tpu.memory_space<semaphore_mem>>) src(%dma_wait3A_404 : memref<2000xi32, #tpu.memory_space<hbm>>) dst(%arg34 : memref<2000xi32, #tpu.memory_space<vmem>>)
        tpu.yield
      }) : () -> ()
      %scan3A_392 = arith.constant 0 : i32
      %scan3A_393 = arith.constant 0 : i32
      %scan3A_394 = arith.constant 125 : i32
      %scan3A_395 = arith.addi %scan3A_393, %scan3A_394 : i32
      %scan3A_396 = arith.constant 1 : i32
      scf.for %scan3A_401 = %scan3A_393 to %scan3A_395 step %scan3A_396  : i32 {
        %mul3A_402 = arith.constant 16 : i32
        %mul3A_403 = arith.muli %scan3A_401, %mul3A_402 : i32
        %get3A = arith.index_cast %mul3A_403 : i32 to index
        %get3A_404 = tpu.vector_load %arg34[%get3A] {strides = array<i32>} : memref<2000xi32, #tpu.memory_space<vmem>>, vector<16xi32>,
        %get3A_405 = vector.shape_cast %get3A_404 : vector<16xi32> to vector<16xi32>
        %add3A_406 = arith.constant 50000 : i32
        %add3A_407 = vector.broadcast %add3A_406 : i32 to vector<16xi32>
        %add3A_408 = arith.addi %get3A_405, %add3A_407 : vector<16xi32>
        %swap3A = arith.index_cast %mul3A_403 : i32 to index
        %swap3A_409 = tpu.vector_load %arg34[%swap3A] {strides = array<i32>} : memref<2000xi32, #tpu.memory_space<vmem>>, vector<16xi32>,
        %swap3A_410 = vector.shape_cast %swap3A_409 : vector<16xi32> to vector<16xi32>
        %swap3A_411 = vector.shape_cast %add3A_408 : vector<16xi32> to vector<16xi32>
        tpu.vector_store %arg34[%swap3A], %swap3A_411 {strides = array<i32>} : memref<2000xi32, #tpu.memory_space<vmem>>, vector<16xi32>,
      }
      %scan3A_397 = arith.constant 125 : i32
      %add3A_398 = arith.constant 800000 : i32
      %add3A_399 = arith.addi %add3A_398, %mul3A_389 : i32
      %dma_start3A = tpu.memref_slice %arg12[%add3A_399] : memref<1200000xi32, #tpu.memory_space<hbm>> -> memref<2000xi32, #tpu.memory_space<hbm>>
      %dma_start3A_400 = tpu.memref_slice %arg12[%add3A_399] : memref<1200000xi32, #tpu.memory_space<hbm>> -> memref<2000xi32, #tpu.memory_space<hbm>>
      tpu.enqueue_dma source(%arg34 : memref<2000xi32, #tpu.memory_space<vmem>>) target(%dma_start3A_400 : memref<2000xi32, #tpu.memory_space<hbm>>) target_semaphore(%arg42 : memref<!tpu.dma_semaphore, #tpu.memory_space<semaphore_mem>>)
    } else {
    }
    %add3A_155 = arith.constant 32 : i32
    %add3A_156 = arith.addi %add3A, %add3A_155 : i32
    %lt3A_157 = arith.constant 50 : i32
    %lt3A_158 = arith.cmpi slt, %add3A_144, %lt3A_157 : i32
    %convert_element_type3A_159 = arith.extui %lt3A_158 : i1 to i32
    %cond3A_160 = arith.constant 0 : i32
    %cond3A_161 = arith.cmpi ne, %convert_element_type3A_159, %cond3A_160 : i32
    scf.if %cond3A_161 {
      %dma_wait3A_388 = arith.constant 0 : i32
      %dma_wait3A_389 = tpu.memref_slice %arg12[%dma_wait3A_388] : memref<1200000xi32, #tpu.memory_space<hbm>> -> memref<2000xi32, #tpu.memory_space<hbm>>
      %dma_wait3A_390 = arith.constant 0 : i32
      %dma_wait3A_391 = tpu.memref_slice %arg12[%dma_wait3A_390] : memref<1200000xi32, #tpu.memory_space<hbm>> -> memref<2000xi32, #tpu.memory_space<hbm>>
      tpu.wait_dma2 semaphore(%arg42 : memref<!tpu.dma_semaphore, #tpu.memory_space<semaphore_mem>>) src(%arg34 : memref<2000xi32, #tpu.memory_space<vmem>>) dst(%dma_wait3A_391 : memref<2000xi32, #tpu.memory_space<hbm>>)
    } else {
    }
    %lt3A_162 = arith.constant 50 : i32
    %lt3A_163 = arith.cmpi slt, %add3A_156, %lt3A_162 : i32
    %convert_element_type3A_164 = arith.extui %lt3A_163 : i1 to i32
    %cond3A_165 = arith.constant 0 : i32
    %cond3A_166 = arith.cmpi ne, %convert_element_type3A_164, %cond3A_165 : i32
    scf.if %cond3A_166 {
      %mul3A_388 = arith.constant 2000 : i32
      %mul3A_389 = arith.muli %add3A_156, %mul3A_388 : i32
      %add3A_390 = arith.constant 100000 : i32
      %add3A_391 = arith.addi %add3A_390, %mul3A_389 : i32
      "tpu.region"() ({
        %run_scoped3A = tpu.sem_alloc : memref<!tpu.dma_semaphore, #tpu.memory_space<semaphore_mem>>
        %dma_start3A_401 = tpu.memref_slice %arg9[%add3A_391] : memref<300000xi32, #tpu.memory_space<hbm>> -> memref<2000xi32, #tpu.memory_space<hbm>>
        %dma_start3A_402 = tpu.memref_slice %arg9[%add3A_391] : memref<300000xi32, #tpu.memory_space<hbm>> -> memref<2000xi32, #tpu.memory_space<hbm>>
        tpu.enqueue_dma source(%dma_start3A_402 : memref<2000xi32, #tpu.memory_space<hbm>>) target(%arg34 : memref<2000xi32, #tpu.memory_space<vmem>>) target_semaphore(%run_scoped3A : memref<!tpu.dma_semaphore, #tpu.memory_space<semaphore_mem>>)
        %dma_wait3A_403 = tpu.memref_slice %arg9[%add3A_391] : memref<300000xi32, #tpu.memory_space<hbm>> -> memref<2000xi32, #tpu.memory_space<hbm>>
        %dma_wait3A_404 = tpu.memref_slice %arg9[%add3A_391] : memref<300000xi32, #tpu.memory_space<hbm>> -> memref<2000xi32, #tpu.memory_space<hbm>>
        tpu.wait_dma2 semaphore(%run_scoped3A : memref<!tpu.dma_semaphore, #tpu.memory_space<semaphore_mem>>) src(%dma_wait3A_404 : memref<2000xi32, #tpu.memory_space<hbm>>) dst(%arg34 : memref<2000xi32, #tpu.memory_space<vmem>>)
        tpu.yield
      }) : () -> ()
      %scan3A_392 = arith.constant 0 : i32
      %scan3A_393 = arith.constant 0 : i32
      %scan3A_394 = arith.constant 125 : i32
      %scan3A_395 = arith.addi %scan3A_393, %scan3A_394 : i32
      %scan3A_396 = arith.constant 1 : i32
      scf.for %scan3A_401 = %scan3A_393 to %scan3A_395 step %scan3A_396  : i32 {
        %mul3A_402 = arith.constant 16 : i32
        %mul3A_403 = arith.muli %scan3A_401, %mul3A_402 : i32
        %get3A = arith.index_cast %mul3A_403 : i32 to index
        %get3A_404 = tpu.vector_load %arg34[%get3A] {strides = array<i32>} : memref<2000xi32, #tpu.memory_space<vmem>>, vector<16xi32>,
        %get3A_405 = vector.shape_cast %get3A_404 : vector<16xi32> to vector<16xi32>
        %add3A_406 = arith.constant 50000 : i32
        %add3A_407 = vector.broadcast %add3A_406 : i32 to vector<16xi32>
        %add3A_408 = arith.addi %get3A_405, %add3A_407 : vector<16xi32>
        %swap3A = arith.index_cast %mul3A_403 : i32 to index
        %swap3A_409 = tpu.vector_load %arg34[%swap3A] {strides = array<i32>} : memref<2000xi32, #tpu.memory_space<vmem>>, vector<16xi32>,
        %swap3A_410 = vector.shape_cast %swap3A_409 : vector<16xi32> to vector<16xi32>
        %swap3A_411 = vector.shape_cast %add3A_408 : vector<16xi32> to vector<16xi32>
        tpu.vector_store %arg34[%swap3A], %swap3A_411 {strides = array<i32>} : memref<2000xi32, #tpu.memory_space<vmem>>, vector<16xi32>,
      }
      %scan3A_397 = arith.constant 125 : i32
      %add3A_398 = arith.constant 800000 : i32
      %add3A_399 = arith.addi %add3A_398, %mul3A_389 : i32
      %dma_start3A = tpu.memref_slice %arg12[%add3A_399] : memref<1200000xi32, #tpu.memory_space<hbm>> -> memref<2000xi32, #tpu.memory_space<hbm>>
      %dma_start3A_400 = tpu.memref_slice %arg12[%add3A_399] : memref<1200000xi32, #tpu.memory_space<hbm>> -> memref<2000xi32, #tpu.memory_space<hbm>>
      tpu.enqueue_dma source(%arg34 : memref<2000xi32, #tpu.memory_space<vmem>>) target(%dma_start3A_400 : memref<2000xi32, #tpu.memory_space<hbm>>) target_semaphore(%arg42 : memref<!tpu.dma_semaphore, #tpu.memory_space<semaphore_mem>>)
    } else {
    }
    %add3A_167 = arith.constant 0 : i32
    %add3A_168 = arith.addi %add3A, %add3A_167 : i32
    %lt3A_169 = arith.constant 50 : i32
    %lt3A_170 = arith.cmpi slt, %add3A_156, %lt3A_169 : i32
    %convert_element_type3A_171 = arith.extui %lt3A_170 : i1 to i32
    %cond3A_172 = arith.constant 0 : i32
    %cond3A_173 = arith.cmpi ne, %convert_element_type3A_171, %cond3A_172 : i32
    scf.if %cond3A_173 {
      %dma_wait3A_388 = arith.constant 0 : i32
      %dma_wait3A_389 = tpu.memref_slice %arg12[%dma_wait3A_388] : memref<1200000xi32, #tpu.memory_space<hbm>> -> memref<2000xi32, #tpu.memory_space<hbm>>
      %dma_wait3A_390 = arith.constant 0 : i32
      %dma_wait3A_391 = tpu.memref_slice %arg12[%dma_wait3A_390] : memref<1200000xi32, #tpu.memory_space<hbm>> -> memref<2000xi32, #tpu.memory_space<hbm>>
      tpu.wait_dma2 semaphore(%arg42 : memref<!tpu.dma_semaphore, #tpu.memory_space<semaphore_mem>>) src(%arg34 : memref<2000xi32, #tpu.memory_space<vmem>>) dst(%dma_wait3A_391 : memref<2000xi32, #tpu.memory_space<hbm>>)
    } else {
    }
    %lt3A_174 = arith.constant 50 : i32
    %lt3A_175 = arith.cmpi slt, %add3A_168, %lt3A_174 : i32
    %convert_element_type3A_176 = arith.extui %lt3A_175 : i1 to i32
    %cond3A_177 = arith.constant 0 : i32
    %cond3A_178 = arith.cmpi ne, %convert_element_type3A_176, %cond3A_177 : i32
    scf.if %cond3A_178 {
      %mul3A_388 = arith.constant 2000 : i32
      %mul3A_389 = arith.muli %add3A_168, %mul3A_388 : i32
      %add3A_390 = arith.constant 100000 : i32
      %add3A_391 = arith.addi %add3A_390, %mul3A_389 : i32
      "tpu.region"() ({
        %run_scoped3A = tpu.sem_alloc : memref<!tpu.dma_semaphore, #tpu.memory_space<semaphore_mem>>
        %dma_start3A_395 = tpu.memref_slice %arg8[%add3A_391] : memref<300000xi32, #tpu.memory_space<hbm>> -> memref<2000xi32, #tpu.memory_space<hbm>>
        %dma_start3A_396 = tpu.memref_slice %arg8[%add3A_391] : memref<300000xi32, #tpu.memory_space<hbm>> -> memref<2000xi32, #tpu.memory_space<hbm>>
        tpu.enqueue_dma source(%dma_start3A_396 : memref<2000xi32, #tpu.memory_space<hbm>>) target(%arg34 : memref<2000xi32, #tpu.memory_space<vmem>>) target_semaphore(%run_scoped3A : memref<!tpu.dma_semaphore, #tpu.memory_space<semaphore_mem>>)
        %dma_wait3A_397 = tpu.memref_slice %arg8[%add3A_391] : memref<300000xi32, #tpu.memory_space<hbm>> -> memref<2000xi32, #tpu.memory_space<hbm>>
        %dma_wait3A_398 = tpu.memref_slice %arg8[%add3A_391] : memref<300000xi32, #tpu.memory_space<hbm>> -> memref<2000xi32, #tpu.memory_space<hbm>>
        tpu.wait_dma2 semaphore(%run_scoped3A : memref<!tpu.dma_semaphore, #tpu.memory_space<semaphore_mem>>) src(%dma_wait3A_398 : memref<2000xi32, #tpu.memory_space<hbm>>) dst(%arg34 : memref<2000xi32, #tpu.memory_space<vmem>>)
        tpu.yield
      }) : () -> ()
      %add3A_392 = arith.constant 100000 : i32
      %add3A_393 = arith.addi %add3A_392, %mul3A_389 : i32
      %dma_start3A = tpu.memref_slice %arg12[%add3A_393] : memref<1200000xi32, #tpu.memory_space<hbm>> -> memref<2000xi32, #tpu.memory_space<hbm>>
      %dma_start3A_394 = tpu.memref_slice %arg12[%add3A_393] : memref<1200000xi32, #tpu.memory_space<hbm>> -> memref<2000xi32, #tpu.memory_space<hbm>>
      tpu.enqueue_dma source(%arg34 : memref<2000xi32, #tpu.memory_space<vmem>>) target(%dma_start3A_394 : memref<2000xi32, #tpu.memory_space<hbm>>) target_semaphore(%arg42 : memref<!tpu.dma_semaphore, #tpu.memory_space<semaphore_mem>>)
    } else {
    }
    %add3A_179 = arith.constant 32 : i32
    %add3A_180 = arith.addi %add3A, %add3A_179 : i32
    %lt3A_181 = arith.constant 50 : i32
    %lt3A_182 = arith.cmpi slt, %add3A_168, %lt3A_181 : i32
    %convert_element_type3A_183 = arith.extui %lt3A_182 : i1 to i32
    %cond3A_184 = arith.constant 0 : i32
    %cond3A_185 = arith.cmpi ne, %convert_element_type3A_183, %cond3A_184 : i32
    scf.if %cond3A_185 {
      %dma_wait3A_388 = arith.constant 0 : i32
      %dma_wait3A_389 = tpu.memref_slice %arg12[%dma_wait3A_388] : memref<1200000xi32, #tpu.memory_space<hbm>> -> memref<2000xi32, #tpu.memory_space<hbm>>
      %dma_wait3A_390 = arith.constant 0 : i32
      %dma_wait3A_391 = tpu.memref_slice %arg12[%dma_wait3A_390] : memref<1200000xi32, #tpu.memory_space<hbm>> -> memref<2000xi32, #tpu.memory_space<hbm>>
      tpu.wait_dma2 semaphore(%arg42 : memref<!tpu.dma_semaphore, #tpu.memory_space<semaphore_mem>>) src(%arg34 : memref<2000xi32, #tpu.memory_space<vmem>>) dst(%dma_wait3A_391 : memref<2000xi32, #tpu.memory_space<hbm>>)
    } else {
    }
    %lt3A_186 = arith.constant 50 : i32
    %lt3A_187 = arith.cmpi slt, %add3A_180, %lt3A_186 : i32
    %convert_element_type3A_188 = arith.extui %lt3A_187 : i1 to i32
    %cond3A_189 = arith.constant 0 : i32
    %cond3A_190 = arith.cmpi ne, %convert_element_type3A_188, %cond3A_189 : i32
    scf.if %cond3A_190 {
      %mul3A_388 = arith.constant 2000 : i32
      %mul3A_389 = arith.muli %add3A_180, %mul3A_388 : i32
      %add3A_390 = arith.constant 100000 : i32
      %add3A_391 = arith.addi %add3A_390, %mul3A_389 : i32
      "tpu.region"() ({
        %run_scoped3A = tpu.sem_alloc : memref<!tpu.dma_semaphore, #tpu.memory_space<semaphore_mem>>
        %dma_start3A_395 = tpu.memref_slice %arg8[%add3A_391] : memref<300000xi32, #tpu.memory_space<hbm>> -> memref<2000xi32, #tpu.memory_space<hbm>>
        %dma_start3A_396 = tpu.memref_slice %arg8[%add3A_391] : memref<300000xi32, #tpu.memory_space<hbm>> -> memref<2000xi32, #tpu.memory_space<hbm>>
        tpu.enqueue_dma source(%dma_start3A_396 : memref<2000xi32, #tpu.memory_space<hbm>>) target(%arg34 : memref<2000xi32, #tpu.memory_space<vmem>>) target_semaphore(%run_scoped3A : memref<!tpu.dma_semaphore, #tpu.memory_space<semaphore_mem>>)
        %dma_wait3A_397 = tpu.memref_slice %arg8[%add3A_391] : memref<300000xi32, #tpu.memory_space<hbm>> -> memref<2000xi32, #tpu.memory_space<hbm>>
        %dma_wait3A_398 = tpu.memref_slice %arg8[%add3A_391] : memref<300000xi32, #tpu.memory_space<hbm>> -> memref<2000xi32, #tpu.memory_space<hbm>>
        tpu.wait_dma2 semaphore(%run_scoped3A : memref<!tpu.dma_semaphore, #tpu.memory_space<semaphore_mem>>) src(%dma_wait3A_398 : memref<2000xi32, #tpu.memory_space<hbm>>) dst(%arg34 : memref<2000xi32, #tpu.memory_space<vmem>>)
        tpu.yield
      }) : () -> ()
      %add3A_392 = arith.constant 100000 : i32
      %add3A_393 = arith.addi %add3A_392, %mul3A_389 : i32
      %dma_start3A = tpu.memref_slice %arg12[%add3A_393] : memref<1200000xi32, #tpu.memory_space<hbm>> -> memref<2000xi32, #tpu.memory_space<hbm>>
      %dma_start3A_394 = tpu.memref_slice %arg12[%add3A_393] : memref<1200000xi32, #tpu.memory_space<hbm>> -> memref<2000xi32, #tpu.memory_space<hbm>>
      tpu.enqueue_dma source(%arg34 : memref<2000xi32, #tpu.memory_space<vmem>>) target(%dma_start3A_394 : memref<2000xi32, #tpu.memory_space<hbm>>) target_semaphore(%arg42 : memref<!tpu.dma_semaphore, #tpu.memory_space<semaphore_mem>>)
    } else {
    }
    %add3A_191 = arith.constant 0 : i32
    %add3A_192 = arith.addi %add3A, %add3A_191 : i32
    %lt3A_193 = arith.constant 50 : i32
    %lt3A_194 = arith.cmpi slt, %add3A_180, %lt3A_193 : i32
    %convert_element_type3A_195 = arith.extui %lt3A_194 : i1 to i32
    %cond3A_196 = arith.constant 0 : i32
    %cond3A_197 = arith.cmpi ne, %convert_element_type3A_195, %cond3A_196 : i32
    scf.if %cond3A_197 {
      %dma_wait3A_388 = arith.constant 0 : i32
      %dma_wait3A_389 = tpu.memref_slice %arg12[%dma_wait3A_388] : memref<1200000xi32, #tpu.memory_space<hbm>> -> memref<2000xi32, #tpu.memory_space<hbm>>
      %dma_wait3A_390 = arith.constant 0 : i32
      %dma_wait3A_391 = tpu.memref_slice %arg12[%dma_wait3A_390] : memref<1200000xi32, #tpu.memory_space<hbm>> -> memref<2000xi32, #tpu.memory_space<hbm>>
      tpu.wait_dma2 semaphore(%arg42 : memref<!tpu.dma_semaphore, #tpu.memory_space<semaphore_mem>>) src(%arg34 : memref<2000xi32, #tpu.memory_space<vmem>>) dst(%dma_wait3A_391 : memref<2000xi32, #tpu.memory_space<hbm>>)
    } else {
    }
    %lt3A_198 = arith.constant 50 : i32
    %lt3A_199 = arith.cmpi slt, %add3A_192, %lt3A_198 : i32
    %convert_element_type3A_200 = arith.extui %lt3A_199 : i1 to i32
    %cond3A_201 = arith.constant 0 : i32
    %cond3A_202 = arith.cmpi ne, %convert_element_type3A_200, %cond3A_201 : i32
    scf.if %cond3A_202 {
      %mul3A_388 = arith.constant 2000 : i32
      %mul3A_389 = arith.muli %add3A_192, %mul3A_388 : i32
      %add3A_390 = arith.constant 0 : i32
      %add3A_391 = arith.addi %add3A_390, %mul3A_389 : i32
      "tpu.region"() ({
        %run_scoped3A = tpu.sem_alloc : memref<!tpu.dma_semaphore, #tpu.memory_space<semaphore_mem>>
        %dma_start3A_401 = tpu.memref_slice %arg9[%add3A_391] : memref<300000xi32, #tpu.memory_space<hbm>> -> memref<2000xi32, #tpu.memory_space<hbm>>
        %dma_start3A_402 = tpu.memref_slice %arg9[%add3A_391] : memref<300000xi32, #tpu.memory_space<hbm>> -> memref<2000xi32, #tpu.memory_space<hbm>>
        tpu.enqueue_dma source(%dma_start3A_402 : memref<2000xi32, #tpu.memory_space<hbm>>) target(%arg34 : memref<2000xi32, #tpu.memory_space<vmem>>) target_semaphore(%run_scoped3A : memref<!tpu.dma_semaphore, #tpu.memory_space<semaphore_mem>>)
        %dma_wait3A_403 = tpu.memref_slice %arg9[%add3A_391] : memref<300000xi32, #tpu.memory_space<hbm>> -> memref<2000xi32, #tpu.memory_space<hbm>>
        %dma_wait3A_404 = tpu.memref_slice %arg9[%add3A_391] : memref<300000xi32, #tpu.memory_space<hbm>> -> memref<2000xi32, #tpu.memory_space<hbm>>
        tpu.wait_dma2 semaphore(%run_scoped3A : memref<!tpu.dma_semaphore, #tpu.memory_space<semaphore_mem>>) src(%dma_wait3A_404 : memref<2000xi32, #tpu.memory_space<hbm>>) dst(%arg34 : memref<2000xi32, #tpu.memory_space<vmem>>)
        tpu.yield
      }) : () -> ()
      %scan3A_392 = arith.constant 0 : i32
      %scan3A_393 = arith.constant 0 : i32
      %scan3A_394 = arith.constant 125 : i32
      %scan3A_395 = arith.addi %scan3A_393, %scan3A_394 : i32
      %scan3A_396 = arith.constant 1 : i32
      scf.for %scan3A_401 = %scan3A_393 to %scan3A_395 step %scan3A_396  : i32 {
        %mul3A_402 = arith.constant 16 : i32
        %mul3A_403 = arith.muli %scan3A_401, %mul3A_402 : i32
        %get3A = arith.index_cast %mul3A_403 : i32 to index
        %get3A_404 = tpu.vector_load %arg34[%get3A] {strides = array<i32>} : memref<2000xi32, #tpu.memory_space<vmem>>, vector<16xi32>,
        %get3A_405 = vector.shape_cast %get3A_404 : vector<16xi32> to vector<16xi32>
        %add3A_406 = arith.constant 50000 : i32
        %add3A_407 = vector.broadcast %add3A_406 : i32 to vector<16xi32>
        %add3A_408 = arith.addi %get3A_405, %add3A_407 : vector<16xi32>
        %swap3A = arith.index_cast %mul3A_403 : i32 to index
        %swap3A_409 = tpu.vector_load %arg34[%swap3A] {strides = array<i32>} : memref<2000xi32, #tpu.memory_space<vmem>>, vector<16xi32>,
        %swap3A_410 = vector.shape_cast %swap3A_409 : vector<16xi32> to vector<16xi32>
        %swap3A_411 = vector.shape_cast %add3A_408 : vector<16xi32> to vector<16xi32>
        tpu.vector_store %arg34[%swap3A], %swap3A_411 {strides = array<i32>} : memref<2000xi32, #tpu.memory_space<vmem>>, vector<16xi32>,
      }
      %scan3A_397 = arith.constant 125 : i32
      %add3A_398 = arith.constant 500000 : i32
      %add3A_399 = arith.addi %add3A_398, %mul3A_389 : i32
      %dma_start3A = tpu.memref_slice %arg12[%add3A_399] : memref<1200000xi32, #tpu.memory_space<hbm>> -> memref<2000xi32, #tpu.memory_space<hbm>>
      %dma_start3A_400 = tpu.memref_slice %arg12[%add3A_399] : memref<1200000xi32, #tpu.memory_space<hbm>> -> memref<2000xi32, #tpu.memory_space<hbm>>
      tpu.enqueue_dma source(%arg34 : memref<2000xi32, #tpu.memory_space<vmem>>) target(%dma_start3A_400 : memref<2000xi32, #tpu.memory_space<hbm>>) target_semaphore(%arg42 : memref<!tpu.dma_semaphore, #tpu.memory_space<semaphore_mem>>)
    } else {
    }
    %add3A_203 = arith.constant 32 : i32
    %add3A_204 = arith.addi %add3A, %add3A_203 : i32
    %lt3A_205 = arith.constant 50 : i32
    %lt3A_206 = arith.cmpi slt, %add3A_192, %lt3A_205 : i32
    %convert_element_type3A_207 = arith.extui %lt3A_206 : i1 to i32
    %cond3A_208 = arith.constant 0 : i32
    %cond3A_209 = arith.cmpi ne, %convert_element_type3A_207, %cond3A_208 : i32
    scf.if %cond3A_209 {
      %dma_wait3A_388 = arith.constant 0 : i32
      %dma_wait3A_389 = tpu.memref_slice %arg12[%dma_wait3A_388] : memref<1200000xi32, #tpu.memory_space<hbm>> -> memref<2000xi32, #tpu.memory_space<hbm>>
      %dma_wait3A_390 = arith.constant 0 : i32
      %dma_wait3A_391 = tpu.memref_slice %arg12[%dma_wait3A_390] : memref<1200000xi32, #tpu.memory_space<hbm>> -> memref<2000xi32, #tpu.memory_space<hbm>>
      tpu.wait_dma2 semaphore(%arg42 : memref<!tpu.dma_semaphore, #tpu.memory_space<semaphore_mem>>) src(%arg34 : memref<2000xi32, #tpu.memory_space<vmem>>) dst(%dma_wait3A_391 : memref<2000xi32, #tpu.memory_space<hbm>>)
    } else {
    }
    %lt3A_210 = arith.constant 50 : i32
    %lt3A_211 = arith.cmpi slt, %add3A_204, %lt3A_210 : i32
    %convert_element_type3A_212 = arith.extui %lt3A_211 : i1 to i32
    %cond3A_213 = arith.constant 0 : i32
    %cond3A_214 = arith.cmpi ne, %convert_element_type3A_212, %cond3A_213 : i32
    scf.if %cond3A_214 {
      %mul3A_388 = arith.constant 2000 : i32
      %mul3A_389 = arith.muli %add3A_204, %mul3A_388 : i32
      %add3A_390 = arith.constant 0 : i32
      %add3A_391 = arith.addi %add3A_390, %mul3A_389 : i32
      "tpu.region"() ({
        %run_scoped3A = tpu.sem_alloc : memref<!tpu.dma_semaphore, #tpu.memory_space<semaphore_mem>>
        %dma_start3A_401 = tpu.memref_slice %arg9[%add3A_391] : memref<300000xi32, #tpu.memory_space<hbm>> -> memref<2000xi32, #tpu.memory_space<hbm>>
        %dma_start3A_402 = tpu.memref_slice %arg9[%add3A_391] : memref<300000xi32, #tpu.memory_space<hbm>> -> memref<2000xi32, #tpu.memory_space<hbm>>
        tpu.enqueue_dma source(%dma_start3A_402 : memref<2000xi32, #tpu.memory_space<hbm>>) target(%arg34 : memref<2000xi32, #tpu.memory_space<vmem>>) target_semaphore(%run_scoped3A : memref<!tpu.dma_semaphore, #tpu.memory_space<semaphore_mem>>)
        %dma_wait3A_403 = tpu.memref_slice %arg9[%add3A_391] : memref<300000xi32, #tpu.memory_space<hbm>> -> memref<2000xi32, #tpu.memory_space<hbm>>
        %dma_wait3A_404 = tpu.memref_slice %arg9[%add3A_391] : memref<300000xi32, #tpu.memory_space<hbm>> -> memref<2000xi32, #tpu.memory_space<hbm>>
        tpu.wait_dma2 semaphore(%run_scoped3A : memref<!tpu.dma_semaphore, #tpu.memory_space<semaphore_mem>>) src(%dma_wait3A_404 : memref<2000xi32, #tpu.memory_space<hbm>>) dst(%arg34 : memref<2000xi32, #tpu.memory_space<vmem>>)
        tpu.yield
      }) : () -> ()
      %scan3A_392 = arith.constant 0 : i32
      %scan3A_393 = arith.constant 0 : i32
      %scan3A_394 = arith.constant 125 : i32
      %scan3A_395 = arith.addi %scan3A_393, %scan3A_394 : i32
      %scan3A_396 = arith.constant 1 : i32
      scf.for %scan3A_401 = %scan3A_393 to %scan3A_395 step %scan3A_396  : i32 {
        %mul3A_402 = arith.constant 16 : i32
        %mul3A_403 = arith.muli %scan3A_401, %mul3A_402 : i32
        %get3A = arith.index_cast %mul3A_403 : i32 to index
        %get3A_404 = tpu.vector_load %arg34[%get3A] {strides = array<i32>} : memref<2000xi32, #tpu.memory_space<vmem>>, vector<16xi32>,
        %get3A_405 = vector.shape_cast %get3A_404 : vector<16xi32> to vector<16xi32>
        %add3A_406 = arith.constant 50000 : i32
        %add3A_407 = vector.broadcast %add3A_406 : i32 to vector<16xi32>
        %add3A_408 = arith.addi %get3A_405, %add3A_407 : vector<16xi32>
        %swap3A = arith.index_cast %mul3A_403 : i32 to index
        %swap3A_409 = tpu.vector_load %arg34[%swap3A] {strides = array<i32>} : memref<2000xi32, #tpu.memory_space<vmem>>, vector<16xi32>,
        %swap3A_410 = vector.shape_cast %swap3A_409 : vector<16xi32> to vector<16xi32>
        %swap3A_411 = vector.shape_cast %add3A_408 : vector<16xi32> to vector<16xi32>
        tpu.vector_store %arg34[%swap3A], %swap3A_411 {strides = array<i32>} : memref<2000xi32, #tpu.memory_space<vmem>>, vector<16xi32>,
      }
      %scan3A_397 = arith.constant 125 : i32
      %add3A_398 = arith.constant 500000 : i32
      %add3A_399 = arith.addi %add3A_398, %mul3A_389 : i32
      %dma_start3A = tpu.memref_slice %arg12[%add3A_399] : memref<1200000xi32, #tpu.memory_space<hbm>> -> memref<2000xi32, #tpu.memory_space<hbm>>
      %dma_start3A_400 = tpu.memref_slice %arg12[%add3A_399] : memref<1200000xi32, #tpu.memory_space<hbm>> -> memref<2000xi32, #tpu.memory_space<hbm>>
      tpu.enqueue_dma source(%arg34 : memref<2000xi32, #tpu.memory_space<vmem>>) target(%dma_start3A_400 : memref<2000xi32, #tpu.memory_space<hbm>>) target_semaphore(%arg42 : memref<!tpu.dma_semaphore, #tpu.memory_space<semaphore_mem>>)
    } else {
    }
    %add3A_215 = arith.constant 0 : i32
    %add3A_216 = arith.addi %add3A, %add3A_215 : i32
    %lt3A_217 = arith.constant 50 : i32
    %lt3A_218 = arith.cmpi slt, %add3A_204, %lt3A_217 : i32
    %convert_element_type3A_219 = arith.extui %lt3A_218 : i1 to i32
    %cond3A_220 = arith.constant 0 : i32
    %cond3A_221 = arith.cmpi ne, %convert_element_type3A_219, %cond3A_220 : i32
    scf.if %cond3A_221 {
      %dma_wait3A_388 = arith.constant 0 : i32
      %dma_wait3A_389 = tpu.memref_slice %arg12[%dma_wait3A_388] : memref<1200000xi32, #tpu.memory_space<hbm>> -> memref<2000xi32, #tpu.memory_space<hbm>>
      %dma_wait3A_390 = arith.constant 0 : i32
      %dma_wait3A_391 = tpu.memref_slice %arg12[%dma_wait3A_390] : memref<1200000xi32, #tpu.memory_space<hbm>> -> memref<2000xi32, #tpu.memory_space<hbm>>
      tpu.wait_dma2 semaphore(%arg42 : memref<!tpu.dma_semaphore, #tpu.memory_space<semaphore_mem>>) src(%arg34 : memref<2000xi32, #tpu.memory_space<vmem>>) dst(%dma_wait3A_391 : memref<2000xi32, #tpu.memory_space<hbm>>)
    } else {
    }
    %lt3A_222 = arith.constant 50 : i32
    %lt3A_223 = arith.cmpi slt, %add3A_216, %lt3A_222 : i32
    %convert_element_type3A_224 = arith.extui %lt3A_223 : i1 to i32
    %cond3A_225 = arith.constant 0 : i32
    %cond3A_226 = arith.cmpi ne, %convert_element_type3A_224, %cond3A_225 : i32
    scf.if %cond3A_226 {
      %mul3A_388 = arith.constant 2000 : i32
      %mul3A_389 = arith.muli %add3A_216, %mul3A_388 : i32
      %add3A_390 = arith.constant 200000 : i32
      %add3A_391 = arith.addi %add3A_390, %mul3A_389 : i32
      "tpu.region"() ({
        %run_scoped3A = tpu.sem_alloc : memref<!tpu.dma_semaphore, #tpu.memory_space<semaphore_mem>>
        %dma_start3A_401 = tpu.memref_slice %arg9[%add3A_391] : memref<300000xi32, #tpu.memory_space<hbm>> -> memref<2000xi32, #tpu.memory_space<hbm>>
        %dma_start3A_402 = tpu.memref_slice %arg9[%add3A_391] : memref<300000xi32, #tpu.memory_space<hbm>> -> memref<2000xi32, #tpu.memory_space<hbm>>
        tpu.enqueue_dma source(%dma_start3A_402 : memref<2000xi32, #tpu.memory_space<hbm>>) target(%arg34 : memref<2000xi32, #tpu.memory_space<vmem>>) target_semaphore(%run_scoped3A : memref<!tpu.dma_semaphore, #tpu.memory_space<semaphore_mem>>)
        %dma_wait3A_403 = tpu.memref_slice %arg9[%add3A_391] : memref<300000xi32, #tpu.memory_space<hbm>> -> memref<2000xi32, #tpu.memory_space<hbm>>
        %dma_wait3A_404 = tpu.memref_slice %arg9[%add3A_391] : memref<300000xi32, #tpu.memory_space<hbm>> -> memref<2000xi32, #tpu.memory_space<hbm>>
        tpu.wait_dma2 semaphore(%run_scoped3A : memref<!tpu.dma_semaphore, #tpu.memory_space<semaphore_mem>>) src(%dma_wait3A_404 : memref<2000xi32, #tpu.memory_space<hbm>>) dst(%arg34 : memref<2000xi32, #tpu.memory_space<vmem>>)
        tpu.yield
      }) : () -> ()
      %scan3A_392 = arith.constant 0 : i32
      %scan3A_393 = arith.constant 0 : i32
      %scan3A_394 = arith.constant 125 : i32
      %scan3A_395 = arith.addi %scan3A_393, %scan3A_394 : i32
      %scan3A_396 = arith.constant 1 : i32
      scf.for %scan3A_401 = %scan3A_393 to %scan3A_395 step %scan3A_396  : i32 {
        %mul3A_402 = arith.constant 16 : i32
        %mul3A_403 = arith.muli %scan3A_401, %mul3A_402 : i32
        %get3A = arith.index_cast %mul3A_403 : i32 to index
        %get3A_404 = tpu.vector_load %arg34[%get3A] {strides = array<i32>} : memref<2000xi32, #tpu.memory_space<vmem>>, vector<16xi32>,
        %get3A_405 = vector.shape_cast %get3A_404 : vector<16xi32> to vector<16xi32>
        %add3A_406 = arith.constant 50000 : i32
        %add3A_407 = vector.broadcast %add3A_406 : i32 to vector<16xi32>
        %add3A_408 = arith.addi %get3A_405, %add3A_407 : vector<16xi32>
        %swap3A = arith.index_cast %mul3A_403 : i32 to index
        %swap3A_409 = tpu.vector_load %arg34[%swap3A] {strides = array<i32>} : memref<2000xi32, #tpu.memory_space<vmem>>, vector<16xi32>,
        %swap3A_410 = vector.shape_cast %swap3A_409 : vector<16xi32> to vector<16xi32>
        %swap3A_411 = vector.shape_cast %add3A_408 : vector<16xi32> to vector<16xi32>
        tpu.vector_store %arg34[%swap3A], %swap3A_411 {strides = array<i32>} : memref<2000xi32, #tpu.memory_space<vmem>>, vector<16xi32>,
      }
      %scan3A_397 = arith.constant 125 : i32
      %add3A_398 = arith.constant 900000 : i32
      %add3A_399 = arith.addi %add3A_398, %mul3A_389 : i32
      %dma_start3A = tpu.memref_slice %arg12[%add3A_399] : memref<1200000xi32, #tpu.memory_space<hbm>> -> memref<2000xi32, #tpu.memory_space<hbm>>
      %dma_start3A_400 = tpu.memref_slice %arg12[%add3A_399] : memref<1200000xi32, #tpu.memory_space<hbm>> -> memref<2000xi32, #tpu.memory_space<hbm>>
      tpu.enqueue_dma source(%arg34 : memref<2000xi32, #tpu.memory_space<vmem>>) target(%dma_start3A_400 : memref<2000xi32, #tpu.memory_space<hbm>>) target_semaphore(%arg42 : memref<!tpu.dma_semaphore, #tpu.memory_space<semaphore_mem>>)
    } else {
    }
    %add3A_227 = arith.constant 32 : i32
    %add3A_228 = arith.addi %add3A, %add3A_227 : i32
    %lt3A_229 = arith.constant 50 : i32
    %lt3A_230 = arith.cmpi slt, %add3A_216, %lt3A_229 : i32
    %convert_element_type3A_231 = arith.extui %lt3A_230 : i1 to i32
    %cond3A_232 = arith.constant 0 : i32
    %cond3A_233 = arith.cmpi ne, %convert_element_type3A_231, %cond3A_232 : i32
    scf.if %cond3A_233 {
      %dma_wait3A_388 = arith.constant 0 : i32
      %dma_wait3A_389 = tpu.memref_slice %arg12[%dma_wait3A_388] : memref<1200000xi32, #tpu.memory_space<hbm>> -> memref<2000xi32, #tpu.memory_space<hbm>>
      %dma_wait3A_390 = arith.constant 0 : i32
      %dma_wait3A_391 = tpu.memref_slice %arg12[%dma_wait3A_390] : memref<1200000xi32, #tpu.memory_space<hbm>> -> memref<2000xi32, #tpu.memory_space<hbm>>
      tpu.wait_dma2 semaphore(%arg42 : memref<!tpu.dma_semaphore, #tpu.memory_space<semaphore_mem>>) src(%arg34 : memref<2000xi32, #tpu.memory_space<vmem>>) dst(%dma_wait3A_391 : memref<2000xi32, #tpu.memory_space<hbm>>)
    } else {
    }
    %lt3A_234 = arith.constant 50 : i32
    %lt3A_235 = arith.cmpi slt, %add3A_228, %lt3A_234 : i32
    %convert_element_type3A_236 = arith.extui %lt3A_235 : i1 to i32
    %cond3A_237 = arith.constant 0 : i32
    %cond3A_238 = arith.cmpi ne, %convert_element_type3A_236, %cond3A_237 : i32
    scf.if %cond3A_238 {
      %mul3A_388 = arith.constant 2000 : i32
      %mul3A_389 = arith.muli %add3A_228, %mul3A_388 : i32
      %add3A_390 = arith.constant 200000 : i32
      %add3A_391 = arith.addi %add3A_390, %mul3A_389 : i32
      "tpu.region"() ({
        %run_scoped3A = tpu.sem_alloc : memref<!tpu.dma_semaphore, #tpu.memory_space<semaphore_mem>>
        %dma_start3A_401 = tpu.memref_slice %arg9[%add3A_391] : memref<300000xi32, #tpu.memory_space<hbm>> -> memref<2000xi32, #tpu.memory_space<hbm>>
        %dma_start3A_402 = tpu.memref_slice %arg9[%add3A_391] : memref<300000xi32, #tpu.memory_space<hbm>> -> memref<2000xi32, #tpu.memory_space<hbm>>
        tpu.enqueue_dma source(%dma_start3A_402 : memref<2000xi32, #tpu.memory_space<hbm>>) target(%arg34 : memref<2000xi32, #tpu.memory_space<vmem>>) target_semaphore(%run_scoped3A : memref<!tpu.dma_semaphore, #tpu.memory_space<semaphore_mem>>)
        %dma_wait3A_403 = tpu.memref_slice %arg9[%add3A_391] : memref<300000xi32, #tpu.memory_space<hbm>> -> memref<2000xi32, #tpu.memory_space<hbm>>
        %dma_wait3A_404 = tpu.memref_slice %arg9[%add3A_391] : memref<300000xi32, #tpu.memory_space<hbm>> -> memref<2000xi32, #tpu.memory_space<hbm>>
        tpu.wait_dma2 semaphore(%run_scoped3A : memref<!tpu.dma_semaphore, #tpu.memory_space<semaphore_mem>>) src(%dma_wait3A_404 : memref<2000xi32, #tpu.memory_space<hbm>>) dst(%arg34 : memref<2000xi32, #tpu.memory_space<vmem>>)
        tpu.yield
      }) : () -> ()
      %scan3A_392 = arith.constant 0 : i32
      %scan3A_393 = arith.constant 0 : i32
      %scan3A_394 = arith.constant 125 : i32
      %scan3A_395 = arith.addi %scan3A_393, %scan3A_394 : i32
      %scan3A_396 = arith.constant 1 : i32
      scf.for %scan3A_401 = %scan3A_393 to %scan3A_395 step %scan3A_396  : i32 {
        %mul3A_402 = arith.constant 16 : i32
        %mul3A_403 = arith.muli %scan3A_401, %mul3A_402 : i32
        %get3A = arith.index_cast %mul3A_403 : i32 to index
        %get3A_404 = tpu.vector_load %arg34[%get3A] {strides = array<i32>} : memref<2000xi32, #tpu.memory_space<vmem>>, vector<16xi32>,
        %get3A_405 = vector.shape_cast %get3A_404 : vector<16xi32> to vector<16xi32>
        %add3A_406 = arith.constant 50000 : i32
        %add3A_407 = vector.broadcast %add3A_406 : i32 to vector<16xi32>
        %add3A_408 = arith.addi %get3A_405, %add3A_407 : vector<16xi32>
        %swap3A = arith.index_cast %mul3A_403 : i32 to index
        %swap3A_409 = tpu.vector_load %arg34[%swap3A] {strides = array<i32>} : memref<2000xi32, #tpu.memory_space<vmem>>, vector<16xi32>,
        %swap3A_410 = vector.shape_cast %swap3A_409 : vector<16xi32> to vector<16xi32>
        %swap3A_411 = vector.shape_cast %add3A_408 : vector<16xi32> to vector<16xi32>
        tpu.vector_store %arg34[%swap3A], %swap3A_411 {strides = array<i32>} : memref<2000xi32, #tpu.memory_space<vmem>>, vector<16xi32>,
      }
      %scan3A_397 = arith.constant 125 : i32
      %add3A_398 = arith.constant 900000 : i32
      %add3A_399 = arith.addi %add3A_398, %mul3A_389 : i32
      %dma_start3A = tpu.memref_slice %arg12[%add3A_399] : memref<1200000xi32, #tpu.memory_space<hbm>> -> memref<2000xi32, #tpu.memory_space<hbm>>
      %dma_start3A_400 = tpu.memref_slice %arg12[%add3A_399] : memref<1200000xi32, #tpu.memory_space<hbm>> -> memref<2000xi32, #tpu.memory_space<hbm>>
      tpu.enqueue_dma source(%arg34 : memref<2000xi32, #tpu.memory_space<vmem>>) target(%dma_start3A_400 : memref<2000xi32, #tpu.memory_space<hbm>>) target_semaphore(%arg42 : memref<!tpu.dma_semaphore, #tpu.memory_space<semaphore_mem>>)
    } else {
    }
    %add3A_239 = arith.constant 0 : i32
    %add3A_240 = arith.addi %add3A, %add3A_239 : i32
    %lt3A_241 = arith.constant 50 : i32
    %lt3A_242 = arith.cmpi slt, %add3A_228, %lt3A_241 : i32
    %convert_element_type3A_243 = arith.extui %lt3A_242 : i1 to i32
    %cond3A_244 = arith.constant 0 : i32
    %cond3A_245 = arith.cmpi ne, %convert_element_type3A_243, %cond3A_244 : i32
    scf.if %cond3A_245 {
      %dma_wait3A_388 = arith.constant 0 : i32
      %dma_wait3A_389 = tpu.memref_slice %arg12[%dma_wait3A_388] : memref<1200000xi32, #tpu.memory_space<hbm>> -> memref<2000xi32, #tpu.memory_space<hbm>>
      %dma_wait3A_390 = arith.constant 0 : i32
      %dma_wait3A_391 = tpu.memref_slice %arg12[%dma_wait3A_390] : memref<1200000xi32, #tpu.memory_space<hbm>> -> memref<2000xi32, #tpu.memory_space<hbm>>
      tpu.wait_dma2 semaphore(%arg42 : memref<!tpu.dma_semaphore, #tpu.memory_space<semaphore_mem>>) src(%arg34 : memref<2000xi32, #tpu.memory_space<vmem>>) dst(%dma_wait3A_391 : memref<2000xi32, #tpu.memory_space<hbm>>)
    } else {
    }
    %lt3A_246 = arith.constant 50 : i32
    %lt3A_247 = arith.cmpi slt, %add3A_240, %lt3A_246 : i32
    %convert_element_type3A_248 = arith.extui %lt3A_247 : i1 to i32
    %cond3A_249 = arith.constant 0 : i32
    %cond3A_250 = arith.cmpi ne, %convert_element_type3A_248, %cond3A_249 : i32
    scf.if %cond3A_250 {
      %mul3A_388 = arith.constant 2000 : i32
      %mul3A_389 = arith.muli %add3A_240, %mul3A_388 : i32
      %add3A_390 = arith.constant 200000 : i32
      %add3A_391 = arith.addi %add3A_390, %mul3A_389 : i32
      "tpu.region"() ({
        %run_scoped3A = tpu.sem_alloc : memref<!tpu.dma_semaphore, #tpu.memory_space<semaphore_mem>>
        %dma_start3A_395 = tpu.memref_slice %arg8[%add3A_391] : memref<300000xi32, #tpu.memory_space<hbm>> -> memref<2000xi32, #tpu.memory_space<hbm>>
        %dma_start3A_396 = tpu.memref_slice %arg8[%add3A_391] : memref<300000xi32, #tpu.memory_space<hbm>> -> memref<2000xi32, #tpu.memory_space<hbm>>
        tpu.enqueue_dma source(%dma_start3A_396 : memref<2000xi32, #tpu.memory_space<hbm>>) target(%arg34 : memref<2000xi32, #tpu.memory_space<vmem>>) target_semaphore(%run_scoped3A : memref<!tpu.dma_semaphore, #tpu.memory_space<semaphore_mem>>)
        %dma_wait3A_397 = tpu.memref_slice %arg8[%add3A_391] : memref<300000xi32, #tpu.memory_space<hbm>> -> memref<2000xi32, #tpu.memory_space<hbm>>
        %dma_wait3A_398 = tpu.memref_slice %arg8[%add3A_391] : memref<300000xi32, #tpu.memory_space<hbm>> -> memref<2000xi32, #tpu.memory_space<hbm>>
        tpu.wait_dma2 semaphore(%run_scoped3A : memref<!tpu.dma_semaphore, #tpu.memory_space<semaphore_mem>>) src(%dma_wait3A_398 : memref<2000xi32, #tpu.memory_space<hbm>>) dst(%arg34 : memref<2000xi32, #tpu.memory_space<vmem>>)
        tpu.yield
      }) : () -> ()
      %add3A_392 = arith.constant 200000 : i32
      %add3A_393 = arith.addi %add3A_392, %mul3A_389 : i32
      %dma_start3A = tpu.memref_slice %arg12[%add3A_393] : memref<1200000xi32, #tpu.memory_space<hbm>> -> memref<2000xi32, #tpu.memory_space<hbm>>
      %dma_start3A_394 = tpu.memref_slice %arg12[%add3A_393] : memref<1200000xi32, #tpu.memory_space<hbm>> -> memref<2000xi32, #tpu.memory_space<hbm>>
      tpu.enqueue_dma source(%arg34 : memref<2000xi32, #tpu.memory_space<vmem>>) target(%dma_start3A_394 : memref<2000xi32, #tpu.memory_space<hbm>>) target_semaphore(%arg42 : memref<!tpu.dma_semaphore, #tpu.memory_space<semaphore_mem>>)
    } else {
    }
    %add3A_251 = arith.constant 32 : i32
    %add3A_252 = arith.addi %add3A, %add3A_251 : i32
    %lt3A_253 = arith.constant 50 : i32
    %lt3A_254 = arith.cmpi slt, %add3A_240, %lt3A_253 : i32
    %convert_element_type3A_255 = arith.extui %lt3A_254 : i1 to i32
    %cond3A_256 = arith.constant 0 : i32
    %cond3A_257 = arith.cmpi ne, %convert_element_type3A_255, %cond3A_256 : i32
    scf.if %cond3A_257 {
      %dma_wait3A_388 = arith.constant 0 : i32
      %dma_wait3A_389 = tpu.memref_slice %arg12[%dma_wait3A_388] : memref<1200000xi32, #tpu.memory_space<hbm>> -> memref<2000xi32, #tpu.memory_space<hbm>>
      %dma_wait3A_390 = arith.constant 0 : i32
      %dma_wait3A_391 = tpu.memref_slice %arg12[%dma_wait3A_390] : memref<1200000xi32, #tpu.memory_space<hbm>> -> memref<2000xi32, #tpu.memory_space<hbm>>
      tpu.wait_dma2 semaphore(%arg42 : memref<!tpu.dma_semaphore, #tpu.memory_space<semaphore_mem>>) src(%arg34 : memref<2000xi32, #tpu.memory_space<vmem>>) dst(%dma_wait3A_391 : memref<2000xi32, #tpu.memory_space<hbm>>)
    } else {
    }
    %lt3A_258 = arith.constant 50 : i32
    %lt3A_259 = arith.cmpi slt, %add3A_252, %lt3A_258 : i32
    %convert_element_type3A_260 = arith.extui %lt3A_259 : i1 to i32
    %cond3A_261 = arith.constant 0 : i32
    %cond3A_262 = arith.cmpi ne, %convert_element_type3A_260, %cond3A_261 : i32
    scf.if %cond3A_262 {
      %mul3A_388 = arith.constant 2000 : i32
      %mul3A_389 = arith.muli %add3A_252, %mul3A_388 : i32
      %add3A_390 = arith.constant 200000 : i32
      %add3A_391 = arith.addi %add3A_390, %mul3A_389 : i32
      "tpu.region"() ({
        %run_scoped3A = tpu.sem_alloc : memref<!tpu.dma_semaphore, #tpu.memory_space<semaphore_mem>>
        %dma_start3A_395 = tpu.memref_slice %arg8[%add3A_391] : memref<300000xi32, #tpu.memory_space<hbm>> -> memref<2000xi32, #tpu.memory_space<hbm>>
        %dma_start3A_396 = tpu.memref_slice %arg8[%add3A_391] : memref<300000xi32, #tpu.memory_space<hbm>> -> memref<2000xi32, #tpu.memory_space<hbm>>
        tpu.enqueue_dma source(%dma_start3A_396 : memref<2000xi32, #tpu.memory_space<hbm>>) target(%arg34 : memref<2000xi32, #tpu.memory_space<vmem>>) target_semaphore(%run_scoped3A : memref<!tpu.dma_semaphore, #tpu.memory_space<semaphore_mem>>)
        %dma_wait3A_397 = tpu.memref_slice %arg8[%add3A_391] : memref<300000xi32, #tpu.memory_space<hbm>> -> memref<2000xi32, #tpu.memory_space<hbm>>
        %dma_wait3A_398 = tpu.memref_slice %arg8[%add3A_391] : memref<300000xi32, #tpu.memory_space<hbm>> -> memref<2000xi32, #tpu.memory_space<hbm>>
        tpu.wait_dma2 semaphore(%run_scoped3A : memref<!tpu.dma_semaphore, #tpu.memory_space<semaphore_mem>>) src(%dma_wait3A_398 : memref<2000xi32, #tpu.memory_space<hbm>>) dst(%arg34 : memref<2000xi32, #tpu.memory_space<vmem>>)
        tpu.yield
      }) : () -> ()
      %add3A_392 = arith.constant 200000 : i32
      %add3A_393 = arith.addi %add3A_392, %mul3A_389 : i32
      %dma_start3A = tpu.memref_slice %arg12[%add3A_393] : memref<1200000xi32, #tpu.memory_space<hbm>> -> memref<2000xi32, #tpu.memory_space<hbm>>
      %dma_start3A_394 = tpu.memref_slice %arg12[%add3A_393] : memref<1200000xi32, #tpu.memory_space<hbm>> -> memref<2000xi32, #tpu.memory_space<hbm>>
      tpu.enqueue_dma source(%arg34 : memref<2000xi32, #tpu.memory_space<vmem>>) target(%dma_start3A_394 : memref<2000xi32, #tpu.memory_space<hbm>>) target_semaphore(%arg42 : memref<!tpu.dma_semaphore, #tpu.memory_space<semaphore_mem>>)
    } else {
    }
    %add3A_263 = arith.constant 0 : i32
    %add3A_264 = arith.addi %add3A, %add3A_263 : i32
    %lt3A_265 = arith.constant 50 : i32
    %lt3A_266 = arith.cmpi slt, %add3A_252, %lt3A_265 : i32
    %convert_element_type3A_267 = arith.extui %lt3A_266 : i1 to i32
    %cond3A_268 = arith.constant 0 : i32
    %cond3A_269 = arith.cmpi ne, %convert_element_type3A_267, %cond3A_268 : i32
    scf.if %cond3A_269 {
      %dma_wait3A_388 = arith.constant 0 : i32
      %dma_wait3A_389 = tpu.memref_slice %arg12[%dma_wait3A_388] : memref<1200000xi32, #tpu.memory_space<hbm>> -> memref<2000xi32, #tpu.memory_space<hbm>>
      %dma_wait3A_390 = arith.constant 0 : i32
      %dma_wait3A_391 = tpu.memref_slice %arg12[%dma_wait3A_390] : memref<1200000xi32, #tpu.memory_space<hbm>> -> memref<2000xi32, #tpu.memory_space<hbm>>
      tpu.wait_dma2 semaphore(%arg42 : memref<!tpu.dma_semaphore, #tpu.memory_space<semaphore_mem>>) src(%arg34 : memref<2000xi32, #tpu.memory_space<vmem>>) dst(%dma_wait3A_391 : memref<2000xi32, #tpu.memory_space<hbm>>)
    } else {
    }
    %lt3A_270 = arith.constant 50 : i32
    %lt3A_271 = arith.cmpi slt, %add3A_264, %lt3A_270 : i32
    %convert_element_type3A_272 = arith.extui %lt3A_271 : i1 to i32
    %cond3A_273 = arith.constant 0 : i32
    %cond3A_274 = arith.cmpi ne, %convert_element_type3A_272, %cond3A_273 : i32
    scf.if %cond3A_274 {
      %mul3A_388 = arith.constant 2000 : i32
      %mul3A_389 = arith.muli %add3A_264, %mul3A_388 : i32
      %add3A_390 = arith.constant 100000 : i32
      %add3A_391 = arith.addi %add3A_390, %mul3A_389 : i32
      "tpu.region"() ({
        %run_scoped3A = tpu.sem_alloc : memref<!tpu.dma_semaphore, #tpu.memory_space<semaphore_mem>>
        %dma_start3A_401 = tpu.memref_slice %arg9[%add3A_391] : memref<300000xi32, #tpu.memory_space<hbm>> -> memref<2000xi32, #tpu.memory_space<hbm>>
        %dma_start3A_402 = tpu.memref_slice %arg9[%add3A_391] : memref<300000xi32, #tpu.memory_space<hbm>> -> memref<2000xi32, #tpu.memory_space<hbm>>
        tpu.enqueue_dma source(%dma_start3A_402 : memref<2000xi32, #tpu.memory_space<hbm>>) target(%arg34 : memref<2000xi32, #tpu.memory_space<vmem>>) target_semaphore(%run_scoped3A : memref<!tpu.dma_semaphore, #tpu.memory_space<semaphore_mem>>)
        %dma_wait3A_403 = tpu.memref_slice %arg9[%add3A_391] : memref<300000xi32, #tpu.memory_space<hbm>> -> memref<2000xi32, #tpu.memory_space<hbm>>
        %dma_wait3A_404 = tpu.memref_slice %arg9[%add3A_391] : memref<300000xi32, #tpu.memory_space<hbm>> -> memref<2000xi32, #tpu.memory_space<hbm>>
        tpu.wait_dma2 semaphore(%run_scoped3A : memref<!tpu.dma_semaphore, #tpu.memory_space<semaphore_mem>>) src(%dma_wait3A_404 : memref<2000xi32, #tpu.memory_space<hbm>>) dst(%arg34 : memref<2000xi32, #tpu.memory_space<vmem>>)
        tpu.yield
      }) : () -> ()
      %scan3A_392 = arith.constant 0 : i32
      %scan3A_393 = arith.constant 0 : i32
      %scan3A_394 = arith.constant 125 : i32
      %scan3A_395 = arith.addi %scan3A_393, %scan3A_394 : i32
      %scan3A_396 = arith.constant 1 : i32
      scf.for %scan3A_401 = %scan3A_393 to %scan3A_395 step %scan3A_396  : i32 {
        %mul3A_402 = arith.constant 16 : i32
        %mul3A_403 = arith.muli %scan3A_401, %mul3A_402 : i32
        %get3A = arith.index_cast %mul3A_403 : i32 to index
        %get3A_404 = tpu.vector_load %arg34[%get3A] {strides = array<i32>} : memref<2000xi32, #tpu.memory_space<vmem>>, vector<16xi32>,
        %get3A_405 = vector.shape_cast %get3A_404 : vector<16xi32> to vector<16xi32>
        %add3A_406 = arith.constant 50000 : i32
        %add3A_407 = vector.broadcast %add3A_406 : i32 to vector<16xi32>
        %add3A_408 = arith.addi %get3A_405, %add3A_407 : vector<16xi32>
        %swap3A = arith.index_cast %mul3A_403 : i32 to index
        %swap3A_409 = tpu.vector_load %arg34[%swap3A] {strides = array<i32>} : memref<2000xi32, #tpu.memory_space<vmem>>, vector<16xi32>,
        %swap3A_410 = vector.shape_cast %swap3A_409 : vector<16xi32> to vector<16xi32>
        %swap3A_411 = vector.shape_cast %add3A_408 : vector<16xi32> to vector<16xi32>
        tpu.vector_store %arg34[%swap3A], %swap3A_411 {strides = array<i32>} : memref<2000xi32, #tpu.memory_space<vmem>>, vector<16xi32>,
      }
      %scan3A_397 = arith.constant 125 : i32
      %add3A_398 = arith.constant 600000 : i32
      %add3A_399 = arith.addi %add3A_398, %mul3A_389 : i32
      %dma_start3A = tpu.memref_slice %arg12[%add3A_399] : memref<1200000xi32, #tpu.memory_space<hbm>> -> memref<2000xi32, #tpu.memory_space<hbm>>
      %dma_start3A_400 = tpu.memref_slice %arg12[%add3A_399] : memref<1200000xi32, #tpu.memory_space<hbm>> -> memref<2000xi32, #tpu.memory_space<hbm>>
      tpu.enqueue_dma source(%arg34 : memref<2000xi32, #tpu.memory_space<vmem>>) target(%dma_start3A_400 : memref<2000xi32, #tpu.memory_space<hbm>>) target_semaphore(%arg42 : memref<!tpu.dma_semaphore, #tpu.memory_space<semaphore_mem>>)
    } else {
    }
    %add3A_275 = arith.constant 32 : i32
    %add3A_276 = arith.addi %add3A, %add3A_275 : i32
    %lt3A_277 = arith.constant 50 : i32
    %lt3A_278 = arith.cmpi slt, %add3A_264, %lt3A_277 : i32
    %convert_element_type3A_279 = arith.extui %lt3A_278 : i1 to i32
    %cond3A_280 = arith.constant 0 : i32
    %cond3A_281 = arith.cmpi ne, %convert_element_type3A_279, %cond3A_280 : i32
    scf.if %cond3A_281 {
      %dma_wait3A_388 = arith.constant 0 : i32
      %dma_wait3A_389 = tpu.memref_slice %arg12[%dma_wait3A_388] : memref<1200000xi32, #tpu.memory_space<hbm>> -> memref<2000xi32, #tpu.memory_space<hbm>>
      %dma_wait3A_390 = arith.constant 0 : i32
      %dma_wait3A_391 = tpu.memref_slice %arg12[%dma_wait3A_390] : memref<1200000xi32, #tpu.memory_space<hbm>> -> memref<2000xi32, #tpu.memory_space<hbm>>
      tpu.wait_dma2 semaphore(%arg42 : memref<!tpu.dma_semaphore, #tpu.memory_space<semaphore_mem>>) src(%arg34 : memref<2000xi32, #tpu.memory_space<vmem>>) dst(%dma_wait3A_391 : memref<2000xi32, #tpu.memory_space<hbm>>)
    } else {
    }
    %lt3A_282 = arith.constant 50 : i32
    %lt3A_283 = arith.cmpi slt, %add3A_276, %lt3A_282 : i32
    %convert_element_type3A_284 = arith.extui %lt3A_283 : i1 to i32
    %cond3A_285 = arith.constant 0 : i32
    %cond3A_286 = arith.cmpi ne, %convert_element_type3A_284, %cond3A_285 : i32
    scf.if %cond3A_286 {
      %mul3A_388 = arith.constant 2000 : i32
      %mul3A_389 = arith.muli %add3A_276, %mul3A_388 : i32
      %add3A_390 = arith.constant 100000 : i32
      %add3A_391 = arith.addi %add3A_390, %mul3A_389 : i32
      "tpu.region"() ({
        %run_scoped3A = tpu.sem_alloc : memref<!tpu.dma_semaphore, #tpu.memory_space<semaphore_mem>>
        %dma_start3A_401 = tpu.memref_slice %arg9[%add3A_391] : memref<300000xi32, #tpu.memory_space<hbm>> -> memref<2000xi32, #tpu.memory_space<hbm>>
        %dma_start3A_402 = tpu.memref_slice %arg9[%add3A_391] : memref<300000xi32, #tpu.memory_space<hbm>> -> memref<2000xi32, #tpu.memory_space<hbm>>
        tpu.enqueue_dma source(%dma_start3A_402 : memref<2000xi32, #tpu.memory_space<hbm>>) target(%arg34 : memref<2000xi32, #tpu.memory_space<vmem>>) target_semaphore(%run_scoped3A : memref<!tpu.dma_semaphore, #tpu.memory_space<semaphore_mem>>)
        %dma_wait3A_403 = tpu.memref_slice %arg9[%add3A_391] : memref<300000xi32, #tpu.memory_space<hbm>> -> memref<2000xi32, #tpu.memory_space<hbm>>
        %dma_wait3A_404 = tpu.memref_slice %arg9[%add3A_391] : memref<300000xi32, #tpu.memory_space<hbm>> -> memref<2000xi32, #tpu.memory_space<hbm>>
        tpu.wait_dma2 semaphore(%run_scoped3A : memref<!tpu.dma_semaphore, #tpu.memory_space<semaphore_mem>>) src(%dma_wait3A_404 : memref<2000xi32, #tpu.memory_space<hbm>>) dst(%arg34 : memref<2000xi32, #tpu.memory_space<vmem>>)
        tpu.yield
      }) : () -> ()
      %scan3A_392 = arith.constant 0 : i32
      %scan3A_393 = arith.constant 0 : i32
      %scan3A_394 = arith.constant 125 : i32
      %scan3A_395 = arith.addi %scan3A_393, %scan3A_394 : i32
      %scan3A_396 = arith.constant 1 : i32
      scf.for %scan3A_401 = %scan3A_393 to %scan3A_395 step %scan3A_396  : i32 {
        %mul3A_402 = arith.constant 16 : i32
        %mul3A_403 = arith.muli %scan3A_401, %mul3A_402 : i32
        %get3A = arith.index_cast %mul3A_403 : i32 to index
        %get3A_404 = tpu.vector_load %arg34[%get3A] {strides = array<i32>} : memref<2000xi32, #tpu.memory_space<vmem>>, vector<16xi32>,
        %get3A_405 = vector.shape_cast %get3A_404 : vector<16xi32> to vector<16xi32>
        %add3A_406 = arith.constant 50000 : i32
        %add3A_407 = vector.broadcast %add3A_406 : i32 to vector<16xi32>
        %add3A_408 = arith.addi %get3A_405, %add3A_407 : vector<16xi32>
        %swap3A = arith.index_cast %mul3A_403 : i32 to index
        %swap3A_409 = tpu.vector_load %arg34[%swap3A] {strides = array<i32>} : memref<2000xi32, #tpu.memory_space<vmem>>, vector<16xi32>,
        %swap3A_410 = vector.shape_cast %swap3A_409 : vector<16xi32> to vector<16xi32>
        %swap3A_411 = vector.shape_cast %add3A_408 : vector<16xi32> to vector<16xi32>
        tpu.vector_store %arg34[%swap3A], %swap3A_411 {strides = array<i32>} : memref<2000xi32, #tpu.memory_space<vmem>>, vector<16xi32>,
      }
      %scan3A_397 = arith.constant 125 : i32
      %add3A_398 = arith.constant 600000 : i32
      %add3A_399 = arith.addi %add3A_398, %mul3A_389 : i32
      %dma_start3A = tpu.memref_slice %arg12[%add3A_399] : memref<1200000xi32, #tpu.memory_space<hbm>> -> memref<2000xi32, #tpu.memory_space<hbm>>
      %dma_start3A_400 = tpu.memref_slice %arg12[%add3A_399] : memref<1200000xi32, #tpu.memory_space<hbm>> -> memref<2000xi32, #tpu.memory_space<hbm>>
      tpu.enqueue_dma source(%arg34 : memref<2000xi32, #tpu.memory_space<vmem>>) target(%dma_start3A_400 : memref<2000xi32, #tpu.memory_space<hbm>>) target_semaphore(%arg42 : memref<!tpu.dma_semaphore, #tpu.memory_space<semaphore_mem>>)
    } else {
    }
    %add3A_287 = arith.constant 0 : i32
    %add3A_288 = arith.addi %add3A, %add3A_287 : i32
    %lt3A_289 = arith.constant 50 : i32
    %lt3A_290 = arith.cmpi slt, %add3A_276, %lt3A_289 : i32
    %convert_element_type3A_291 = arith.extui %lt3A_290 : i1 to i32
    %cond3A_292 = arith.constant 0 : i32
    %cond3A_293 = arith.cmpi ne, %convert_element_type3A_291, %cond3A_292 : i32
    scf.if %cond3A_293 {
      %dma_wait3A_388 = arith.constant 0 : i32
      %dma_wait3A_389 = tpu.memref_slice %arg12[%dma_wait3A_388] : memref<1200000xi32, #tpu.memory_space<hbm>> -> memref<2000xi32, #tpu.memory_space<hbm>>
      %dma_wait3A_390 = arith.constant 0 : i32
      %dma_wait3A_391 = tpu.memref_slice %arg12[%dma_wait3A_390] : memref<1200000xi32, #tpu.memory_space<hbm>> -> memref<2000xi32, #tpu.memory_space<hbm>>
      tpu.wait_dma2 semaphore(%arg42 : memref<!tpu.dma_semaphore, #tpu.memory_space<semaphore_mem>>) src(%arg34 : memref<2000xi32, #tpu.memory_space<vmem>>) dst(%dma_wait3A_391 : memref<2000xi32, #tpu.memory_space<hbm>>)
    } else {
    }
    %lt3A_294 = arith.constant 50 : i32
    %lt3A_295 = arith.cmpi slt, %add3A_288, %lt3A_294 : i32
    %convert_element_type3A_296 = arith.extui %lt3A_295 : i1 to i32
    %cond3A_297 = arith.constant 0 : i32
    %cond3A_298 = arith.cmpi ne, %convert_element_type3A_296, %cond3A_297 : i32
    scf.if %cond3A_298 {
      %mul3A_388 = arith.constant 2000 : i32
      %mul3A_389 = arith.muli %add3A_288, %mul3A_388 : i32
      %add3A_390 = arith.constant 0 : i32
      %add3A_391 = arith.addi %add3A_390, %mul3A_389 : i32
      "tpu.region"() ({
        %run_scoped3A = tpu.sem_alloc : memref<!tpu.dma_semaphore, #tpu.memory_space<semaphore_mem>>
        %dma_start3A_401 = tpu.memref_slice %arg9[%add3A_391] : memref<300000xi32, #tpu.memory_space<hbm>> -> memref<2000xi32, #tpu.memory_space<hbm>>
        %dma_start3A_402 = tpu.memref_slice %arg9[%add3A_391] : memref<300000xi32, #tpu.memory_space<hbm>> -> memref<2000xi32, #tpu.memory_space<hbm>>
        tpu.enqueue_dma source(%dma_start3A_402 : memref<2000xi32, #tpu.memory_space<hbm>>) target(%arg34 : memref<2000xi32, #tpu.memory_space<vmem>>) target_semaphore(%run_scoped3A : memref<!tpu.dma_semaphore, #tpu.memory_space<semaphore_mem>>)
        %dma_wait3A_403 = tpu.memref_slice %arg9[%add3A_391] : memref<300000xi32, #tpu.memory_space<hbm>> -> memref<2000xi32, #tpu.memory_space<hbm>>
        %dma_wait3A_404 = tpu.memref_slice %arg9[%add3A_391] : memref<300000xi32, #tpu.memory_space<hbm>> -> memref<2000xi32, #tpu.memory_space<hbm>>
        tpu.wait_dma2 semaphore(%run_scoped3A : memref<!tpu.dma_semaphore, #tpu.memory_space<semaphore_mem>>) src(%dma_wait3A_404 : memref<2000xi32, #tpu.memory_space<hbm>>) dst(%arg34 : memref<2000xi32, #tpu.memory_space<vmem>>)
        tpu.yield
      }) : () -> ()
      %scan3A_392 = arith.constant 0 : i32
      %scan3A_393 = arith.constant 0 : i32
      %scan3A_394 = arith.constant 125 : i32
      %scan3A_395 = arith.addi %scan3A_393, %scan3A_394 : i32
      %scan3A_396 = arith.constant 1 : i32
      scf.for %scan3A_401 = %scan3A_393 to %scan3A_395 step %scan3A_396  : i32 {
        %mul3A_402 = arith.constant 16 : i32
        %mul3A_403 = arith.muli %scan3A_401, %mul3A_402 : i32
        %get3A = arith.index_cast %mul3A_403 : i32 to index
        %get3A_404 = tpu.vector_load %arg34[%get3A] {strides = array<i32>} : memref<2000xi32, #tpu.memory_space<vmem>>, vector<16xi32>,
        %get3A_405 = vector.shape_cast %get3A_404 : vector<16xi32> to vector<16xi32>
        %add3A_406 = arith.constant 50000 : i32
        %add3A_407 = vector.broadcast %add3A_406 : i32 to vector<16xi32>
        %add3A_408 = arith.addi %get3A_405, %add3A_407 : vector<16xi32>
        %swap3A = arith.index_cast %mul3A_403 : i32 to index
        %swap3A_409 = tpu.vector_load %arg34[%swap3A] {strides = array<i32>} : memref<2000xi32, #tpu.memory_space<vmem>>, vector<16xi32>,
        %swap3A_410 = vector.shape_cast %swap3A_409 : vector<16xi32> to vector<16xi32>
        %swap3A_411 = vector.shape_cast %add3A_408 : vector<16xi32> to vector<16xi32>
        tpu.vector_store %arg34[%swap3A], %swap3A_411 {strides = array<i32>} : memref<2000xi32, #tpu.memory_space<vmem>>, vector<16xi32>,
      }
      %scan3A_397 = arith.constant 125 : i32
      %add3A_398 = arith.constant 1000000 : i32
      %add3A_399 = arith.addi %add3A_398, %mul3A_389 : i32
      %dma_start3A = tpu.memref_slice %arg12[%add3A_399] : memref<1200000xi32, #tpu.memory_space<hbm>> -> memref<2000xi32, #tpu.memory_space<hbm>>
      %dma_start3A_400 = tpu.memref_slice %arg12[%add3A_399] : memref<1200000xi32, #tpu.memory_space<hbm>> -> memref<2000xi32, #tpu.memory_space<hbm>>
      tpu.enqueue_dma source(%arg34 : memref<2000xi32, #tpu.memory_space<vmem>>) target(%dma_start3A_400 : memref<2000xi32, #tpu.memory_space<hbm>>) target_semaphore(%arg42 : memref<!tpu.dma_semaphore, #tpu.memory_space<semaphore_mem>>)
    } else {
    }
    %add3A_299 = arith.constant 32 : i32
    %add3A_300 = arith.addi %add3A, %add3A_299 : i32
    %lt3A_301 = arith.constant 50 : i32
    %lt3A_302 = arith.cmpi slt, %add3A_288, %lt3A_301 : i32
    %convert_element_type3A_303 = arith.extui %lt3A_302 : i1 to i32
    %cond3A_304 = arith.constant 0 : i32
    %cond3A_305 = arith.cmpi ne, %convert_element_type3A_303, %cond3A_304 : i32
    scf.if %cond3A_305 {
      %dma_wait3A_388 = arith.constant 0 : i32
      %dma_wait3A_389 = tpu.memref_slice %arg12[%dma_wait3A_388] : memref<1200000xi32, #tpu.memory_space<hbm>> -> memref<2000xi32, #tpu.memory_space<hbm>>
      %dma_wait3A_390 = arith.constant 0 : i32
      %dma_wait3A_391 = tpu.memref_slice %arg12[%dma_wait3A_390] : memref<1200000xi32, #tpu.memory_space<hbm>> -> memref<2000xi32, #tpu.memory_space<hbm>>
      tpu.wait_dma2 semaphore(%arg42 : memref<!tpu.dma_semaphore, #tpu.memory_space<semaphore_mem>>) src(%arg34 : memref<2000xi32, #tpu.memory_space<vmem>>) dst(%dma_wait3A_391 : memref<2000xi32, #tpu.memory_space<hbm>>)
    } else {
    }
    %lt3A_306 = arith.constant 50 : i32
    %lt3A_307 = arith.cmpi slt, %add3A_300, %lt3A_306 : i32
    %convert_element_type3A_308 = arith.extui %lt3A_307 : i1 to i32
    %cond3A_309 = arith.constant 0 : i32
    %cond3A_310 = arith.cmpi ne, %convert_element_type3A_308, %cond3A_309 : i32
    scf.if %cond3A_310 {
      %mul3A_388 = arith.constant 2000 : i32
      %mul3A_389 = arith.muli %add3A_300, %mul3A_388 : i32
      %add3A_390 = arith.constant 0 : i32
      %add3A_391 = arith.addi %add3A_390, %mul3A_389 : i32
      "tpu.region"() ({
        %run_scoped3A = tpu.sem_alloc : memref<!tpu.dma_semaphore, #tpu.memory_space<semaphore_mem>>
        %dma_start3A_401 = tpu.memref_slice %arg9[%add3A_391] : memref<300000xi32, #tpu.memory_space<hbm>> -> memref<2000xi32, #tpu.memory_space<hbm>>
        %dma_start3A_402 = tpu.memref_slice %arg9[%add3A_391] : memref<300000xi32, #tpu.memory_space<hbm>> -> memref<2000xi32, #tpu.memory_space<hbm>>
        tpu.enqueue_dma source(%dma_start3A_402 : memref<2000xi32, #tpu.memory_space<hbm>>) target(%arg34 : memref<2000xi32, #tpu.memory_space<vmem>>) target_semaphore(%run_scoped3A : memref<!tpu.dma_semaphore, #tpu.memory_space<semaphore_mem>>)
        %dma_wait3A_403 = tpu.memref_slice %arg9[%add3A_391] : memref<300000xi32, #tpu.memory_space<hbm>> -> memref<2000xi32, #tpu.memory_space<hbm>>
        %dma_wait3A_404 = tpu.memref_slice %arg9[%add3A_391] : memref<300000xi32, #tpu.memory_space<hbm>> -> memref<2000xi32, #tpu.memory_space<hbm>>
        tpu.wait_dma2 semaphore(%run_scoped3A : memref<!tpu.dma_semaphore, #tpu.memory_space<semaphore_mem>>) src(%dma_wait3A_404 : memref<2000xi32, #tpu.memory_space<hbm>>) dst(%arg34 : memref<2000xi32, #tpu.memory_space<vmem>>)
        tpu.yield
      }) : () -> ()
      %scan3A_392 = arith.constant 0 : i32
      %scan3A_393 = arith.constant 0 : i32
      %scan3A_394 = arith.constant 125 : i32
      %scan3A_395 = arith.addi %scan3A_393, %scan3A_394 : i32
      %scan3A_396 = arith.constant 1 : i32
      scf.for %scan3A_401 = %scan3A_393 to %scan3A_395 step %scan3A_396  : i32 {
        %mul3A_402 = arith.constant 16 : i32
        %mul3A_403 = arith.muli %scan3A_401, %mul3A_402 : i32
        %get3A = arith.index_cast %mul3A_403 : i32 to index
        %get3A_404 = tpu.vector_load %arg34[%get3A] {strides = array<i32>} : memref<2000xi32, #tpu.memory_space<vmem>>, vector<16xi32>,
        %get3A_405 = vector.shape_cast %get3A_404 : vector<16xi32> to vector<16xi32>
        %add3A_406 = arith.constant 50000 : i32
        %add3A_407 = vector.broadcast %add3A_406 : i32 to vector<16xi32>
        %add3A_408 = arith.addi %get3A_405, %add3A_407 : vector<16xi32>
        %swap3A = arith.index_cast %mul3A_403 : i32 to index
        %swap3A_409 = tpu.vector_load %arg34[%swap3A] {strides = array<i32>} : memref<2000xi32, #tpu.memory_space<vmem>>, vector<16xi32>,
        %swap3A_410 = vector.shape_cast %swap3A_409 : vector<16xi32> to vector<16xi32>
        %swap3A_411 = vector.shape_cast %add3A_408 : vector<16xi32> to vector<16xi32>
        tpu.vector_store %arg34[%swap3A], %swap3A_411 {strides = array<i32>} : memref<2000xi32, #tpu.memory_space<vmem>>, vector<16xi32>,
      }
      %scan3A_397 = arith.constant 125 : i32
      %add3A_398 = arith.constant 1000000 : i32
      %add3A_399 = arith.addi %add3A_398, %mul3A_389 : i32
      %dma_start3A = tpu.memref_slice %arg12[%add3A_399] : memref<1200000xi32, #tpu.memory_space<hbm>> -> memref<2000xi32, #tpu.memory_space<hbm>>
      %dma_start3A_400 = tpu.memref_slice %arg12[%add3A_399] : memref<1200000xi32, #tpu.memory_space<hbm>> -> memref<2000xi32, #tpu.memory_space<hbm>>
      tpu.enqueue_dma source(%arg34 : memref<2000xi32, #tpu.memory_space<vmem>>) target(%dma_start3A_400 : memref<2000xi32, #tpu.memory_space<hbm>>) target_semaphore(%arg42 : memref<!tpu.dma_semaphore, #tpu.memory_space<semaphore_mem>>)
    } else {
    }
    %add3A_311 = arith.constant 0 : i32
    %add3A_312 = arith.addi %add3A, %add3A_311 : i32
    %lt3A_313 = arith.constant 50 : i32
    %lt3A_314 = arith.cmpi slt, %add3A_300, %lt3A_313 : i32
    %convert_element_type3A_315 = arith.extui %lt3A_314 : i1 to i32
    %cond3A_316 = arith.constant 0 : i32
    %cond3A_317 = arith.cmpi ne, %convert_element_type3A_315, %cond3A_316 : i32
    scf.if %cond3A_317 {
      %dma_wait3A_388 = arith.constant 0 : i32
      %dma_wait3A_389 = tpu.memref_slice %arg12[%dma_wait3A_388] : memref<1200000xi32, #tpu.memory_space<hbm>> -> memref<2000xi32, #tpu.memory_space<hbm>>
      %dma_wait3A_390 = arith.constant 0 : i32
      %dma_wait3A_391 = tpu.memref_slice %arg12[%dma_wait3A_390] : memref<1200000xi32, #tpu.memory_space<hbm>> -> memref<2000xi32, #tpu.memory_space<hbm>>
      tpu.wait_dma2 semaphore(%arg42 : memref<!tpu.dma_semaphore, #tpu.memory_space<semaphore_mem>>) src(%arg34 : memref<2000xi32, #tpu.memory_space<vmem>>) dst(%dma_wait3A_391 : memref<2000xi32, #tpu.memory_space<hbm>>)
    } else {
    }
    %lt3A_318 = arith.constant 50 : i32
    %lt3A_319 = arith.cmpi slt, %add3A_312, %lt3A_318 : i32
    %convert_element_type3A_320 = arith.extui %lt3A_319 : i1 to i32
    %cond3A_321 = arith.constant 0 : i32
    %cond3A_322 = arith.cmpi ne, %convert_element_type3A_320, %cond3A_321 : i32
    scf.if %cond3A_322 {
      %mul3A_388 = arith.constant 2000 : i32
      %mul3A_389 = arith.muli %add3A_312, %mul3A_388 : i32
      %add3A_390 = arith.constant 0 : i32
      %add3A_391 = arith.addi %add3A_390, %mul3A_389 : i32
      "tpu.region"() ({
        %run_scoped3A = tpu.sem_alloc : memref<!tpu.dma_semaphore, #tpu.memory_space<semaphore_mem>>
        %dma_start3A_401 = tpu.memref_slice %arg9[%add3A_391] : memref<300000xi32, #tpu.memory_space<hbm>> -> memref<2000xi32, #tpu.memory_space<hbm>>
        %dma_start3A_402 = tpu.memref_slice %arg9[%add3A_391] : memref<300000xi32, #tpu.memory_space<hbm>> -> memref<2000xi32, #tpu.memory_space<hbm>>
        tpu.enqueue_dma source(%dma_start3A_402 : memref<2000xi32, #tpu.memory_space<hbm>>) target(%arg34 : memref<2000xi32, #tpu.memory_space<vmem>>) target_semaphore(%run_scoped3A : memref<!tpu.dma_semaphore, #tpu.memory_space<semaphore_mem>>)
        %dma_wait3A_403 = tpu.memref_slice %arg9[%add3A_391] : memref<300000xi32, #tpu.memory_space<hbm>> -> memref<2000xi32, #tpu.memory_space<hbm>>
        %dma_wait3A_404 = tpu.memref_slice %arg9[%add3A_391] : memref<300000xi32, #tpu.memory_space<hbm>> -> memref<2000xi32, #tpu.memory_space<hbm>>
        tpu.wait_dma2 semaphore(%run_scoped3A : memref<!tpu.dma_semaphore, #tpu.memory_space<semaphore_mem>>) src(%dma_wait3A_404 : memref<2000xi32, #tpu.memory_space<hbm>>) dst(%arg34 : memref<2000xi32, #tpu.memory_space<vmem>>)
        tpu.yield
      }) : () -> ()
      %scan3A_392 = arith.constant 0 : i32
      %scan3A_393 = arith.constant 0 : i32
      %scan3A_394 = arith.constant 125 : i32
      %scan3A_395 = arith.addi %scan3A_393, %scan3A_394 : i32
      %scan3A_396 = arith.constant 1 : i32
      scf.for %scan3A_401 = %scan3A_393 to %scan3A_395 step %scan3A_396  : i32 {
        %mul3A_402 = arith.constant 16 : i32
        %mul3A_403 = arith.muli %scan3A_401, %mul3A_402 : i32
        %get3A = arith.index_cast %mul3A_403 : i32 to index
        %get3A_404 = tpu.vector_load %arg34[%get3A] {strides = array<i32>} : memref<2000xi32, #tpu.memory_space<vmem>>, vector<16xi32>,
        %get3A_405 = vector.shape_cast %get3A_404 : vector<16xi32> to vector<16xi32>
        %add3A_406 = arith.constant 50000 : i32
        %add3A_407 = vector.broadcast %add3A_406 : i32 to vector<16xi32>
        %add3A_408 = arith.addi %get3A_405, %add3A_407 : vector<16xi32>
        %swap3A = arith.index_cast %mul3A_403 : i32 to index
        %swap3A_409 = tpu.vector_load %arg34[%swap3A] {strides = array<i32>} : memref<2000xi32, #tpu.memory_space<vmem>>, vector<16xi32>,
        %swap3A_410 = vector.shape_cast %swap3A_409 : vector<16xi32> to vector<16xi32>
        %swap3A_411 = vector.shape_cast %add3A_408 : vector<16xi32> to vector<16xi32>
        tpu.vector_store %arg34[%swap3A], %swap3A_411 {strides = array<i32>} : memref<2000xi32, #tpu.memory_space<vmem>>, vector<16xi32>,
      }
      %scan3A_397 = arith.constant 125 : i32
      %add3A_398 = arith.constant 300000 : i32
      %add3A_399 = arith.addi %add3A_398, %mul3A_389 : i32
      %dma_start3A = tpu.memref_slice %arg12[%add3A_399] : memref<1200000xi32, #tpu.memory_space<hbm>> -> memref<2000xi32, #tpu.memory_space<hbm>>
      %dma_start3A_400 = tpu.memref_slice %arg12[%add3A_399] : memref<1200000xi32, #tpu.memory_space<hbm>> -> memref<2000xi32, #tpu.memory_space<hbm>>
      tpu.enqueue_dma source(%arg34 : memref<2000xi32, #tpu.memory_space<vmem>>) target(%dma_start3A_400 : memref<2000xi32, #tpu.memory_space<hbm>>) target_semaphore(%arg42 : memref<!tpu.dma_semaphore, #tpu.memory_space<semaphore_mem>>)
    } else {
    }
    %add3A_323 = arith.constant 32 : i32
    %add3A_324 = arith.addi %add3A, %add3A_323 : i32
    %lt3A_325 = arith.constant 50 : i32
    %lt3A_326 = arith.cmpi slt, %add3A_312, %lt3A_325 : i32
    %convert_element_type3A_327 = arith.extui %lt3A_326 : i1 to i32
    %cond3A_328 = arith.constant 0 : i32
    %cond3A_329 = arith.cmpi ne, %convert_element_type3A_327, %cond3A_328 : i32
    scf.if %cond3A_329 {
      %dma_wait3A_388 = arith.constant 0 : i32
      %dma_wait3A_389 = tpu.memref_slice %arg12[%dma_wait3A_388] : memref<1200000xi32, #tpu.memory_space<hbm>> -> memref<2000xi32, #tpu.memory_space<hbm>>
      %dma_wait3A_390 = arith.constant 0 : i32
      %dma_wait3A_391 = tpu.memref_slice %arg12[%dma_wait3A_390] : memref<1200000xi32, #tpu.memory_space<hbm>> -> memref<2000xi32, #tpu.memory_space<hbm>>
      tpu.wait_dma2 semaphore(%arg42 : memref<!tpu.dma_semaphore, #tpu.memory_space<semaphore_mem>>) src(%arg34 : memref<2000xi32, #tpu.memory_space<vmem>>) dst(%dma_wait3A_391 : memref<2000xi32, #tpu.memory_space<hbm>>)
    } else {
    }
    %lt3A_330 = arith.constant 50 : i32
    %lt3A_331 = arith.cmpi slt, %add3A_324, %lt3A_330 : i32
    %convert_element_type3A_332 = arith.extui %lt3A_331 : i1 to i32
    %cond3A_333 = arith.constant 0 : i32
    %cond3A_334 = arith.cmpi ne, %convert_element_type3A_332, %cond3A_333 : i32
    scf.if %cond3A_334 {
      %mul3A_388 = arith.constant 2000 : i32
      %mul3A_389 = arith.muli %add3A_324, %mul3A_388 : i32
      %add3A_390 = arith.constant 0 : i32
      %add3A_391 = arith.addi %add3A_390, %mul3A_389 : i32
      "tpu.region"() ({
        %run_scoped3A = tpu.sem_alloc : memref<!tpu.dma_semaphore, #tpu.memory_space<semaphore_mem>>
        %dma_start3A_401 = tpu.memref_slice %arg9[%add3A_391] : memref<300000xi32, #tpu.memory_space<hbm>> -> memref<2000xi32, #tpu.memory_space<hbm>>
        %dma_start3A_402 = tpu.memref_slice %arg9[%add3A_391] : memref<300000xi32, #tpu.memory_space<hbm>> -> memref<2000xi32, #tpu.memory_space<hbm>>
        tpu.enqueue_dma source(%dma_start3A_402 : memref<2000xi32, #tpu.memory_space<hbm>>) target(%arg34 : memref<2000xi32, #tpu.memory_space<vmem>>) target_semaphore(%run_scoped3A : memref<!tpu.dma_semaphore, #tpu.memory_space<semaphore_mem>>)
        %dma_wait3A_403 = tpu.memref_slice %arg9[%add3A_391] : memref<300000xi32, #tpu.memory_space<hbm>> -> memref<2000xi32, #tpu.memory_space<hbm>>
        %dma_wait3A_404 = tpu.memref_slice %arg9[%add3A_391] : memref<300000xi32, #tpu.memory_space<hbm>> -> memref<2000xi32, #tpu.memory_space<hbm>>
        tpu.wait_dma2 semaphore(%run_scoped3A : memref<!tpu.dma_semaphore, #tpu.memory_space<semaphore_mem>>) src(%dma_wait3A_404 : memref<2000xi32, #tpu.memory_space<hbm>>) dst(%arg34 : memref<2000xi32, #tpu.memory_space<vmem>>)
        tpu.yield
      }) : () -> ()
      %scan3A_392 = arith.constant 0 : i32
      %scan3A_393 = arith.constant 0 : i32
      %scan3A_394 = arith.constant 125 : i32
      %scan3A_395 = arith.addi %scan3A_393, %scan3A_394 : i32
      %scan3A_396 = arith.constant 1 : i32
      scf.for %scan3A_401 = %scan3A_393 to %scan3A_395 step %scan3A_396  : i32 {
        %mul3A_402 = arith.constant 16 : i32
        %mul3A_403 = arith.muli %scan3A_401, %mul3A_402 : i32
        %get3A = arith.index_cast %mul3A_403 : i32 to index
        %get3A_404 = tpu.vector_load %arg34[%get3A] {strides = array<i32>} : memref<2000xi32, #tpu.memory_space<vmem>>, vector<16xi32>,
        %get3A_405 = vector.shape_cast %get3A_404 : vector<16xi32> to vector<16xi32>
        %add3A_406 = arith.constant 50000 : i32
        %add3A_407 = vector.broadcast %add3A_406 : i32 to vector<16xi32>
        %add3A_408 = arith.addi %get3A_405, %add3A_407 : vector<16xi32>
        %swap3A = arith.index_cast %mul3A_403 : i32 to index
        %swap3A_409 = tpu.vector_load %arg34[%swap3A] {strides = array<i32>} : memref<2000xi32, #tpu.memory_space<vmem>>, vector<16xi32>,
        %swap3A_410 = vector.shape_cast %swap3A_409 : vector<16xi32> to vector<16xi32>
        %swap3A_411 = vector.shape_cast %add3A_408 : vector<16xi32> to vector<16xi32>
        tpu.vector_store %arg34[%swap3A], %swap3A_411 {strides = array<i32>} : memref<2000xi32, #tpu.memory_space<vmem>>, vector<16xi32>,
      }
      %scan3A_397 = arith.constant 125 : i32
      %add3A_398 = arith.constant 300000 : i32
      %add3A_399 = arith.addi %add3A_398, %mul3A_389 : i32
      %dma_start3A = tpu.memref_slice %arg12[%add3A_399] : memref<1200000xi32, #tpu.memory_space<hbm>> -> memref<2000xi32, #tpu.memory_space<hbm>>
      %dma_start3A_400 = tpu.memref_slice %arg12[%add3A_399] : memref<1200000xi32, #tpu.memory_space<hbm>> -> memref<2000xi32, #tpu.memory_space<hbm>>
      tpu.enqueue_dma source(%arg34 : memref<2000xi32, #tpu.memory_space<vmem>>) target(%dma_start3A_400 : memref<2000xi32, #tpu.memory_space<hbm>>) target_semaphore(%arg42 : memref<!tpu.dma_semaphore, #tpu.memory_space<semaphore_mem>>)
    } else {
    }
    %add3A_335 = arith.constant 0 : i32
    %add3A_336 = arith.addi %add3A, %add3A_335 : i32
    %lt3A_337 = arith.constant 50 : i32
    %lt3A_338 = arith.cmpi slt, %add3A_324, %lt3A_337 : i32
    %convert_element_type3A_339 = arith.extui %lt3A_338 : i1 to i32
    %cond3A_340 = arith.constant 0 : i32
    %cond3A_341 = arith.cmpi ne, %convert_element_type3A_339, %cond3A_340 : i32
    scf.if %cond3A_341 {
      %dma_wait3A_388 = arith.constant 0 : i32
      %dma_wait3A_389 = tpu.memref_slice %arg12[%dma_wait3A_388] : memref<1200000xi32, #tpu.memory_space<hbm>> -> memref<2000xi32, #tpu.memory_space<hbm>>
      %dma_wait3A_390 = arith.constant 0 : i32
      %dma_wait3A_391 = tpu.memref_slice %arg12[%dma_wait3A_390] : memref<1200000xi32, #tpu.memory_space<hbm>> -> memref<2000xi32, #tpu.memory_space<hbm>>
      tpu.wait_dma2 semaphore(%arg42 : memref<!tpu.dma_semaphore, #tpu.memory_space<semaphore_mem>>) src(%arg34 : memref<2000xi32, #tpu.memory_space<vmem>>) dst(%dma_wait3A_391 : memref<2000xi32, #tpu.memory_space<hbm>>)
    } else {
    }
    %lt3A_342 = arith.constant 50 : i32
    %lt3A_343 = arith.cmpi slt, %add3A_336, %lt3A_342 : i32
    %convert_element_type3A_344 = arith.extui %lt3A_343 : i1 to i32
    %cond3A_345 = arith.constant 0 : i32
    %cond3A_346 = arith.cmpi ne, %convert_element_type3A_344, %cond3A_345 : i32
    scf.if %cond3A_346 {
      %mul3A_388 = arith.constant 2000 : i32
      %mul3A_389 = arith.muli %add3A_336, %mul3A_388 : i32
      %add3A_390 = arith.constant 100000 : i32
      %add3A_391 = arith.addi %add3A_390, %mul3A_389 : i32
      "tpu.region"() ({
        %run_scoped3A = tpu.sem_alloc : memref<!tpu.dma_semaphore, #tpu.memory_space<semaphore_mem>>
        %dma_start3A_401 = tpu.memref_slice %arg9[%add3A_391] : memref<300000xi32, #tpu.memory_space<hbm>> -> memref<2000xi32, #tpu.memory_space<hbm>>
        %dma_start3A_402 = tpu.memref_slice %arg9[%add3A_391] : memref<300000xi32, #tpu.memory_space<hbm>> -> memref<2000xi32, #tpu.memory_space<hbm>>
        tpu.enqueue_dma source(%dma_start3A_402 : memref<2000xi32, #tpu.memory_space<hbm>>) target(%arg34 : memref<2000xi32, #tpu.memory_space<vmem>>) target_semaphore(%run_scoped3A : memref<!tpu.dma_semaphore, #tpu.memory_space<semaphore_mem>>)
        %dma_wait3A_403 = tpu.memref_slice %arg9[%add3A_391] : memref<300000xi32, #tpu.memory_space<hbm>> -> memref<2000xi32, #tpu.memory_space<hbm>>
        %dma_wait3A_404 = tpu.memref_slice %arg9[%add3A_391] : memref<300000xi32, #tpu.memory_space<hbm>> -> memref<2000xi32, #tpu.memory_space<hbm>>
        tpu.wait_dma2 semaphore(%run_scoped3A : memref<!tpu.dma_semaphore, #tpu.memory_space<semaphore_mem>>) src(%dma_wait3A_404 : memref<2000xi32, #tpu.memory_space<hbm>>) dst(%arg34 : memref<2000xi32, #tpu.memory_space<vmem>>)
        tpu.yield
      }) : () -> ()
      %scan3A_392 = arith.constant 0 : i32
      %scan3A_393 = arith.constant 0 : i32
      %scan3A_394 = arith.constant 125 : i32
      %scan3A_395 = arith.addi %scan3A_393, %scan3A_394 : i32
      %scan3A_396 = arith.constant 1 : i32
      scf.for %scan3A_401 = %scan3A_393 to %scan3A_395 step %scan3A_396  : i32 {
        %mul3A_402 = arith.constant 16 : i32
        %mul3A_403 = arith.muli %scan3A_401, %mul3A_402 : i32
        %get3A = arith.index_cast %mul3A_403 : i32 to index
        %get3A_404 = tpu.vector_load %arg34[%get3A] {strides = array<i32>} : memref<2000xi32, #tpu.memory_space<vmem>>, vector<16xi32>,
        %get3A_405 = vector.shape_cast %get3A_404 : vector<16xi32> to vector<16xi32>
        %add3A_406 = arith.constant 50000 : i32
        %add3A_407 = vector.broadcast %add3A_406 : i32 to vector<16xi32>
        %add3A_408 = arith.addi %get3A_405, %add3A_407 : vector<16xi32>
        %swap3A = arith.index_cast %mul3A_403 : i32 to index
        %swap3A_409 = tpu.vector_load %arg34[%swap3A] {strides = array<i32>} : memref<2000xi32, #tpu.memory_space<vmem>>, vector<16xi32>,
        %swap3A_410 = vector.shape_cast %swap3A_409 : vector<16xi32> to vector<16xi32>
        %swap3A_411 = vector.shape_cast %add3A_408 : vector<16xi32> to vector<16xi32>
        tpu.vector_store %arg34[%swap3A], %swap3A_411 {strides = array<i32>} : memref<2000xi32, #tpu.memory_space<vmem>>, vector<16xi32>,
      }
      %scan3A_397 = arith.constant 125 : i32
      %add3A_398 = arith.constant 700000 : i32
      %add3A_399 = arith.addi %add3A_398, %mul3A_389 : i32
      %dma_start3A = tpu.memref_slice %arg12[%add3A_399] : memref<1200000xi32, #tpu.memory_space<hbm>> -> memref<2000xi32, #tpu.memory_space<hbm>>
      %dma_start3A_400 = tpu.memref_slice %arg12[%add3A_399] : memref<1200000xi32, #tpu.memory_space<hbm>> -> memref<2000xi32, #tpu.memory_space<hbm>>
      tpu.enqueue_dma source(%arg34 : memref<2000xi32, #tpu.memory_space<vmem>>) target(%dma_start3A_400 : memref<2000xi32, #tpu.memory_space<hbm>>) target_semaphore(%arg42 : memref<!tpu.dma_semaphore, #tpu.memory_space<semaphore_mem>>)
    } else {
    }
    %add3A_347 = arith.constant 32 : i32
    %add3A_348 = arith.addi %add3A, %add3A_347 : i32
    %lt3A_349 = arith.constant 50 : i32
    %lt3A_350 = arith.cmpi slt, %add3A_336, %lt3A_349 : i32
    %convert_element_type3A_351 = arith.extui %lt3A_350 : i1 to i32
    %cond3A_352 = arith.constant 0 : i32
    %cond3A_353 = arith.cmpi ne, %convert_element_type3A_351, %cond3A_352 : i32
    scf.if %cond3A_353 {
      %dma_wait3A_388 = arith.constant 0 : i32
      %dma_wait3A_389 = tpu.memref_slice %arg12[%dma_wait3A_388] : memref<1200000xi32, #tpu.memory_space<hbm>> -> memref<2000xi32, #tpu.memory_space<hbm>>
      %dma_wait3A_390 = arith.constant 0 : i32
      %dma_wait3A_391 = tpu.memref_slice %arg12[%dma_wait3A_390] : memref<1200000xi32, #tpu.memory_space<hbm>> -> memref<2000xi32, #tpu.memory_space<hbm>>
      tpu.wait_dma2 semaphore(%arg42 : memref<!tpu.dma_semaphore, #tpu.memory_space<semaphore_mem>>) src(%arg34 : memref<2000xi32, #tpu.memory_space<vmem>>) dst(%dma_wait3A_391 : memref<2000xi32, #tpu.memory_space<hbm>>)
    } else {
    }
    %lt3A_354 = arith.constant 50 : i32
    %lt3A_355 = arith.cmpi slt, %add3A_348, %lt3A_354 : i32
    %convert_element_type3A_356 = arith.extui %lt3A_355 : i1 to i32
    %cond3A_357 = arith.constant 0 : i32
    %cond3A_358 = arith.cmpi ne, %convert_element_type3A_356, %cond3A_357 : i32
    scf.if %cond3A_358 {
      %mul3A_388 = arith.constant 2000 : i32
      %mul3A_389 = arith.muli %add3A_348, %mul3A_388 : i32
      %add3A_390 = arith.constant 100000 : i32
      %add3A_391 = arith.addi %add3A_390, %mul3A_389 : i32
      "tpu.region"() ({
        %run_scoped3A = tpu.sem_alloc : memref<!tpu.dma_semaphore, #tpu.memory_space<semaphore_mem>>
        %dma_start3A_401 = tpu.memref_slice %arg9[%add3A_391] : memref<300000xi32, #tpu.memory_space<hbm>> -> memref<2000xi32, #tpu.memory_space<hbm>>
        %dma_start3A_402 = tpu.memref_slice %arg9[%add3A_391] : memref<300000xi32, #tpu.memory_space<hbm>> -> memref<2000xi32, #tpu.memory_space<hbm>>
        tpu.enqueue_dma source(%dma_start3A_402 : memref<2000xi32, #tpu.memory_space<hbm>>) target(%arg34 : memref<2000xi32, #tpu.memory_space<vmem>>) target_semaphore(%run_scoped3A : memref<!tpu.dma_semaphore, #tpu.memory_space<semaphore_mem>>)
        %dma_wait3A_403 = tpu.memref_slice %arg9[%add3A_391] : memref<300000xi32, #tpu.memory_space<hbm>> -> memref<2000xi32, #tpu.memory_space<hbm>>
        %dma_wait3A_404 = tpu.memref_slice %arg9[%add3A_391] : memref<300000xi32, #tpu.memory_space<hbm>> -> memref<2000xi32, #tpu.memory_space<hbm>>
        tpu.wait_dma2 semaphore(%run_scoped3A : memref<!tpu.dma_semaphore, #tpu.memory_space<semaphore_mem>>) src(%dma_wait3A_404 : memref<2000xi32, #tpu.memory_space<hbm>>) dst(%arg34 : memref<2000xi32, #tpu.memory_space<vmem>>)
        tpu.yield
      }) : () -> ()
      %scan3A_392 = arith.constant 0 : i32
      %scan3A_393 = arith.constant 0 : i32
      %scan3A_394 = arith.constant 125 : i32
      %scan3A_395 = arith.addi %scan3A_393, %scan3A_394 : i32
      %scan3A_396 = arith.constant 1 : i32
      scf.for %scan3A_401 = %scan3A_393 to %scan3A_395 step %scan3A_396  : i32 {
        %mul3A_402 = arith.constant 16 : i32
        %mul3A_403 = arith.muli %scan3A_401, %mul3A_402 : i32
        %get3A = arith.index_cast %mul3A_403 : i32 to index
        %get3A_404 = tpu.vector_load %arg34[%get3A] {strides = array<i32>} : memref<2000xi32, #tpu.memory_space<vmem>>, vector<16xi32>,
        %get3A_405 = vector.shape_cast %get3A_404 : vector<16xi32> to vector<16xi32>
        %add3A_406 = arith.constant 50000 : i32
        %add3A_407 = vector.broadcast %add3A_406 : i32 to vector<16xi32>
        %add3A_408 = arith.addi %get3A_405, %add3A_407 : vector<16xi32>
        %swap3A = arith.index_cast %mul3A_403 : i32 to index
        %swap3A_409 = tpu.vector_load %arg34[%swap3A] {strides = array<i32>} : memref<2000xi32, #tpu.memory_space<vmem>>, vector<16xi32>,
        %swap3A_410 = vector.shape_cast %swap3A_409 : vector<16xi32> to vector<16xi32>
        %swap3A_411 = vector.shape_cast %add3A_408 : vector<16xi32> to vector<16xi32>
        tpu.vector_store %arg34[%swap3A], %swap3A_411 {strides = array<i32>} : memref<2000xi32, #tpu.memory_space<vmem>>, vector<16xi32>,
      }
      %scan3A_397 = arith.constant 125 : i32
      %add3A_398 = arith.constant 700000 : i32
      %add3A_399 = arith.addi %add3A_398, %mul3A_389 : i32
      %dma_start3A = tpu.memref_slice %arg12[%add3A_399] : memref<1200000xi32, #tpu.memory_space<hbm>> -> memref<2000xi32, #tpu.memory_space<hbm>>
      %dma_start3A_400 = tpu.memref_slice %arg12[%add3A_399] : memref<1200000xi32, #tpu.memory_space<hbm>> -> memref<2000xi32, #tpu.memory_space<hbm>>
      tpu.enqueue_dma source(%arg34 : memref<2000xi32, #tpu.memory_space<vmem>>) target(%dma_start3A_400 : memref<2000xi32, #tpu.memory_space<hbm>>) target_semaphore(%arg42 : memref<!tpu.dma_semaphore, #tpu.memory_space<semaphore_mem>>)
    } else {
    }
    %add3A_359 = arith.constant 0 : i32
    %add3A_360 = arith.addi %add3A, %add3A_359 : i32
    %lt3A_361 = arith.constant 50 : i32
    %lt3A_362 = arith.cmpi slt, %add3A_348, %lt3A_361 : i32
    %convert_element_type3A_363 = arith.extui %lt3A_362 : i1 to i32
    %cond3A_364 = arith.constant 0 : i32
    %cond3A_365 = arith.cmpi ne, %convert_element_type3A_363, %cond3A_364 : i32
    scf.if %cond3A_365 {
      %dma_wait3A_388 = arith.constant 0 : i32
      %dma_wait3A_389 = tpu.memref_slice %arg12[%dma_wait3A_388] : memref<1200000xi32, #tpu.memory_space<hbm>> -> memref<2000xi32, #tpu.memory_space<hbm>>
      %dma_wait3A_390 = arith.constant 0 : i32
      %dma_wait3A_391 = tpu.memref_slice %arg12[%dma_wait3A_390] : memref<1200000xi32, #tpu.memory_space<hbm>> -> memref<2000xi32, #tpu.memory_space<hbm>>
      tpu.wait_dma2 semaphore(%arg42 : memref<!tpu.dma_semaphore, #tpu.memory_space<semaphore_mem>>) src(%arg34 : memref<2000xi32, #tpu.memory_space<vmem>>) dst(%dma_wait3A_391 : memref<2000xi32, #tpu.memory_space<hbm>>)
    } else {
    }
    %lt3A_366 = arith.constant 50 : i32
    %lt3A_367 = arith.cmpi slt, %add3A_360, %lt3A_366 : i32
    %convert_element_type3A_368 = arith.extui %lt3A_367 : i1 to i32
    %cond3A_369 = arith.constant 0 : i32
    %cond3A_370 = arith.cmpi ne, %convert_element_type3A_368, %cond3A_369 : i32
    scf.if %cond3A_370 {
      %mul3A_388 = arith.constant 2000 : i32
      %mul3A_389 = arith.muli %add3A_360, %mul3A_388 : i32
      %add3A_390 = arith.constant 200000 : i32
      %add3A_391 = arith.addi %add3A_390, %mul3A_389 : i32
      "tpu.region"() ({
        %run_scoped3A = tpu.sem_alloc : memref<!tpu.dma_semaphore, #tpu.memory_space<semaphore_mem>>
        %dma_start3A_401 = tpu.memref_slice %arg9[%add3A_391] : memref<300000xi32, #tpu.memory_space<hbm>> -> memref<2000xi32, #tpu.memory_space<hbm>>
        %dma_start3A_402 = tpu.memref_slice %arg9[%add3A_391] : memref<300000xi32, #tpu.memory_space<hbm>> -> memref<2000xi32, #tpu.memory_space<hbm>>
        tpu.enqueue_dma source(%dma_start3A_402 : memref<2000xi32, #tpu.memory_space<hbm>>) target(%arg34 : memref<2000xi32, #tpu.memory_space<vmem>>) target_semaphore(%run_scoped3A : memref<!tpu.dma_semaphore, #tpu.memory_space<semaphore_mem>>)
        %dma_wait3A_403 = tpu.memref_slice %arg9[%add3A_391] : memref<300000xi32, #tpu.memory_space<hbm>> -> memref<2000xi32, #tpu.memory_space<hbm>>
        %dma_wait3A_404 = tpu.memref_slice %arg9[%add3A_391] : memref<300000xi32, #tpu.memory_space<hbm>> -> memref<2000xi32, #tpu.memory_space<hbm>>
        tpu.wait_dma2 semaphore(%run_scoped3A : memref<!tpu.dma_semaphore, #tpu.memory_space<semaphore_mem>>) src(%dma_wait3A_404 : memref<2000xi32, #tpu.memory_space<hbm>>) dst(%arg34 : memref<2000xi32, #tpu.memory_space<vmem>>)
        tpu.yield
      }) : () -> ()
      %scan3A_392 = arith.constant 0 : i32
      %scan3A_393 = arith.constant 0 : i32
      %scan3A_394 = arith.constant 125 : i32
      %scan3A_395 = arith.addi %scan3A_393, %scan3A_394 : i32
      %scan3A_396 = arith.constant 1 : i32
      scf.for %scan3A_401 = %scan3A_393 to %scan3A_395 step %scan3A_396  : i32 {
        %mul3A_402 = arith.constant 16 : i32
        %mul3A_403 = arith.muli %scan3A_401, %mul3A_402 : i32
        %get3A = arith.index_cast %mul3A_403 : i32 to index
        %get3A_404 = tpu.vector_load %arg34[%get3A] {strides = array<i32>} : memref<2000xi32, #tpu.memory_space<vmem>>, vector<16xi32>,
        %get3A_405 = vector.shape_cast %get3A_404 : vector<16xi32> to vector<16xi32>
        %add3A_406 = arith.constant 50000 : i32
        %add3A_407 = vector.broadcast %add3A_406 : i32 to vector<16xi32>
        %add3A_408 = arith.addi %get3A_405, %add3A_407 : vector<16xi32>
        %swap3A = arith.index_cast %mul3A_403 : i32 to index
        %swap3A_409 = tpu.vector_load %arg34[%swap3A] {strides = array<i32>} : memref<2000xi32, #tpu.memory_space<vmem>>, vector<16xi32>,
        %swap3A_410 = vector.shape_cast %swap3A_409 : vector<16xi32> to vector<16xi32>
        %swap3A_411 = vector.shape_cast %add3A_408 : vector<16xi32> to vector<16xi32>
        tpu.vector_store %arg34[%swap3A], %swap3A_411 {strides = array<i32>} : memref<2000xi32, #tpu.memory_space<vmem>>, vector<16xi32>,
      }
      %scan3A_397 = arith.constant 125 : i32
      %add3A_398 = arith.constant 1100000 : i32
      %add3A_399 = arith.addi %add3A_398, %mul3A_389 : i32
      %dma_start3A = tpu.memref_slice %arg12[%add3A_399] : memref<1200000xi32, #tpu.memory_space<hbm>> -> memref<2000xi32, #tpu.memory_space<hbm>>
      %dma_start3A_400 = tpu.memref_slice %arg12[%add3A_399] : memref<1200000xi32, #tpu.memory_space<hbm>> -> memref<2000xi32, #tpu.memory_space<hbm>>
      tpu.enqueue_dma source(%arg34 : memref<2000xi32, #tpu.memory_space<vmem>>) target(%dma_start3A_400 : memref<2000xi32, #tpu.memory_space<hbm>>) target_semaphore(%arg42 : memref<!tpu.dma_semaphore, #tpu.memory_space<semaphore_mem>>)
    } else {
    }
    %add3A_371 = arith.constant 32 : i32
    %add3A_372 = arith.addi %add3A, %add3A_371 : i32
    %lt3A_373 = arith.constant 50 : i32
    %lt3A_374 = arith.cmpi slt, %add3A_360, %lt3A_373 : i32
    %convert_element_type3A_375 = arith.extui %lt3A_374 : i1 to i32
    %cond3A_376 = arith.constant 0 : i32
    %cond3A_377 = arith.cmpi ne, %convert_element_type3A_375, %cond3A_376 : i32
    scf.if %cond3A_377 {
      %dma_wait3A_388 = arith.constant 0 : i32
      %dma_wait3A_389 = tpu.memref_slice %arg12[%dma_wait3A_388] : memref<1200000xi32, #tpu.memory_space<hbm>> -> memref<2000xi32, #tpu.memory_space<hbm>>
      %dma_wait3A_390 = arith.constant 0 : i32
      %dma_wait3A_391 = tpu.memref_slice %arg12[%dma_wait3A_390] : memref<1200000xi32, #tpu.memory_space<hbm>> -> memref<2000xi32, #tpu.memory_space<hbm>>
      tpu.wait_dma2 semaphore(%arg42 : memref<!tpu.dma_semaphore, #tpu.memory_space<semaphore_mem>>) src(%arg34 : memref<2000xi32, #tpu.memory_space<vmem>>) dst(%dma_wait3A_391 : memref<2000xi32, #tpu.memory_space<hbm>>)
    } else {
    }
    %lt3A_378 = arith.constant 50 : i32
    %lt3A_379 = arith.cmpi slt, %add3A_372, %lt3A_378 : i32
    %convert_element_type3A_380 = arith.extui %lt3A_379 : i1 to i32
    %cond3A_381 = arith.constant 0 : i32
    %cond3A_382 = arith.cmpi ne, %convert_element_type3A_380, %cond3A_381 : i32
    scf.if %cond3A_382 {
      %mul3A_388 = arith.constant 2000 : i32
      %mul3A_389 = arith.muli %add3A_372, %mul3A_388 : i32
      %add3A_390 = arith.constant 200000 : i32
      %add3A_391 = arith.addi %add3A_390, %mul3A_389 : i32
      "tpu.region"() ({
        %run_scoped3A = tpu.sem_alloc : memref<!tpu.dma_semaphore, #tpu.memory_space<semaphore_mem>>
        %dma_start3A_401 = tpu.memref_slice %arg9[%add3A_391] : memref<300000xi32, #tpu.memory_space<hbm>> -> memref<2000xi32, #tpu.memory_space<hbm>>
        %dma_start3A_402 = tpu.memref_slice %arg9[%add3A_391] : memref<300000xi32, #tpu.memory_space<hbm>> -> memref<2000xi32, #tpu.memory_space<hbm>>
        tpu.enqueue_dma source(%dma_start3A_402 : memref<2000xi32, #tpu.memory_space<hbm>>) target(%arg34 : memref<2000xi32, #tpu.memory_space<vmem>>) target_semaphore(%run_scoped3A : memref<!tpu.dma_semaphore, #tpu.memory_space<semaphore_mem>>)
        %dma_wait3A_403 = tpu.memref_slice %arg9[%add3A_391] : memref<300000xi32, #tpu.memory_space<hbm>> -> memref<2000xi32, #tpu.memory_space<hbm>>
        %dma_wait3A_404 = tpu.memref_slice %arg9[%add3A_391] : memref<300000xi32, #tpu.memory_space<hbm>> -> memref<2000xi32, #tpu.memory_space<hbm>>
        tpu.wait_dma2 semaphore(%run_scoped3A : memref<!tpu.dma_semaphore, #tpu.memory_space<semaphore_mem>>) src(%dma_wait3A_404 : memref<2000xi32, #tpu.memory_space<hbm>>) dst(%arg34 : memref<2000xi32, #tpu.memory_space<vmem>>)
        tpu.yield
      }) : () -> ()
      %scan3A_392 = arith.constant 0 : i32
      %scan3A_393 = arith.constant 0 : i32
      %scan3A_394 = arith.constant 125 : i32
      %scan3A_395 = arith.addi %scan3A_393, %scan3A_394 : i32
      %scan3A_396 = arith.constant 1 : i32
      scf.for %scan3A_401 = %scan3A_393 to %scan3A_395 step %scan3A_396  : i32 {
        %mul3A_402 = arith.constant 16 : i32
        %mul3A_403 = arith.muli %scan3A_401, %mul3A_402 : i32
        %get3A = arith.index_cast %mul3A_403 : i32 to index
        %get3A_404 = tpu.vector_load %arg34[%get3A] {strides = array<i32>} : memref<2000xi32, #tpu.memory_space<vmem>>, vector<16xi32>,
        %get3A_405 = vector.shape_cast %get3A_404 : vector<16xi32> to vector<16xi32>
        %add3A_406 = arith.constant 50000 : i32
        %add3A_407 = vector.broadcast %add3A_406 : i32 to vector<16xi32>
        %add3A_408 = arith.addi %get3A_405, %add3A_407 : vector<16xi32>
        %swap3A = arith.index_cast %mul3A_403 : i32 to index
        %swap3A_409 = tpu.vector_load %arg34[%swap3A] {strides = array<i32>} : memref<2000xi32, #tpu.memory_space<vmem>>, vector<16xi32>,
        %swap3A_410 = vector.shape_cast %swap3A_409 : vector<16xi32> to vector<16xi32>
        %swap3A_411 = vector.shape_cast %add3A_408 : vector<16xi32> to vector<16xi32>
        tpu.vector_store %arg34[%swap3A], %swap3A_411 {strides = array<i32>} : memref<2000xi32, #tpu.memory_space<vmem>>, vector<16xi32>,
      }
      %scan3A_397 = arith.constant 125 : i32
      %add3A_398 = arith.constant 1100000 : i32
      %add3A_399 = arith.addi %add3A_398, %mul3A_389 : i32
      %dma_start3A = tpu.memref_slice %arg12[%add3A_399] : memref<1200000xi32, #tpu.memory_space<hbm>> -> memref<2000xi32, #tpu.memory_space<hbm>>
      %dma_start3A_400 = tpu.memref_slice %arg12[%add3A_399] : memref<1200000xi32, #tpu.memory_space<hbm>> -> memref<2000xi32, #tpu.memory_space<hbm>>
      tpu.enqueue_dma source(%arg34 : memref<2000xi32, #tpu.memory_space<vmem>>) target(%dma_start3A_400 : memref<2000xi32, #tpu.memory_space<hbm>>) target_semaphore(%arg42 : memref<!tpu.dma_semaphore, #tpu.memory_space<semaphore_mem>>)
    } else {
    }
    %lt3A_383 = arith.constant 50 : i32
    %lt3A_384 = arith.cmpi slt, %add3A_372, %lt3A_383 : i32
    %convert_element_type3A_385 = arith.extui %lt3A_384 : i1 to i32
    %cond3A_386 = arith.constant 0 : i32
    %cond3A_387 = arith.cmpi ne, %convert_element_type3A_385, %cond3A_386 : i32
    scf.if %cond3A_387 {
      %dma_wait3A_388 = arith.constant 0 : i32
      %dma_wait3A_389 = tpu.memref_slice %arg12[%dma_wait3A_388] : memref<1200000xi32, #tpu.memory_space<hbm>> -> memref<2000xi32, #tpu.memory_space<hbm>>
      %dma_wait3A_390 = arith.constant 0 : i32
      %dma_wait3A_391 = tpu.memref_slice %arg12[%dma_wait3A_390] : memref<1200000xi32, #tpu.memory_space<hbm>> -> memref<2000xi32, #tpu.memory_space<hbm>>
      tpu.wait_dma2 semaphore(%arg42 : memref<!tpu.dma_semaphore, #tpu.memory_space<semaphore_mem>>) src(%arg34 : memref<2000xi32, #tpu.memory_space<vmem>>) dst(%dma_wait3A_391 : memref<2000xi32, #tpu.memory_space<hbm>>)
    } else {
    }
    return
  }
}

</mosaic_0001>

<sc_bundles>
// kernel: kernel.3.cloned.1.call-start
scs
__scs_entry_jumppad:
0x0: {  	(pc) =	sbr.rel $0x88, $3  }
0x1: {  	(tag) =	ssettag $0x0;
	lr =	simm.s32 $0x1  }
0x2: {  	[smem:$0x3F9C] =	sst lr;
	_ =	strace $0xD0000000  }
0x3: {  	_ = 	snop  }
0x4: {  	_ = 	snop  }
0x5: {  	_ = 	snop  }
0x6: {  	_ = 	snop  }
0x7: {  	_ = 	snop  }
__scs_overlays_trampoline_lowered:
0x8: {  	[smem:$0x3FAB] =	sst s0  }
0x9: {  	[smem:$0x3FAC] =	sst s1  }
0xa: {  	[smem:$0x3FAD] =	sst s2  }
0xb: {  	[smem:$0x3FAE] =	sst s3  }
0xc: {  	[smem:$0x3FAF] =	sst s4  }
0xd: {  	[smem:$0x3FB0] =	sst s5  }
0xe: {  	[smem:$0x3FB1] =	sst s6  }
0xf: {  	[smem:$0x3FB2] =	sst s7  }
0x10: {  	[smem:$0x3FB3] =	sst s8  }
0x11: {  	[smem:$0x3FB4] =	sst s9;
	s0 =	simm.s32 @!p0 $0x0  }
0x12: {  	s1 =	sld [smem:$0x3F9A];
	s0 =	simm.s32 @p0 $0x1  }
0x13: {  	[smem:$0x3FB5] =	sst s0;
	s0 =	simm.s32 @!p1 $0x0  }
0x14: {  	s2 =	sld [smem:$0x3F99];
	s0 =	simm.s32 @p1 $0x1  }
0x15: {  	[smem:$0x3FB6] =	sst s0;
	s0 =	simm.s32 @!p2 $0x0  }
0x16: {  	s3 =	sld [smem:$0x3FDB];
	s0 =	simm.s32 @p2 $0x1  }
0x17: {  	s4 =	simm.s32 $0x1BF5;
	[smem:$0x3FB8] =	sst s0  }
0x18: {  	s0 =	sld [smem:$0x3F9B];
	_ =	swait.ge [sflag:s4], $0x0  }
0x19: {  	s7 =	sld [smem:$0x3F9C]  }
0x1a: {  	s8 =	sadd.s32 $0xFFFFE003, lr  }
0x1b: {  	s9 =	sadd.s32 $0xFFFFFEF7, lr;
	s5 =	simm.s32 $0xFFFFFFFF;
	p2 =	slt.u32 s8, $0xFFFFF086  }
0x1c: {  	p1 =	slt.u32 s9, $0xF7A;
	s5 =	simm.s32 @!p2 $0x0  }
0x1d: {  	s5 =	simm.s32 @p1 $0x1;
	p0 =	seq.s32 s7, s2  }
0x1e: {  	s7 =	smul.u32 @!p0 $0xF7A, s2;
	p2 =	seq.s32 @!p0 s5, $0x0  }
0x1f: {  	s9 =	smul.u32 $0xF7A, s1;
	s8 =	simm.s32 @!p0 $0x1BF5;
	p2 =	por !p2, p0  }
0x20: {  	[sflag:s8] =	ssyncset.s32 @!p0 $0xFFFFF086;
	s6 =	sadd.s32 @!p0 s3, s7;
	s7 =	simm.s32 @!p0 $0x108  }
0x21: {  	s3 =	sadd.s32 s3, s9;
	s6 =	sadd.s32 @!p0 $0x88, s6;
	s7 =	simm.s32 @p2 $0x1082  }
0x22: {  	[simem:s7], [sflag:s8] =	dma.local @!p0 [hbm:s6], $0xF7A  }
0x23: {  	s9 =	sor.u32 $0xD0000000, s2;
	s6 =	simm.s32 $0x108;
	_ =	swait.ge @!p0 [sflag:s8], $0x0  }
0x24: {  	s3 =	sadd.s32 $0x88, s3;
	s6 =	simm.s32 @!p1 $0x1082;
	[sflag:s4] =	ssyncset.s32 $0xFFFFF086  }
0x25: {  	[simem:s6], [sflag:s4] =	dma.local [hbm:s3], $0xF7A  }
0x26: {  	[smem:$0x3F9C] =	sst s1;
	(tag) =	ssettag s2;
	_ =	strace s9  }
0x27: {  	s1 =	sld [smem:$0x3FAC]  }
0x28: {  	s2 =	sld [smem:$0x3FAD]  }
0x29: {  	s4 =	sld [smem:$0x3FAF]  }
0x2a: {  	p0 =	seq.s32 s5, $0x0;
	s5 =	sld [smem:$0x3FB0]  }
0x2b: {  	s6 =	sld [smem:$0x3FB1]  }
0x2c: {  	s7 =	sld [smem:$0x3FB2]  }
0x2d: {  	s3 =	simm.s32 $0x108;
	s8 =	sld [smem:$0x3FB3]  }
0x2e: {  	s3 =	simm.s32 @!p0 $0x1082;
	s9 =	sld [smem:$0x3FB4]  }
0x2f: {  	lr =	sadd.s32 s0, s3;
	s0 =	sld [smem:$0x3FAB]  }
0x30: {  	s3 =	sld [smem:$0x3FAE]  }
0x31: {  	[smem:$0x3FB7] =	sst s10  }
0x32: {  	s10 =	sld [smem:$0x3FB5];
	_ =	sdelay $0x3  }
0x33: {  	p0 =	seq.s32 s10, $0x1;
	s10 =	sld [smem:$0x3FB7];
	_ =	sdelay $0x3  }
0x34: {  	[smem:$0x3FB7] =	sst s10  }
0x35: {  	s10 =	sld [smem:$0x3FB6];
	_ =	sdelay $0x3  }
0x36: {  	p1 =	seq.s32 s10, $0x1;
	s10 =	sld [smem:$0x3FB7];
	_ =	sdelay $0x3  }
0x37: {  	[smem:$0x3FB7] =	sst s10  }
0x38: {  	s10 =	sld [smem:$0x3FB8]  }
0x39: {  	_ = 	snop;
	(pc) =	sbr.ind lr, $3  }
0x3a: {  	_ = 	snop  }
0x3b: {  	_ = 	snop  }
0x3c: {  	p2 =	seq.s32 s10, $0x1;
	s10 =	sld [smem:$0x3FB7]  }
0x3d: {  	_ =	shalt  }
0x3e: {  	_ =	shalt  }
0x3f: {  	_ =	shalt  }
0x40: {  	_ =	shalt  }
0x41: {  	_ =	shalt  }
0x42: {  	_ =	shalt  }
0x43: {  	_ =	shalt  }
0x44: {  	_ =	shalt  }
0x45: {  	_ =	shalt  }
0x46: {  	_ =	shalt  }
0x47: {  	_ =	shalt  }
0x48: {  	_ =	shalt  }
0x49: {  	_ =	shalt  }
0x4a: {  	_ =	shalt  }
0x4b: {  	_ =	shalt  }
0x4c: {  	_ =	shalt  }
0x4d: {  	_ =	shalt  }
0x4e: {  	_ =	shalt  }
0x4f: {  	_ =	shalt  }
0x50: {  	_ =	shalt  }
0x51: {  	_ =	shalt  }
0x52: {  	_ =	shalt  }
0x53: {  	_ =	shalt  }
0x54: {  	_ =	shalt  }
0x55: {  	_ =	shalt  }
0x56: {  	_ =	shalt  }
0x57: {  	_ =	shalt  }
0x58: {  	_ =	shalt  }
0x59: {  	_ =	shalt  }
0x5a: {  	_ =	shalt  }
0x5b: {  	_ =	shalt  }
0x5c: {  	_ =	shalt  }
0x5d: {  	_ =	shalt  }
0x5e: {  	_ =	shalt  }
0x5f: {  	_ =	shalt  }
0x60: {  	_ =	shalt  }
0x61: {  	_ =	shalt  }
0x62: {  	_ =	shalt  }
0x63: {  	_ =	shalt  }
0x64: {  	_ =	shalt  }
0x65: {  	_ =	shalt  }
0x66: {  	_ =	shalt  }
0x67: {  	_ =	shalt  }
0x68: {  	_ =	shalt  }
0x69: {  	_ =	shalt  }
0x6a: {  	_ =	shalt  }
0x6b: {  	_ =	shalt  }
0x6c: {  	_ =	shalt  }
0x6d: {  	_ =	shalt  }
0x6e: {  	_ =	shalt  }
0x6f: {  	_ =	shalt  }
0x70: {  	_ =	shalt  }
0x71: {  	_ =	shalt  }
0x72: {  	_ =	shalt  }
0x73: {  	_ =	shalt  }
0x74: {  	_ =	shalt  }
0x75: {  	_ =	shalt  }
0x76: {  	_ =	shalt  }
0x77: {  	_ =	shalt  }
0x78: {  	_ =	shalt  }
0x79: {  	_ =	shalt  }
0x7a: {  	_ =	shalt  }
0x7b: {  	_ =	shalt  }
0x7c: {  	_ =	shalt  }
0x7d: {  	_ =	shalt  }
0x7e: {  	_ =	shalt  }
0x7f: {  	_ =	shalt  }
0x80: {  	_ =	shalt  }
0x81: {  	_ =	shalt  }
0x82: {  	_ =	shalt  }
0x83: {  	_ =	shalt  }
0x84: {  	_ =	shalt  }
0x85: {  	_ =	shalt  }
0x86: {  	_ =	shalt  }
0x87: {  	_ =	shalt  }
.Lfunc_end0:
.L_simem_size_0:
called_computation_lowered:
.L_overlay_start_0:
0x88: {  	s2 =	sld [smem:$0x3FD9]  }
0x89: {  	s3 =	sld [smem:$0x3FFE];
	_ =	sdelay $0x1  }
0x8a: {  	s1 =	srdreg.scid  }
0x8b: {  	s0 =	sand.u32 $0x1, s1  }
0x8c: {  	s14 =	sshll.u32 s0, $0xA;
	s2 =	sadd.s32 s3, s2  }
0x8d: {  	s2 =	sadd.s32 s2, s14  }
0x8e: {  	[smem:$0x3FC3] =	sst s2  }
0x8f: {  	_ = 	snop  }
0x90: {  	s2 =	sld [smem:$0x3FD0];
	_ =	sdelay $0x2  }
0x91: {  	s4 =	simm.s32 $0xA;
	s5 =	simm.s32 $0x10;
	s15 =	sld [smem:$0x3FC8]  }
0x92: {  	[smem:s5], [sflag:s4] =	dma.local [hbm:s2], $0x1  }
0x93: {  	_ =	swait.eq [sflag:s4], $0x1  }
0x94: {  	s16 =	sld [smem:$0x10];
	[sflag:s4] =	ssyncset.done $0x0  }
0x95: {  	s17 =	sld [smem:$0x11];
	[sflag:s4] =	ssyncadd.s32 $0xFFFFFFFF  }
0x96: {  	s18 =	sld [smem:$0x12];
	(tm) =	ssettm $0x1  }
0x97: {  	s6 =	sld [smem:$0x3FFB];
	_ =	sdelay $0x3  }
0x98: {  	_ =	strace s6  }
0x99: {  	s6 =	sld [smem:$0x3FFC];
	_ =	sdelay $0x3  }
0x9a: {  	_ =	strace s6  }
0x9b: {  	s6 =	sld [smem:$0x3FFD];
	_ =	sdelay $0x3  }
0x9c: {  	_ =	strace s6  }
0x9d: {  	_ =	strace $0x8FFFFFFF  }
0x9e: {  	s19 =	sld [smem:$0x3FDB];
	_ =	sdelay $0x1  }
0x9f: {  	s7 =	simm.s32 $_scs_section_size  }
0xa0: {  	s8 =	simm.s32 $_size__tile_overlayer_lowered;
	s9 =	simm.s32 $_tile_overlayer_lowered  }
0xa1: {  	s22 =	simm.s32 $0x1BFF;
	s21 =	sshll.u32 s9, $0x1;
	s6 =	sadd.s32 s7, s19  }
0xa2: {  	s10 =	simm.s32 $0x0;
	s20 =	sshll.u32 s8, $0x1;
	s8 =	sadd.s32 s21, s6  }
0xa3: {  	[timem:s10], [sflag:s22] =	dma.local [hbm:s8], s20  }
0xa4: {  	_ =	swait.ge [sflag:s22], s20  }
0xa5: {  	s7 =	ssub.s32 $0x0, s20;
	[sflag:s22] =	ssyncset.done $0x0  }
0xa6: {  	[sflag:s22] =	ssyncadd.s32 s7;
	_ =	sdelay $0x1  }
0xa7: {  	s23 =	simm.s32 $0x1B8B  }
0xa8: {  	_ =	swait.ge [sflag:s23], $0x1  }
0xa9: {  	[sflag:s23] =	ssyncset.done $0x0  }
0xaa: {  	s25 =	simm.s32 $0x1B8E;
	s24 =	sld [smem:$0x3FFE];
	[sflag:s23] =	ssyncadd.s32 $0xFFFFFFFF  }
0xab: {  	s26 =	simm.s32 $execute0_lowered;
	[smem:$0x3FD2] =	sst s25  }
0xac: {  	s8 =	sshll.u32 s26, $0x1;
	_ =	strace $0x80000046;
	[dreg:$0x1] =	wrdreg $0xFFFFFFFF  }
0xad: {  	s28 =	simm.s32 $_size_execute0_lowered;
	s6 =	sadd.s32 s6, s8;
	[dreg:$0x0] =	wrdreg $0x0  }
0xae: {  	s8 =	sshll.u32 s28, $0x1;
	[dreg:$0x2] =	wrdreg s6  }
0xaf: {  	[dreg:$0x3] =	wrdreg s8  }
0xb0: {  	[dreg:$0x4] =	wrdreg $0xC0  }
0xb1: {  	_ =	task [dreg:s10], $0x5FFFF  }
0xb2: {  	[dreg:$0x1] =	wrdreg $0xFFFFFFFF  }
0xb3: {  	[dreg:$0x0] =	wrdreg $0x60  }
0xb4: {  	[dreg:$0x2] =	wrdreg s15  }
0xb5: {  	[dreg:$0x3] =	wrdreg s24  }
0xb6: {  	[dreg:$0x4] =	wrdreg s17  }
0xb7: {  	[dreg:$0x5] =	wrdreg s18  }
0xb8: {  	[dreg:$0x6] =	wrdreg s16  }
0xb9: {  	[dreg:$0x7] =	wrdreg $0xB4000  }
0xba: {  	[dreg:$0x8] =	wrdreg $0xC0380  }
0xbb: {  	[dreg:$0x9] =	wrdreg $0xCC700  }
0xbc: {  	[dreg:$0xa] =	wrdreg $0x9  }
0xbd: {  	_ =	task.clear_ibuf [dreg:s10], $0xBFFFF;
	_ =	strace $0x90000046  }
0xbe: {  	s29 =	simm.s32 $0x9;
	_ =	strace $0x80000048  }
0xbf: {  	_ =	swait.ge [sflag:s29], $0x1  }
0xc0: {  	[sflag:s29] =	ssyncadd.s32 $0xFFFFFFFF  }
0xc1: {  	_ =	strace $0x90000048  }
0xc2: {  	_ =	sfence  }
0xc3: {  	s30 =	sld [smem:$0x0];
	_ =	sdelay $0x2  }
0xc4: {  	s31 =	sshll.u32 s1, $0xD;
	s1 =	sshrl.u32 s1, $0x2  }
0xc5: {  	s3 =	sand.u32 $0x4000, s31;
	s1 =	sadd.s32 s1, s30  }
0xc6: {  	s0 =	sor.u32 s3, s0;
	s1 =	sshll.u32 s1, $0x11  }
0xc7: {  	s0 =	sor.u32 s1, s0  }
0xc8: {  	s0 =	sadd.s32 $0x8F2B, s0  }
0xc9: {  	[sflag:s0] =	ssyncadd.remote.s32 $0x1  }
0xca: {  	_ =	sfence.sel $0xFFFF  }
0xcb: {  	[dreg:$0x0] =	wrdreg $0xFFFFFFFF;
	(pc) =	sbr.abs _section_cstart, $3  }
0xcc: {  	[dreg:$0x1] =	wrdreg $0xFFFFFFFF  }
0xcd: {  	_ =	task.clear_ibuf [dreg:s10], $0x2FFFF;
	_ =	strace $0x9FFFFFFF  }
0xce: {  	(tm) =	ssettm $0x7FFFFFFF  }
0xcf: {  	_ =	shalt  }
tec
execute0_lowered:
.L_overlay_start_1:
0x0: {  	(tag) =	ssettag $0x1  }
0x1: {  	s0 =	srdreg.scid  }
0x2: {  	s19 =	stileid.u32;
	s4 =	rddreg [dreg:$0x1]  }
0x3: {  	s29 =	rddreg [dreg:$0x6];
	s0 =	sand.u32 $0x1, s0;
	s2 =	smul.u32 $0x7D0, s19  }
0x4: {  	s1 =	simm.s32 $0x0;
	s31 =	rddreg [dreg:$0x7];
	s3 =	smul.u32 $0x3E8, s0  }
0x5: {  	[smem:$0x7FF] =	sst s1;
	s5 =	sshll.u32 s19, $0x1  }
0x6: {  	s23 =	ssub.s32 $0x2, s0;
	s18 =	sadd.s32 s3, s2;
	s3 =	sor.u32 s0, s5  }
0x7: {  	s6 =	sadd.s32 $0xA800, s4;
	s8 =	sshrl.u32 s23, $0x1;
	s5 =	smul.u32 $0xFA, s3  }
0x8: {  	s7 =	sadd.s32 $0x13C00, s4;
	s11 =	sadd.s32 $0x1D000, s4;
	s2 =	ssub.s32 s23, s8  }
0x9: {  	s9 =	sor.u32 $0x20, s3;
	s10 =	smul.u32 $0x7D0, s3;
	s12 =	sadd.s32 s6, s5  }
0xa: {  	s24 =	smul.u32 $0xFA, s9;
	s5 =	sadd.s32 s11, s5;
	[dreg:$0xa] =	wrdreg s12  }
0xb: {  	s25 =	smul.u32 $0x7D0, s9;
	s10 =	sshrl.u32 s10, $0x3;
	[dreg:$0xb] =	wrdreg s5  }
0xc: {  	s26 =	sadd.s32 s6, s24;
	s13 =	sadd.s32 $0x61A8, s10;
	s8 =	sadd.s32 s11, s24  }
0xd: {  	s14 =	sshrl.u32 s25, $0x3;
	s16 =	sadd.s32 $0x30D4, s10;
	[dreg:$0xc] =	wrdreg s26  }
0xe: {  	s12 =	sadd.s32 s11, s10;
	[dreg:$0xd] =	wrdreg s8;
	s24 =	sadd.s32 s7, s16  }
0xf: {  	s26 =	sadd.s32 s7, s10;
	s8 =	sadd.s32 s7, s14;
	s10 =	rddreg [dreg:$0x2]  }
0x10: {  	s20 =	sadd.s32 s6, s16;
	s21 =	sadd.s32 s11, s16;
	s16 =	rddreg [dreg:$0x3]  }
0x11: {  	[dreg:$0x12] =	wrdreg s8  }
0x12: {  	s15 =	sadd.s32 $0x61A8, s14;
	[dreg:$0x14] =	wrdreg s20  }
0x13: {  	s17 =	sadd.s32 s7, s15;
	[dreg:$0x15] =	wrdreg s21  }
0x14: {  	s5 =	sadd.s32 s11, s14;
	[dreg:$0xf] =	wrdreg s17  }
0x15: {  	s8 =	sadd.s32 s6, s13;
	s17 =	sadd.s32 $0x30D4, s14;
	s14 =	rddreg [dreg:$0x0]  }
0x16: {  	s21 =	sadd.s32 s11, s15;
	[dreg:$0x18] =	wrdreg s8  }
0x17: {  	s22 =	sadd.s32 s7, s13;
	[dreg:$0x1b] =	wrdreg s21;
	s7 =	sadd.s32 s7, s17  }
0x18: {  	s23 =	sadd.s32 s6, s17;
	[dreg:$0x13] =	wrdreg s7  }
0x19: {  	s25 =	sadd.s32 s11, s17;
	[dreg:$0x16] =	wrdreg s23  }
0x1a: {  	s17 =	sadd.s32 s11, s13;
	[dreg:$0x17] =	wrdreg s25  }
0x1b: {  	[dreg:$0x19] =	wrdreg s17  }
0x1c: {  	s20 =	smul.u32 $0xA00, s19;
	s6 =	sadd.s32 s6, s15;
	s23 =	rddreg [dreg:$0x4]  }
0x1d: {  	s0 =	smul.u32 $0x500, s0;
	[dreg:$0x1a] =	wrdreg s6  }
0x1e: {  	s8 =	sadd.s32 s20, s14;
	s25 =	rddreg [dreg:$0x5];
	s7 =	sadd.s32 s20, s16  }
0x1f: {  	s20 =	sadd.s32 $0x5A00, s4;
	_ =	strace $0x80000047;
	[dreg:$0x9] =	wrdreg s18  }
0x20: {  	s21 =	sadd.s32 $0x8E00, s4;
	[dreg:$0x1c] =	wrdreg s20  }
0x21: {  	s30 =	sadd.s32 s0, s8;
	s8 =	sadd.s32 $0x155CC, s12;
	[dreg:$0x1d] =	wrdreg s21  }
0x22: {  	s2 =	smax.u32 s2, $0x1;
	[smem:$0x7E7] =	sst s8  }
0x23: {  	s11 =	smul.u32 $0x50, s3;
	[smem:$0x7F3] =	sst s2  }
0x24: {  	s13 =	smul.u32 $0x50, s9;
	[dreg:$0xe] =	wrdreg s22  }
0x25: {  	s15 =	sshrl.u32 s18, $0x3;
	s28 =	sadd.s32 s0, s7;
	[dreg:$0x10] =	wrdreg s24  }
0x26: {  	s0 =	sadd.s32 s15, s4;
	s4 =	sadd.s32 $0x7400, s4;
	[dreg:$0x11] =	wrdreg s26  }
0x27: {  	s6 =	sshrl.u32 s11, $0x3;
	s11 =	sadd.s32 $0xC350, s12;
	[dreg:$0x1e] =	wrdreg s4  }
0x28: {  	s17 =	sshrl.u32 s13, $0x3;
	s13 =	sadd.s32 $0x186A0, s12;
	[smem:$0x7E0] =	sst s11  }
0x29: {  	s15 =	sadd.s32 $0xF424, s12;
	[smem:$0x7E1] =	sst s13  }
0x2a: {  	s20 =	sadd.s32 $0x1E848, s12;
	[smem:$0x7E2] =	sst s15  }
0x2b: {  	s21 =	sadd.s32 $0x927C, s12;
	[smem:$0x7E5] =	sst s20  }
0x2c: {  	s7 =	sadd.s32 s10, s17;
	s17 =	sadd.s32 $0x1B774, s12;
	[smem:$0x7E6] =	sst s21  }
0x2d: {  	s13 =	sadd.s32 $0xC350, s5;
	[smem:$0x7E3] =	sst s17  }
0x2e: {  	s15 =	sadd.s32 $0x186A0, s5;
	[smem:$0x7EA] =	sst s13  }
0x2f: {  	s20 =	sadd.s32 $0x124F8, s5;
	[smem:$0x7EB] =	sst s15  }
0x30: {  	s21 =	sadd.s32 $0x1E848, s5;
	[smem:$0x7EE] =	sst s20  }
0x31: {  	s0 =	sadd.s32 $0x1000, s0;
	[smem:$0x7EF] =	sst s21  }
0x32: {  	s18 =	smul.u32 $0x500, s9;
	s9 =	sadd.s32 s10, s6;
	[smem:$0x7F6] =	sst s0  }
0x33: {  	[dreg:$0x1f] =	wrdreg s9  }
0x34: {  	s10 =	sadd.s32 s14, s18;
	[smem:$0x7F8] =	sst s7  }
0x35: {  	s11 =	sor.u32 $0x260, s3;
	s18 =	sadd.s32 $0x124F8, s12;
	[smem:$0x7DF] =	sst s10  }
0x36: {  	p0 =	sgt.u32 s11, $0x270;
	s17 =	sadd.s32 $0xF424, s5;
	[smem:$0x7E4] =	sst s18  }
0x37: {  	s6 =	smul.u32 $0x500, s11;
	s11 =	sadd.s32 $0x155CC, s5;
	[smem:$0x7EC] =	sst s17  }
0x38: {  	s15 =	sadd.s32 $0x493E, s9;
	[smem:$0x7F1] =	sst s11  }
0x39: {  	s4 =	smul.u32 $0x500, s3;
	s20 =	sor.u32 $0x60, s3;
	[smem:$0x7F7] =	sst s15  }
0x3a: {  	s10 =	sadd.s32 $0x2191C, s12;
	[smem:$0x7FC] =	sst s20  }
0x3b: {  	s12 =	sadd.s32 s14, s4;
	[smem:$0x7E8] =	sst s10  }
0x3c: {  	s21 =	smul.u32 $0x3E8, s19;
	s18 =	sadd.s32 $0x1B774, s5;
	[smem:$0x7E9] =	sst s12  }
0x3d: {  	[smem:$0x7ED] =	sst s18  }
0x3e: {  	p1 =	sgt.u32 s19, $0x8;
	s10 =	sadd.s32 $0x927C, s5;
	[smem:$0x7FD] =	sst s21  }
0x3f: {  	s4 =	sadd.s32 s16, s4;
	s5 =	sadd.s32 $0x2191C, s5;
	[smem:$0x7F0] =	sst s10  }
0x40: {  	s2 =	simm.s32 $0x0;
	s12 =	sadd.s32 $0xB4000, s4;
	[smem:$0x7F2] =	sst s5  }
0x41: {  	s17 =	smul.u32 $0xFA0, s19;
	s13 =	sadd.s32 s16, s6;
	[smem:$0x7F4] =	sst s12  }
.Ltmp0:
0x42: {  	s16 =	sadd.s32 $0x493E, s7;
	[smem:$0x7F5] =	sst s13;
	(pc) =	sbr.rel .LBB2_1-.Ltmp0, $4  }
0x43: {  	s15 =	simm.s32 $0x1;
	s11 =	simm.s32 $0x3;
	[smem:$0x7F9] =	sst s16  }
0x44: {  	s18 =	sor.u32 $0x40, s3;
	s7 =	simm.s32 $0x2;
	[smem:$0x7FA] =	sst s17  }
0x45: {  	s4 =	simm.s32 $0x6;
	s6 =	simm.s32 $0x5;
	[smem:$0x7FB] =	sst s18  }
0x46: {  	s13 =	simm.s32 $0x200;
	s10 =	simm.s32 $0x5200;
	s5 =	simm.s32 $0x4  }
.LBB2_77:
0x47: {  	s0 =	sld [smem:$0x7F3];
	_ =	sdelay $0x1  }
0x48: {  	s2 =	sadd.s32 $0x1, s2  }
0x49: {  	p2 =	sne.s32 s2, s0  }
.Ltmp1:
0x4a: {  	_ = 	snop;
	(pc) =	sbr.rel @!p2 .LBB2_78-.Ltmp1, $1  }
0x4b: {  	_ =	sdelay $0x3  }
.LBB2_1:
.Ltmp2:
0x4c: {  	(pc) =	sbr.rel .LBB2_2-.Ltmp2, $4  }
0x4d: {  	_ = 	snop  }
0x4e: {  	[smem:$0x7DE] =	sst s2  }
0x4f: {  	s2 =	sld [smem:$0x7FD]  }
0x50: {  	s8 =	stileid.u32;
	s9 =	sld [smem:$0x7FA];
	s12 =	simm.s32 $0x0  }
.LBB2_6:
0x51: {  	s16 =	rddreg [dreg:$0x1e]  }
0x52: {  	s17 =	smov.u32 s31;
	s18 =	sadd.s32 s16, s18;
	s16 =	simm.s32 $0x6  }
.LBB2_7:
0x53: {  	s20 =	simm.s32 $0xA800;
	s26 =	simm.s32 $0x7  }
0x54: {  	[tilespmem:s20], [sflag:$0x7] =	stream.linear.gather [hbm4b:s18+s1], $0x3E8, $0x38;
	[tilespmem:$0xD8A8] =	vst v63  }
0x55: {  	_ =	swait.ge [sflag:s26], $0x3E8  }
0x56: {  	s0 =	sshra.s32 s0, $0x2;
	[sflag:s26] =	ssyncset.done $0x0  }
0x57: {  	s0 =	sadd.s32 s0, s17;
	[sflag:s26] =	ssyncadd.s32 $0xFFFFFC18  }
0x58: {  	[spmem:s0] =	stream.linear.scatter [tilespmem:s20], [sflag:s16], $0x3E8, $0x38;
	[tilespmem:$0xD8A8] =	vst v63  }
0x59: {  	_ =	swait.ge [sflag:s16], $0x3E8  }
0x5a: {  	[sflag:s16] =	ssyncset.done $0x0  }
0x5b: {  	[sflag:s16] =	ssyncadd.s32 $0xFFFFFC18  }
.LBB2_8:
0x5c: {  	s12 =	sadd.s32 $0x10, s12  }
0x5d: {  	p2 =	sne.s32 s12, $0xA0  }
.Ltmp3:
0x5e: {  	_ = 	snop;
	(pc) =	sbr.rel @!p2 .LBB2_9-.Ltmp3, $2  }
0x5f: {  	_ =	sdelay $0x2  }
0x60: {  	s9 =	sadd.s32 $0xFA00, s9;
	s8 =	sadd.s32 $0x10, s8;
	s2 =	sadd.s32 $0x3E80, s2  }
.LBB2_2:
0x61: {  	s16 =	sadd.s32 s12, s19  }
0x62: {  	p2 =	sgt.u32 s16, $0x95  }
.Ltmp4:
0x63: {  	_ = 	snop;
	(pc) =	sbr.rel @p2 .LBB2_8-.Ltmp4, $1  }
0x64: {  	_ =	sdelay $0x3  }
0x65: {  	s17 =	smul.u32 $0x29, s16;
	_ =	sdelay $0x1  }
0x66: {  	s17 =	sshrl.u32 s17, $0xB  }
0x67: {  	s0 =	smulhi.u32 $0x51EB851F, s8;
	s18 =	sand.u32 $0x1F, s17  }
0x68: {  	p2 =	seq.s32 s18, $0x0  }
.Ltmp5:
0x69: {  	s0 =	sshrl.u32 s0, $0x4;
	(pc) =	sbr.rel @p2 .LBB2_79-.Ltmp5, $3  }
0x6a: {  	s20 =	smul.u32 $0x30D40, s0  }
0x6b: {  	s21 =	smul.u32 $0xC350, s0;
	_ =	sdelay $0x1  }
0x6c: {  	s0 =	ssub.s32 s9, s20;
	s17 =	ssub.s32 s2, s21  }
0x6d: {  	p2 =	seq.s32 s18, $0x1  }
.Ltmp6:
0x6e: {  	_ = 	snop;
	(pc) =	sbr.rel @!p2 .LBB2_6-.Ltmp6, $2  }
0x6f: {  	_ =	sdelay $0x2  }
0x70: {  	s18 =	sshrl.u32 s17, $0x3  }
0x71: {  	s18 =	sshrl.u32 s17, $0x3;
	s24 =	rddreg [dreg:$0x1d]  }
0x72: {  	s20 =	simm.s32 $0xA800;
	s21 =	simm.s32 $0x7;
	s17 =	sadd.s32 s24, s18  }
0x73: {  	[tilespmem:s20], [sflag:$0x7] =	stream.linear.gather [hbm4b:s17+s1], $0x3E8, $0x38;
	[tilespmem:$0xD8A8] =	vst v63  }
0x74: {  	_ =	swait.ge [sflag:s21], $0x3E8  }
0x75: {  	s26 =	sshra.s32 s0, $0x2;
	[sflag:s21] =	ssyncset.done $0x0  }
0x76: {  	p2 =	slt.u32 s16, $0x64;
	s17 =	sadd.s32 s26, s29;
	[sflag:s21] =	ssyncadd.s32 $0xFFFFFC18  }
0x77: {  	[spmem:s17] =	stream.linear.scatter [tilespmem:s20], [sflag:$0x7], $0x3E8, $0x38;
	[tilespmem:$0xD8A8] =	vst v63  }
.Ltmp7:
0x78: {  	_ = 	snop;
	(pc) =	sbr.rel @p2 .LBB2_8-.Ltmp7, $4  }
.Ltmp8:
0x79: {  	_ = 	snop;
	(pc) =	sbr.rel @!p2 .LBB2_6-.Ltmp8, $4  }
0x7a: {  	_ =	swait.ge [sflag:s21], $0x3E8  }
0x7b: {  	[sflag:s21] =	ssyncset.done $0x0  }
0x7c: {  	[sflag:s21] =	ssyncadd.s32 $0xFFFFFC18  }
0x7d: {  	_ = 	snop  }
.LBB2_79:
.Ltmp9:
0x7e: {  	(pc) =	sbr.rel .LBB2_7-.Ltmp9, $3  }
0x7f: {  	_ =	sdelay $0x1  }
0x80: {  	s16 =	sshrl.u32 s17, $0x3;
	s26 =	rddreg [dreg:$0x1c]  }
0x81: {  	s17 =	smov.u32 s25;
	s18 =	sadd.s32 s26, s16;
	s16 =	simm.s32 $0x7  }
.LBB2_9:
0x82: {  	[bflag:$0x0] =	sbarrier.arrive $0xFFFF  }
0x83: {  	s0 =	rddreg [dreg:$0x1f]  }
0x84: {  	s26 =	simm.s32 $0x0;
	s9 =	sld [smem:$0x7F7]  }
0x85: {  	[tilespmem:s26], [sflag:$0x1] =	stream.linear.gather [hbm4b:s0+s26], $0x50, $0x38;
	[tilespmem:$0xD8A8] =	vst v63  }
0x86: {  	s2 =	simm.s32 $0x80  }
0x87: {  	[tilespmem:s2], [sflag:$0x1] =	stream.linear.gather [hbm4b:s9+s26], $0x50, $0x38;
	[tilespmem:$0xD8A8] =	vst v63  }
0x88: {  	_ =	swait.ge [sflag:s15], $0x50  }
0x89: {  	[sflag:s15] =	ssyncset.done $0x0  }
0x8a: {  	[sflag:s15] =	ssyncadd.s32 $0xFFFFFFB0  }
0x8b: {  	_ =	swait.ge [sflag:s15], $0x50  }
0x8c: {  	[sflag:s15] =	ssyncset.done $0x0  }
0x8d: {  	s8 =	simm.s32 $0x50;
	s12 =	simm.s32 $0x2A00;
	[sflag:s15] =	ssyncadd.s32 $0xFFFFFFB0  }
0x8e: {  	[tilespmem:s12], [sflag:$0x1] =	stream.indirect.gather [hbm4b:s14+s8], $0x80, s2, s8, $0xb8;
	[tilespmem:$0xD8A8] =	vst v63  }
0x8f: {  	s21 =	simm.s32 $0xA200  }
0x90: {  	[tilespmem:s21], [sflag:$0x3] =	stream.indirect.gather [spmem:s25], $0x1, s26, s8, $0xb8;
	[tilespmem:$0xD8A8] =	vst v63  }
0x91: {  	s16 =	simm.s32 $0xA380  }
0x92: {  	[tilespmem:s16], [sflag:$0x3] =	stream.indirect.gather [spmem:s25], $0x1, s2, s8, $0xb8;
	[tilespmem:$0xD8A8] =	vst v63  }
0x93: {  	s22 =	simm.s32 $0xA280  }
0x94: {  	[tilespmem:s22], [sflag:$0x3] =	stream.indirect.gather [spmem:s29], $0x1, s26, s8, $0xb8;
	[tilespmem:$0xD8A8] =	vst v63  }
0x95: {  	s17 =	simm.s32 $0xA400  }
0x96: {  	[tilespmem:s17], [sflag:$0x3] =	stream.indirect.gather [spmem:s29], $0x1, s2, s8, $0xb8;
	[tilespmem:$0xD8A8] =	vst v63  }
0x97: {  	s18 =	simm.s32 $0xA300  }
0x98: {  	[tilespmem:s18], [sflag:$0x3] =	stream.indirect.gather [spmem:s31], $0x1, s26, s8, $0xb8;
	[tilespmem:$0xD8A8] =	vst v63  }
0x99: {  	s19 =	simm.s32 $0xA480  }
0x9a: {  	[tilespmem:s19], [sflag:$0x3] =	stream.indirect.gather [spmem:s31], $0x1, s2, s8, $0xb8;
	[tilespmem:$0xD8A8] =	vst v63  }
0x9b: {  	s20 =	sld [smem:$0x7F8]  }
0x9c: {  	[tilespmem:s13], [sflag:$0x1] =	stream.indirect.gather [hbm4b:s14+s8], $0x80, s26, s8, $0xb8;
	[tilespmem:$0xD8A8] =	vst v63  }
0x9d: {  	s24 =	sld [smem:$0x7F9];
	s2 =	simm.s32 $0x100  }
0x9e: {  	[tilespmem:s2], [sflag:$0x2] =	stream.linear.gather [hbm4b:s20+s26], $0x50, $0x38;
	[tilespmem:$0xD8A8] =	vst v63  }
0x9f: {  	s9 =	simm.s32 $0x180  }
0xa0: {  	[tilespmem:s9], [sflag:$0x2] =	stream.linear.gather [hbm4b:s24+s26], $0x50, $0x38;
	[tilespmem:$0xD8A8] =	vst v63  }
0xa1: {  	_ =	swait.ge [sflag:s7], $0x50  }
0xa2: {  	[sflag:s7] =	ssyncset.done $0x0  }
0xa3: {  	[sflag:s7] =	ssyncadd.s32 $0xFFFFFFB0  }
0xa4: {  	_ =	swait.ge [sflag:s7], $0x50  }
0xa5: {  	[sflag:s7] =	ssyncset.done $0x0  }
0xa6: {  	s12 =	simm.s32 $0x7A00;
	[sflag:s7] =	ssyncadd.s32 $0xFFFFFFB0  }
0xa7: {  	[tilespmem:s12], [sflag:$0x2] =	stream.indirect.gather [hbm4b:s14+s8], $0x80, s9, s8, $0xb8;
	[tilespmem:$0xD8A8] =	vst v63  }
0xa8: {  	s16 =	simm.s32 $0xA500  }
0xa9: {  	[tilespmem:s16], [sflag:$0x4] =	stream.indirect.gather [spmem:s25], $0x1, s2, s8, $0xb8;
	[tilespmem:$0xD8A8] =	vst v63  }
0xaa: {  	s17 =	simm.s32 $0xA680  }
0xab: {  	[tilespmem:s17], [sflag:$0x4] =	stream.indirect.gather [spmem:s25], $0x1, s9, s8, $0xb8;
	[tilespmem:$0xD8A8] =	vst v63  }
0xac: {  	s18 =	simm.s32 $0xA580  }
0xad: {  	[tilespmem:s18], [sflag:$0x4] =	stream.indirect.gather [spmem:s29], $0x1, s2, s8, $0xb8;
	[tilespmem:$0xD8A8] =	vst v63  }
0xae: {  	s19 =	simm.s32 $0xA700  }
0xaf: {  	[tilespmem:s19], [sflag:$0x4] =	stream.indirect.gather [spmem:s29], $0x1, s9, s8, $0xb8;
	[tilespmem:$0xD8A8] =	vst v63  }
0xb0: {  	s20 =	simm.s32 $0xA600;
	s17 =	rddreg [dreg:$0x2]  }
0xb1: {  	[tilespmem:s20], [sflag:$0x4] =	stream.indirect.gather [spmem:s31], $0x1, s2, s8, $0xb8;
	[tilespmem:$0xD8A8] =	vst v63  }
.Ltmp10:
0xb2: {  	s18 =	rddreg [dreg:$0x3];
	(pc) =	sbr.rel .LBB2_10-.Ltmp10, $4  }
0xb3: {  	s24 =	simm.s32 $0xA780;
	s19 =	sld [smem:$0x7FB]  }
0xb4: {  	[tilespmem:s24], [sflag:$0x4] =	stream.indirect.gather [spmem:s31], $0x1, s9, s8, $0xb8;
	[tilespmem:$0xD8A8] =	vst v63  }
0xb5: {  	s20 =	sld [smem:$0x7FC]  }
0xb6: {  	[tilespmem:s10], [sflag:$0x2] =	stream.indirect.gather [hbm4b:s14+s8], $0x80, s2, s8, $0xb8;
	[tilespmem:$0xD8A8] =	vst v63  }
.LBB2_18:
0xb7: {  	_ = 	snop  }
0xb8: {  	s0 =	sadd.s32 s20, s9  }
0xb9: {  	p2 =	sgt.u32 s0, $0x752  }
0xba: {  	s0 =	smul.u32 @!p2 $0x50, s0;
	_ =	sdelay $0x1  }
0xbb: {  	s0 =	sshrl.u32 @!p2 s0, $0x3  }
0xbc: {  	s2 =	simm.s32 @!p2 $0x0;
	s8 =	simm.s32 @!p2 $0x100;
	s0 =	sadd.s32 @!p2 s17, s0  }
0xbd: {  	[tilespmem:s8], [sflag:$0x2] =	stream.linear.gather @!p2 [hbm4b:s0+s2], $0x50, $0x38;
	[tilespmem:$0xD8A8] =	vst v63  }
0xbe: {  	s9 =	simm.s32 @!p2 $0x180;
	s0 =	sadd.s32 @!p2 $0x493E, s0  }
0xbf: {  	[tilespmem:s9], [sflag:$0x2] =	stream.linear.gather @!p2 [hbm4b:s0+s2], $0x50, $0x38;
	[tilespmem:$0xD8A8] =	vst v63  }
0xc0: {  	s0 =	simm.s32 @!p2 $0x2  }
0xc1: {  	_ =	swait.ge @!p2 [sflag:s0], $0x50  }
0xc2: {  	[sflag:s0] =	ssyncset.done @!p2 $0x0  }
0xc3: {  	[sflag:s0] =	ssyncadd.s32 @!p2 $0xFFFFFFB0  }
0xc4: {  	_ =	swait.ge @!p2 [sflag:s0], $0x50  }
0xc5: {  	[sflag:s0] =	ssyncset.done @!p2 $0x0  }
0xc6: {  	s2 =	simm.s32 @!p2 $0x7A00;
	[sflag:s0] =	ssyncadd.s32 @!p2 $0xFFFFFFB0;
	s0 =	simm.s32 @!p2 $0x50  }
0xc7: {  	[tilespmem:s2], [sflag:$0x2] =	stream.indirect.gather @!p2 [hbm4b:s14+s0], $0x80, s9, s0, $0xb8;
	[tilespmem:$0xD8A8] =	vst v63  }
0xc8: {  	s2 =	simm.s32 @!p2 $0xA500  }
0xc9: {  	[tilespmem:s2], [sflag:$0x4] =	stream.indirect.gather @!p2 [spmem:s25], $0x1, s8, s0, $0xb8;
	[tilespmem:$0xD8A8] =	vst v63  }
0xca: {  	s2 =	simm.s32 @!p2 $0xA680  }
0xcb: {  	[tilespmem:s2], [sflag:$0x4] =	stream.indirect.gather @!p2 [spmem:s25], $0x1, s9, s0, $0xb8;
	[tilespmem:$0xD8A8] =	vst v63  }
0xcc: {  	s2 =	simm.s32 @!p2 $0xA580  }
0xcd: {  	[tilespmem:s2], [sflag:$0x4] =	stream.indirect.gather @!p2 [spmem:s29], $0x1, s8, s0, $0xb8;
	[tilespmem:$0xD8A8] =	vst v63  }
0xce: {  	s2 =	simm.s32 @!p2 $0xA700  }
0xcf: {  	[tilespmem:s2], [sflag:$0x4] =	stream.indirect.gather @!p2 [spmem:s29], $0x1, s9, s0, $0xb8;
	[tilespmem:$0xD8A8] =	vst v63  }
0xd0: {  	s2 =	simm.s32 @!p2 $0xA600  }
0xd1: {  	[tilespmem:s2], [sflag:$0x4] =	stream.indirect.gather @!p2 [spmem:s31], $0x1, s8, s0, $0xb8;
	[tilespmem:$0xD8A8] =	vst v63  }
0xd2: {  	s2 =	simm.s32 @!p2 $0xA780  }
0xd3: {  	[tilespmem:s2], [sflag:$0x4] =	stream.indirect.gather @!p2 [spmem:s31], $0x1, s9, s0, $0xb8;
	[tilespmem:$0xD8A8] =	vst v63  }
0xd4: {  	s2 =	simm.s32 @!p2 $0x5  }
0xd5: {  	_ =	swait.ge @!p2 [sflag:s2], $0x2800  }
0xd6: {  	[sflag:s2] =	ssyncset.done @!p2 $0x0  }
0xd7: {  	s26 =	sadd.s32 $0x1, s26;
	[sflag:s2] =	ssyncadd.s32 @!p2 $0xFFFFD800;
	s2 =	simm.s32 @!p2 $0x5200  }
0xd8: {  	[tilespmem:s2], [sflag:$0x2] =	stream.indirect.gather @!p2 [hbm4b:s14+s0], $0x80, s8, s0, $0xb8;
	[tilespmem:$0xD8A8] =	vst v63  }
0xd9: {  	p2 =	sne.s32 s26, $0x1E  }
.Ltmp11:
0xda: {  	_ = 	snop;
	(pc) =	sbr.rel @!p2 .LBB2_19-.Ltmp11, $1  }
0xdb: {  	_ =	sdelay $0x3  }
.LBB2_10:
0xdc: {  	s9 =	sshll.u32 s26, $0x6  }
0xdd: {  	s12 =	sor.u32 s3, s9  }
0xde: {  	p2 =	sgt.u32 s12, $0x752  }
.Ltmp12:
0xdf: {  	_ = 	snop;
	(pc) =	sbr.rel @p2 .LBB2_14-.Ltmp12, $1  }
0xe0: {  	_ =	sdelay $0x3  }
0xe1: {  	_ =	swait.ge [sflag:s15], $0x2800  }
0xe2: {  	[sflag:s15] =	ssyncset.done $0x0  }
0xe3: {  	[sflag:s15] =	ssyncadd.s32 $0xFFFFD800  }
0xe4: {  	_ =	swait.ge [sflag:s15], $0x2800  }
0xe5: {  	[sflag:s15] =	ssyncset.done $0x0  }
0xe6: {  	s16 =	simm.s32 $0x0;
	[sflag:s15] =	ssyncadd.s32 $0xFFFFD800  }
0xe7: {  	v6 =	vld [tilespmem:s16+$0x2A00]  }
0xe8: {  	v11 =	vld [tilespmem:s16+$0x2A10]  }
0xe9: {  	v5 =	vld [tilespmem:s16+$0x2A20]  }
0xea: {  	v4 =	vld [tilespmem:s16+$0x2A30]  }
0xeb: {  	v3 =	vld [tilespmem:s16+$0x2A40]  }
0xec: {  	v2 =	vld [tilespmem:s16+$0x2A50]  }
0xed: {  	v1 =	vld [tilespmem:s16+$0x2A60]  }
0xee: {  	v0 =	vld [tilespmem:s16+$0x2A70]  }
0xef: {  	v12 =	vld [tilespmem:s16+$0x200]  }
0xf0: {  	v13 =	vld [tilespmem:s16+$0x210]  }
0xf1: {  	v10 =	vld [tilespmem:s16+$0x220]  }
0xf2: {  	v9 =	vld [tilespmem:s16+$0x230]  }
0xf3: {  	v8 =	vld [tilespmem:s16+$0x240]  }
0xf4: {  	v7 =	vld [tilespmem:s16+$0x250];
	v12 =	vadd.f32 v6, v12  }
0xf5: {  	s2 =	simm.s32 $0x200;
	v11 =	vadd.f32 v11, v13;
	v6 =	vld [tilespmem:s16+$0x260]  }
.LBB2_12:
0xf6: {  	s0 =	sshra.s32 s2, $0x2;
	p2 =	sne.s32 s2, $0x9E00;
	v12 =	vmul.f32 $5.000000000e-01, v12;
	v5 =	vadd.f32 v5, v10;
	v10 =	vld [tilespmem:s16+$0x270]  }
0xf7: {  	v13 =	vld [tilespmem:s0+$0x2A00];
	v11 =	vmul.f32 $5.000000000e-01, v11;
	v4 =	vadd.f32 v4, v9  }
0xf8: {  	v14 =	vld [tilespmem:s0+$0x2A10];
	[tilespmem:s16+$0x200] =	vst v12;
	v9 =	vmul.f32 $5.000000000e-01, v5;
	v3 =	vadd.f32 v3, v8  }
0xf9: {  	v5 =	vld [tilespmem:s0+$0x2A20];
	[tilespmem:s16+$0x210] =	vst v11;
	v8 =	vmul.f32 $5.000000000e-01, v4;
	v2 =	vadd.f32 v2, v7  }
0xfa: {  	v4 =	vld [tilespmem:s0+$0x2A30];
	[tilespmem:s16+$0x220] =	vst v9;
	v7 =	vmul.f32 $5.000000000e-01, v3;
	v1 =	vadd.f32 v1, v6  }
0xfb: {  	v3 =	vld [tilespmem:s0+$0x2A40];
	[tilespmem:s16+$0x230] =	vst v8;
	v6 =	vmul.f32 $5.000000000e-01, v2;
	v0 =	vadd.f32 v0, v10  }
0xfc: {  	v2 =	vld [tilespmem:s0+$0x2A50];
	[tilespmem:s16+$0x240] =	vst v7;
	v7 =	vmul.f32 $5.000000000e-01, v1  }
0xfd: {  	v1 =	vld [tilespmem:s0+$0x2A60];
	[tilespmem:s16+$0x250] =	vst v6;
	v6 =	vmul.f32 $5.000000000e-01, v0  }
0xfe: {  	v0 =	vld [tilespmem:s0+$0x2A70];
	[tilespmem:s16+$0x260] =	vst v7  }
0xff: {  	v7 =	vld [tilespmem:s0+$0x200];
	[tilespmem:s16+$0x270] =	vst v6;
	s16 =	smov.u32 s0  }
0x100: {  	v6 =	vld [tilespmem:s16+$0x210]  }
.Ltmp13:
0x101: {  	v10 =	vld [tilespmem:s16+$0x220];
	(pc) =	sbr.rel @p2 .LBB2_12-.Ltmp13, $4  }
0x102: {  	v9 =	vld [tilespmem:s16+$0x230]  }
0x103: {  	v8 =	vld [tilespmem:s16+$0x240]  }
0x104: {  	v12 =	vadd.f32 v13, v7;
	v7 =	vld [tilespmem:s16+$0x250]  }
0x105: {  	s2 =	sadd.s32 $0x200, s2;
	v11 =	vadd.f32 v14, v6;
	v6 =	vld [tilespmem:s16+$0x260]  }
0x106: {  	v12 =	vmul.f32 $5.000000000e-01, v12;
	v5 =	vadd.f32 v5, v10;
	v60 =	vld [tilespmem:s16+$0x270]  }
0x107: {  	v11 =	vmul.f32 $5.000000000e-01, v11;
	v4 =	vadd.f32 v4, v9  }
0x108: {  	[tilespmem:s16+$0x200] =	vst v12;
	v5 =	vmul.f32 $5.000000000e-01, v5;
	v3 =	vadd.f32 v3, v8  }
0x109: {  	[tilespmem:s16+$0x210] =	vst v11;
	v4 =	vmul.f32 $5.000000000e-01, v4;
	v2 =	vadd.f32 v2, v7  }
0x10a: {  	[tilespmem:s16+$0x220] =	vst v5;
	v3 =	vmul.f32 $5.000000000e-01, v3;
	v1 =	vadd.f32 v1, v6  }
0x10b: {  	s2 =	smul.u32 $0x50, s12;
	[tilespmem:s16+$0x230] =	vst v4;
	v2 =	vmul.f32 $5.000000000e-01, v2;
	v0 =	vadd.f32 v0, v60  }
0x10c: {  	[tilespmem:s16+$0x240] =	vst v3;
	v1 =	vmul.f32 $5.000000000e-01, v1  }
0x10d: {  	s8 =	sadd.s32 $0xC350, s2;
	[tilespmem:s16+$0x250] =	vst v2;
	v0 =	vmul.f32 $5.000000000e-01, v0  }
0x10e: {  	s0 =	sshll.u32 s8, $0x4;
	[tilespmem:s16+$0x260] =	vst v1  }
0x10f: {  	s0 =	sadd.s32 s18, s0;
	[tilespmem:s16+$0x270] =	vst v0  }
0x110: {  	[hbm4b:s0+s1] =	stream.linear.scatter [tilespmem:s13], [sflag:$0x5], $0x2800, $0x38;
	[tilespmem:$0xD8A8] =	vst v63  }
0x111: {  	_ =	swait.ge [sflag:s11], $0x50  }
0x112: {  	[sflag:s11] =	ssyncset.done $0x0  }
0x113: {  	[sflag:s11] =	ssyncadd.s32 $0xFFFFFFB0  }
0x114: {  	_ =	swait.ge [sflag:s11], $0x50  }
0x115: {  	[sflag:s11] =	ssyncset.done $0x0  }
0x116: {  	[sflag:s11] =	ssyncadd.s32 $0xFFFFFFB0  }
0x117: {  	_ =	swait.ge [sflag:s11], $0x50  }
0x118: {  	[sflag:s11] =	ssyncset.done $0x0  }
0x119: {  	[sflag:s11] =	ssyncadd.s32 $0xFFFFFFB0  }
0x11a: {  	_ =	swait.ge [sflag:s11], $0x50  }
0x11b: {  	[sflag:s11] =	ssyncset.done $0x0  }
0x11c: {  	[sflag:s11] =	ssyncadd.s32 $0xFFFFFFB0  }
0x11d: {  	_ =	swait.ge [sflag:s11], $0x50  }
0x11e: {  	[sflag:s11] =	ssyncset.done $0x0  }
0x11f: {  	[sflag:s11] =	ssyncadd.s32 $0xFFFFFFB0  }
0x120: {  	_ =	swait.ge [sflag:s11], $0x50  }
0x121: {  	[sflag:s11] =	ssyncset.done $0x0  }
0x122: {  	[sflag:s11] =	ssyncadd.s32 $0xFFFFFFB0  }
0x123: {  	v61 =	vld [tilespmem:$0xA200]  }
0x124: {  	v62 =	vld [tilespmem:$0xA380]  }
0x125: {  	v63 =	vld [tilespmem:$0xA280]  }
0x126: {  	v21 =	vld [tilespmem:$0xA400]  }
0x127: {  	v22 =	vld [tilespmem:$0xA300]  }
0x128: {  	v23 =	vld [tilespmem:$0xA480]  }
0x129: {  	v24 =	vld [tilespmem:$0xA210]  }
0x12a: {  	v25 =	vld [tilespmem:$0xA390]  }
0x12b: {  	v26 =	vld [tilespmem:$0xA290]  }
0x12c: {  	v27 =	vld [tilespmem:$0xA410]  }
0x12d: {  	v28 =	vld [tilespmem:$0xA310]  }
0x12e: {  	v29 =	vld [tilespmem:$0xA490]  }
0x12f: {  	v30 =	vld [tilespmem:$0xA220]  }
0x130: {  	v13 =	vld [tilespmem:$0xA3A0]  }
0x131: {  	v14 =	vld [tilespmem:$0xA2A0]  }
0x132: {  	v15 =	vld [tilespmem:$0xA420]  }
0x133: {  	v16 =	vld [tilespmem:$0xA320]  }
0x134: {  	v17 =	vld [tilespmem:$0xA4A0]  }
0x135: {  	v18 =	vld [tilespmem:$0xA230]  }
0x136: {  	v19 =	vld [tilespmem:$0xA3B0]  }
0x137: {  	v31 =	vld [tilespmem:$0xA2B0];
	v0 =	vadd.f32 v62, v61  }
0x138: {  	v32 =	vld [tilespmem:$0xA430];
	v2 =	vadd.f32 v21, v63  }
0x139: {  	v33 =	vld [tilespmem:$0xA330];
	v4 =	vadd.f32 v23, v22;
	v0 =	vmul.f32 $5.000000000e-01, v0  }
0x13a: {  	v34 =	vld [tilespmem:$0xA4B0];
	v6 =	vadd.f32 v25, v24;
	v2 =	vmul.f32 $5.000000000e-01, v2  }
0x13b: {  	v37 =	vld [tilespmem:$0xA240];
	v36 =	vadd.f32 v27, v26;
	v35 =	vmul.f32 $5.000000000e-01, v4;
	[tilespmem:$0xA200] =	vst v0  }
0x13c: {  	v40 =	vld [tilespmem:$0xA3C0];
	v39 =	vadd.f32 v29, v28;
	v38 =	vmul.f32 $5.000000000e-01, v6;
	[tilespmem:$0xA280] =	vst v2  }
0x13d: {  	v43 =	vld [tilespmem:$0xA2C0];
	v42 =	vadd.f32 v13, v30;
	v41 =	vmul.f32 $5.000000000e-01, v36;
	[tilespmem:$0xA300] =	vst v35  }
0x13e: {  	v46 =	vld [tilespmem:$0xA440];
	v45 =	vadd.f32 v15, v14;
	v44 =	vmul.f32 $5.000000000e-01, v39;
	[tilespmem:$0xA210] =	vst v38  }
0x13f: {  	v49 =	vld [tilespmem:$0xA340];
	v48 =	vadd.f32 v17, v16;
	v47 =	vmul.f32 $5.000000000e-01, v42;
	[tilespmem:$0xA290] =	vst v41  }
0x140: {  	v52 =	vld [tilespmem:$0xA4C0];
	v51 =	vadd.f32 v19, v18;
	v50 =	vmul.f32 $5.000000000e-01, v45;
	[tilespmem:$0xA310] =	vst v44  }
0x141: {  	v1 =	vadd.f32 v32, v31;
	v53 =	vmul.f32 $5.000000000e-01, v48;
	[tilespmem:$0xA220] =	vst v47  }
0x142: {  	v55 =	vadd.f32 v34, v33;
	v54 =	vmul.f32 $5.000000000e-01, v51;
	[tilespmem:$0xA2A0] =	vst v50  }
0x143: {  	v57 =	vadd.f32 v40, v37;
	v56 =	vmul.f32 $5.000000000e-01, v1;
	[tilespmem:$0xA320] =	vst v53  }
0x144: {  	v59 =	vadd.f32 v46, v43;
	v58 =	vmul.f32 $5.000000000e-01, v55;
	[tilespmem:$0xA230] =	vst v54  }
0x145: {  	v61 =	vadd.f32 v52, v49;
	v60 =	vmul.f32 $5.000000000e-01, v57;
	[tilespmem:$0xA2B0] =	vst v56  }
0x146: {  	v62 =	vmul.f32 $5.000000000e-01, v59;
	[tilespmem:$0xA330] =	vst v58  }
0x147: {  	v63 =	vmul.f32 $5.000000000e-01, v61;
	[tilespmem:$0xA240] =	vst v60  }
0x148: {  	s24 =	sshrl.u32 s8, $0x3;
	[tilespmem:$0xA2C0] =	vst v62  }
0x149: {  	s0 =	sadd.s32 s23, s24;
	[tilespmem:$0xA340] =	vst v63  }
0x14a: {  	[hbm4b:s0+s1] =	stream.linear.scatter [tilespmem:s21], [sflag:$0x6], $0x50, $0x38;
	[tilespmem:$0xD8A8] =	vst v63  }
0x14b: {  	s8 =	sshrl.u32 s2, $0x3;
	_ =	swait.ge [sflag:s4], $0x50  }
0x14c: {  	s0 =	sadd.s32 s23, s8;
	[sflag:s4] =	ssyncset.done $0x0  }
0x14d: {  	s16 =	sadd.s32 $0x7A12, s0;
	[sflag:s4] =	ssyncadd.s32 $0xFFFFFFB0  }
0x14e: {  	[hbm4b:s16+s1] =	stream.linear.scatter [tilespmem:s22], [sflag:$0x6], $0x50, $0x38;
	[tilespmem:$0xD8A8] =	vst v63  }
0x14f: {  	_ =	swait.ge [sflag:s4], $0x50  }
0x150: {  	[sflag:s4] =	ssyncset.done $0x0  }
0x151: {  	s24 =	simm.s32 $0xA300;
	s0 =	sadd.s32 $0xDBBA, s0;
	[sflag:s4] =	ssyncadd.s32 $0xFFFFFFB0  }
0x152: {  	[hbm4b:s0+s1] =	stream.linear.scatter [tilespmem:s24], [sflag:$0x6], $0x50, $0x38;
	[tilespmem:$0xD8A8] =	vst v63  }
0x153: {  	_ =	swait.ge [sflag:s4], $0x50  }
0x154: {  	[sflag:s4] =	ssyncset.done $0x0  }
0x155: {  	[sflag:s4] =	ssyncadd.s32 $0xFFFFFFB0  }
.LBB2_14:
0x156: {  	s0 =	sadd.s32 s19, s9  }
0x157: {  	p2 =	sgt.u32 s0, $0x752  }
0x158: {  	s0 =	smul.u32 @!p2 $0x50, s0;
	_ =	sdelay $0x1  }
0x159: {  	s0 =	sshrl.u32 @!p2 s0, $0x3  }
0x15a: {  	s2 =	simm.s32 @!p2 $0x0;
	s0 =	sadd.s32 @!p2 s17, s0  }
0x15b: {  	[tilespmem:s2], [sflag:$0x1] =	stream.linear.gather @!p2 [hbm4b:s0+s2], $0x50, $0x38;
	[tilespmem:$0xD8A8] =	vst v63  }
0x15c: {  	s8 =	simm.s32 @!p2 $0x80;
	s0 =	sadd.s32 @!p2 $0x493E, s0  }
0x15d: {  	[tilespmem:s8], [sflag:$0x1] =	stream.linear.gather @!p2 [hbm4b:s0+s2], $0x50, $0x38;
	[tilespmem:$0xD8A8] =	vst v63  }
0x15e: {  	s0 =	simm.s32 @!p2 $0x1  }
0x15f: {  	_ =	swait.ge @!p2 [sflag:s0], $0x50  }
0x160: {  	[sflag:s0] =	ssyncset.done @!p2 $0x0  }
0x161: {  	[sflag:s0] =	ssyncadd.s32 @!p2 $0xFFFFFFB0  }
0x162: {  	_ =	swait.ge @!p2 [sflag:s0], $0x50  }
0x163: {  	[sflag:s0] =	ssyncset.done @!p2 $0x0  }
0x164: {  	s16 =	simm.s32 @!p2 $0x2A00;
	[sflag:s0] =	ssyncadd.s32 @!p2 $0xFFFFFFB0;
	s0 =	simm.s32 @!p2 $0x50  }
0x165: {  	[tilespmem:s16], [sflag:$0x1] =	stream.indirect.gather @!p2 [hbm4b:s14+s0], $0x80, s8, s0, $0xb8;
	[tilespmem:$0xD8A8] =	vst v63  }
0x166: {  	s16 =	simm.s32 @!p2 $0xA200  }
0x167: {  	[tilespmem:s16], [sflag:$0x3] =	stream.indirect.gather @!p2 [spmem:s25], $0x1, s2, s0, $0xb8;
	[tilespmem:$0xD8A8] =	vst v63  }
0x168: {  	s16 =	simm.s32 @!p2 $0xA380  }
0x169: {  	[tilespmem:s16], [sflag:$0x3] =	stream.indirect.gather @!p2 [spmem:s25], $0x1, s8, s0, $0xb8;
	[tilespmem:$0xD8A8] =	vst v63  }
0x16a: {  	s16 =	simm.s32 @!p2 $0xA280  }
0x16b: {  	[tilespmem:s16], [sflag:$0x3] =	stream.indirect.gather @!p2 [spmem:s29], $0x1, s2, s0, $0xb8;
	[tilespmem:$0xD8A8] =	vst v63  }
0x16c: {  	s16 =	simm.s32 @!p2 $0xA400  }
0x16d: {  	[tilespmem:s16], [sflag:$0x3] =	stream.indirect.gather @!p2 [spmem:s29], $0x1, s8, s0, $0xb8;
	[tilespmem:$0xD8A8] =	vst v63  }
0x16e: {  	s16 =	simm.s32 @!p2 $0xA300  }
0x16f: {  	[tilespmem:s16], [sflag:$0x3] =	stream.indirect.gather @!p2 [spmem:s31], $0x1, s2, s0, $0xb8;
	[tilespmem:$0xD8A8] =	vst v63  }
0x170: {  	s16 =	simm.s32 @!p2 $0xA480  }
0x171: {  	[tilespmem:s16], [sflag:$0x3] =	stream.indirect.gather @!p2 [spmem:s31], $0x1, s8, s0, $0xb8;
	[tilespmem:$0xD8A8] =	vst v63  }
0x172: {  	s8 =	simm.s32 @!p2 $0x5  }
0x173: {  	_ =	swait.ge @!p2 [sflag:s8], $0x2800  }
0x174: {  	[sflag:s8] =	ssyncset.done @!p2 $0x0  }
0x175: {  	s12 =	sor.u32 $0x20, s12;
	[sflag:s8] =	ssyncadd.s32 @!p2 $0xFFFFD800;
	s8 =	simm.s32 @!p2 $0x200  }
0x176: {  	[tilespmem:s8], [sflag:$0x1] =	stream.indirect.gather @!p2 [hbm4b:s14+s0], $0x80, s2, s0, $0xb8;
	[tilespmem:$0xD8A8] =	vst v63  }
0x177: {  	p2 =	sgt.u32 s12, $0x752  }
.Ltmp14:
0x178: {  	_ = 	snop;
	(pc) =	sbr.rel @p2 .LBB2_18-.Ltmp14, $1  }
0x179: {  	_ =	sdelay $0x3  }
0x17a: {  	_ =	swait.ge [sflag:s7], $0x2800  }
0x17b: {  	[sflag:s7] =	ssyncset.done $0x0  }
0x17c: {  	[sflag:s7] =	ssyncadd.s32 $0xFFFFD800  }
0x17d: {  	_ =	swait.ge [sflag:s7], $0x2800  }
0x17e: {  	[sflag:s7] =	ssyncset.done $0x0  }
0x17f: {  	s16 =	simm.s32 $0x0;
	[sflag:s7] =	ssyncadd.s32 $0xFFFFD800  }
0x180: {  	v6 =	vld [tilespmem:s16+$0x7A00]  }
0x181: {  	v11 =	vld [tilespmem:s16+$0x7A10]  }
0x182: {  	v5 =	vld [tilespmem:s16+$0x7A20]  }
0x183: {  	v4 =	vld [tilespmem:s16+$0x7A30]  }
0x184: {  	v3 =	vld [tilespmem:s16+$0x7A40]  }
0x185: {  	v2 =	vld [tilespmem:s16+$0x7A50]  }
0x186: {  	v1 =	vld [tilespmem:s16+$0x7A60]  }
0x187: {  	v0 =	vld [tilespmem:s16+$0x7A70]  }
0x188: {  	v12 =	vld [tilespmem:s16+$0x5200]  }
0x189: {  	v13 =	vld [tilespmem:s16+$0x5210]  }
0x18a: {  	v10 =	vld [tilespmem:s16+$0x5220]  }
0x18b: {  	v9 =	vld [tilespmem:s16+$0x5230]  }
0x18c: {  	v8 =	vld [tilespmem:s16+$0x5240]  }
0x18d: {  	v7 =	vld [tilespmem:s16+$0x5250];
	v12 =	vadd.f32 v6, v12  }
0x18e: {  	s2 =	simm.s32 $0x200;
	v11 =	vadd.f32 v11, v13;
	v6 =	vld [tilespmem:s16+$0x5260]  }
.LBB2_16:
0x18f: {  	s0 =	sshra.s32 s2, $0x2;
	p2 =	sne.s32 s2, $0x9E00;
	v12 =	vmul.f32 $5.000000000e-01, v12;
	v5 =	vadd.f32 v5, v10;
	v10 =	vld [tilespmem:s16+$0x5270]  }
0x190: {  	v13 =	vld [tilespmem:s0+$0x7A00];
	v11 =	vmul.f32 $5.000000000e-01, v11;
	v4 =	vadd.f32 v4, v9  }
0x191: {  	v14 =	vld [tilespmem:s0+$0x7A10];
	[tilespmem:s16+$0x5200] =	vst v12;
	v9 =	vmul.f32 $5.000000000e-01, v5;
	v3 =	vadd.f32 v3, v8  }
0x192: {  	v5 =	vld [tilespmem:s0+$0x7A20];
	[tilespmem:s16+$0x5210] =	vst v11;
	v8 =	vmul.f32 $5.000000000e-01, v4;
	v2 =	vadd.f32 v2, v7  }
0x193: {  	v4 =	vld [tilespmem:s0+$0x7A30];
	[tilespmem:s16+$0x5220] =	vst v9;
	v7 =	vmul.f32 $5.000000000e-01, v3;
	v1 =	vadd.f32 v1, v6  }
0x194: {  	v3 =	vld [tilespmem:s0+$0x7A40];
	[tilespmem:s16+$0x5230] =	vst v8;
	v6 =	vmul.f32 $5.000000000e-01, v2;
	v0 =	vadd.f32 v0, v10  }
0x195: {  	v2 =	vld [tilespmem:s0+$0x7A50];
	[tilespmem:s16+$0x5240] =	vst v7;
	v7 =	vmul.f32 $5.000000000e-01, v1  }
0x196: {  	v1 =	vld [tilespmem:s0+$0x7A60];
	[tilespmem:s16+$0x5250] =	vst v6;
	v6 =	vmul.f32 $5.000000000e-01, v0  }
0x197: {  	v0 =	vld [tilespmem:s0+$0x7A70];
	[tilespmem:s16+$0x5260] =	vst v7  }
0x198: {  	v7 =	vld [tilespmem:s0+$0x5200];
	[tilespmem:s16+$0x5270] =	vst v6;
	s16 =	smov.u32 s0  }
0x199: {  	v6 =	vld [tilespmem:s16+$0x5210]  }
.Ltmp15:
0x19a: {  	v10 =	vld [tilespmem:s16+$0x5220];
	(pc) =	sbr.rel @p2 .LBB2_16-.Ltmp15, $4  }
0x19b: {  	v9 =	vld [tilespmem:s16+$0x5230]  }
0x19c: {  	v8 =	vld [tilespmem:s16+$0x5240]  }
0x19d: {  	v12 =	vadd.f32 v13, v7;
	v7 =	vld [tilespmem:s16+$0x5250]  }
0x19e: {  	s2 =	sadd.s32 $0x200, s2;
	v11 =	vadd.f32 v14, v6;
	v6 =	vld [tilespmem:s16+$0x5260]  }
0x19f: {  	v12 =	vmul.f32 $5.000000000e-01, v12;
	v5 =	vadd.f32 v5, v10;
	v60 =	vld [tilespmem:s16+$0x5270]  }
0x1a0: {  	v11 =	vmul.f32 $5.000000000e-01, v11;
	v4 =	vadd.f32 v4, v9  }
0x1a1: {  	[tilespmem:s16+$0x5200] =	vst v12;
	v5 =	vmul.f32 $5.000000000e-01, v5;
	v3 =	vadd.f32 v3, v8  }
0x1a2: {  	[tilespmem:s16+$0x5210] =	vst v11;
	v4 =	vmul.f32 $5.000000000e-01, v4;
	v2 =	vadd.f32 v2, v7  }
0x1a3: {  	[tilespmem:s16+$0x5220] =	vst v5;
	v3 =	vmul.f32 $5.000000000e-01, v3;
	v1 =	vadd.f32 v1, v6  }
0x1a4: {  	s2 =	smul.u32 $0x50, s12;
	[tilespmem:s16+$0x5230] =	vst v4;
	v2 =	vmul.f32 $5.000000000e-01, v2;
	v0 =	vadd.f32 v0, v60  }
0x1a5: {  	[tilespmem:s16+$0x5240] =	vst v3;
	v1 =	vmul.f32 $5.000000000e-01, v1  }
0x1a6: {  	s8 =	sadd.s32 $0xC350, s2;
	[tilespmem:s16+$0x5250] =	vst v2;
	v0 =	vmul.f32 $5.000000000e-01, v0  }
0x1a7: {  	s0 =	sshll.u32 s8, $0x4;
	[tilespmem:s16+$0x5260] =	vst v1  }
0x1a8: {  	s0 =	sadd.s32 s18, s0;
	[tilespmem:s16+$0x5270] =	vst v0  }
0x1a9: {  	[hbm4b:s0+s1] =	stream.linear.scatter [tilespmem:s10], [sflag:$0x5], $0x2800, $0x38;
	[tilespmem:$0xD8A8] =	vst v63  }
0x1aa: {  	_ =	swait.ge [sflag:s5], $0x50  }
0x1ab: {  	[sflag:s5] =	ssyncset.done $0x0  }
0x1ac: {  	[sflag:s5] =	ssyncadd.s32 $0xFFFFFFB0  }
0x1ad: {  	_ =	swait.ge [sflag:s5], $0x50  }
0x1ae: {  	[sflag:s5] =	ssyncset.done $0x0  }
0x1af: {  	[sflag:s5] =	ssyncadd.s32 $0xFFFFFFB0  }
0x1b0: {  	_ =	swait.ge [sflag:s5], $0x50  }
0x1b1: {  	[sflag:s5] =	ssyncset.done $0x0  }
0x1b2: {  	[sflag:s5] =	ssyncadd.s32 $0xFFFFFFB0  }
0x1b3: {  	_ =	swait.ge [sflag:s5], $0x50  }
0x1b4: {  	[sflag:s5] =	ssyncset.done $0x0  }
0x1b5: {  	[sflag:s5] =	ssyncadd.s32 $0xFFFFFFB0  }
0x1b6: {  	_ =	swait.ge [sflag:s5], $0x50  }
0x1b7: {  	[sflag:s5] =	ssyncset.done $0x0  }
0x1b8: {  	[sflag:s5] =	ssyncadd.s32 $0xFFFFFFB0  }
0x1b9: {  	_ =	swait.ge [sflag:s5], $0x50  }
0x1ba: {  	[sflag:s5] =	ssyncset.done $0x0  }
0x1bb: {  	[sflag:s5] =	ssyncadd.s32 $0xFFFFFFB0  }
0x1bc: {  	v61 =	vld [tilespmem:$0xA500]  }
0x1bd: {  	v62 =	vld [tilespmem:$0xA680]  }
0x1be: {  	v63 =	vld [tilespmem:$0xA580]  }
0x1bf: {  	v21 =	vld [tilespmem:$0xA700]  }
0x1c0: {  	v22 =	vld [tilespmem:$0xA600]  }
0x1c1: {  	v23 =	vld [tilespmem:$0xA780]  }
0x1c2: {  	v24 =	vld [tilespmem:$0xA510]  }
0x1c3: {  	v25 =	vld [tilespmem:$0xA690]  }
0x1c4: {  	v26 =	vld [tilespmem:$0xA590]  }
0x1c5: {  	v27 =	vld [tilespmem:$0xA710]  }
0x1c6: {  	v28 =	vld [tilespmem:$0xA610]  }
0x1c7: {  	v29 =	vld [tilespmem:$0xA790]  }
0x1c8: {  	v30 =	vld [tilespmem:$0xA520]  }
0x1c9: {  	v13 =	vld [tilespmem:$0xA6A0]  }
0x1ca: {  	v14 =	vld [tilespmem:$0xA5A0]  }
0x1cb: {  	v15 =	vld [tilespmem:$0xA720]  }
0x1cc: {  	v16 =	vld [tilespmem:$0xA620]  }
0x1cd: {  	v17 =	vld [tilespmem:$0xA7A0]  }
0x1ce: {  	v18 =	vld [tilespmem:$0xA530]  }
0x1cf: {  	v19 =	vld [tilespmem:$0xA6B0]  }
0x1d0: {  	v31 =	vld [tilespmem:$0xA5B0];
	v0 =	vadd.f32 v62, v61  }
0x1d1: {  	v32 =	vld [tilespmem:$0xA730];
	v2 =	vadd.f32 v21, v63  }
0x1d2: {  	v33 =	vld [tilespmem:$0xA630];
	v4 =	vadd.f32 v23, v22;
	v0 =	vmul.f32 $5.000000000e-01, v0  }
0x1d3: {  	v34 =	vld [tilespmem:$0xA7B0];
	v6 =	vadd.f32 v25, v24;
	v2 =	vmul.f32 $5.000000000e-01, v2  }
0x1d4: {  	v37 =	vld [tilespmem:$0xA540];
	v36 =	vadd.f32 v27, v26;
	v35 =	vmul.f32 $5.000000000e-01, v4;
	[tilespmem:$0xA500] =	vst v0  }
0x1d5: {  	v40 =	vld [tilespmem:$0xA6C0];
	v39 =	vadd.f32 v29, v28;
	v38 =	vmul.f32 $5.000000000e-01, v6;
	[tilespmem:$0xA580] =	vst v2  }
0x1d6: {  	v43 =	vld [tilespmem:$0xA5C0];
	v42 =	vadd.f32 v13, v30;
	v41 =	vmul.f32 $5.000000000e-01, v36;
	[tilespmem:$0xA600] =	vst v35  }
0x1d7: {  	v46 =	vld [tilespmem:$0xA740];
	v45 =	vadd.f32 v15, v14;
	v44 =	vmul.f32 $5.000000000e-01, v39;
	[tilespmem:$0xA510] =	vst v38  }
0x1d8: {  	v49 =	vld [tilespmem:$0xA640];
	v48 =	vadd.f32 v17, v16;
	v47 =	vmul.f32 $5.000000000e-01, v42;
	[tilespmem:$0xA590] =	vst v41  }
0x1d9: {  	v52 =	vld [tilespmem:$0xA7C0];
	v51 =	vadd.f32 v19, v18;
	v50 =	vmul.f32 $5.000000000e-01, v45;
	[tilespmem:$0xA610] =	vst v44  }
0x1da: {  	v1 =	vadd.f32 v32, v31;
	v53 =	vmul.f32 $5.000000000e-01, v48;
	[tilespmem:$0xA520] =	vst v47  }
0x1db: {  	v55 =	vadd.f32 v34, v33;
	v54 =	vmul.f32 $5.000000000e-01, v51;
	[tilespmem:$0xA5A0] =	vst v50  }
0x1dc: {  	v57 =	vadd.f32 v40, v37;
	v56 =	vmul.f32 $5.000000000e-01, v1;
	[tilespmem:$0xA620] =	vst v53  }
0x1dd: {  	v59 =	vadd.f32 v46, v43;
	v58 =	vmul.f32 $5.000000000e-01, v55;
	[tilespmem:$0xA530] =	vst v54  }
0x1de: {  	v61 =	vadd.f32 v52, v49;
	v60 =	vmul.f32 $5.000000000e-01, v57;
	[tilespmem:$0xA5B0] =	vst v56  }
0x1df: {  	v62 =	vmul.f32 $5.000000000e-01, v59;
	[tilespmem:$0xA630] =	vst v58  }
0x1e0: {  	v63 =	vmul.f32 $5.000000000e-01, v61;
	[tilespmem:$0xA540] =	vst v60  }
0x1e1: {  	s16 =	sshrl.u32 s8, $0x3;
	[tilespmem:$0xA5C0] =	vst v62  }
0x1e2: {  	s24 =	simm.s32 $0xA500;
	s0 =	sadd.s32 s23, s16;
	[tilespmem:$0xA640] =	vst v63  }
0x1e3: {  	[hbm4b:s0+s1] =	stream.linear.scatter [tilespmem:s24], [sflag:$0x6], $0x50, $0x38;
	[tilespmem:$0xD8A8] =	vst v63  }
0x1e4: {  	s8 =	sshrl.u32 s2, $0x3;
	_ =	swait.ge [sflag:s4], $0x50  }
0x1e5: {  	s0 =	sadd.s32 s23, s8;
	[sflag:s4] =	ssyncset.done $0x0  }
0x1e6: {  	s16 =	simm.s32 $0xA580;
	s12 =	sadd.s32 $0x7A12, s0;
	[sflag:s4] =	ssyncadd.s32 $0xFFFFFFB0  }
0x1e7: {  	[hbm4b:s12+s1] =	stream.linear.scatter [tilespmem:s16], [sflag:$0x6], $0x50, $0x38;
	[tilespmem:$0xD8A8] =	vst v63  }
0x1e8: {  	_ =	swait.ge [sflag:s4], $0x50  }
0x1e9: {  	s24 =	simm.s32 $0xA600;
	[sflag:s4] =	ssyncset.done $0x0  }
.Ltmp16:
0x1ea: {  	s0 =	sadd.s32 $0xDBBA, s0;
	[sflag:s4] =	ssyncadd.s32 $0xFFFFFFB0;
	(pc) =	sbr.rel .LBB2_18-.Ltmp16, $4  }
0x1eb: {  	[hbm4b:s0+s1] =	stream.linear.scatter [tilespmem:s24], [sflag:$0x6], $0x50, $0x38;
	[tilespmem:$0xD8A8] =	vst v63  }
0x1ec: {  	_ =	swait.ge [sflag:s4], $0x50  }
0x1ed: {  	[sflag:s4] =	ssyncset.done $0x0  }
0x1ee: {  	[sflag:s4] =	ssyncadd.s32 $0xFFFFFFB0  }
.LBB2_19:
0x1ef: {  	_ =	swait.ge [sflag:s6], $0x2800  }
0x1f0: {  	[sflag:s6] =	ssyncset.done $0x0  }
0x1f1: {  	[sflag:s6] =	ssyncadd.s32 $0xFFFFD800  }
0x1f2: {  	_ =	swait.ge [sflag:s6], $0x2800  }
0x1f3: {  	s2 =	sld [smem:$0x7E9]  }
0x1f4: {  	[sflag:s6] =	ssyncset.done $0x0  }
0x1f5: {  	s0 =	simm.s32 $0x0;
	s22 =	sld [smem:$0x7DF];
	[sflag:s6] =	ssyncadd.s32 $0xFFFFD800  }
0x1f6: {  	[tilespmem:s13], [sflag:$0x1] =	stream.linear.gather [hbm4b:s2+s0], $0x2800, $0x38;
	[tilespmem:$0xD8A8] =	vst v63  }
0x1f7: {  	_ = 	snop  }
0x1f8: {  	[tilespmem:s10], [sflag:$0x2] =	stream.linear.gather [hbm4b:s22+s0], $0x2800, $0x38;
	[tilespmem:$0xD8A8] =	vst v63  }
0x1f9: {  	_ =	swait.ge [sflag:s15], $0x2800  }
0x1fa: {  	[sflag:s15] =	ssyncset.done $0x0  }
0x1fb: {  	s24 =	sadd.s32 $0x0, s28;
	[sflag:s15] =	ssyncadd.s32 $0xFFFFD800  }
0x1fc: {  	[hbm4b:s24+s1] =	stream.linear.scatter [tilespmem:s13], [sflag:$0x5], $0x2800, $0x38;
	[tilespmem:$0xD8A8] =	vst v63  }
0x1fd: {  	_ =	swait.ge [sflag:s6], $0x2800  }
0x1fe: {  	s26 =	sadd.s32 $0x0, s30;
	[sflag:s6] =	ssyncset.done $0x0  }
0x1ff: {  	s2 =	sadd.s32 $0x14000, s26;
	[sflag:s6] =	ssyncadd.s32 $0xFFFFD800  }
0x200: {  	[tilespmem:s13], [sflag:$0x1] =	stream.linear.gather [hbm4b:s2+s1], $0x2800, $0x38;
	[tilespmem:$0xD8A8] =	vst v63  }
0x201: {  	p3 =	sgt.u32 s20, $0x270;
	_ =	swait.ge [sflag:s7], $0x2800  }
0x202: {  	s8 =	simm.s32 @!p3 $0x5;
	s12 =	simm.s32 @!p3 $0x0;
	[sflag:s7] =	ssyncset.done $0x0  }
0x203: {  	s16 =	simm.s32 @!p3 $0x5200;
	s0 =	sadd.s32 $0xA000, s24;
	[sflag:s7] =	ssyncadd.s32 $0xFFFFD800  }
0x204: {  	[hbm4b:s0+s1] =	stream.linear.scatter [tilespmem:s10], [sflag:$0x5], $0x2800, $0x38;
	[tilespmem:$0xD8A8] =	vst v63  }
0x205: {  	s2 =	simm.s32 $0x14000;
	s0 =	sadd.s32 @!p3 $0x0, s30;
	_ =	swait.ge @!p3 [sflag:s8], $0x2800  }
0x206: {  	s9 =	sadd.s32 @!p3 $0x1E000, s0;
	s0 =	smov.u32 s20;
	[sflag:s8] =	ssyncset.done @!p3 $0x0  }
.LBB2_20:
0x207: {  	[sflag:s8] =	ssyncadd.s32 @!p3 $0xFFFFD800  }
0x208: {  	s0 =	sadd.s32 $0x40, s0;
	s17 =	smov.u32 s2;
	s2 =	sadd.s32 $0x14000, s2  }
0x209: {  	[tilespmem:s16], [sflag:$0x2] =	stream.linear.gather @!p3 [hbm4b:s9+s12], $0x2800, $0x38;
	[tilespmem:$0xD8A8] =	vst v63  }
0x20a: {  	p2 =	sne.s32 s2, $0xB4000;
	_ =	swait.ge [sflag:s15], $0x2800  }
0x20b: {  	[sflag:s15] =	ssyncset.done $0x0  }
0x20c: {  	s8 =	sadd.s32 s17, s28;
	[sflag:s15] =	ssyncadd.s32 $0xFFFFD800  }
0x20d: {  	[hbm4b:s8+s1] =	stream.linear.scatter [tilespmem:s13], [sflag:$0x5], $0x2800, $0x38;
	[tilespmem:$0xD8A8] =	vst v63  }
0x20e: {  	_ =	swait.ge [sflag:s6], $0x2800  }
0x20f: {  	s9 =	sadd.s32 s17, s30;
	[sflag:s6] =	ssyncset.done $0x0  }
0x210: {  	s9 =	sadd.s32 $0x14000, s9;
	[sflag:s6] =	ssyncadd.s32 $0xFFFFD800  }
0x211: {  	[tilespmem:s13], [sflag:$0x1] =	stream.linear.gather [hbm4b:s9+s1], $0x2800, $0x38;
	[tilespmem:$0xD8A8] =	vst v63  }
0x212: {  	_ =	swait.ge [sflag:s7], $0x2800  }
0x213: {  	p3 =	sgt.u32 s0, $0x270;
	[sflag:s7] =	ssyncset.done $0x0  }
.Ltmp17:
0x214: {  	s8 =	sadd.s32 $0xA000, s8;
	[sflag:s7] =	ssyncadd.s32 $0xFFFFD800;
	(pc) =	sbr.rel @p2 .LBB2_20-.Ltmp17, $4  }
0x215: {  	[hbm4b:s8+s1] =	stream.linear.scatter [tilespmem:s10], [sflag:$0x5], $0x2800, $0x38;
	[tilespmem:$0xD8A8] =	vst v63  }
0x216: {  	s9 =	sadd.s32 @!p3 s17, s30;
	s8 =	simm.s32 @!p3 $0x5  }
0x217: {  	s9 =	sadd.s32 @!p3 $0x1E000, s9;
	_ =	swait.ge @!p3 [sflag:s8], $0x2800  }
0x218: {  	s12 =	simm.s32 @!p3 $0x0;
	s16 =	simm.s32 @!p3 $0x5200;
	[sflag:s8] =	ssyncset.done @!p3 $0x0  }
0x219: {  	[sflag:s8] =	ssyncadd.s32 @!p3 $0xFFFFD800  }
0x21a: {  	[tilespmem:s16], [sflag:$0x2] =	stream.linear.gather @!p3 [hbm4b:s9+s12], $0x2800, $0x38;
	[tilespmem:$0xD8A8] =	vst v63  }
0x21b: {  	_ =	swait.ge [sflag:s15], $0x2800  }
0x21c: {  	s0 =	sld [smem:$0x7F4]  }
0x21d: {  	[sflag:s15] =	ssyncset.done $0x0  }
0x21e: {  	[sflag:s15] =	ssyncadd.s32 $0xFFFFD800  }
0x21f: {  	[hbm4b:s0+s1] =	stream.linear.scatter [tilespmem:s13], [sflag:$0x5], $0x2800, $0x38;
	[tilespmem:$0xD8A8] =	vst v63  }
0x220: {  	s0 =	simm.s32 @!p0 $0x2  }
0x221: {  	_ =	swait.ge @!p0 [sflag:s0], $0x2800  }
0x222: {  	s8 =	sld [smem:$0x7F5]  }
0x223: {  	s2 =	simm.s32 @!p0 $0x5200;
	s21 =	smulhi.u32 $0x51EB851F, s3;
	[sflag:s0] =	ssyncset.done @!p0 $0x0  }
0x224: {  	s22 =	sadd.s32 $0x0, s3;
	[sflag:s0] =	ssyncadd.s32 @!p0 $0xFFFFD800;
	s0 =	simm.s32 @!p0 $0x0  }
0x225: {  	[hbm4b:s8+s0] =	stream.linear.scatter @!p0 [tilespmem:s2], [sflag:$0x5], $0x2800, $0x38;
	[tilespmem:$0xD8A8] =	vst v63  }
0x226: {  	s18 =	simm.s32 $0x20;
	p2 =	sgt.u32 s22, $0x95;
	_ =	swait.ge [sflag:s6], $0x2800  }
0x227: {  	p3 =	por @!p2 $0x1, $0x1;
	s20 =	simm.s32 @!p2 $0xA800;
	[sflag:s6] =	ssyncset.done $0x0  }
0x228: {  	s0 =	sshrl.u32 s21, $0x4;
	s21 =	sadd.s32 $0x20, s3;
	[sflag:s6] =	ssyncadd.s32 $0xFFFFD800  }
0x229: {  	p3 =	por p3, p2;
	s26 =	smulhi.u32 $0x51EB851F, s21;
	_ =	swait.ge [sflag:s6], $0x2800  }
0x22a: {  	s16 =	simm.s32 @!p3 $0x5;
	s2 =	simm.s32 $0x40;
	[sflag:s6] =	ssyncset.done $0x0  }
0x22b: {  	s0 =	smul.u32 $0x249F0, s0;
	s8 =	sshrl.u32 s26, $0x4;
	[sflag:s6] =	ssyncadd.s32 $0xFFFFD800  }
0x22c: {  	s26 =	simm.s32 @!p2 $0x6;
	s24 =	rddreg [dreg:$0x9];
	_ =	swait.ge @!p3 [sflag:s16], $0x3E8  }
0x22d: {  	s8 =	smul.u32 $0x249F0, s8;
	s0 =	sadd.s32 s0, s24;
	s17 =	sld [smem:$0x7F6]  }
0x22e: {  	s9 =	sadd.s32 $0x7D00, s24;
	s0 =	sshrl.u32 @!p2 s0, $0x3;
	[sflag:s16] =	ssyncset.done @!p3 $0x0  }
0x22f: {  	s12 =	sadd.s32 @!p2 s23, s0;
	s0 =	simm.s32 @!p2 $0x0;
	[sflag:s16] =	ssyncadd.s32 @!p3 $0xFFFFFC18  }
0x230: {  	[tilespmem:s20], [sflag:$0x6] =	stream.linear.gather @!p2 [hbm4b:s17+s0], $0x3E8, $0x38;
	[tilespmem:$0xD8A8] =	vst v63  }
0x231: {  	s21 =	sadd.s32 $0x20, s21;
	s16 =	sadd.s32 s8, s9;
	_ =	swait.ge @!p2 [sflag:s26], $0x3E8  }
0x232: {  	s8 =	sadd.s32 $0xFA0, s17;
	s17 =	sadd.s32 $0x20, s3;
	[sflag:s26] =	ssyncset.done @!p2 $0x0  }
.LBB2_22:
0x233: {  	s22 =	smulhi.u32 $0x51EB851F, s21;
	s24 =	smov.u32 s2;
	s2 =	sadd.s32 $0x20, s2  }
0x234: {  	s19 =	smov.u32 s12;
	p3 =	por p2, p2;
	p2 =	sgt.u32 s17, $0x95  }
0x235: {  	s9 =	sadd.s32 $0x7D00, s9;
	p4 =	seq.s32 @!p2 s18, $0x0;
	s12 =	sshrl.u32 @!p2 s16, $0x3  }
0x236: {  	s16 =	sshrl.u32 s22, $0x4;
	p4 =	por p4, p2;
	s12 =	sadd.s32 @!p2 s23, s12  }
0x237: {  	s16 =	smul.u32 $0x249F0, s16;
	s17 =	simm.s32 @!p4 $0x5;
	[sflag:s26] =	ssyncadd.s32 @!p3 $0xFFFFFC18  }
0x238: {  	[hbm4b:s19+s0] =	stream.linear.scatter @!p3 [tilespmem:s20], [sflag:$0x5], $0x3E8, $0x38;
	[tilespmem:$0xD8A8] =	vst v63  }
0x239: {  	p3 =	sne.s32 s2, $0xA0;
	s16 =	sadd.s32 s16, s9;
	_ =	swait.ge @!p4 [sflag:s17], $0x3E8  }
.Ltmp18:
0x23a: {  	s26 =	simm.s32 @!p2 $0x6;
	[sflag:s17] =	ssyncset.done @!p4 $0x0;
	(pc) =	sbr.rel @p3 .LBB2_22-.Ltmp18, $4  }
0x23b: {  	s0 =	simm.s32 @!p2 $0x0;
	s20 =	simm.s32 @!p2 $0xA800;
	[sflag:s17] =	ssyncadd.s32 @!p4 $0xFFFFFC18  }
0x23c: {  	[tilespmem:s20], [sflag:$0x6] =	stream.linear.gather @!p2 [hbm4b:s8+s0], $0x3E8, $0x38;
	[tilespmem:$0xD8A8] =	vst v63  }
0x23d: {  	s18 =	smov.u32 s24;
	s8 =	sadd.s32 $0xFA0, s8;
	_ =	swait.ge @!p2 [sflag:s26], $0x3E8  }
0x23e: {  	s21 =	sadd.s32 $0x20, s21;
	s17 =	sadd.s32 s18, s3;
	[sflag:s26] =	ssyncset.done @!p2 $0x0  }
0x23f: {  	p3 =	sgt.u32 s17, $0x95  }
0x240: {  	p2 =	por p2, p2;
	p4 =	seq.s32 @!p3 s18, $0x0  }
0x241: {  	[sflag:s26] =	ssyncadd.s32 @!p2 $0xFFFFFC18;
	p4 =	por p4, p3  }
0x242: {  	[hbm4b:s12+s0] =	stream.linear.scatter @!p2 [tilespmem:s20], [sflag:$0x5], $0x3E8, $0x38;
	[tilespmem:$0xD8A8] =	vst v63  }
0x243: {  	s2 =	simm.s32 @!p4 $0x5  }
0x244: {  	_ =	swait.ge @!p4 [sflag:s2], $0x3E8  }
0x245: {  	s9 =	simm.s32 @!p3 $0xA800;
	[sflag:s2] =	ssyncset.done @!p4 $0x0  }
0x246: {  	s0 =	simm.s32 @!p3 $0x6;
	[sflag:s2] =	ssyncadd.s32 @!p4 $0xFFFFFC18;
	s2 =	simm.s32 @!p3 $0x0  }
0x247: {  	[tilespmem:s9], [sflag:$0x6] =	stream.linear.gather @!p3 [hbm4b:s8+s2], $0x3E8, $0x38;
	[tilespmem:$0xD8A8] =	vst v63  }
0x248: {  	_ =	swait.ge @!p3 [sflag:s0], $0x3E8  }
0x249: {  	p2 =	por p3, p3;
	s8 =	sshrl.u32 @!p3 s16, $0x3;
	[sflag:s0] =	ssyncset.done @!p3 $0x0  }
0x24a: {  	s8 =	sadd.s32 @!p3 s23, s8;
	[sflag:s0] =	ssyncadd.s32 @!p2 $0xFFFFFC18  }
0x24b: {  	[hbm4b:s8+s2] =	stream.linear.scatter @!p2 [tilespmem:s9], [sflag:$0x5], $0x3E8, $0x38;
	[tilespmem:$0xD8A8] =	vst v63  }
0x24c: {  	_ =	swait.ge [sflag:s6], $0x3E8  }
0x24d: {  	[sflag:s6] =	ssyncset.done $0x0  }
0x24e: {  	s9 =	simm.s32 $0xAC00;
	s22 =	rddreg [dreg:$0xa];
	[sflag:s6] =	ssyncadd.s32 $0xFFFFFC18  }
0x24f: {  	[tilespmem:s9], [sflag:$0x6] =	stream.linear.gather [hbm4b:s22+s1], $0x7D0, $0x38;
	[tilespmem:$0xD8A8] =	vst v63  }
0x250: {  	_ =	swait.ge [sflag:s4], $0x7D0  }
0x251: {  	[sflag:s4] =	ssyncset.done $0x0  }
0x252: {  	s24 =	rddreg [dreg:$0xb];
	[sflag:s4] =	ssyncadd.s32 $0xFFFFF830  }
0x253: {  	[hbm4b:s24+s1] =	stream.linear.scatter [tilespmem:s9], [sflag:$0x5], $0x7D0, $0x38;
	[tilespmem:$0xD8A8] =	vst v63  }
0x254: {  	_ =	swait.ge [sflag:s6], $0x7D0  }
0x255: {  	s0 =	simm.s32 @!p1 $0x0;
	[sflag:s6] =	ssyncset.done $0x0  }
0x256: {  	s2 =	simm.s32 @!p1 $0xAC00;
	s8 =	rddreg [dreg:$0xc];
	[sflag:s6] =	ssyncadd.s32 $0xFFFFF830  }
0x257: {  	[tilespmem:s2], [sflag:$0x6] =	stream.linear.gather @!p1 [hbm4b:s8+s0], $0x7D0, $0x38;
	[tilespmem:$0xD8A8] =	vst v63  }
0x258: {  	s8 =	simm.s32 @!p1 $0x6  }
0x259: {  	_ =	swait.ge @!p1 [sflag:s8], $0x7D0  }
0x25a: {  	[sflag:s8] =	ssyncset.done @!p1 $0x0  }
0x25b: {  	[sflag:s8] =	ssyncadd.s32 @!p1 $0xFFFFF830;
	s8 =	rddreg [dreg:$0xd]  }
0x25c: {  	[hbm4b:s8+s0] =	stream.linear.scatter @!p1 [tilespmem:s2], [sflag:$0x5], $0x7D0, $0x38;
	[tilespmem:$0xD8A8] =	vst v63  }
0x25d: {  	s0 =	simm.s32 @!p1 $0x5  }
0x25e: {  	_ =	swait.ge @!p1 [sflag:s0], $0x7D0  }
0x25f: {  	[sflag:s0] =	ssyncset.done @!p1 $0x0  }
0x260: {  	s26 =	simm.s32 $0x0;
	s22 =	rddreg [dreg:$0xe];
	[sflag:s0] =	ssyncadd.s32 @!p1 $0xFFFFF830  }
0x261: {  	[tilespmem:s9], [sflag:$0x6] =	stream.linear.gather [hbm4b:s22+s26], $0x7D0, $0x38;
	[tilespmem:$0xD8A8] =	vst v63  }
0x262: {  	_ =	swait.ge [sflag:s4], $0x7D0  }
0x263: {  	[sflag:s4] =	ssyncset.done $0x0  }
0x264: {  	s2 =	simm.s32 $0x40;
	s0 =	simm.s32 $0x0;
	[sflag:s4] =	ssyncadd.s32 $0xFFFFF830  }
.LBB2_24:
0x265: {  	p2 =	sne.s32 s2, $0x1F00;
	v0 =	vld [tilespmem:s0+$0xAC00];
	_ =	sdelay $0x1  }
.Ltmp19:
0x266: {  	(pc) =	sbr.rel @p2 .LBB2_24-.Ltmp19, $3  }
0x267: {  	_ =	sdelay $0x1  }
0x268: {  	v0 =	vadd.s32 $0xC350, v0  }
0x269: {  	[tilespmem:s0+$0xAC00] =	vst v0;
	s0 =	sshra.s32 s2, $0x2;
	s2 =	sadd.s32 $0x40, s2  }
0x26a: {  	v0 =	vld [tilespmem:s0+$0xAC00];
	_ =	sdelay $0x3  }
0x26b: {  	s26 =	sld [smem:$0x7E0]  }
0x26c: {  	v0 =	vadd.s32 $0xC350, v0  }
.Ltmp20:
0x26d: {  	[tilespmem:s0+$0xAC00] =	vst v0;
	(pc) =	sbr.rel @p1 .LBB2_29-.Ltmp20, $4  }
0x26e: {  	[hbm4b:s26+s1] =	stream.linear.scatter [tilespmem:s9], [sflag:$0x5], $0x7D0, $0x38;
	[tilespmem:$0xD8A8] =	vst v63  }
0x26f: {  	_ =	swait.ge [sflag:s6], $0x7D0  }
0x270: {  	[sflag:s6] =	ssyncset.done $0x0;
	s24 =	rddreg [dreg:$0x10]  }
0x271: {  	s26 =	rddreg [dreg:$0x11];
	[sflag:s6] =	ssyncadd.s32 $0xFFFFF830  }
0x272: {  	s0 =	simm.s32 $0x0;
	s2 =	rddreg [dreg:$0xf]  }
0x273: {  	[tilespmem:s9], [sflag:$0x6] =	stream.linear.gather [hbm4b:s2+s0], $0x7D0, $0x38;
	[tilespmem:$0xD8A8] =	vst v63  }
0x274: {  	_ =	swait.ge [sflag:s4], $0x7D0  }
0x275: {  	[sflag:s4] =	ssyncset.done $0x0  }
0x276: {  	s0 =	simm.s32 $0x0;
	s2 =	simm.s32 $0x40;
	[sflag:s4] =	ssyncadd.s32 $0xFFFFF830  }
.LBB2_27:
0x277: {  	p2 =	sne.s32 s2, $0x1F00;
	v0 =	vld [tilespmem:s0+$0xAC00];
	_ =	sdelay $0x1  }
.Ltmp21:
0x278: {  	(pc) =	sbr.rel @p2 .LBB2_27-.Ltmp21, $3  }
0x279: {  	_ =	sdelay $0x1  }
0x27a: {  	v0 =	vadd.s32 $0xC350, v0  }
0x27b: {  	[tilespmem:s0+$0xAC00] =	vst v0;
	s0 =	sshra.s32 s2, $0x2;
	s2 =	sadd.s32 $0x40, s2  }
0x27c: {  	v0 =	vld [tilespmem:s0+$0xAC00];
	_ =	sdelay $0x3  }
0x27d: {  	s21 =	sld [smem:$0x7EA]  }
0x27e: {  	v0 =	vadd.s32 $0xC350, v0  }
0x27f: {  	[tilespmem:s0+$0xAC00] =	vst v0  }
0x280: {  	[hbm4b:s21+s1] =	stream.linear.scatter [tilespmem:s9], [sflag:$0x5], $0x7D0, $0x38;
	[tilespmem:$0xD8A8] =	vst v63  }
0x281: {  	_ =	swait.ge [sflag:s6], $0x7D0  }
0x282: {  	[sflag:s6] =	ssyncset.done $0x0  }
0x283: {  	[sflag:s6] =	ssyncadd.s32 $0xFFFFF830  }
.LBB2_29:
0x284: {  	s0 =	simm.s32 $0x0  }
0x285: {  	[tilespmem:s9], [sflag:$0x6] =	stream.linear.gather [hbm4b:s24+s0], $0x7D0, $0x38;
	[tilespmem:$0xD8A8] =	vst v63  }
0x286: {  	_ =	swait.ge [sflag:s4], $0x7D0  }
0x287: {  	[sflag:s4] =	ssyncset.done $0x0  }
0x288: {  	s2 =	simm.s32 $0x40;
	s0 =	simm.s32 $0x0;
	[sflag:s4] =	ssyncadd.s32 $0xFFFFF830  }
.LBB2_30:
0x289: {  	p2 =	sne.s32 s2, $0x1F00;
	v0 =	vld [tilespmem:s0+$0xAC00];
	_ =	sdelay $0x1  }
.Ltmp22:
0x28a: {  	(pc) =	sbr.rel @p2 .LBB2_30-.Ltmp22, $3  }
0x28b: {  	_ =	sdelay $0x1  }
0x28c: {  	v0 =	vadd.s32 $0xC350, v0  }
0x28d: {  	[tilespmem:s0+$0xAC00] =	vst v0;
	s0 =	sshra.s32 s2, $0x2;
	s2 =	sadd.s32 $0x40, s2  }
0x28e: {  	v0 =	vld [tilespmem:s0+$0xAC00];
	_ =	sdelay $0x3  }
0x28f: {  	s21 =	sld [smem:$0x7E1]  }
0x290: {  	v0 =	vadd.s32 $0xC350, v0  }
.Ltmp23:
0x291: {  	[tilespmem:s0+$0xAC00] =	vst v0;
	(pc) =	sbr.rel @p1 .LBB2_35-.Ltmp23, $4  }
0x292: {  	[hbm4b:s21+s1] =	stream.linear.scatter [tilespmem:s9], [sflag:$0x5], $0x7D0, $0x38;
	[tilespmem:$0xD8A8] =	vst v63  }
0x293: {  	_ =	swait.ge [sflag:s6], $0x7D0  }
0x294: {  	[sflag:s6] =	ssyncset.done $0x0  }
0x295: {  	s19 =	stileid.u32;
	[sflag:s6] =	ssyncadd.s32 $0xFFFFF830  }
0x296: {  	s0 =	simm.s32 $0x0;
	s2 =	rddreg [dreg:$0x13]  }
0x297: {  	[tilespmem:s9], [sflag:$0x6] =	stream.linear.gather [hbm4b:s2+s0], $0x7D0, $0x38;
	[tilespmem:$0xD8A8] =	vst v63  }
0x298: {  	_ =	swait.ge [sflag:s4], $0x7D0  }
0x299: {  	[sflag:s4] =	ssyncset.done $0x0  }
0x29a: {  	s0 =	simm.s32 $0x0;
	s2 =	simm.s32 $0x40;
	[sflag:s4] =	ssyncadd.s32 $0xFFFFF830  }
.LBB2_33:
0x29b: {  	p2 =	sne.s32 s2, $0x1F00;
	v0 =	vld [tilespmem:s0+$0xAC00];
	_ =	sdelay $0x1  }
.Ltmp24:
0x29c: {  	(pc) =	sbr.rel @p2 .LBB2_33-.Ltmp24, $3  }
0x29d: {  	_ =	sdelay $0x1  }
0x29e: {  	v0 =	vadd.s32 $0xC350, v0  }
0x29f: {  	[tilespmem:s0+$0xAC00] =	vst v0;
	s0 =	sshra.s32 s2, $0x2;
	s2 =	sadd.s32 $0x40, s2  }
0x2a0: {  	v0 =	vld [tilespmem:s0+$0xAC00];
	_ =	sdelay $0x3  }
0x2a1: {  	s21 =	sld [smem:$0x7EB]  }
0x2a2: {  	v0 =	vadd.s32 $0xC350, v0  }
0x2a3: {  	[tilespmem:s0+$0xAC00] =	vst v0  }
0x2a4: {  	[hbm4b:s21+s1] =	stream.linear.scatter [tilespmem:s9], [sflag:$0x5], $0x7D0, $0x38;
	[tilespmem:$0xD8A8] =	vst v63  }
0x2a5: {  	_ =	swait.ge [sflag:s6], $0x7D0  }
0x2a6: {  	[sflag:s6] =	ssyncset.done $0x0  }
0x2a7: {  	[sflag:s6] =	ssyncadd.s32 $0xFFFFF830  }
.LBB2_35:
0x2a8: {  	s0 =	rddreg [dreg:$0x14]  }
0x2a9: {  	[tilespmem:s9], [sflag:$0x6] =	stream.linear.gather [hbm4b:s0+s1], $0x7D0, $0x38;
	[tilespmem:$0xD8A8] =	vst v63  }
0x2aa: {  	_ =	swait.ge [sflag:s4], $0x7D0  }
0x2ab: {  	[sflag:s4] =	ssyncset.done $0x0  }
0x2ac: {  	s20 =	rddreg [dreg:$0x15];
	[sflag:s4] =	ssyncadd.s32 $0xFFFFF830  }
0x2ad: {  	[hbm4b:s20+s1] =	stream.linear.scatter [tilespmem:s9], [sflag:$0x5], $0x7D0, $0x38;
	[tilespmem:$0xD8A8] =	vst v63  }
0x2ae: {  	_ =	swait.ge [sflag:s6], $0x7D0  }
0x2af: {  	s2 =	simm.s32 @!p1 $0xAC00;
	[sflag:s6] =	ssyncset.done $0x0  }
0x2b0: {  	s0 =	simm.s32 @!p1 $0x0;
	s8 =	rddreg [dreg:$0x16];
	[sflag:s6] =	ssyncadd.s32 $0xFFFFF830  }
0x2b1: {  	[tilespmem:s2], [sflag:$0x6] =	stream.linear.gather @!p1 [hbm4b:s8+s0], $0x7D0, $0x38;
	[tilespmem:$0xD8A8] =	vst v63  }
0x2b2: {  	s8 =	simm.s32 @!p1 $0x6  }
0x2b3: {  	_ =	swait.ge @!p1 [sflag:s8], $0x7D0  }
0x2b4: {  	[sflag:s8] =	ssyncset.done @!p1 $0x0  }
0x2b5: {  	[sflag:s8] =	ssyncadd.s32 @!p1 $0xFFFFF830;
	s8 =	rddreg [dreg:$0x17]  }
0x2b6: {  	[hbm4b:s8+s0] =	stream.linear.scatter @!p1 [tilespmem:s2], [sflag:$0x5], $0x7D0, $0x38;
	[tilespmem:$0xD8A8] =	vst v63  }
0x2b7: {  	s0 =	simm.s32 @!p1 $0x5  }
0x2b8: {  	_ =	swait.ge @!p1 [sflag:s0], $0x7D0  }
0x2b9: {  	[sflag:s0] =	ssyncset.done @!p1 $0x0  }
0x2ba: {  	s21 =	simm.s32 $0x0;
	[sflag:s0] =	ssyncadd.s32 @!p1 $0xFFFFF830  }
0x2bb: {  	[tilespmem:s9], [sflag:$0x6] =	stream.linear.gather [hbm4b:s26+s21], $0x7D0, $0x38;
	[tilespmem:$0xD8A8] =	vst v63  }
0x2bc: {  	_ =	swait.ge [sflag:s4], $0x7D0  }
0x2bd: {  	[sflag:s4] =	ssyncset.done $0x0  }
0x2be: {  	s2 =	simm.s32 $0x40;
	s0 =	simm.s32 $0x0;
	[sflag:s4] =	ssyncadd.s32 $0xFFFFF830  }
.LBB2_36:
0x2bf: {  	p2 =	sne.s32 s2, $0x1F00;
	v0 =	vld [tilespmem:s0+$0xAC00];
	_ =	sdelay $0x1  }
.Ltmp25:
0x2c0: {  	(pc) =	sbr.rel @p2 .LBB2_36-.Ltmp25, $3  }
0x2c1: {  	_ =	sdelay $0x1  }
0x2c2: {  	v0 =	vadd.s32 $0xC350, v0  }
0x2c3: {  	[tilespmem:s0+$0xAC00] =	vst v0;
	s0 =	sshra.s32 s2, $0x2;
	s2 =	sadd.s32 $0x40, s2  }
0x2c4: {  	v0 =	vld [tilespmem:s0+$0xAC00];
	_ =	sdelay $0x3  }
0x2c5: {  	s21 =	sld [smem:$0x7E2]  }
0x2c6: {  	v0 =	vadd.s32 $0xC350, v0  }
.Ltmp26:
0x2c7: {  	[tilespmem:s0+$0xAC00] =	vst v0;
	(pc) =	sbr.rel @p1 .LBB2_41-.Ltmp26, $4  }
0x2c8: {  	[hbm4b:s21+s1] =	stream.linear.scatter [tilespmem:s9], [sflag:$0x5], $0x7D0, $0x38;
	[tilespmem:$0xD8A8] =	vst v63  }
0x2c9: {  	_ =	swait.ge [sflag:s6], $0x7D0  }
0x2ca: {  	[sflag:s6] =	ssyncset.done $0x0  }
0x2cb: {  	[sflag:s6] =	ssyncadd.s32 $0xFFFFF830  }
0x2cc: {  	s0 =	simm.s32 $0x0;
	s2 =	rddreg [dreg:$0x12]  }
0x2cd: {  	[tilespmem:s9], [sflag:$0x6] =	stream.linear.gather [hbm4b:s2+s0], $0x7D0, $0x38;
	[tilespmem:$0xD8A8] =	vst v63  }
0x2ce: {  	_ =	swait.ge [sflag:s4], $0x7D0  }
0x2cf: {  	[sflag:s4] =	ssyncset.done $0x0  }
0x2d0: {  	s0 =	simm.s32 $0x0;
	s2 =	simm.s32 $0x40;
	[sflag:s4] =	ssyncadd.s32 $0xFFFFF830  }
.LBB2_39:
0x2d1: {  	p2 =	sne.s32 s2, $0x1F00;
	v0 =	vld [tilespmem:s0+$0xAC00];
	_ =	sdelay $0x1  }
.Ltmp27:
0x2d2: {  	(pc) =	sbr.rel @p2 .LBB2_39-.Ltmp27, $3  }
0x2d3: {  	_ =	sdelay $0x1  }
0x2d4: {  	v0 =	vadd.s32 $0xC350, v0  }
0x2d5: {  	[tilespmem:s0+$0xAC00] =	vst v0;
	s0 =	sshra.s32 s2, $0x2;
	s2 =	sadd.s32 $0x40, s2  }
0x2d6: {  	v0 =	vld [tilespmem:s0+$0xAC00];
	_ =	sdelay $0x3  }
0x2d7: {  	s21 =	sld [smem:$0x7EC]  }
0x2d8: {  	v0 =	vadd.s32 $0xC350, v0  }
0x2d9: {  	[tilespmem:s0+$0xAC00] =	vst v0  }
0x2da: {  	[hbm4b:s21+s1] =	stream.linear.scatter [tilespmem:s9], [sflag:$0x5], $0x7D0, $0x38;
	[tilespmem:$0xD8A8] =	vst v63  }
0x2db: {  	_ =	swait.ge [sflag:s6], $0x7D0  }
0x2dc: {  	[sflag:s6] =	ssyncset.done $0x0  }
0x2dd: {  	[sflag:s6] =	ssyncadd.s32 $0xFFFFF830  }
.LBB2_41:
0x2de: {  	s0 =	simm.s32 $0x0  }
0x2df: {  	[tilespmem:s9], [sflag:$0x6] =	stream.linear.gather [hbm4b:s22+s0], $0x7D0, $0x38;
	[tilespmem:$0xD8A8] =	vst v63  }
0x2e0: {  	_ =	swait.ge [sflag:s4], $0x7D0  }
0x2e1: {  	[sflag:s4] =	ssyncset.done $0x0  }
0x2e2: {  	s2 =	simm.s32 $0x40;
	s0 =	simm.s32 $0x0;
	[sflag:s4] =	ssyncadd.s32 $0xFFFFF830  }
.LBB2_42:
0x2e3: {  	p2 =	sne.s32 s2, $0x1F00;
	v0 =	vld [tilespmem:s0+$0xAC00];
	_ =	sdelay $0x1  }
.Ltmp28:
0x2e4: {  	(pc) =	sbr.rel @p2 .LBB2_42-.Ltmp28, $3  }
0x2e5: {  	_ =	sdelay $0x1  }
0x2e6: {  	v0 =	vadd.s32 $0xC350, v0  }
0x2e7: {  	[tilespmem:s0+$0xAC00] =	vst v0;
	s0 =	sshra.s32 s2, $0x2;
	s2 =	sadd.s32 $0x40, s2  }
0x2e8: {  	v0 =	vld [tilespmem:s0+$0xAC00];
	_ =	sdelay $0x3  }
0x2e9: {  	s21 =	sld [smem:$0x7E3]  }
0x2ea: {  	v0 =	vadd.s32 $0xC350, v0  }
.Ltmp29:
0x2eb: {  	[tilespmem:s0+$0xAC00] =	vst v0;
	(pc) =	sbr.rel @p1 .LBB2_47-.Ltmp29, $4  }
0x2ec: {  	[hbm4b:s21+s1] =	stream.linear.scatter [tilespmem:s9], [sflag:$0x5], $0x7D0, $0x38;
	[tilespmem:$0xD8A8] =	vst v63  }
0x2ed: {  	_ =	swait.ge [sflag:s6], $0x7D0  }
0x2ee: {  	[sflag:s6] =	ssyncset.done $0x0  }
0x2ef: {  	[sflag:s6] =	ssyncadd.s32 $0xFFFFF830  }
0x2f0: {  	s0 =	simm.s32 $0x0;
	s2 =	rddreg [dreg:$0xf]  }
0x2f1: {  	[tilespmem:s9], [sflag:$0x6] =	stream.linear.gather [hbm4b:s2+s0], $0x7D0, $0x38;
	[tilespmem:$0xD8A8] =	vst v63  }
0x2f2: {  	_ =	swait.ge [sflag:s4], $0x7D0  }
0x2f3: {  	[sflag:s4] =	ssyncset.done $0x0  }
0x2f4: {  	s0 =	simm.s32 $0x0;
	s2 =	simm.s32 $0x40;
	[sflag:s4] =	ssyncadd.s32 $0xFFFFF830  }
.LBB2_45:
0x2f5: {  	p2 =	sne.s32 s2, $0x1F00;
	v0 =	vld [tilespmem:s0+$0xAC00];
	_ =	sdelay $0x1  }
.Ltmp30:
0x2f6: {  	(pc) =	sbr.rel @p2 .LBB2_45-.Ltmp30, $3  }
0x2f7: {  	_ =	sdelay $0x1  }
0x2f8: {  	v0 =	vadd.s32 $0xC350, v0  }
0x2f9: {  	[tilespmem:s0+$0xAC00] =	vst v0;
	s0 =	sshra.s32 s2, $0x2;
	s2 =	sadd.s32 $0x40, s2  }
0x2fa: {  	v0 =	vld [tilespmem:s0+$0xAC00];
	_ =	sdelay $0x3  }
0x2fb: {  	s21 =	sld [smem:$0x7ED]  }
0x2fc: {  	v0 =	vadd.s32 $0xC350, v0  }
0x2fd: {  	[tilespmem:s0+$0xAC00] =	vst v0  }
0x2fe: {  	[hbm4b:s21+s1] =	stream.linear.scatter [tilespmem:s9], [sflag:$0x5], $0x7D0, $0x38;
	[tilespmem:$0xD8A8] =	vst v63  }
0x2ff: {  	_ =	swait.ge [sflag:s6], $0x7D0  }
0x300: {  	[sflag:s6] =	ssyncset.done $0x0  }
0x301: {  	[sflag:s6] =	ssyncadd.s32 $0xFFFFF830  }
.LBB2_47:
0x302: {  	s0 =	rddreg [dreg:$0x18]  }
0x303: {  	[tilespmem:s9], [sflag:$0x6] =	stream.linear.gather [hbm4b:s0+s1], $0x7D0, $0x38;
	[tilespmem:$0xD8A8] =	vst v63  }
0x304: {  	_ =	swait.ge [sflag:s4], $0x7D0  }
0x305: {  	[sflag:s4] =	ssyncset.done $0x0  }
0x306: {  	s20 =	rddreg [dreg:$0x19];
	[sflag:s4] =	ssyncadd.s32 $0xFFFFF830  }
0x307: {  	[hbm4b:s20+s1] =	stream.linear.scatter [tilespmem:s9], [sflag:$0x5], $0x7D0, $0x38;
	[tilespmem:$0xD8A8] =	vst v63  }
0x308: {  	_ =	swait.ge [sflag:s6], $0x7D0  }
0x309: {  	s2 =	simm.s32 @!p1 $0xAC00;
	[sflag:s6] =	ssyncset.done $0x0  }
0x30a: {  	s0 =	simm.s32 @!p1 $0x0;
	s8 =	rddreg [dreg:$0x1a];
	[sflag:s6] =	ssyncadd.s32 $0xFFFFF830  }
0x30b: {  	[tilespmem:s2], [sflag:$0x6] =	stream.linear.gather @!p1 [hbm4b:s8+s0], $0x7D0, $0x38;
	[tilespmem:$0xD8A8] =	vst v63  }
0x30c: {  	s8 =	simm.s32 @!p1 $0x6  }
0x30d: {  	_ =	swait.ge @!p1 [sflag:s8], $0x7D0  }
0x30e: {  	[sflag:s8] =	ssyncset.done @!p1 $0x0  }
0x30f: {  	[sflag:s8] =	ssyncadd.s32 @!p1 $0xFFFFF830;
	s8 =	rddreg [dreg:$0x1b]  }
0x310: {  	[hbm4b:s8+s0] =	stream.linear.scatter @!p1 [tilespmem:s2], [sflag:$0x5], $0x7D0, $0x38;
	[tilespmem:$0xD8A8] =	vst v63  }
0x311: {  	s0 =	simm.s32 @!p1 $0x5  }
0x312: {  	_ =	swait.ge @!p1 [sflag:s0], $0x7D0  }
0x313: {  	[sflag:s0] =	ssyncset.done @!p1 $0x0  }
0x314: {  	s21 =	simm.s32 $0x0;
	[sflag:s0] =	ssyncadd.s32 @!p1 $0xFFFFF830  }
0x315: {  	[tilespmem:s9], [sflag:$0x6] =	stream.linear.gather [hbm4b:s24+s21], $0x7D0, $0x38;
	[tilespmem:$0xD8A8] =	vst v63  }
0x316: {  	_ =	swait.ge [sflag:s4], $0x7D0  }
0x317: {  	[sflag:s4] =	ssyncset.done $0x0  }
0x318: {  	s2 =	simm.s32 $0x40;
	s0 =	simm.s32 $0x0;
	[sflag:s4] =	ssyncadd.s32 $0xFFFFF830  }
.LBB2_48:
0x319: {  	p2 =	sne.s32 s2, $0x1F00;
	v0 =	vld [tilespmem:s0+$0xAC00];
	_ =	sdelay $0x1  }
.Ltmp31:
0x31a: {  	(pc) =	sbr.rel @p2 .LBB2_48-.Ltmp31, $3  }
0x31b: {  	_ =	sdelay $0x1  }
0x31c: {  	v0 =	vadd.s32 $0xC350, v0  }
0x31d: {  	[tilespmem:s0+$0xAC00] =	vst v0;
	s0 =	sshra.s32 s2, $0x2;
	s2 =	sadd.s32 $0x40, s2  }
0x31e: {  	v0 =	vld [tilespmem:s0+$0xAC00];
	_ =	sdelay $0x3  }
0x31f: {  	s21 =	sld [smem:$0x7E4]  }
0x320: {  	v0 =	vadd.s32 $0xC350, v0  }
.Ltmp32:
0x321: {  	[tilespmem:s0+$0xAC00] =	vst v0;
	(pc) =	sbr.rel @p1 .LBB2_53-.Ltmp32, $4  }
0x322: {  	[hbm4b:s21+s1] =	stream.linear.scatter [tilespmem:s9], [sflag:$0x5], $0x7D0, $0x38;
	[tilespmem:$0xD8A8] =	vst v63  }
0x323: {  	_ =	swait.ge [sflag:s6], $0x7D0  }
0x324: {  	[sflag:s6] =	ssyncset.done $0x0  }
0x325: {  	[sflag:s6] =	ssyncadd.s32 $0xFFFFF830  }
0x326: {  	s0 =	simm.s32 $0x0;
	s2 =	rddreg [dreg:$0x13]  }
0x327: {  	[tilespmem:s9], [sflag:$0x6] =	stream.linear.gather [hbm4b:s2+s0], $0x7D0, $0x38;
	[tilespmem:$0xD8A8] =	vst v63  }
0x328: {  	_ =	swait.ge [sflag:s4], $0x7D0  }
0x329: {  	[sflag:s4] =	ssyncset.done $0x0  }
0x32a: {  	s0 =	simm.s32 $0x0;
	s2 =	simm.s32 $0x40;
	[sflag:s4] =	ssyncadd.s32 $0xFFFFF830  }
.LBB2_51:
0x32b: {  	p2 =	sne.s32 s2, $0x1F00;
	v0 =	vld [tilespmem:s0+$0xAC00];
	_ =	sdelay $0x1  }
.Ltmp33:
0x32c: {  	(pc) =	sbr.rel @p2 .LBB2_51-.Ltmp33, $3  }
0x32d: {  	_ =	sdelay $0x1  }
0x32e: {  	v0 =	vadd.s32 $0xC350, v0  }
0x32f: {  	[tilespmem:s0+$0xAC00] =	vst v0;
	s0 =	sshra.s32 s2, $0x2;
	s2 =	sadd.s32 $0x40, s2  }
0x330: {  	v0 =	vld [tilespmem:s0+$0xAC00];
	_ =	sdelay $0x3  }
0x331: {  	s21 =	sld [smem:$0x7EE]  }
0x332: {  	v0 =	vadd.s32 $0xC350, v0  }
0x333: {  	[tilespmem:s0+$0xAC00] =	vst v0  }
0x334: {  	[hbm4b:s21+s1] =	stream.linear.scatter [tilespmem:s9], [sflag:$0x5], $0x7D0, $0x38;
	[tilespmem:$0xD8A8] =	vst v63  }
0x335: {  	_ =	swait.ge [sflag:s6], $0x7D0  }
0x336: {  	[sflag:s6] =	ssyncset.done $0x0  }
0x337: {  	[sflag:s6] =	ssyncadd.s32 $0xFFFFF830  }
.LBB2_53:
0x338: {  	s0 =	simm.s32 $0x0  }
0x339: {  	[tilespmem:s9], [sflag:$0x6] =	stream.linear.gather [hbm4b:s26+s0], $0x7D0, $0x38;
	[tilespmem:$0xD8A8] =	vst v63  }
0x33a: {  	_ =	swait.ge [sflag:s4], $0x7D0  }
0x33b: {  	[sflag:s4] =	ssyncset.done $0x0  }
0x33c: {  	s2 =	simm.s32 $0x40;
	s0 =	simm.s32 $0x0;
	[sflag:s4] =	ssyncadd.s32 $0xFFFFF830  }
.LBB2_54:
0x33d: {  	p2 =	sne.s32 s2, $0x1F00;
	v0 =	vld [tilespmem:s0+$0xAC00];
	_ =	sdelay $0x1  }
.Ltmp34:
0x33e: {  	(pc) =	sbr.rel @p2 .LBB2_54-.Ltmp34, $3  }
0x33f: {  	_ =	sdelay $0x1  }
0x340: {  	v0 =	vadd.s32 $0xC350, v0  }
0x341: {  	[tilespmem:s0+$0xAC00] =	vst v0;
	s0 =	sshra.s32 s2, $0x2;
	s2 =	sadd.s32 $0x40, s2  }
0x342: {  	v0 =	vld [tilespmem:s0+$0xAC00];
	_ =	sdelay $0x3  }
0x343: {  	s21 =	sld [smem:$0x7E5]  }
0x344: {  	v0 =	vadd.s32 $0xC350, v0  }
.Ltmp35:
0x345: {  	[tilespmem:s0+$0xAC00] =	vst v0;
	(pc) =	sbr.rel @p1 .LBB2_59-.Ltmp35, $4  }
0x346: {  	[hbm4b:s21+s1] =	stream.linear.scatter [tilespmem:s9], [sflag:$0x5], $0x7D0, $0x38;
	[tilespmem:$0xD8A8] =	vst v63  }
0x347: {  	_ =	swait.ge [sflag:s6], $0x7D0  }
0x348: {  	[sflag:s6] =	ssyncset.done $0x0  }
0x349: {  	[sflag:s6] =	ssyncadd.s32 $0xFFFFF830  }
0x34a: {  	s0 =	simm.s32 $0x0;
	s2 =	rddreg [dreg:$0x12]  }
0x34b: {  	[tilespmem:s9], [sflag:$0x6] =	stream.linear.gather [hbm4b:s2+s0], $0x7D0, $0x38;
	[tilespmem:$0xD8A8] =	vst v63  }
0x34c: {  	_ =	swait.ge [sflag:s4], $0x7D0  }
0x34d: {  	[sflag:s4] =	ssyncset.done $0x0  }
0x34e: {  	s0 =	simm.s32 $0x0;
	s2 =	simm.s32 $0x40;
	[sflag:s4] =	ssyncadd.s32 $0xFFFFF830  }
.LBB2_57:
0x34f: {  	p2 =	sne.s32 s2, $0x1F00;
	v0 =	vld [tilespmem:s0+$0xAC00];
	_ =	sdelay $0x1  }
.Ltmp36:
0x350: {  	(pc) =	sbr.rel @p2 .LBB2_57-.Ltmp36, $3  }
0x351: {  	_ =	sdelay $0x1  }
0x352: {  	v0 =	vadd.s32 $0xC350, v0  }
0x353: {  	[tilespmem:s0+$0xAC00] =	vst v0;
	s0 =	sshra.s32 s2, $0x2;
	s2 =	sadd.s32 $0x40, s2  }
0x354: {  	v0 =	vld [tilespmem:s0+$0xAC00];
	_ =	sdelay $0x3  }
0x355: {  	s21 =	sld [smem:$0x7EF]  }
0x356: {  	v0 =	vadd.s32 $0xC350, v0  }
0x357: {  	[tilespmem:s0+$0xAC00] =	vst v0  }
0x358: {  	[hbm4b:s21+s1] =	stream.linear.scatter [tilespmem:s9], [sflag:$0x5], $0x7D0, $0x38;
	[tilespmem:$0xD8A8] =	vst v63  }
0x359: {  	_ =	swait.ge [sflag:s6], $0x7D0  }
0x35a: {  	[sflag:s6] =	ssyncset.done $0x0  }
0x35b: {  	[sflag:s6] =	ssyncadd.s32 $0xFFFFF830  }
.LBB2_59:
0x35c: {  	s0 =	simm.s32 $0x0  }
0x35d: {  	[tilespmem:s9], [sflag:$0x6] =	stream.linear.gather [hbm4b:s26+s0], $0x7D0, $0x38;
	[tilespmem:$0xD8A8] =	vst v63  }
0x35e: {  	_ =	swait.ge [sflag:s4], $0x7D0  }
0x35f: {  	[sflag:s4] =	ssyncset.done $0x0  }
0x360: {  	s2 =	simm.s32 $0x40;
	s0 =	simm.s32 $0x0;
	[sflag:s4] =	ssyncadd.s32 $0xFFFFF830  }
.LBB2_60:
0x361: {  	p2 =	sne.s32 s2, $0x1F00;
	v0 =	vld [tilespmem:s0+$0xAC00];
	_ =	sdelay $0x1  }
.Ltmp37:
0x362: {  	(pc) =	sbr.rel @p2 .LBB2_60-.Ltmp37, $3  }
0x363: {  	_ =	sdelay $0x1  }
0x364: {  	v0 =	vadd.s32 $0xC350, v0  }
0x365: {  	[tilespmem:s0+$0xAC00] =	vst v0;
	s0 =	sshra.s32 s2, $0x2;
	s2 =	sadd.s32 $0x40, s2  }
0x366: {  	v0 =	vld [tilespmem:s0+$0xAC00];
	_ =	sdelay $0x3  }
0x367: {  	s26 =	sld [smem:$0x7E6]  }
0x368: {  	v0 =	vadd.s32 $0xC350, v0  }
.Ltmp38:
0x369: {  	[tilespmem:s0+$0xAC00] =	vst v0;
	(pc) =	sbr.rel @p1 .LBB2_65-.Ltmp38, $4  }
0x36a: {  	[hbm4b:s26+s1] =	stream.linear.scatter [tilespmem:s9], [sflag:$0x5], $0x7D0, $0x38;
	[tilespmem:$0xD8A8] =	vst v63  }
0x36b: {  	_ =	swait.ge [sflag:s6], $0x7D0  }
0x36c: {  	[sflag:s6] =	ssyncset.done $0x0  }
0x36d: {  	[sflag:s6] =	ssyncadd.s32 $0xFFFFF830  }
0x36e: {  	s0 =	simm.s32 $0x0;
	s2 =	rddreg [dreg:$0x12]  }
0x36f: {  	[tilespmem:s9], [sflag:$0x6] =	stream.linear.gather [hbm4b:s2+s0], $0x7D0, $0x38;
	[tilespmem:$0xD8A8] =	vst v63  }
0x370: {  	_ =	swait.ge [sflag:s4], $0x7D0  }
0x371: {  	[sflag:s4] =	ssyncset.done $0x0  }
0x372: {  	s0 =	simm.s32 $0x0;
	s2 =	simm.s32 $0x40;
	[sflag:s4] =	ssyncadd.s32 $0xFFFFF830  }
.LBB2_63:
0x373: {  	p2 =	sne.s32 s2, $0x1F00;
	v0 =	vld [tilespmem:s0+$0xAC00];
	_ =	sdelay $0x1  }
.Ltmp39:
0x374: {  	(pc) =	sbr.rel @p2 .LBB2_63-.Ltmp39, $3  }
0x375: {  	_ =	sdelay $0x1  }
0x376: {  	v0 =	vadd.s32 $0xC350, v0  }
0x377: {  	[tilespmem:s0+$0xAC00] =	vst v0;
	s0 =	sshra.s32 s2, $0x2;
	s2 =	sadd.s32 $0x40, s2  }
0x378: {  	v0 =	vld [tilespmem:s0+$0xAC00];
	_ =	sdelay $0x3  }
0x379: {  	s26 =	sld [smem:$0x7F0]  }
0x37a: {  	v0 =	vadd.s32 $0xC350, v0  }
0x37b: {  	[tilespmem:s0+$0xAC00] =	vst v0  }
0x37c: {  	[hbm4b:s26+s1] =	stream.linear.scatter [tilespmem:s9], [sflag:$0x5], $0x7D0, $0x38;
	[tilespmem:$0xD8A8] =	vst v63  }
0x37d: {  	_ =	swait.ge [sflag:s6], $0x7D0  }
0x37e: {  	[sflag:s6] =	ssyncset.done $0x0  }
0x37f: {  	[sflag:s6] =	ssyncadd.s32 $0xFFFFF830  }
.LBB2_65:
0x380: {  	s0 =	simm.s32 $0x0  }
0x381: {  	[tilespmem:s9], [sflag:$0x6] =	stream.linear.gather [hbm4b:s24+s0], $0x7D0, $0x38;
	[tilespmem:$0xD8A8] =	vst v63  }
0x382: {  	_ =	swait.ge [sflag:s4], $0x7D0  }
0x383: {  	[sflag:s4] =	ssyncset.done $0x0  }
0x384: {  	s2 =	simm.s32 $0x40;
	s0 =	simm.s32 $0x0;
	[sflag:s4] =	ssyncadd.s32 $0xFFFFF830  }
.LBB2_66:
0x385: {  	p2 =	sne.s32 s2, $0x1F00;
	v0 =	vld [tilespmem:s0+$0xAC00];
	_ =	sdelay $0x1  }
.Ltmp40:
0x386: {  	(pc) =	sbr.rel @p2 .LBB2_66-.Ltmp40, $3  }
0x387: {  	_ =	sdelay $0x1  }
0x388: {  	v0 =	vadd.s32 $0xC350, v0  }
0x389: {  	[tilespmem:s0+$0xAC00] =	vst v0;
	s0 =	sshra.s32 s2, $0x2;
	s2 =	sadd.s32 $0x40, s2  }
0x38a: {  	v0 =	vld [tilespmem:s0+$0xAC00];
	_ =	sdelay $0x3  }
0x38b: {  	s26 =	sld [smem:$0x7E7]  }
0x38c: {  	v0 =	vadd.s32 $0xC350, v0  }
.Ltmp41:
0x38d: {  	[tilespmem:s0+$0xAC00] =	vst v0;
	(pc) =	sbr.rel @p1 .LBB2_71-.Ltmp41, $4  }
0x38e: {  	[hbm4b:s26+s1] =	stream.linear.scatter [tilespmem:s9], [sflag:$0x5], $0x7D0, $0x38;
	[tilespmem:$0xD8A8] =	vst v63  }
0x38f: {  	_ =	swait.ge [sflag:s6], $0x7D0  }
0x390: {  	[sflag:s6] =	ssyncset.done $0x0  }
0x391: {  	[sflag:s6] =	ssyncadd.s32 $0xFFFFF830  }
0x392: {  	s0 =	simm.s32 $0x0;
	s2 =	rddreg [dreg:$0x13]  }
0x393: {  	[tilespmem:s9], [sflag:$0x6] =	stream.linear.gather [hbm4b:s2+s0], $0x7D0, $0x38;
	[tilespmem:$0xD8A8] =	vst v63  }
0x394: {  	_ =	swait.ge [sflag:s4], $0x7D0  }
0x395: {  	[sflag:s4] =	ssyncset.done $0x0  }
0x396: {  	s0 =	simm.s32 $0x0;
	s2 =	simm.s32 $0x40;
	[sflag:s4] =	ssyncadd.s32 $0xFFFFF830  }
.LBB2_69:
0x397: {  	p2 =	sne.s32 s2, $0x1F00;
	v0 =	vld [tilespmem:s0+$0xAC00];
	_ =	sdelay $0x1  }
.Ltmp42:
0x398: {  	(pc) =	sbr.rel @p2 .LBB2_69-.Ltmp42, $3  }
0x399: {  	_ =	sdelay $0x1  }
0x39a: {  	v0 =	vadd.s32 $0xC350, v0  }
0x39b: {  	[tilespmem:s0+$0xAC00] =	vst v0;
	s0 =	sshra.s32 s2, $0x2;
	s2 =	sadd.s32 $0x40, s2  }
0x39c: {  	v0 =	vld [tilespmem:s0+$0xAC00];
	_ =	sdelay $0x3  }
0x39d: {  	s26 =	sld [smem:$0x7F1]  }
0x39e: {  	v0 =	vadd.s32 $0xC350, v0  }
0x39f: {  	[tilespmem:s0+$0xAC00] =	vst v0  }
0x3a0: {  	[hbm4b:s26+s1] =	stream.linear.scatter [tilespmem:s9], [sflag:$0x5], $0x7D0, $0x38;
	[tilespmem:$0xD8A8] =	vst v63  }
0x3a1: {  	_ =	swait.ge [sflag:s6], $0x7D0  }
0x3a2: {  	[sflag:s6] =	ssyncset.done $0x0  }
0x3a3: {  	[sflag:s6] =	ssyncadd.s32 $0xFFFFF830  }
.LBB2_71:
0x3a4: {  	s0 =	simm.s32 $0x0  }
0x3a5: {  	[tilespmem:s9], [sflag:$0x6] =	stream.linear.gather [hbm4b:s22+s0], $0x7D0, $0x38;
	[tilespmem:$0xD8A8] =	vst v63  }
0x3a6: {  	_ =	swait.ge [sflag:s4], $0x7D0  }
0x3a7: {  	[sflag:s4] =	ssyncset.done $0x0  }
0x3a8: {  	s2 =	simm.s32 $0x40;
	s0 =	simm.s32 $0x0;
	[sflag:s4] =	ssyncadd.s32 $0xFFFFF830  }
.LBB2_72:
0x3a9: {  	p2 =	sne.s32 s2, $0x1F00;
	v0 =	vld [tilespmem:s0+$0xAC00];
	_ =	sdelay $0x1  }
.Ltmp43:
0x3aa: {  	(pc) =	sbr.rel @p2 .LBB2_72-.Ltmp43, $3  }
0x3ab: {  	_ =	sdelay $0x1  }
0x3ac: {  	v0 =	vadd.s32 $0xC350, v0  }
0x3ad: {  	[tilespmem:s0+$0xAC00] =	vst v0;
	s0 =	sshra.s32 s2, $0x2;
	s2 =	sadd.s32 $0x40, s2  }
0x3ae: {  	v0 =	vld [tilespmem:s0+$0xAC00];
	_ =	sdelay $0x3  }
0x3af: {  	s26 =	sld [smem:$0x7E8]  }
0x3b0: {  	v0 =	vadd.s32 $0xC350, v0  }
.Ltmp44:
0x3b1: {  	[tilespmem:s0+$0xAC00] =	vst v0;
	(pc) =	sbr.rel @p1 .LBB2_77-.Ltmp44, $4  }
0x3b2: {  	[hbm4b:s26+s1] =	stream.linear.scatter [tilespmem:s9], [sflag:$0x5], $0x7D0, $0x38;
	[tilespmem:$0xD8A8] =	vst v63  }
0x3b3: {  	_ =	swait.ge [sflag:s6], $0x7D0  }
0x3b4: {  	[sflag:s6] =	ssyncset.done $0x0  }
0x3b5: {  	s2 =	sld [smem:$0x7DE];
	[sflag:s6] =	ssyncadd.s32 $0xFFFFF830  }
0x3b6: {  	s0 =	simm.s32 $0x0;
	s2 =	rddreg [dreg:$0xf]  }
0x3b7: {  	[tilespmem:s9], [sflag:$0x6] =	stream.linear.gather [hbm4b:s2+s0], $0x7D0, $0x38;
	[tilespmem:$0xD8A8] =	vst v63  }
0x3b8: {  	_ =	swait.ge [sflag:s4], $0x7D0  }
0x3b9: {  	[sflag:s4] =	ssyncset.done $0x0  }
0x3ba: {  	s0 =	simm.s32 $0x0;
	s2 =	simm.s32 $0x40;
	[sflag:s4] =	ssyncadd.s32 $0xFFFFF830  }
.LBB2_75:
0x3bb: {  	p2 =	sne.s32 s2, $0x1F00;
	v0 =	vld [tilespmem:s0+$0xAC00];
	_ =	sdelay $0x1  }
.Ltmp45:
0x3bc: {  	(pc) =	sbr.rel @p2 .LBB2_75-.Ltmp45, $3  }
0x3bd: {  	_ =	sdelay $0x1  }
0x3be: {  	v0 =	vadd.s32 $0xC350, v0  }
0x3bf: {  	[tilespmem:s0+$0xAC00] =	vst v0;
	s0 =	sshra.s32 s2, $0x2;
	s2 =	sadd.s32 $0x40, s2  }
0x3c0: {  	v0 =	vld [tilespmem:s0+$0xAC00];
	_ =	sdelay $0x3  }
0x3c1: {  	s26 =	sld [smem:$0x7F2]  }
0x3c2: {  	v0 =	vadd.s32 $0xC350, v0  }
.Ltmp46:
0x3c3: {  	[tilespmem:s0+$0xAC00] =	vst v0;
	(pc) =	sbr.rel .LBB2_77-.Ltmp46, $4  }
0x3c4: {  	[hbm4b:s26+s1] =	stream.linear.scatter [tilespmem:s9], [sflag:$0x5], $0x7D0, $0x38;
	[tilespmem:$0xD8A8] =	vst v63  }
0x3c5: {  	_ =	swait.ge [sflag:s6], $0x7D0  }
0x3c6: {  	[sflag:s6] =	ssyncset.done $0x0  }
0x3c7: {  	s2 =	sld [smem:$0x7DE];
	[sflag:s6] =	ssyncadd.s32 $0xFFFFF830  }
.LBB2_78:
0x3c8: {  	_ =	sfence.sel $0x180000  }
0x3c9: {  	[bflag:$0x0] =	sbarrier.arrive $0xFFFF  }
0x3ca: {  	_ =	strace $0x90000047  }
0x3cb: {  	[bflag:$0x2] =	sbarrier.arrive $0xFFFF  }
0x3cc: {  	p0 =	sne.s32 s19, $0x0;
	s0 =	rddreg [dreg:$0x8]  }
0x3cd: {  	s0 =	sadd.s32 @!p0 $0x100000, s0  }
0x3ce: {  	[sflag:s0] =	ssyncadd.tile.s32 @!p0 $0x1;
	_ =	shalt  }
.Lfunc_end2:
_tile_overlayer_lowered:
.L_overlay_start_2:
0x3cf: {  	(tag) =	ssettag $0x2  }
0x3d0: {  	s0 =	rddreg [dreg:$0x0];
	s2 =	stileid.u32  }
0x3d1: {  	s1 =	rddreg [dreg:$0x1];
	p0 =	sne.s32 s2, $0x0  }
0x3d2: {  	s3 =	rddreg [dreg:$0x2];
	[bflag:$0x3] =	sbarrier.arrive $0xFFFF;
	s2 =	simm.s32 @!p0 $0x1C06  }
0x3d3: {  	[timem:s3], [sflag:s2] =	dma.local @!p0 [hbm:s0], s1  }
0x3d4: {  	s0 =	simm.s32 @!p0 $0x6  }
0x3d5: {  	_ =	swait.ge @!p0 [sflag:s0], s1  }
0x3d6: {  	s1 =	ssub.s32 @!p0 $0x0, s1;
	[sflag:s0] =	ssyncset.done @!p0 $0x0  }
0x3d7: {  	[sflag:s0] =	ssyncadd.s32 @!p0 s1  }
0x3d8: {  	[bflag:$0x3] =	sbarrier.arrive $0xFFFF  }
0x3d9: {  	_ =	shalt  }

</sc_bundles>
